<compile_context>
chip_gen: v7x
topology: tpu7x:2x2x1
jax: 0.10.2.dev20260603
libtpu: 0.0.44.dev20260713+nightly
codegen_flags: <defaults>
</compile_context>

<pallas_src>
import functools

import jax
import jax.numpy as jnp
from jax import lax
from jax.experimental import pallas as pl
from jax.experimental.pallas import tpu as pltpu
from jax.experimental.pallas import tpu_sc as plsc

N = 10000
E = 320000
DP = 32
WD = 16
NC = 2
NS = 16
NW = NC * NS
K = 125
NCHUNK = 80
RING = 4
NPAD = 12000
NG = 4
RPG = NPAD // NG
RPM = NPAD // NS
KM = 125


def _merge_planes(acc, ridx_v, mbuf, s):
    base = s * RPM
    for p in range(1, NG):
        pltpu.sync_copy(acc.at[pl.ds(p * NPAD + base, RPM)], mbuf)
        for cch in range(RPM // KM):
            pltpu.sync_copy(mbuf.at[pl.ds(cch * KM, KM)],
                            acc.at[ridx_v.at[cch]], add=True)


def _sc_deg_body(dst_hbm, zeros_hbm, ones_hbm, ridx_hbm, out_hbm,
                 dst_v, ones_v, ridx_v, mbuf, acc, dsem):
    c = lax.axis_index("c")
    s = lax.axis_index("s")
    wid = s * NC + c
    own = (s // NG) * NPAD + (s % NG) * RPG
    pltpu.sync_copy(dst_hbm.at[wid], dst_v)
    pltpu.sync_copy(ones_hbm, ones_v)
    pltpu.sync_copy(ridx_hbm.at[s], ridx_v)
    pltpu.sync_copy(zeros_hbm, acc.at[pl.ds(own, RPG)])
    plsc.subcore_barrier()

    plane = acc.at[pl.ds((s // NG) * NPAD, NPAD)]

    def step(j, carry):
        pltpu.async_copy(ones_v, plane.at[dst_v.at[j]], dsem, add=True)

        @pl.when(j >= 8)
        def _():
            pltpu.make_async_copy(ones_v, plane.at[dst_v.at[j - 8]], dsem).wait()

        return carry

    lax.fori_loop(0, NCHUNK, step, 0)

    def drain(j, carry):
        pltpu.make_async_copy(ones_v, plane.at[dst_v.at[j]], dsem).wait()
        return carry

    lax.fori_loop(NCHUNK - 8, NCHUNK, drain, 0)
    plsc.subcore_barrier()
    _merge_planes(acc, ridx_v, mbuf, s)
    plsc.subcore_barrier()
    pltpu.sync_copy(acc.at[pl.ds(s * RPM, RPM)],
                    out_hbm.at[pl.ds(c * NPAD + s * RPM, RPM)])


def _sc_agg_body(g_hbm, src_hbm, dst_hbm, zeros_hbm, ridx_hbm, out_hbm,
                 src_v, dst_v, ridx_v, rows, mbuf, acc, gsems, ssems):
    c = lax.axis_index("c")
    s = lax.axis_index("s")
    wid = s * NC + c
    own = (s // NG) * NPAD + (s % NG) * RPG
    pltpu.sync_copy(src_hbm.at[wid], src_v)
    pltpu.sync_copy(dst_hbm.at[wid], dst_v)
    pltpu.sync_copy(ridx_hbm.at[s], ridx_v)
    pltpu.sync_copy(zeros_hbm, acc.at[pl.ds(own, RPG)])
    plsc.subcore_barrier()

    plane = acc.at[pl.ds((s // NG) * NPAD, NPAD)]
    for b in range(RING):
        pltpu.async_copy(g_hbm.at[src_v.at[b]], rows.at[b], gsems.at[b])

    def step(i, carry):
        j0 = i * RING
        for b in range(RING):
            j = j0 + b
            pltpu.make_async_copy(g_hbm.at[src_v.at[j]], rows.at[b],
                                  gsems.at[b]).wait()
            pltpu.async_copy(rows.at[b], plane.at[dst_v.at[j]], ssems.at[b],
                             add=True)
        for b in range(RING):
            j = j0 + b

            @pl.when(j + RING < NCHUNK)
            def _():
                pltpu.make_async_copy(rows.at[b], plane.at[dst_v.at[j]],
                                      ssems.at[b]).wait()
                pltpu.async_copy(g_hbm.at[src_v.at[j + RING]], rows.at[b],
                                 gsems.at[b])

        return carry

    lax.fori_loop(0, NCHUNK // RING, step, 0)
    for b in range(RING):
        pltpu.make_async_copy(rows.at[b], plane.at[dst_v.at[NCHUNK - RING + b]],
                              ssems.at[b]).wait()
    plsc.subcore_barrier()
    _merge_planes(acc, ridx_v, mbuf, s)
    plsc.subcore_barrier()
    pltpu.sync_copy(acc.at[pl.ds(s * RPM, RPM)],
                    out_hbm.at[pl.ds(c * NPAD + s * RPM, RPM)])


@functools.cache
def _sc_kernels():
    mesh = plsc.VectorSubcoreMesh(core_axis_name="c", subcore_axis_name="s")
    params = pltpu.CompilerParams(use_tc_tiling_on_sc=False)
    sc_deg = pl.kernel(
        _sc_deg_body,
        out_type=jax.ShapeDtypeStruct((NC * NPAD, WD), jnp.float32),
        mesh=mesh,
        compiler_params=params,
        scratch_types=[
            pltpu.VMEM((NCHUNK, K), jnp.int32),
            pltpu.VMEM((K, WD), jnp.float32),
            pltpu.VMEM((RPM // KM, KM), jnp.int32),
            pltpu.VMEM((RPM, WD), jnp.float32),
            pltpu.VMEM_SHARED((NG * NPAD, WD), jnp.float32),
            pltpu.SemaphoreType.DMA,
        ],
    )
    sc_agg = pl.kernel(
        _sc_agg_body,
        out_type=jax.ShapeDtypeStruct((NC * NPAD, DP), jnp.bfloat16),
        mesh=mesh,
        compiler_params=params,
        scratch_types=[
            pltpu.VMEM((NCHUNK, K), jnp.int32),
            pltpu.VMEM((NCHUNK, K), jnp.int32),
            pltpu.VMEM((RPM // KM, KM), jnp.int32),
            pltpu.VMEM((RING, K, DP), jnp.bfloat16),
            pltpu.VMEM((RPM, DP), jnp.bfloat16),
            pltpu.VMEM_SHARED((NG * NPAD, DP), jnp.bfloat16),
            pltpu.SemaphoreType.DMA((RING,)),
            pltpu.SemaphoreType.DMA((RING,)),
        ],
    )
    return sc_deg, sc_agg


_NB = 2
_BR = N // _NB
_PB = NPAD // _BR

_deg0_spec = pl.BlockSpec((_BR, WD), lambda i: (i, 0))
_deg1_spec = pl.BlockSpec((_BR, WD), lambda i: (_PB + i, 0))
_agg0_spec = pl.BlockSpec((_BR, DP), lambda i: (i, 0))
_agg1_spec = pl.BlockSpec((_BR, DP), lambda i: (_PB + i, 0))
_row_spec = pl.BlockSpec((_BR, DP), lambda i: (i, 0))


def _dinv_of(d0_ref, d1_ref):
    return lax.rsqrt(d0_ref[:, 0:1] + d1_ref[:, 0:1] + 1.0)


def _agg_of(a0_ref, a1_ref, g_ref):
    return (a0_ref[...].astype(jnp.float32) + a1_ref[...].astype(jnp.float32)
            + g_ref[...].astype(jnp.float32))


def _tcmm_body(x_ref, w_ref, o_ref):
    o_ref[...] = jnp.dot(x_ref[...], w_ref[...],
                         preferred_element_type=jnp.float32)


def _tc1_body(d0_ref, d1_ref, h_ref, o_ref):
    dinv = _dinv_of(d0_ref, d1_ref)
    o_ref[...] = (h_ref[...] * dinv).astype(jnp.bfloat16)


def _tc2_body(d0_ref, d1_ref, a0_ref, a1_ref, g_ref, w_ref, b_ref, o_ref):
    dinv = _dinv_of(d0_ref, d1_ref)
    z = jnp.maximum(_agg_of(a0_ref, a1_ref, g_ref) * dinv + b_ref[...], 0.0)
    o_ref[...] = (jnp.dot(z, w_ref[...], preferred_element_type=jnp.float32)
                  * dinv).astype(jnp.bfloat16)


def _tc3_body(d0_ref, d1_ref, a0_ref, a1_ref, g_ref, b_ref, o_ref):
    dinv = _dinv_of(d0_ref, d1_ref)
    o_ref[...] = (_agg_of(a0_ref, a1_ref, g_ref) * dinv + b_ref[...])[:, :25]


def _tcmm(x, w1p):
    return pl.pallas_call(
        _tcmm_body,
        grid=(_NB,),
        in_specs=[pl.BlockSpec((_BR, 128), lambda i: (i, 0)),
                  pl.BlockSpec((128, DP), lambda i: (0, 0))],
        out_specs=_row_spec,
        out_shape=jax.ShapeDtypeStruct((N, DP), jnp.float32),
    )(x, w1p)


def _tc1(degp, h):
    return pl.pallas_call(
        _tc1_body,
        grid=(_NB,),
        in_specs=[_deg0_spec, _deg1_spec, _row_spec],
        out_specs=_row_spec,
        out_shape=jax.ShapeDtypeStruct((N, DP), jnp.bfloat16),
    )(degp, degp, h)


def _tc2(degp, aggp, g1, w2p, b1p):
    return pl.pallas_call(
        _tc2_body,
        grid=(_NB,),
        in_specs=[_deg0_spec, _deg1_spec, _agg0_spec, _agg1_spec, _row_spec,
                  pl.BlockSpec((DP, DP), lambda i: (0, 0)),
                  pl.BlockSpec((1, DP), lambda i: (0, 0))],
        out_specs=_row_spec,
        out_shape=jax.ShapeDtypeStruct((N, DP), jnp.bfloat16),
    )(degp, degp, aggp, aggp, g1, w2p, b1p)


def _tc3(degp, aggp, g2, b2p):
    return pl.pallas_call(
        _tc3_body,
        grid=(_NB,),
        in_specs=[_deg0_spec, _deg1_spec, _agg0_spec, _agg1_spec, _row_spec,
                  pl.BlockSpec((1, DP), lambda i: (0, 0))],
        out_specs=pl.BlockSpec((_BR, 25), lambda i: (i, 0)),
        out_shape=jax.ShapeDtypeStruct((N, 25), jnp.float32),
    )(degp, degp, aggp, aggp, g2, b2p)


def kernel(x, edge_index, W1, b1, W2, b2):
    ei = edge_index.astype(jnp.int32)
    srcI = ei[0].reshape(NW, NCHUNK, K)
    dstI = ei[1].reshape(NW, NCHUNK, K)

    w1p = jnp.zeros((128, DP), jnp.float32).at[:, :30].set(W1)
    b1p = jnp.zeros((1, DP), jnp.float32).at[0, :30].set(b1)
    w2p = jnp.zeros((DP, DP), jnp.float32).at[:30, :25].set(W2)
    b2p = jnp.zeros((1, DP), jnp.float32).at[0, :25].set(b2)

    zdeg = jnp.zeros((RPG, WD), jnp.float32)
    zagg = jnp.zeros((RPG, DP), jnp.bfloat16)
    ones16 = jnp.ones((K, WD), jnp.float32)
    ridx = (jnp.arange(NS, dtype=jnp.int32)[:, None, None] * RPM
            + jnp.arange(RPM // KM, dtype=jnp.int32)[None, :, None] * KM
            + jnp.arange(KM, dtype=jnp.int32)[None, None, :])

    sc_deg, sc_agg = _sc_kernels()
    h1 = _tcmm(x, w1p)
    degp = sc_deg(dstI, zdeg, ones16, ridx)
    g1 = _tc1(degp, h1)
    a1 = sc_agg(g1, srcI, dstI, zagg, ridx)
    g2 = _tc2(degp, a1, g1, w2p, b1p)
    a2 = sc_agg(g2, srcI, dstI, zagg, ridx)
    return _tc3(degp, a2, g2, b2p)

# --- scband reference (transcript-rebuilt; emitter-appended) ---
"""Pipeline reference for scband-regression-gcn-12189117186553 (READ-ONLY COPY).

The authoritative reference and input builder live on the scoring server;
editing this copy changes nothing except your own understanding.
"""

import jax, jax.numpy as jnp
import numpy as np

N_NODES = 10000
N_EDGES = 320000
D_FEAT = 128
D_H1 = 30
D_H2 = 25


def gcn_conv(x, edge_index, W, b):
    # Faithful PyG GCNConv: add self-loops, symmetric normalization, linear, scatter-add, bias
    n = x.shape[0]
    loop = jnp.arange(n, dtype=edge_index.dtype)
    src = jnp.concatenate([edge_index[0], loop])
    dst = jnp.concatenate([edge_index[1], loop])
    h = x @ W
    deg = jax.ops.segment_sum(jnp.ones_like(dst, dtype=h.dtype), dst, num_segments=n)
    dinv = jnp.where(deg > 0, jax.lax.rsqrt(deg), 0.0)
    norm = dinv[src] * dinv[dst]
    msg = h[src] * norm[:, None]
    out = jax.ops.segment_sum(msg, dst, num_segments=n)
    return out + b


def setup_inputs(seed: int = 0) -> dict:
    key = jax.random.key(seed)
    k1, k2, k3, k4, k5, k6 = jax.random.split(key, 6)
    x = jax.random.normal(k1, (N_NODES, D_FEAT), dtype=jnp.float32)
    edge_index = jax.random.randint(k2, (2, N_EDGES), 0, N_NODES, dtype=jnp.int64)
    W1 = jax.random.normal(k3, (D_FEAT, D_H1), dtype=jnp.float32) * (1.0 / np.sqrt(D_FEAT))
    b1 = jnp.zeros((D_H1,), dtype=jnp.float32)
    W2 = jax.random.normal(k4, (D_H1, D_H2), dtype=jnp.float32) * (1.0 / np.sqrt(D_H1))
    b2 = jnp.zeros((D_H2,), dtype=jnp.float32)
    return {"x": x, "edge_index": edge_index, "W1": W1, "b1": b1, "W2": W2, "b2": b2}


def reference(x, edge_index, W1, b1, W2, b2):
    h = gcn_conv(x, edge_index, W1, b1)
    h = jax.nn.relu(h)
    # F.dropout(training=self.training) is identity in eval mode
    out = gcn_conv(h, edge_index, W2, b2)
    return out

if __name__ == "__main__":
    import jax
    _d = setup_inputs()
    print(jax.jit(kernel)(*tuple(_d.values())))

</pallas_src>

<mosaic_0001>
#map = affine_map<(d0, d1) -> (0, 0, 0)>
#map1 = affine_map<(d0, d1) -> (0, 0)>
module attributes {stable_mosaic.version = 14 : i64} {
  func.func @_sc_deg_body(%arg0: i32, %arg1: i32, %arg2: memref<32x80x125xi32, #tpu.memory_space<hbm>>, %arg3: memref<3000x16xf32, #tpu.memory_space<hbm>>, %arg4: memref<125x16xf32, #tpu.memory_space<hbm>>, %arg5: memref<16x6x125xi32, #tpu.memory_space<hbm>>, %arg6: memref<24000x16xf32, #tpu.memory_space<hbm>>, %arg7: memref<80x125xi32, #tpu.memory_space<vmem>>, %arg8: memref<125x16xf32, #tpu.memory_space<vmem>>, %arg9: memref<6x125xi32, #tpu.memory_space<vmem>>, %arg10: memref<750x16xf32, #tpu.memory_space<vmem>>, %arg11: memref<48000x16xf32, #tpu.memory_space<vmem_shared>>, %arg12: memref<!tpu.dma_semaphore, #tpu.memory_space<semaphore_mem>>) attributes {dimension_semantics = [#tpu.dimension_semantics<core_parallel>, #tpu.dimension_semantics<subcore_parallel>], iteration_bounds = array<i64: 2, 16>, scalar_prefetch = 0 : i64, scratch_operands = 6 : i64, tpu.core_type = #tpu.core_type<sc_vector_subcore>, window_params = [{transform_indices = #map}, {transform_indices = #map1}, {transform_indices = #map1}, {transform_indices = #map}, {transform_indices = #map1}]} {
    %mul3A = arith.constant 2 : i32
    %mul3A_0 = arith.muli %arg1, %mul3A : i32
    %add3A = arith.addi %mul3A_0, %arg0 : i32
    %jit3A = arith.constant 4 : i32
    %div3A = arith.divsi %arg1, %jit3A : i32
    %sign3A = arith.constant 0 : i32
    %sign3A_1 = arith.cmpi sgt, %arg1, %sign3A : i32
    %sign3A_2 = arith.extui %sign3A_1 : i1 to i32
    %sign3A_3 = arith.constant 0 : i32
    %sign3A_4 = arith.cmpi slt, %arg1, %sign3A_3 : i32
    %sign3A_5 = arith.extui %sign3A_4 : i1 to i32
    %sign3A_6 = arith.subi %sign3A_2, %sign3A_5 : i32
    %sign3A_7 = arith.constant 0 : i32
    %sign3A_8 = arith.cmpi sgt, %jit3A, %sign3A_7 : i32
    %sign3A_9 = arith.extui %sign3A_8 : i1 to i32
    %sign3A_10 = arith.constant 0 : i32
    %sign3A_11 = arith.cmpi slt, %jit3A, %sign3A_10 : i32
    %sign3A_12 = arith.extui %sign3A_11 : i1 to i32
    %sign3A_13 = arith.subi %sign3A_9, %sign3A_12 : i32
    %ne3A = arith.cmpi ne, %sign3A_6, %sign3A_13 : i32
    %rem3A = arith.remsi %arg1, %jit3A : i32
    %ne3A_14 = arith.constant 0 : i32
    %ne3A_15 = arith.cmpi ne, %rem3A, %ne3A_14 : i32
    %and3A = arith.andi %ne3A, %ne3A_15 : i1
    %sub3A = arith.constant 1 : i32
    %sub3A_16 = arith.subi %div3A, %sub3A : i32
    %select_n3A = arith.select %and3A, %sub3A_16, %div3A : i32
    %mul3A_17 = arith.constant 12000 : i32
    %mul3A_18 = arith.muli %select_n3A, %mul3A_17 : i32
    %jit3A_19 = arith.constant 4 : i32
    %eq3A = arith.constant 0 : i32
    %eq3A_20 = arith.cmpi eq, %jit3A_19, %eq3A : i32
    %jit3A_21 = arith.constant 1 : i32
    %select_n3A_22 = arith.select %eq3A_20, %jit3A_21, %jit3A_19 : i32
    %rem3A_23 = arith.remsi %arg1, %select_n3A_22 : i32
    %ne3A_24 = arith.constant 0 : i32
    %ne3A_25 = arith.cmpi ne, %rem3A_23, %ne3A_24 : i32
    %lt3A = arith.constant 0 : i32
    %lt3A_26 = arith.cmpi slt, %rem3A_23, %lt3A : i32
    %lt3A_27 = arith.constant 0 : i32
    %lt3A_28 = arith.cmpi slt, %select_n3A_22, %lt3A_27 : i32
    %ne3A_29 = arith.xori %lt3A_26, %lt3A_28 : i1
    %and3A_30 = arith.andi %ne3A_29, %ne3A_25 : i1
    %add3A_31 = arith.addi %rem3A_23, %select_n3A_22 : i32
    %select_n3A_32 = arith.select %and3A_30, %add3A_31, %rem3A_23 : i32
    %mul3A_33 = arith.constant 3000 : i32
    %mul3A_34 = arith.muli %select_n3A_32, %mul3A_33 : i32
    %add3A_35 = arith.addi %mul3A_18, %mul3A_34 : i32
    "tpu.region"() ({
      %run_scoped3A_107 = tpu.sem_alloc : memref<!tpu.dma_semaphore, #tpu.memory_space<semaphore_mem>>
      %dma_start3A = arith.constant 0 : i32
      %dma_start3A_108 = arith.constant 0 : i32
      %dma_start3A_109 = tpu.memref_slice %arg2[%add3A, %dma_start3A, %dma_start3A_108] : memref<32x80x125xi32, #tpu.memory_space<hbm>> -> memref<1x80x125xi32, #tpu.memory_space<hbm>>
      %dma_start3A_110 = tpu.memref_squeeze %dma_start3A_109 : memref<1x80x125xi32, #tpu.memory_space<hbm>> -> memref<80x125xi32, #tpu.memory_space<hbm>>
      %dma_start3A_111 = arith.constant 0 : i32
      %dma_start3A_112 = arith.constant 0 : i32
      %dma_start3A_113 = tpu.memref_slice %arg2[%add3A, %dma_start3A_111, %dma_start3A_112] : memref<32x80x125xi32, #tpu.memory_space<hbm>> -> memref<1x80x125xi32, #tpu.memory_space<hbm>>
      %dma_start3A_114 = tpu.memref_squeeze %dma_start3A_113 : memref<1x80x125xi32, #tpu.memory_space<hbm>> -> memref<80x125xi32, #tpu.memory_space<hbm>>
      tpu.enqueue_dma source(%dma_start3A_114 : memref<80x125xi32, #tpu.memory_space<hbm>>) target(%arg7 : memref<80x125xi32, #tpu.memory_space<vmem>>) target_semaphore(%run_scoped3A_107 : memref<!tpu.dma_semaphore, #tpu.memory_space<semaphore_mem>>)
      %dma_wait3A = arith.constant 0 : i32
      %dma_wait3A_115 = arith.constant 0 : i32
      %dma_wait3A_116 = tpu.memref_slice %arg2[%add3A, %dma_wait3A, %dma_wait3A_115] : memref<32x80x125xi32, #tpu.memory_space<hbm>> -> memref<1x80x125xi32, #tpu.memory_space<hbm>>
      %dma_wait3A_117 = tpu.memref_squeeze %dma_wait3A_116 : memref<1x80x125xi32, #tpu.memory_space<hbm>> -> memref<80x125xi32, #tpu.memory_space<hbm>>
      %dma_wait3A_118 = arith.constant 0 : i32
      %dma_wait3A_119 = arith.constant 0 : i32
      %dma_wait3A_120 = tpu.memref_slice %arg2[%add3A, %dma_wait3A_118, %dma_wait3A_119] : memref<32x80x125xi32, #tpu.memory_space<hbm>> -> memref<1x80x125xi32, #tpu.memory_space<hbm>>
      %dma_wait3A_121 = tpu.memref_squeeze %dma_wait3A_120 : memref<1x80x125xi32, #tpu.memory_space<hbm>> -> memref<80x125xi32, #tpu.memory_space<hbm>>
      tpu.wait_dma2 semaphore(%run_scoped3A_107 : memref<!tpu.dma_semaphore, #tpu.memory_space<semaphore_mem>>) src(%dma_wait3A_121 : memref<80x125xi32, #tpu.memory_space<hbm>>) dst(%arg7 : memref<80x125xi32, #tpu.memory_space<vmem>>)
      tpu.yield
    }) : () -> ()
    "tpu.region"() ({
      %run_scoped3A_107 = tpu.sem_alloc : memref<!tpu.dma_semaphore, #tpu.memory_space<semaphore_mem>>
      tpu.enqueue_dma source(%arg4 : memref<125x16xf32, #tpu.memory_space<hbm>>) target(%arg8 : memref<125x16xf32, #tpu.memory_space<vmem>>) target_semaphore(%run_scoped3A_107 : memref<!tpu.dma_semaphore, #tpu.memory_space<semaphore_mem>>)
      tpu.wait_dma2 semaphore(%run_scoped3A_107 : memref<!tpu.dma_semaphore, #tpu.memory_space<semaphore_mem>>) src(%arg4 : memref<125x16xf32, #tpu.memory_space<hbm>>) dst(%arg8 : memref<125x16xf32, #tpu.memory_space<vmem>>)
      tpu.yield
    }) : () -> ()
    "tpu.region"() ({
      %run_scoped3A_107 = tpu.sem_alloc : memref<!tpu.dma_semaphore, #tpu.memory_space<semaphore_mem>>
      %dma_start3A = arith.constant 0 : i32
      %dma_start3A_108 = arith.constant 0 : i32
      %dma_start3A_109 = tpu.memref_slice %arg5[%arg1, %dma_start3A, %dma_start3A_108] : memref<16x6x125xi32, #tpu.memory_space<hbm>> -> memref<1x6x125xi32, #tpu.memory_space<hbm>>
      %dma_start3A_110 = tpu.memref_squeeze %dma_start3A_109 : memref<1x6x125xi32, #tpu.memory_space<hbm>> -> memref<6x125xi32, #tpu.memory_space<hbm>>
      %dma_start3A_111 = arith.constant 0 : i32
      %dma_start3A_112 = arith.constant 0 : i32
      %dma_start3A_113 = tpu.memref_slice %arg5[%arg1, %dma_start3A_111, %dma_start3A_112] : memref<16x6x125xi32, #tpu.memory_space<hbm>> -> memref<1x6x125xi32, #tpu.memory_space<hbm>>
      %dma_start3A_114 = tpu.memref_squeeze %dma_start3A_113 : memref<1x6x125xi32, #tpu.memory_space<hbm>> -> memref<6x125xi32, #tpu.memory_space<hbm>>
      tpu.enqueue_dma source(%dma_start3A_114 : memref<6x125xi32, #tpu.memory_space<hbm>>) target(%arg9 : memref<6x125xi32, #tpu.memory_space<vmem>>) target_semaphore(%run_scoped3A_107 : memref<!tpu.dma_semaphore, #tpu.memory_space<semaphore_mem>>)
      %dma_wait3A = arith.constant 0 : i32
      %dma_wait3A_115 = arith.constant 0 : i32
      %dma_wait3A_116 = tpu.memref_slice %arg5[%arg1, %dma_wait3A, %dma_wait3A_115] : memref<16x6x125xi32, #tpu.memory_space<hbm>> -> memref<1x6x125xi32, #tpu.memory_space<hbm>>
      %dma_wait3A_117 = tpu.memref_squeeze %dma_wait3A_116 : memref<1x6x125xi32, #tpu.memory_space<hbm>> -> memref<6x125xi32, #tpu.memory_space<hbm>>
      %dma_wait3A_118 = arith.constant 0 : i32
      %dma_wait3A_119 = arith.constant 0 : i32
      %dma_wait3A_120 = tpu.memref_slice %arg5[%arg1, %dma_wait3A_118, %dma_wait3A_119] : memref<16x6x125xi32, #tpu.memory_space<hbm>> -> memref<1x6x125xi32, #tpu.memory_space<hbm>>
      %dma_wait3A_121 = tpu.memref_squeeze %dma_wait3A_120 : memref<1x6x125xi32, #tpu.memory_space<hbm>> -> memref<6x125xi32, #tpu.memory_space<hbm>>
      tpu.wait_dma2 semaphore(%run_scoped3A_107 : memref<!tpu.dma_semaphore, #tpu.memory_space<semaphore_mem>>) src(%dma_wait3A_121 : memref<6x125xi32, #tpu.memory_space<hbm>>) dst(%arg9 : memref<6x125xi32, #tpu.memory_space<vmem>>)
      tpu.yield
    }) : () -> ()
    "tpu.region"() ({
      %run_scoped3A_107 = tpu.sem_alloc : memref<!tpu.dma_semaphore, #tpu.memory_space<semaphore_mem>>
      %dma_start3A = arith.constant 0 : i32
      %dma_start3A_108 = tpu.memref_slice %arg11[%add3A_35, %dma_start3A] : memref<48000x16xf32, #tpu.memory_space<vmem_shared>> -> memref<3000x16xf32, #tpu.memory_space<vmem_shared>>
      tpu.enqueue_dma source(%arg3 : memref<3000x16xf32, #tpu.memory_space<hbm>>) target(%dma_start3A_108 : memref<3000x16xf32, #tpu.memory_space<vmem_shared>>) target_semaphore(%run_scoped3A_107 : memref<!tpu.dma_semaphore, #tpu.memory_space<semaphore_mem>>)
      %dma_wait3A = arith.constant 0 : i32
      %dma_wait3A_109 = tpu.memref_slice %arg11[%add3A_35, %dma_wait3A] : memref<48000x16xf32, #tpu.memory_space<vmem_shared>> -> memref<3000x16xf32, #tpu.memory_space<vmem_shared>>
      tpu.wait_dma2 semaphore(%run_scoped3A_107 : memref<!tpu.dma_semaphore, #tpu.memory_space<semaphore_mem>>) src(%arg3 : memref<3000x16xf32, #tpu.memory_space<hbm>>) dst(%dma_wait3A_109 : memref<3000x16xf32, #tpu.memory_space<vmem_shared>>)
      tpu.yield
    }) : () -> ()
    %barrier3A = arith.constant 0 : index
    tpu.barrier barrier_id(%barrier3A)
    %jit3A_36 = arith.constant 4 : i32
    %div3A_37 = arith.divsi %arg1, %jit3A_36 : i32
    %sign3A_38 = arith.constant 0 : i32
    %sign3A_39 = arith.cmpi sgt, %arg1, %sign3A_38 : i32
    %sign3A_40 = arith.extui %sign3A_39 : i1 to i32
    %sign3A_41 = arith.constant 0 : i32
    %sign3A_42 = arith.cmpi slt, %arg1, %sign3A_41 : i32
    %sign3A_43 = arith.extui %sign3A_42 : i1 to i32
    %sign3A_44 = arith.subi %sign3A_40, %sign3A_43 : i32
    %sign3A_45 = arith.constant 0 : i32
    %sign3A_46 = arith.cmpi sgt, %jit3A_36, %sign3A_45 : i32
    %sign3A_47 = arith.extui %sign3A_46 : i1 to i32
    %sign3A_48 = arith.constant 0 : i32
    %sign3A_49 = arith.cmpi slt, %jit3A_36, %sign3A_48 : i32
    %sign3A_50 = arith.extui %sign3A_49 : i1 to i32
    %sign3A_51 = arith.subi %sign3A_47, %sign3A_50 : i32
    %ne3A_52 = arith.cmpi ne, %sign3A_44, %sign3A_51 : i32
    %rem3A_53 = arith.remsi %arg1, %jit3A_36 : i32
    %ne3A_54 = arith.constant 0 : i32
    %ne3A_55 = arith.cmpi ne, %rem3A_53, %ne3A_54 : i32
    %and3A_56 = arith.andi %ne3A_52, %ne3A_55 : i1
    %sub3A_57 = arith.constant 1 : i32
    %sub3A_58 = arith.subi %div3A_37, %sub3A_57 : i32
    %select_n3A_59 = arith.select %and3A_56, %sub3A_58, %div3A_37 : i32
    %mul3A_60 = arith.constant 12000 : i32
    %mul3A_61 = arith.muli %select_n3A_59, %mul3A_60 : i32
    %scan3A = arith.constant 0 : i32
    %scan3A_62 = arith.constant 0 : i32
    %scan3A_63 = arith.constant 80 : i32
    %scan3A_64 = arith.addi %scan3A_62, %scan3A_63 : i32
    %scan3A_65 = arith.constant 1 : i32
    scf.for %scan3A_107 = %scan3A_62 to %scan3A_64 step %scan3A_65  : i32 {
      %dma_start3A = arith.constant 0 : i32
      %dma_start3A_108 = tpu.memref_slice %arg7[%scan3A_107, %dma_start3A] : memref<80x125xi32, #tpu.memory_space<vmem>> -> memref<1x125xi32, #tpu.memory_space<vmem>>
      %dma_start3A_109 = tpu.memref_squeeze %dma_start3A_108 : memref<1x125xi32, #tpu.memory_space<vmem>> -> memref<125xi32, #tpu.memory_space<vmem>>
      %dma_start3A_110 = arith.constant 0 : i32
      %dma_start3A_111 = tpu.memref_slice %arg11[%mul3A_61, %dma_start3A_110] : memref<48000x16xf32, #tpu.memory_space<vmem_shared>> -> memref<12000x16xf32, #tpu.memory_space<vmem_shared>>
      %dma_start3A_112 = arith.constant 0 : i32
      %dma_start3A_113 = arith.constant 0 : i32
      %dma_start3A_114 = tpu.memref_slice %dma_start3A_111[%dma_start3A_112, %dma_start3A_113] : memref<12000x16xf32, #tpu.memory_space<vmem_shared>> -> memref<12000x16xf32, #tpu.memory_space<vmem_shared>>
      tpu.enqueue_indirect_dma source(%arg8 : memref<125x16xf32, #tpu.memory_space<vmem>>) target(%dma_start3A_114 : memref<12000x16xf32, #tpu.memory_space<vmem_shared>>) offsets(%dma_start3A_109 : memref<125xi32, #tpu.memory_space<vmem>>) semaphore(%arg12 : memref<!tpu.dma_semaphore, #tpu.memory_space<semaphore_mem>>) {add = true}
      %ge3A = arith.constant 8 : i32
      %ge3A_115 = arith.cmpi sge, %scan3A_107, %ge3A : i32
      %convert_element_type3A = arith.extui %ge3A_115 : i1 to i32
      %cond3A = arith.constant 0 : i32
      %cond3A_116 = arith.cmpi ne, %convert_element_type3A, %cond3A : i32
      scf.if %cond3A_116 {
        %sub3A_117 = arith.constant 8 : i32
        %sub3A_118 = arith.subi %scan3A_107, %sub3A_117 : i32
        %dma_wait3A = arith.constant 0 : i32
        %dma_wait3A_119 = tpu.memref_slice %arg7[%sub3A_118, %dma_wait3A] : memref<80x125xi32, #tpu.memory_space<vmem>> -> memref<1x125xi32, #tpu.memory_space<vmem>>
        %dma_wait3A_120 = tpu.memref_squeeze %dma_wait3A_119 : memref<1x125xi32, #tpu.memory_space<vmem>> -> memref<125xi32, #tpu.memory_space<vmem>>
        %dma_wait3A_121 = arith.constant 0 : i32
        %dma_wait3A_122 = tpu.memref_slice %arg11[%mul3A_61, %dma_wait3A_121] : memref<48000x16xf32, #tpu.memory_space<vmem_shared>> -> memref<12000x16xf32, #tpu.memory_space<vmem_shared>>
        %dma_wait3A_123 = arith.constant 0 : i32
        %dma_wait3A_124 = arith.constant 0 : i32
        %dma_wait3A_125 = tpu.memref_slice %dma_wait3A_122[%dma_wait3A_123, %dma_wait3A_124] : memref<12000x16xf32, #tpu.memory_space<vmem_shared>> -> memref<12000x16xf32, #tpu.memory_space<vmem_shared>>
        tpu.wait_indirect_dma semaphore(%arg12 : memref<!tpu.dma_semaphore, #tpu.memory_space<semaphore_mem>>) src(%arg8 : memref<125x16xf32, #tpu.memory_space<vmem>>) dst(%dma_wait3A_125 : memref<12000x16xf32, #tpu.memory_space<vmem_shared>>)
      } else {
      }
    }
    %scan3A_66 = arith.constant 80 : i32
    %scan3A_67 = arith.constant 0 : i32
    %scan3A_68 = arith.constant 72 : i32
    %scan3A_69 = arith.constant 8 : i32
    %scan3A_70 = arith.addi %scan3A_68, %scan3A_69 : i32
    %scan3A_71 = arith.constant 1 : i32
    scf.for %scan3A_107 = %scan3A_68 to %scan3A_70 step %scan3A_71  : i32 {
      %dma_wait3A = arith.constant 0 : i32
      %dma_wait3A_108 = tpu.memref_slice %arg7[%scan3A_107, %dma_wait3A] : memref<80x125xi32, #tpu.memory_space<vmem>> -> memref<1x125xi32, #tpu.memory_space<vmem>>
      %dma_wait3A_109 = tpu.memref_squeeze %dma_wait3A_108 : memref<1x125xi32, #tpu.memory_space<vmem>> -> memref<125xi32, #tpu.memory_space<vmem>>
      %dma_wait3A_110 = arith.constant 0 : i32
      %dma_wait3A_111 = tpu.memref_slice %arg11[%mul3A_61, %dma_wait3A_110] : memref<48000x16xf32, #tpu.memory_space<vmem_shared>> -> memref<12000x16xf32, #tpu.memory_space<vmem_shared>>
      %dma_wait3A_112 = arith.constant 0 : i32
      %dma_wait3A_113 = arith.constant 0 : i32
      %dma_wait3A_114 = tpu.memref_slice %dma_wait3A_111[%dma_wait3A_112, %dma_wait3A_113] : memref<12000x16xf32, #tpu.memory_space<vmem_shared>> -> memref<12000x16xf32, #tpu.memory_space<vmem_shared>>
      tpu.wait_indirect_dma semaphore(%arg12 : memref<!tpu.dma_semaphore, #tpu.memory_space<semaphore_mem>>) src(%arg8 : memref<125x16xf32, #tpu.memory_space<vmem>>) dst(%dma_wait3A_114 : memref<12000x16xf32, #tpu.memory_space<vmem_shared>>)
    }
    %scan3A_72 = arith.constant 8 : i32
    %barrier3A_73 = arith.constant 0 : index
    tpu.barrier barrier_id(%barrier3A_73)
    %mul3A_74 = arith.constant 750 : i32
    %mul3A_75 = arith.muli %arg1, %mul3A_74 : i32
    %add3A_76 = arith.constant 12000 : i32
    %add3A_77 = arith.addi %add3A_76, %mul3A_75 : i32
    "tpu.region"() ({
      %run_scoped3A_107 = tpu.sem_alloc : memref<!tpu.dma_semaphore, #tpu.memory_space<semaphore_mem>>
      %dma_start3A = arith.constant 0 : i32
      %dma_start3A_108 = tpu.memref_slice %arg11[%add3A_77, %dma_start3A] : memref<48000x16xf32, #tpu.memory_space<vmem_shared>> -> memref<750x16xf32, #tpu.memory_space<vmem_shared>>
      %dma_start3A_109 = arith.constant 0 : i32
      %dma_start3A_110 = tpu.memref_slice %arg11[%add3A_77, %dma_start3A_109] : memref<48000x16xf32, #tpu.memory_space<vmem_shared>> -> memref<750x16xf32, #tpu.memory_space<vmem_shared>>
      tpu.enqueue_dma source(%dma_start3A_110 : memref<750x16xf32, #tpu.memory_space<vmem_shared>>) target(%arg10 : memref<750x16xf32, #tpu.memory_space<vmem>>) target_semaphore(%run_scoped3A_107 : memref<!tpu.dma_semaphore, #tpu.memory_space<semaphore_mem>>)
      %dma_wait3A = arith.constant 0 : i32
      %dma_wait3A_111 = tpu.memref_slice %arg11[%add3A_77, %dma_wait3A] : memref<48000x16xf32, #tpu.memory_space<vmem_shared>> -> memref<750x16xf32, #tpu.memory_space<vmem_shared>>
      %dma_wait3A_112 = arith.constant 0 : i32
      %dma_wait3A_113 = tpu.memref_slice %arg11[%add3A_77, %dma_wait3A_112] : memref<48000x16xf32, #tpu.memory_space<vmem_shared>> -> memref<750x16xf32, #tpu.memory_space<vmem_shared>>
      tpu.wait_dma2 semaphore(%run_scoped3A_107 : memref<!tpu.dma_semaphore, #tpu.memory_space<semaphore_mem>>) src(%dma_wait3A_113 : memref<750x16xf32, #tpu.memory_space<vmem_shared>>) dst(%arg10 : memref<750x16xf32, #tpu.memory_space<vmem>>)
      tpu.yield
    }) : () -> ()
    %run_scoped3A = arith.constant 0 : i32
    "tpu.region"() ({
      %run_scoped3A_107 = tpu.sem_alloc : memref<!tpu.dma_semaphore, #tpu.memory_space<semaphore_mem>>
      %dma_start3A = arith.constant 0 : i32
      %dma_start3A_108 = arith.constant 0 : i32
      %dma_start3A_109 = tpu.memref_slice %arg10[%dma_start3A, %dma_start3A_108] : memref<750x16xf32, #tpu.memory_space<vmem>> -> memref<125x16xf32, #tpu.memory_space<vmem>>
      %dma_start3A_110 = arith.constant 0 : i32
      %dma_start3A_111 = tpu.memref_slice %arg9[%run_scoped3A, %dma_start3A_110] : memref<6x125xi32, #tpu.memory_space<vmem>> -> memref<1x125xi32, #tpu.memory_space<vmem>>
      %dma_start3A_112 = tpu.memref_squeeze %dma_start3A_111 : memref<1x125xi32, #tpu.memory_space<vmem>> -> memref<125xi32, #tpu.memory_space<vmem>>
      %dma_start3A_113 = arith.constant 0 : i32
      %dma_start3A_114 = arith.constant 0 : i32
      %dma_start3A_115 = tpu.memref_slice %arg11[%dma_start3A_113, %dma_start3A_114] : memref<48000x16xf32, #tpu.memory_space<vmem_shared>> -> memref<48000x16xf32, #tpu.memory_space<vmem_shared>>
      tpu.enqueue_indirect_dma source(%dma_start3A_109 : memref<125x16xf32, #tpu.memory_space<vmem>>) target(%dma_start3A_115 : memref<48000x16xf32, #tpu.memory_space<vmem_shared>>) offsets(%dma_start3A_112 : memref<125xi32, #tpu.memory_space<vmem>>) semaphore(%run_scoped3A_107 : memref<!tpu.dma_semaphore, #tpu.memory_space<semaphore_mem>>) {add = true}
      %dma_wait3A = arith.constant 0 : i32
      %dma_wait3A_116 = arith.constant 0 : i32
      %dma_wait3A_117 = tpu.memref_slice %arg10[%dma_wait3A, %dma_wait3A_116] : memref<750x16xf32, #tpu.memory_space<vmem>> -> memref<125x16xf32, #tpu.memory_space<vmem>>
      %dma_wait3A_118 = arith.constant 0 : i32
      %dma_wait3A_119 = tpu.memref_slice %arg9[%run_scoped3A, %dma_wait3A_118] : memref<6x125xi32, #tpu.memory_space<vmem>> -> memref<1x125xi32, #tpu.memory_space<vmem>>
      %dma_wait3A_120 = tpu.memref_squeeze %dma_wait3A_119 : memref<1x125xi32, #tpu.memory_space<vmem>> -> memref<125xi32, #tpu.memory_space<vmem>>
      %dma_wait3A_121 = arith.constant 0 : i32
      %dma_wait3A_122 = arith.constant 0 : i32
      %dma_wait3A_123 = tpu.memref_slice %arg11[%dma_wait3A_121, %dma_wait3A_122] : memref<48000x16xf32, #tpu.memory_space<vmem_shared>> -> memref<48000x16xf32, #tpu.memory_space<vmem_shared>>
      tpu.wait_indirect_dma semaphore(%run_scoped3A_107 : memref<!tpu.dma_semaphore, #tpu.memory_space<semaphore_mem>>) src(%dma_wait3A_117 : memref<125x16xf32, #tpu.memory_space<vmem>>) dst(%dma_wait3A_123 : memref<48000x16xf32, #tpu.memory_space<vmem_shared>>)
      tpu.yield
    }) : () -> ()
    %run_scoped3A_78 = arith.constant 1 : i32
    "tpu.region"() ({
      %run_scoped3A_107 = tpu.sem_alloc : memref<!tpu.dma_semaphore, #tpu.memory_space<semaphore_mem>>
      %dma_start3A = arith.constant 125 : i32
      %dma_start3A_108 = arith.constant 0 : i32
      %dma_start3A_109 = tpu.memref_slice %arg10[%dma_start3A, %dma_start3A_108] : memref<750x16xf32, #tpu.memory_space<vmem>> -> memref<125x16xf32, #tpu.memory_space<vmem>>
      %dma_start3A_110 = arith.constant 0 : i32
      %dma_start3A_111 = tpu.memref_slice %arg9[%run_scoped3A_78, %dma_start3A_110] : memref<6x125xi32, #tpu.memory_space<vmem>> -> memref<1x125xi32, #tpu.memory_space<vmem>>
      %dma_start3A_112 = tpu.memref_squeeze %dma_start3A_111 : memref<1x125xi32, #tpu.memory_space<vmem>> -> memref<125xi32, #tpu.memory_space<vmem>>
      %dma_start3A_113 = arith.constant 0 : i32
      %dma_start3A_114 = arith.constant 0 : i32
      %dma_start3A_115 = tpu.memref_slice %arg11[%dma_start3A_113, %dma_start3A_114] : memref<48000x16xf32, #tpu.memory_space<vmem_shared>> -> memref<48000x16xf32, #tpu.memory_space<vmem_shared>>
      tpu.enqueue_indirect_dma source(%dma_start3A_109 : memref<125x16xf32, #tpu.memory_space<vmem>>) target(%dma_start3A_115 : memref<48000x16xf32, #tpu.memory_space<vmem_shared>>) offsets(%dma_start3A_112 : memref<125xi32, #tpu.memory_space<vmem>>) semaphore(%run_scoped3A_107 : memref<!tpu.dma_semaphore, #tpu.memory_space<semaphore_mem>>) {add = true}
      %dma_wait3A = arith.constant 125 : i32
      %dma_wait3A_116 = arith.constant 0 : i32
      %dma_wait3A_117 = tpu.memref_slice %arg10[%dma_wait3A, %dma_wait3A_116] : memref<750x16xf32, #tpu.memory_space<vmem>> -> memref<125x16xf32, #tpu.memory_space<vmem>>
      %dma_wait3A_118 = arith.constant 0 : i32
      %dma_wait3A_119 = tpu.memref_slice %arg9[%run_scoped3A_78, %dma_wait3A_118] : memref<6x125xi32, #tpu.memory_space<vmem>> -> memref<1x125xi32, #tpu.memory_space<vmem>>
      %dma_wait3A_120 = tpu.memref_squeeze %dma_wait3A_119 : memref<1x125xi32, #tpu.memory_space<vmem>> -> memref<125xi32, #tpu.memory_space<vmem>>
      %dma_wait3A_121 = arith.constant 0 : i32
      %dma_wait3A_122 = arith.constant 0 : i32
      %dma_wait3A_123 = tpu.memref_slice %arg11[%dma_wait3A_121, %dma_wait3A_122] : memref<48000x16xf32, #tpu.memory_space<vmem_shared>> -> memref<48000x16xf32, #tpu.memory_space<vmem_shared>>
      tpu.wait_indirect_dma semaphore(%run_scoped3A_107 : memref<!tpu.dma_semaphore, #tpu.memory_space<semaphore_mem>>) src(%dma_wait3A_117 : memref<125x16xf32, #tpu.memory_space<vmem>>) dst(%dma_wait3A_123 : memref<48000x16xf32, #tpu.memory_space<vmem_shared>>)
      tpu.yield
    }) : () -> ()
    %run_scoped3A_79 = arith.constant 2 : i32
    "tpu.region"() ({
      %run_scoped3A_107 = tpu.sem_alloc : memref<!tpu.dma_semaphore, #tpu.memory_space<semaphore_mem>>
      %dma_start3A = arith.constant 250 : i32
      %dma_start3A_108 = arith.constant 0 : i32
      %dma_start3A_109 = tpu.memref_slice %arg10[%dma_start3A, %dma_start3A_108] : memref<750x16xf32, #tpu.memory_space<vmem>> -> memref<125x16xf32, #tpu.memory_space<vmem>>
      %dma_start3A_110 = arith.constant 0 : i32
      %dma_start3A_111 = tpu.memref_slice %arg9[%run_scoped3A_79, %dma_start3A_110] : memref<6x125xi32, #tpu.memory_space<vmem>> -> memref<1x125xi32, #tpu.memory_space<vmem>>
      %dma_start3A_112 = tpu.memref_squeeze %dma_start3A_111 : memref<1x125xi32, #tpu.memory_space<vmem>> -> memref<125xi32, #tpu.memory_space<vmem>>
      %dma_start3A_113 = arith.constant 0 : i32
      %dma_start3A_114 = arith.constant 0 : i32
      %dma_start3A_115 = tpu.memref_slice %arg11[%dma_start3A_113, %dma_start3A_114] : memref<48000x16xf32, #tpu.memory_space<vmem_shared>> -> memref<48000x16xf32, #tpu.memory_space<vmem_shared>>
      tpu.enqueue_indirect_dma source(%dma_start3A_109 : memref<125x16xf32, #tpu.memory_space<vmem>>) target(%dma_start3A_115 : memref<48000x16xf32, #tpu.memory_space<vmem_shared>>) offsets(%dma_start3A_112 : memref<125xi32, #tpu.memory_space<vmem>>) semaphore(%run_scoped3A_107 : memref<!tpu.dma_semaphore, #tpu.memory_space<semaphore_mem>>) {add = true}
      %dma_wait3A = arith.constant 250 : i32
      %dma_wait3A_116 = arith.constant 0 : i32
      %dma_wait3A_117 = tpu.memref_slice %arg10[%dma_wait3A, %dma_wait3A_116] : memref<750x16xf32, #tpu.memory_space<vmem>> -> memref<125x16xf32, #tpu.memory_space<vmem>>
      %dma_wait3A_118 = arith.constant 0 : i32
      %dma_wait3A_119 = tpu.memref_slice %arg9[%run_scoped3A_79, %dma_wait3A_118] : memref<6x125xi32, #tpu.memory_space<vmem>> -> memref<1x125xi32, #tpu.memory_space<vmem>>
      %dma_wait3A_120 = tpu.memref_squeeze %dma_wait3A_119 : memref<1x125xi32, #tpu.memory_space<vmem>> -> memref<125xi32, #tpu.memory_space<vmem>>
      %dma_wait3A_121 = arith.constant 0 : i32
      %dma_wait3A_122 = arith.constant 0 : i32
      %dma_wait3A_123 = tpu.memref_slice %arg11[%dma_wait3A_121, %dma_wait3A_122] : memref<48000x16xf32, #tpu.memory_space<vmem_shared>> -> memref<48000x16xf32, #tpu.memory_space<vmem_shared>>
      tpu.wait_indirect_dma semaphore(%run_scoped3A_107 : memref<!tpu.dma_semaphore, #tpu.memory_space<semaphore_mem>>) src(%dma_wait3A_117 : memref<125x16xf32, #tpu.memory_space<vmem>>) dst(%dma_wait3A_123 : memref<48000x16xf32, #tpu.memory_space<vmem_shared>>)
      tpu.yield
    }) : () -> ()
    %run_scoped3A_80 = arith.constant 3 : i32
    "tpu.region"() ({
      %run_scoped3A_107 = tpu.sem_alloc : memref<!tpu.dma_semaphore, #tpu.memory_space<semaphore_mem>>
      %dma_start3A = arith.constant 375 : i32
      %dma_start3A_108 = arith.constant 0 : i32
      %dma_start3A_109 = tpu.memref_slice %arg10[%dma_start3A, %dma_start3A_108] : memref<750x16xf32, #tpu.memory_space<vmem>> -> memref<125x16xf32, #tpu.memory_space<vmem>>
      %dma_start3A_110 = arith.constant 0 : i32
      %dma_start3A_111 = tpu.memref_slice %arg9[%run_scoped3A_80, %dma_start3A_110] : memref<6x125xi32, #tpu.memory_space<vmem>> -> memref<1x125xi32, #tpu.memory_space<vmem>>
      %dma_start3A_112 = tpu.memref_squeeze %dma_start3A_111 : memref<1x125xi32, #tpu.memory_space<vmem>> -> memref<125xi32, #tpu.memory_space<vmem>>
      %dma_start3A_113 = arith.constant 0 : i32
      %dma_start3A_114 = arith.constant 0 : i32
      %dma_start3A_115 = tpu.memref_slice %arg11[%dma_start3A_113, %dma_start3A_114] : memref<48000x16xf32, #tpu.memory_space<vmem_shared>> -> memref<48000x16xf32, #tpu.memory_space<vmem_shared>>
      tpu.enqueue_indirect_dma source(%dma_start3A_109 : memref<125x16xf32, #tpu.memory_space<vmem>>) target(%dma_start3A_115 : memref<48000x16xf32, #tpu.memory_space<vmem_shared>>) offsets(%dma_start3A_112 : memref<125xi32, #tpu.memory_space<vmem>>) semaphore(%run_scoped3A_107 : memref<!tpu.dma_semaphore, #tpu.memory_space<semaphore_mem>>) {add = true}
      %dma_wait3A = arith.constant 375 : i32
      %dma_wait3A_116 = arith.constant 0 : i32
      %dma_wait3A_117 = tpu.memref_slice %arg10[%dma_wait3A, %dma_wait3A_116] : memref<750x16xf32, #tpu.memory_space<vmem>> -> memref<125x16xf32, #tpu.memory_space<vmem>>
      %dma_wait3A_118 = arith.constant 0 : i32
      %dma_wait3A_119 = tpu.memref_slice %arg9[%run_scoped3A_80, %dma_wait3A_118] : memref<6x125xi32, #tpu.memory_space<vmem>> -> memref<1x125xi32, #tpu.memory_space<vmem>>
      %dma_wait3A_120 = tpu.memref_squeeze %dma_wait3A_119 : memref<1x125xi32, #tpu.memory_space<vmem>> -> memref<125xi32, #tpu.memory_space<vmem>>
      %dma_wait3A_121 = arith.constant 0 : i32
      %dma_wait3A_122 = arith.constant 0 : i32
      %dma_wait3A_123 = tpu.memref_slice %arg11[%dma_wait3A_121, %dma_wait3A_122] : memref<48000x16xf32, #tpu.memory_space<vmem_shared>> -> memref<48000x16xf32, #tpu.memory_space<vmem_shared>>
      tpu.wait_indirect_dma semaphore(%run_scoped3A_107 : memref<!tpu.dma_semaphore, #tpu.memory_space<semaphore_mem>>) src(%dma_wait3A_117 : memref<125x16xf32, #tpu.memory_space<vmem>>) dst(%dma_wait3A_123 : memref<48000x16xf32, #tpu.memory_space<vmem_shared>>)
      tpu.yield
    }) : () -> ()
    %run_scoped3A_81 = arith.constant 4 : i32
    "tpu.region"() ({
      %run_scoped3A_107 = tpu.sem_alloc : memref<!tpu.dma_semaphore, #tpu.memory_space<semaphore_mem>>
      %dma_start3A = arith.constant 500 : i32
      %dma_start3A_108 = arith.constant 0 : i32
      %dma_start3A_109 = tpu.memref_slice %arg10[%dma_start3A, %dma_start3A_108] : memref<750x16xf32, #tpu.memory_space<vmem>> -> memref<125x16xf32, #tpu.memory_space<vmem>>
      %dma_start3A_110 = arith.constant 0 : i32
      %dma_start3A_111 = tpu.memref_slice %arg9[%run_scoped3A_81, %dma_start3A_110] : memref<6x125xi32, #tpu.memory_space<vmem>> -> memref<1x125xi32, #tpu.memory_space<vmem>>
      %dma_start3A_112 = tpu.memref_squeeze %dma_start3A_111 : memref<1x125xi32, #tpu.memory_space<vmem>> -> memref<125xi32, #tpu.memory_space<vmem>>
      %dma_start3A_113 = arith.constant 0 : i32
      %dma_start3A_114 = arith.constant 0 : i32
      %dma_start3A_115 = tpu.memref_slice %arg11[%dma_start3A_113, %dma_start3A_114] : memref<48000x16xf32, #tpu.memory_space<vmem_shared>> -> memref<48000x16xf32, #tpu.memory_space<vmem_shared>>
      tpu.enqueue_indirect_dma source(%dma_start3A_109 : memref<125x16xf32, #tpu.memory_space<vmem>>) target(%dma_start3A_115 : memref<48000x16xf32, #tpu.memory_space<vmem_shared>>) offsets(%dma_start3A_112 : memref<125xi32, #tpu.memory_space<vmem>>) semaphore(%run_scoped3A_107 : memref<!tpu.dma_semaphore, #tpu.memory_space<semaphore_mem>>) {add = true}
      %dma_wait3A = arith.constant 500 : i32
      %dma_wait3A_116 = arith.constant 0 : i32
      %dma_wait3A_117 = tpu.memref_slice %arg10[%dma_wait3A, %dma_wait3A_116] : memref<750x16xf32, #tpu.memory_space<vmem>> -> memref<125x16xf32, #tpu.memory_space<vmem>>
      %dma_wait3A_118 = arith.constant 0 : i32
      %dma_wait3A_119 = tpu.memref_slice %arg9[%run_scoped3A_81, %dma_wait3A_118] : memref<6x125xi32, #tpu.memory_space<vmem>> -> memref<1x125xi32, #tpu.memory_space<vmem>>
      %dma_wait3A_120 = tpu.memref_squeeze %dma_wait3A_119 : memref<1x125xi32, #tpu.memory_space<vmem>> -> memref<125xi32, #tpu.memory_space<vmem>>
      %dma_wait3A_121 = arith.constant 0 : i32
      %dma_wait3A_122 = arith.constant 0 : i32
      %dma_wait3A_123 = tpu.memref_slice %arg11[%dma_wait3A_121, %dma_wait3A_122] : memref<48000x16xf32, #tpu.memory_space<vmem_shared>> -> memref<48000x16xf32, #tpu.memory_space<vmem_shared>>
      tpu.wait_indirect_dma semaphore(%run_scoped3A_107 : memref<!tpu.dma_semaphore, #tpu.memory_space<semaphore_mem>>) src(%dma_wait3A_117 : memref<125x16xf32, #tpu.memory_space<vmem>>) dst(%dma_wait3A_123 : memref<48000x16xf32, #tpu.memory_space<vmem_shared>>)
      tpu.yield
    }) : () -> ()
    %run_scoped3A_82 = arith.constant 5 : i32
    "tpu.region"() ({
      %run_scoped3A_107 = tpu.sem_alloc : memref<!tpu.dma_semaphore, #tpu.memory_space<semaphore_mem>>
      %dma_start3A = arith.constant 625 : i32
      %dma_start3A_108 = arith.constant 0 : i32
      %dma_start3A_109 = tpu.memref_slice %arg10[%dma_start3A, %dma_start3A_108] : memref<750x16xf32, #tpu.memory_space<vmem>> -> memref<125x16xf32, #tpu.memory_space<vmem>>
      %dma_start3A_110 = arith.constant 0 : i32
      %dma_start3A_111 = tpu.memref_slice %arg9[%run_scoped3A_82, %dma_start3A_110] : memref<6x125xi32, #tpu.memory_space<vmem>> -> memref<1x125xi32, #tpu.memory_space<vmem>>
      %dma_start3A_112 = tpu.memref_squeeze %dma_start3A_111 : memref<1x125xi32, #tpu.memory_space<vmem>> -> memref<125xi32, #tpu.memory_space<vmem>>
      %dma_start3A_113 = arith.constant 0 : i32
      %dma_start3A_114 = arith.constant 0 : i32
      %dma_start3A_115 = tpu.memref_slice %arg11[%dma_start3A_113, %dma_start3A_114] : memref<48000x16xf32, #tpu.memory_space<vmem_shared>> -> memref<48000x16xf32, #tpu.memory_space<vmem_shared>>
      tpu.enqueue_indirect_dma source(%dma_start3A_109 : memref<125x16xf32, #tpu.memory_space<vmem>>) target(%dma_start3A_115 : memref<48000x16xf32, #tpu.memory_space<vmem_shared>>) offsets(%dma_start3A_112 : memref<125xi32, #tpu.memory_space<vmem>>) semaphore(%run_scoped3A_107 : memref<!tpu.dma_semaphore, #tpu.memory_space<semaphore_mem>>) {add = true}
      %dma_wait3A = arith.constant 625 : i32
      %dma_wait3A_116 = arith.constant 0 : i32
      %dma_wait3A_117 = tpu.memref_slice %arg10[%dma_wait3A, %dma_wait3A_116] : memref<750x16xf32, #tpu.memory_space<vmem>> -> memref<125x16xf32, #tpu.memory_space<vmem>>
      %dma_wait3A_118 = arith.constant 0 : i32
      %dma_wait3A_119 = tpu.memref_slice %arg9[%run_scoped3A_82, %dma_wait3A_118] : memref<6x125xi32, #tpu.memory_space<vmem>> -> memref<1x125xi32, #tpu.memory_space<vmem>>
      %dma_wait3A_120 = tpu.memref_squeeze %dma_wait3A_119 : memref<1x125xi32, #tpu.memory_space<vmem>> -> memref<125xi32, #tpu.memory_space<vmem>>
      %dma_wait3A_121 = arith.constant 0 : i32
      %dma_wait3A_122 = arith.constant 0 : i32
      %dma_wait3A_123 = tpu.memref_slice %arg11[%dma_wait3A_121, %dma_wait3A_122] : memref<48000x16xf32, #tpu.memory_space<vmem_shared>> -> memref<48000x16xf32, #tpu.memory_space<vmem_shared>>
      tpu.wait_indirect_dma semaphore(%run_scoped3A_107 : memref<!tpu.dma_semaphore, #tpu.memory_space<semaphore_mem>>) src(%dma_wait3A_117 : memref<125x16xf32, #tpu.memory_space<vmem>>) dst(%dma_wait3A_123 : memref<48000x16xf32, #tpu.memory_space<vmem_shared>>)
      tpu.yield
    }) : () -> ()
    %add3A_83 = arith.constant 24000 : i32
    %add3A_84 = arith.addi %add3A_83, %mul3A_75 : i32
    "tpu.region"() ({
      %run_scoped3A_107 = tpu.sem_alloc : memref<!tpu.dma_semaphore, #tpu.memory_space<semaphore_mem>>
      %dma_start3A = arith.constant 0 : i32
      %dma_start3A_108 = tpu.memref_slice %arg11[%add3A_84, %dma_start3A] : memref<48000x16xf32, #tpu.memory_space<vmem_shared>> -> memref<750x16xf32, #tpu.memory_space<vmem_shared>>
      %dma_start3A_109 = arith.constant 0 : i32
      %dma_start3A_110 = tpu.memref_slice %arg11[%add3A_84, %dma_start3A_109] : memref<48000x16xf32, #tpu.memory_space<vmem_shared>> -> memref<750x16xf32, #tpu.memory_space<vmem_shared>>
      tpu.enqueue_dma source(%dma_start3A_110 : memref<750x16xf32, #tpu.memory_space<vmem_shared>>) target(%arg10 : memref<750x16xf32, #tpu.memory_space<vmem>>) target_semaphore(%run_scoped3A_107 : memref<!tpu.dma_semaphore, #tpu.memory_space<semaphore_mem>>)
      %dma_wait3A = arith.constant 0 : i32
      %dma_wait3A_111 = tpu.memref_slice %arg11[%add3A_84, %dma_wait3A] : memref<48000x16xf32, #tpu.memory_space<vmem_shared>> -> memref<750x16xf32, #tpu.memory_space<vmem_shared>>
      %dma_wait3A_112 = arith.constant 0 : i32
      %dma_wait3A_113 = tpu.memref_slice %arg11[%add3A_84, %dma_wait3A_112] : memref<48000x16xf32, #tpu.memory_space<vmem_shared>> -> memref<750x16xf32, #tpu.memory_space<vmem_shared>>
      tpu.wait_dma2 semaphore(%run_scoped3A_107 : memref<!tpu.dma_semaphore, #tpu.memory_space<semaphore_mem>>) src(%dma_wait3A_113 : memref<750x16xf32, #tpu.memory_space<vmem_shared>>) dst(%arg10 : memref<750x16xf32, #tpu.memory_space<vmem>>)
      tpu.yield
    }) : () -> ()
    %run_scoped3A_85 = arith.constant 0 : i32
    "tpu.region"() ({
      %run_scoped3A_107 = tpu.sem_alloc : memref<!tpu.dma_semaphore, #tpu.memory_space<semaphore_mem>>
      %dma_start3A = arith.constant 0 : i32
      %dma_start3A_108 = arith.constant 0 : i32
      %dma_start3A_109 = tpu.memref_slice %arg10[%dma_start3A, %dma_start3A_108] : memref<750x16xf32, #tpu.memory_space<vmem>> -> memref<125x16xf32, #tpu.memory_space<vmem>>
      %dma_start3A_110 = arith.constant 0 : i32
      %dma_start3A_111 = tpu.memref_slice %arg9[%run_scoped3A_85, %dma_start3A_110] : memref<6x125xi32, #tpu.memory_space<vmem>> -> memref<1x125xi32, #tpu.memory_space<vmem>>
      %dma_start3A_112 = tpu.memref_squeeze %dma_start3A_111 : memref<1x125xi32, #tpu.memory_space<vmem>> -> memref<125xi32, #tpu.memory_space<vmem>>
      %dma_start3A_113 = arith.constant 0 : i32
      %dma_start3A_114 = arith.constant 0 : i32
      %dma_start3A_115 = tpu.memref_slice %arg11[%dma_start3A_113, %dma_start3A_114] : memref<48000x16xf32, #tpu.memory_space<vmem_shared>> -> memref<48000x16xf32, #tpu.memory_space<vmem_shared>>
      tpu.enqueue_indirect_dma source(%dma_start3A_109 : memref<125x16xf32, #tpu.memory_space<vmem>>) target(%dma_start3A_115 : memref<48000x16xf32, #tpu.memory_space<vmem_shared>>) offsets(%dma_start3A_112 : memref<125xi32, #tpu.memory_space<vmem>>) semaphore(%run_scoped3A_107 : memref<!tpu.dma_semaphore, #tpu.memory_space<semaphore_mem>>) {add = true}
      %dma_wait3A = arith.constant 0 : i32
      %dma_wait3A_116 = arith.constant 0 : i32
      %dma_wait3A_117 = tpu.memref_slice %arg10[%dma_wait3A, %dma_wait3A_116] : memref<750x16xf32, #tpu.memory_space<vmem>> -> memref<125x16xf32, #tpu.memory_space<vmem>>
      %dma_wait3A_118 = arith.constant 0 : i32
      %dma_wait3A_119 = tpu.memref_slice %arg9[%run_scoped3A_85, %dma_wait3A_118] : memref<6x125xi32, #tpu.memory_space<vmem>> -> memref<1x125xi32, #tpu.memory_space<vmem>>
      %dma_wait3A_120 = tpu.memref_squeeze %dma_wait3A_119 : memref<1x125xi32, #tpu.memory_space<vmem>> -> memref<125xi32, #tpu.memory_space<vmem>>
      %dma_wait3A_121 = arith.constant 0 : i32
      %dma_wait3A_122 = arith.constant 0 : i32
      %dma_wait3A_123 = tpu.memref_slice %arg11[%dma_wait3A_121, %dma_wait3A_122] : memref<48000x16xf32, #tpu.memory_space<vmem_shared>> -> memref<48000x16xf32, #tpu.memory_space<vmem_shared>>
      tpu.wait_indirect_dma semaphore(%run_scoped3A_107 : memref<!tpu.dma_semaphore, #tpu.memory_space<semaphore_mem>>) src(%dma_wait3A_117 : memref<125x16xf32, #tpu.memory_space<vmem>>) dst(%dma_wait3A_123 : memref<48000x16xf32, #tpu.memory_space<vmem_shared>>)
      tpu.yield
    }) : () -> ()
    %run_scoped3A_86 = arith.constant 1 : i32
    "tpu.region"() ({
      %run_scoped3A_107 = tpu.sem_alloc : memref<!tpu.dma_semaphore, #tpu.memory_space<semaphore_mem>>
      %dma_start3A = arith.constant 125 : i32
      %dma_start3A_108 = arith.constant 0 : i32
      %dma_start3A_109 = tpu.memref_slice %arg10[%dma_start3A, %dma_start3A_108] : memref<750x16xf32, #tpu.memory_space<vmem>> -> memref<125x16xf32, #tpu.memory_space<vmem>>
      %dma_start3A_110 = arith.constant 0 : i32
      %dma_start3A_111 = tpu.memref_slice %arg9[%run_scoped3A_86, %dma_start3A_110] : memref<6x125xi32, #tpu.memory_space<vmem>> -> memref<1x125xi32, #tpu.memory_space<vmem>>
      %dma_start3A_112 = tpu.memref_squeeze %dma_start3A_111 : memref<1x125xi32, #tpu.memory_space<vmem>> -> memref<125xi32, #tpu.memory_space<vmem>>
      %dma_start3A_113 = arith.constant 0 : i32
      %dma_start3A_114 = arith.constant 0 : i32
      %dma_start3A_115 = tpu.memref_slice %arg11[%dma_start3A_113, %dma_start3A_114] : memref<48000x16xf32, #tpu.memory_space<vmem_shared>> -> memref<48000x16xf32, #tpu.memory_space<vmem_shared>>
      tpu.enqueue_indirect_dma source(%dma_start3A_109 : memref<125x16xf32, #tpu.memory_space<vmem>>) target(%dma_start3A_115 : memref<48000x16xf32, #tpu.memory_space<vmem_shared>>) offsets(%dma_start3A_112 : memref<125xi32, #tpu.memory_space<vmem>>) semaphore(%run_scoped3A_107 : memref<!tpu.dma_semaphore, #tpu.memory_space<semaphore_mem>>) {add = true}
      %dma_wait3A = arith.constant 125 : i32
      %dma_wait3A_116 = arith.constant 0 : i32
      %dma_wait3A_117 = tpu.memref_slice %arg10[%dma_wait3A, %dma_wait3A_116] : memref<750x16xf32, #tpu.memory_space<vmem>> -> memref<125x16xf32, #tpu.memory_space<vmem>>
      %dma_wait3A_118 = arith.constant 0 : i32
      %dma_wait3A_119 = tpu.memref_slice %arg9[%run_scoped3A_86, %dma_wait3A_118] : memref<6x125xi32, #tpu.memory_space<vmem>> -> memref<1x125xi32, #tpu.memory_space<vmem>>
      %dma_wait3A_120 = tpu.memref_squeeze %dma_wait3A_119 : memref<1x125xi32, #tpu.memory_space<vmem>> -> memref<125xi32, #tpu.memory_space<vmem>>
      %dma_wait3A_121 = arith.constant 0 : i32
      %dma_wait3A_122 = arith.constant 0 : i32
      %dma_wait3A_123 = tpu.memref_slice %arg11[%dma_wait3A_121, %dma_wait3A_122] : memref<48000x16xf32, #tpu.memory_space<vmem_shared>> -> memref<48000x16xf32, #tpu.memory_space<vmem_shared>>
      tpu.wait_indirect_dma semaphore(%run_scoped3A_107 : memref<!tpu.dma_semaphore, #tpu.memory_space<semaphore_mem>>) src(%dma_wait3A_117 : memref<125x16xf32, #tpu.memory_space<vmem>>) dst(%dma_wait3A_123 : memref<48000x16xf32, #tpu.memory_space<vmem_shared>>)
      tpu.yield
    }) : () -> ()
    %run_scoped3A_87 = arith.constant 2 : i32
    "tpu.region"() ({
      %run_scoped3A_107 = tpu.sem_alloc : memref<!tpu.dma_semaphore, #tpu.memory_space<semaphore_mem>>
      %dma_start3A = arith.constant 250 : i32
      %dma_start3A_108 = arith.constant 0 : i32
      %dma_start3A_109 = tpu.memref_slice %arg10[%dma_start3A, %dma_start3A_108] : memref<750x16xf32, #tpu.memory_space<vmem>> -> memref<125x16xf32, #tpu.memory_space<vmem>>
      %dma_start3A_110 = arith.constant 0 : i32
      %dma_start3A_111 = tpu.memref_slice %arg9[%run_scoped3A_87, %dma_start3A_110] : memref<6x125xi32, #tpu.memory_space<vmem>> -> memref<1x125xi32, #tpu.memory_space<vmem>>
      %dma_start3A_112 = tpu.memref_squeeze %dma_start3A_111 : memref<1x125xi32, #tpu.memory_space<vmem>> -> memref<125xi32, #tpu.memory_space<vmem>>
      %dma_start3A_113 = arith.constant 0 : i32
      %dma_start3A_114 = arith.constant 0 : i32
      %dma_start3A_115 = tpu.memref_slice %arg11[%dma_start3A_113, %dma_start3A_114] : memref<48000x16xf32, #tpu.memory_space<vmem_shared>> -> memref<48000x16xf32, #tpu.memory_space<vmem_shared>>
      tpu.enqueue_indirect_dma source(%dma_start3A_109 : memref<125x16xf32, #tpu.memory_space<vmem>>) target(%dma_start3A_115 : memref<48000x16xf32, #tpu.memory_space<vmem_shared>>) offsets(%dma_start3A_112 : memref<125xi32, #tpu.memory_space<vmem>>) semaphore(%run_scoped3A_107 : memref<!tpu.dma_semaphore, #tpu.memory_space<semaphore_mem>>) {add = true}
      %dma_wait3A = arith.constant 250 : i32
      %dma_wait3A_116 = arith.constant 0 : i32
      %dma_wait3A_117 = tpu.memref_slice %arg10[%dma_wait3A, %dma_wait3A_116] : memref<750x16xf32, #tpu.memory_space<vmem>> -> memref<125x16xf32, #tpu.memory_space<vmem>>
      %dma_wait3A_118 = arith.constant 0 : i32
      %dma_wait3A_119 = tpu.memref_slice %arg9[%run_scoped3A_87, %dma_wait3A_118] : memref<6x125xi32, #tpu.memory_space<vmem>> -> memref<1x125xi32, #tpu.memory_space<vmem>>
      %dma_wait3A_120 = tpu.memref_squeeze %dma_wait3A_119 : memref<1x125xi32, #tpu.memory_space<vmem>> -> memref<125xi32, #tpu.memory_space<vmem>>
      %dma_wait3A_121 = arith.constant 0 : i32
      %dma_wait3A_122 = arith.constant 0 : i32
      %dma_wait3A_123 = tpu.memref_slice %arg11[%dma_wait3A_121, %dma_wait3A_122] : memref<48000x16xf32, #tpu.memory_space<vmem_shared>> -> memref<48000x16xf32, #tpu.memory_space<vmem_shared>>
      tpu.wait_indirect_dma semaphore(%run_scoped3A_107 : memref<!tpu.dma_semaphore, #tpu.memory_space<semaphore_mem>>) src(%dma_wait3A_117 : memref<125x16xf32, #tpu.memory_space<vmem>>) dst(%dma_wait3A_123 : memref<48000x16xf32, #tpu.memory_space<vmem_shared>>)
      tpu.yield
    }) : () -> ()
    %run_scoped3A_88 = arith.constant 3 : i32
    "tpu.region"() ({
      %run_scoped3A_107 = tpu.sem_alloc : memref<!tpu.dma_semaphore, #tpu.memory_space<semaphore_mem>>
      %dma_start3A = arith.constant 375 : i32
      %dma_start3A_108 = arith.constant 0 : i32
      %dma_start3A_109 = tpu.memref_slice %arg10[%dma_start3A, %dma_start3A_108] : memref<750x16xf32, #tpu.memory_space<vmem>> -> memref<125x16xf32, #tpu.memory_space<vmem>>
      %dma_start3A_110 = arith.constant 0 : i32
      %dma_start3A_111 = tpu.memref_slice %arg9[%run_scoped3A_88, %dma_start3A_110] : memref<6x125xi32, #tpu.memory_space<vmem>> -> memref<1x125xi32, #tpu.memory_space<vmem>>
      %dma_start3A_112 = tpu.memref_squeeze %dma_start3A_111 : memref<1x125xi32, #tpu.memory_space<vmem>> -> memref<125xi32, #tpu.memory_space<vmem>>
      %dma_start3A_113 = arith.constant 0 : i32
      %dma_start3A_114 = arith.constant 0 : i32
      %dma_start3A_115 = tpu.memref_slice %arg11[%dma_start3A_113, %dma_start3A_114] : memref<48000x16xf32, #tpu.memory_space<vmem_shared>> -> memref<48000x16xf32, #tpu.memory_space<vmem_shared>>
      tpu.enqueue_indirect_dma source(%dma_start3A_109 : memref<125x16xf32, #tpu.memory_space<vmem>>) target(%dma_start3A_115 : memref<48000x16xf32, #tpu.memory_space<vmem_shared>>) offsets(%dma_start3A_112 : memref<125xi32, #tpu.memory_space<vmem>>) semaphore(%run_scoped3A_107 : memref<!tpu.dma_semaphore, #tpu.memory_space<semaphore_mem>>) {add = true}
      %dma_wait3A = arith.constant 375 : i32
      %dma_wait3A_116 = arith.constant 0 : i32
      %dma_wait3A_117 = tpu.memref_slice %arg10[%dma_wait3A, %dma_wait3A_116] : memref<750x16xf32, #tpu.memory_space<vmem>> -> memref<125x16xf32, #tpu.memory_space<vmem>>
      %dma_wait3A_118 = arith.constant 0 : i32
      %dma_wait3A_119 = tpu.memref_slice %arg9[%run_scoped3A_88, %dma_wait3A_118] : memref<6x125xi32, #tpu.memory_space<vmem>> -> memref<1x125xi32, #tpu.memory_space<vmem>>
      %dma_wait3A_120 = tpu.memref_squeeze %dma_wait3A_119 : memref<1x125xi32, #tpu.memory_space<vmem>> -> memref<125xi32, #tpu.memory_space<vmem>>
      %dma_wait3A_121 = arith.constant 0 : i32
      %dma_wait3A_122 = arith.constant 0 : i32
      %dma_wait3A_123 = tpu.memref_slice %arg11[%dma_wait3A_121, %dma_wait3A_122] : memref<48000x16xf32, #tpu.memory_space<vmem_shared>> -> memref<48000x16xf32, #tpu.memory_space<vmem_shared>>
      tpu.wait_indirect_dma semaphore(%run_scoped3A_107 : memref<!tpu.dma_semaphore, #tpu.memory_space<semaphore_mem>>) src(%dma_wait3A_117 : memref<125x16xf32, #tpu.memory_space<vmem>>) dst(%dma_wait3A_123 : memref<48000x16xf32, #tpu.memory_space<vmem_shared>>)
      tpu.yield
    }) : () -> ()
    %run_scoped3A_89 = arith.constant 4 : i32
    "tpu.region"() ({
      %run_scoped3A_107 = tpu.sem_alloc : memref<!tpu.dma_semaphore, #tpu.memory_space<semaphore_mem>>
      %dma_start3A = arith.constant 500 : i32
      %dma_start3A_108 = arith.constant 0 : i32
      %dma_start3A_109 = tpu.memref_slice %arg10[%dma_start3A, %dma_start3A_108] : memref<750x16xf32, #tpu.memory_space<vmem>> -> memref<125x16xf32, #tpu.memory_space<vmem>>
      %dma_start3A_110 = arith.constant 0 : i32
      %dma_start3A_111 = tpu.memref_slice %arg9[%run_scoped3A_89, %dma_start3A_110] : memref<6x125xi32, #tpu.memory_space<vmem>> -> memref<1x125xi32, #tpu.memory_space<vmem>>
      %dma_start3A_112 = tpu.memref_squeeze %dma_start3A_111 : memref<1x125xi32, #tpu.memory_space<vmem>> -> memref<125xi32, #tpu.memory_space<vmem>>
      %dma_start3A_113 = arith.constant 0 : i32
      %dma_start3A_114 = arith.constant 0 : i32
      %dma_start3A_115 = tpu.memref_slice %arg11[%dma_start3A_113, %dma_start3A_114] : memref<48000x16xf32, #tpu.memory_space<vmem_shared>> -> memref<48000x16xf32, #tpu.memory_space<vmem_shared>>
      tpu.enqueue_indirect_dma source(%dma_start3A_109 : memref<125x16xf32, #tpu.memory_space<vmem>>) target(%dma_start3A_115 : memref<48000x16xf32, #tpu.memory_space<vmem_shared>>) offsets(%dma_start3A_112 : memref<125xi32, #tpu.memory_space<vmem>>) semaphore(%run_scoped3A_107 : memref<!tpu.dma_semaphore, #tpu.memory_space<semaphore_mem>>) {add = true}
      %dma_wait3A = arith.constant 500 : i32
      %dma_wait3A_116 = arith.constant 0 : i32
      %dma_wait3A_117 = tpu.memref_slice %arg10[%dma_wait3A, %dma_wait3A_116] : memref<750x16xf32, #tpu.memory_space<vmem>> -> memref<125x16xf32, #tpu.memory_space<vmem>>
      %dma_wait3A_118 = arith.constant 0 : i32
      %dma_wait3A_119 = tpu.memref_slice %arg9[%run_scoped3A_89, %dma_wait3A_118] : memref<6x125xi32, #tpu.memory_space<vmem>> -> memref<1x125xi32, #tpu.memory_space<vmem>>
      %dma_wait3A_120 = tpu.memref_squeeze %dma_wait3A_119 : memref<1x125xi32, #tpu.memory_space<vmem>> -> memref<125xi32, #tpu.memory_space<vmem>>
      %dma_wait3A_121 = arith.constant 0 : i32
      %dma_wait3A_122 = arith.constant 0 : i32
      %dma_wait3A_123 = tpu.memref_slice %arg11[%dma_wait3A_121, %dma_wait3A_122] : memref<48000x16xf32, #tpu.memory_space<vmem_shared>> -> memref<48000x16xf32, #tpu.memory_space<vmem_shared>>
      tpu.wait_indirect_dma semaphore(%run_scoped3A_107 : memref<!tpu.dma_semaphore, #tpu.memory_space<semaphore_mem>>) src(%dma_wait3A_117 : memref<125x16xf32, #tpu.memory_space<vmem>>) dst(%dma_wait3A_123 : memref<48000x16xf32, #tpu.memory_space<vmem_shared>>)
      tpu.yield
    }) : () -> ()
    %run_scoped3A_90 = arith.constant 5 : i32
    "tpu.region"() ({
      %run_scoped3A_107 = tpu.sem_alloc : memref<!tpu.dma_semaphore, #tpu.memory_space<semaphore_mem>>
      %dma_start3A = arith.constant 625 : i32
      %dma_start3A_108 = arith.constant 0 : i32
      %dma_start3A_109 = tpu.memref_slice %arg10[%dma_start3A, %dma_start3A_108] : memref<750x16xf32, #tpu.memory_space<vmem>> -> memref<125x16xf32, #tpu.memory_space<vmem>>
      %dma_start3A_110 = arith.constant 0 : i32
      %dma_start3A_111 = tpu.memref_slice %arg9[%run_scoped3A_90, %dma_start3A_110] : memref<6x125xi32, #tpu.memory_space<vmem>> -> memref<1x125xi32, #tpu.memory_space<vmem>>
      %dma_start3A_112 = tpu.memref_squeeze %dma_start3A_111 : memref<1x125xi32, #tpu.memory_space<vmem>> -> memref<125xi32, #tpu.memory_space<vmem>>
      %dma_start3A_113 = arith.constant 0 : i32
      %dma_start3A_114 = arith.constant 0 : i32
      %dma_start3A_115 = tpu.memref_slice %arg11[%dma_start3A_113, %dma_start3A_114] : memref<48000x16xf32, #tpu.memory_space<vmem_shared>> -> memref<48000x16xf32, #tpu.memory_space<vmem_shared>>
      tpu.enqueue_indirect_dma source(%dma_start3A_109 : memref<125x16xf32, #tpu.memory_space<vmem>>) target(%dma_start3A_115 : memref<48000x16xf32, #tpu.memory_space<vmem_shared>>) offsets(%dma_start3A_112 : memref<125xi32, #tpu.memory_space<vmem>>) semaphore(%run_scoped3A_107 : memref<!tpu.dma_semaphore, #tpu.memory_space<semaphore_mem>>) {add = true}
      %dma_wait3A = arith.constant 625 : i32
      %dma_wait3A_116 = arith.constant 0 : i32
      %dma_wait3A_117 = tpu.memref_slice %arg10[%dma_wait3A, %dma_wait3A_116] : memref<750x16xf32, #tpu.memory_space<vmem>> -> memref<125x16xf32, #tpu.memory_space<vmem>>
      %dma_wait3A_118 = arith.constant 0 : i32
      %dma_wait3A_119 = tpu.memref_slice %arg9[%run_scoped3A_90, %dma_wait3A_118] : memref<6x125xi32, #tpu.memory_space<vmem>> -> memref<1x125xi32, #tpu.memory_space<vmem>>
      %dma_wait3A_120 = tpu.memref_squeeze %dma_wait3A_119 : memref<1x125xi32, #tpu.memory_space<vmem>> -> memref<125xi32, #tpu.memory_space<vmem>>
      %dma_wait3A_121 = arith.constant 0 : i32
      %dma_wait3A_122 = arith.constant 0 : i32
      %dma_wait3A_123 = tpu.memref_slice %arg11[%dma_wait3A_121, %dma_wait3A_122] : memref<48000x16xf32, #tpu.memory_space<vmem_shared>> -> memref<48000x16xf32, #tpu.memory_space<vmem_shared>>
      tpu.wait_indirect_dma semaphore(%run_scoped3A_107 : memref<!tpu.dma_semaphore, #tpu.memory_space<semaphore_mem>>) src(%dma_wait3A_117 : memref<125x16xf32, #tpu.memory_space<vmem>>) dst(%dma_wait3A_123 : memref<48000x16xf32, #tpu.memory_space<vmem_shared>>)
      tpu.yield
    }) : () -> ()
    %add3A_91 = arith.constant 36000 : i32
    %add3A_92 = arith.addi %add3A_91, %mul3A_75 : i32
    "tpu.region"() ({
      %run_scoped3A_107 = tpu.sem_alloc : memref<!tpu.dma_semaphore, #tpu.memory_space<semaphore_mem>>
      %dma_start3A = arith.constant 0 : i32
      %dma_start3A_108 = tpu.memref_slice %arg11[%add3A_92, %dma_start3A] : memref<48000x16xf32, #tpu.memory_space<vmem_shared>> -> memref<750x16xf32, #tpu.memory_space<vmem_shared>>
      %dma_start3A_109 = arith.constant 0 : i32
      %dma_start3A_110 = tpu.memref_slice %arg11[%add3A_92, %dma_start3A_109] : memref<48000x16xf32, #tpu.memory_space<vmem_shared>> -> memref<750x16xf32, #tpu.memory_space<vmem_shared>>
      tpu.enqueue_dma source(%dma_start3A_110 : memref<750x16xf32, #tpu.memory_space<vmem_shared>>) target(%arg10 : memref<750x16xf32, #tpu.memory_space<vmem>>) target_semaphore(%run_scoped3A_107 : memref<!tpu.dma_semaphore, #tpu.memory_space<semaphore_mem>>)
      %dma_wait3A = arith.constant 0 : i32
      %dma_wait3A_111 = tpu.memref_slice %arg11[%add3A_92, %dma_wait3A] : memref<48000x16xf32, #tpu.memory_space<vmem_shared>> -> memref<750x16xf32, #tpu.memory_space<vmem_shared>>
      %dma_wait3A_112 = arith.constant 0 : i32
      %dma_wait3A_113 = tpu.memref_slice %arg11[%add3A_92, %dma_wait3A_112] : memref<48000x16xf32, #tpu.memory_space<vmem_shared>> -> memref<750x16xf32, #tpu.memory_space<vmem_shared>>
      tpu.wait_dma2 semaphore(%run_scoped3A_107 : memref<!tpu.dma_semaphore, #tpu.memory_space<semaphore_mem>>) src(%dma_wait3A_113 : memref<750x16xf32, #tpu.memory_space<vmem_shared>>) dst(%arg10 : memref<750x16xf32, #tpu.memory_space<vmem>>)
      tpu.yield
    }) : () -> ()
    %run_scoped3A_93 = arith.constant 0 : i32
    "tpu.region"() ({
      %run_scoped3A_107 = tpu.sem_alloc : memref<!tpu.dma_semaphore, #tpu.memory_space<semaphore_mem>>
      %dma_start3A = arith.constant 0 : i32
      %dma_start3A_108 = arith.constant 0 : i32
      %dma_start3A_109 = tpu.memref_slice %arg10[%dma_start3A, %dma_start3A_108] : memref<750x16xf32, #tpu.memory_space<vmem>> -> memref<125x16xf32, #tpu.memory_space<vmem>>
      %dma_start3A_110 = arith.constant 0 : i32
      %dma_start3A_111 = tpu.memref_slice %arg9[%run_scoped3A_93, %dma_start3A_110] : memref<6x125xi32, #tpu.memory_space<vmem>> -> memref<1x125xi32, #tpu.memory_space<vmem>>
      %dma_start3A_112 = tpu.memref_squeeze %dma_start3A_111 : memref<1x125xi32, #tpu.memory_space<vmem>> -> memref<125xi32, #tpu.memory_space<vmem>>
      %dma_start3A_113 = arith.constant 0 : i32
      %dma_start3A_114 = arith.constant 0 : i32
      %dma_start3A_115 = tpu.memref_slice %arg11[%dma_start3A_113, %dma_start3A_114] : memref<48000x16xf32, #tpu.memory_space<vmem_shared>> -> memref<48000x16xf32, #tpu.memory_space<vmem_shared>>
      tpu.enqueue_indirect_dma source(%dma_start3A_109 : memref<125x16xf32, #tpu.memory_space<vmem>>) target(%dma_start3A_115 : memref<48000x16xf32, #tpu.memory_space<vmem_shared>>) offsets(%dma_start3A_112 : memref<125xi32, #tpu.memory_space<vmem>>) semaphore(%run_scoped3A_107 : memref<!tpu.dma_semaphore, #tpu.memory_space<semaphore_mem>>) {add = true}
      %dma_wait3A = arith.constant 0 : i32
      %dma_wait3A_116 = arith.constant 0 : i32
      %dma_wait3A_117 = tpu.memref_slice %arg10[%dma_wait3A, %dma_wait3A_116] : memref<750x16xf32, #tpu.memory_space<vmem>> -> memref<125x16xf32, #tpu.memory_space<vmem>>
      %dma_wait3A_118 = arith.constant 0 : i32
      %dma_wait3A_119 = tpu.memref_slice %arg9[%run_scoped3A_93, %dma_wait3A_118] : memref<6x125xi32, #tpu.memory_space<vmem>> -> memref<1x125xi32, #tpu.memory_space<vmem>>
      %dma_wait3A_120 = tpu.memref_squeeze %dma_wait3A_119 : memref<1x125xi32, #tpu.memory_space<vmem>> -> memref<125xi32, #tpu.memory_space<vmem>>
      %dma_wait3A_121 = arith.constant 0 : i32
      %dma_wait3A_122 = arith.constant 0 : i32
      %dma_wait3A_123 = tpu.memref_slice %arg11[%dma_wait3A_121, %dma_wait3A_122] : memref<48000x16xf32, #tpu.memory_space<vmem_shared>> -> memref<48000x16xf32, #tpu.memory_space<vmem_shared>>
      tpu.wait_indirect_dma semaphore(%run_scoped3A_107 : memref<!tpu.dma_semaphore, #tpu.memory_space<semaphore_mem>>) src(%dma_wait3A_117 : memref<125x16xf32, #tpu.memory_space<vmem>>) dst(%dma_wait3A_123 : memref<48000x16xf32, #tpu.memory_space<vmem_shared>>)
      tpu.yield
    }) : () -> ()
    %run_scoped3A_94 = arith.constant 1 : i32
    "tpu.region"() ({
      %run_scoped3A_107 = tpu.sem_alloc : memref<!tpu.dma_semaphore, #tpu.memory_space<semaphore_mem>>
      %dma_start3A = arith.constant 125 : i32
      %dma_start3A_108 = arith.constant 0 : i32
      %dma_start3A_109 = tpu.memref_slice %arg10[%dma_start3A, %dma_start3A_108] : memref<750x16xf32, #tpu.memory_space<vmem>> -> memref<125x16xf32, #tpu.memory_space<vmem>>
      %dma_start3A_110 = arith.constant 0 : i32
      %dma_start3A_111 = tpu.memref_slice %arg9[%run_scoped3A_94, %dma_start3A_110] : memref<6x125xi32, #tpu.memory_space<vmem>> -> memref<1x125xi32, #tpu.memory_space<vmem>>
      %dma_start3A_112 = tpu.memref_squeeze %dma_start3A_111 : memref<1x125xi32, #tpu.memory_space<vmem>> -> memref<125xi32, #tpu.memory_space<vmem>>
      %dma_start3A_113 = arith.constant 0 : i32
      %dma_start3A_114 = arith.constant 0 : i32
      %dma_start3A_115 = tpu.memref_slice %arg11[%dma_start3A_113, %dma_start3A_114] : memref<48000x16xf32, #tpu.memory_space<vmem_shared>> -> memref<48000x16xf32, #tpu.memory_space<vmem_shared>>
      tpu.enqueue_indirect_dma source(%dma_start3A_109 : memref<125x16xf32, #tpu.memory_space<vmem>>) target(%dma_start3A_115 : memref<48000x16xf32, #tpu.memory_space<vmem_shared>>) offsets(%dma_start3A_112 : memref<125xi32, #tpu.memory_space<vmem>>) semaphore(%run_scoped3A_107 : memref<!tpu.dma_semaphore, #tpu.memory_space<semaphore_mem>>) {add = true}
      %dma_wait3A = arith.constant 125 : i32
      %dma_wait3A_116 = arith.constant 0 : i32
      %dma_wait3A_117 = tpu.memref_slice %arg10[%dma_wait3A, %dma_wait3A_116] : memref<750x16xf32, #tpu.memory_space<vmem>> -> memref<125x16xf32, #tpu.memory_space<vmem>>
      %dma_wait3A_118 = arith.constant 0 : i32
      %dma_wait3A_119 = tpu.memref_slice %arg9[%run_scoped3A_94, %dma_wait3A_118] : memref<6x125xi32, #tpu.memory_space<vmem>> -> memref<1x125xi32, #tpu.memory_space<vmem>>
      %dma_wait3A_120 = tpu.memref_squeeze %dma_wait3A_119 : memref<1x125xi32, #tpu.memory_space<vmem>> -> memref<125xi32, #tpu.memory_space<vmem>>
      %dma_wait3A_121 = arith.constant 0 : i32
      %dma_wait3A_122 = arith.constant 0 : i32
      %dma_wait3A_123 = tpu.memref_slice %arg11[%dma_wait3A_121, %dma_wait3A_122] : memref<48000x16xf32, #tpu.memory_space<vmem_shared>> -> memref<48000x16xf32, #tpu.memory_space<vmem_shared>>
      tpu.wait_indirect_dma semaphore(%run_scoped3A_107 : memref<!tpu.dma_semaphore, #tpu.memory_space<semaphore_mem>>) src(%dma_wait3A_117 : memref<125x16xf32, #tpu.memory_space<vmem>>) dst(%dma_wait3A_123 : memref<48000x16xf32, #tpu.memory_space<vmem_shared>>)
      tpu.yield
    }) : () -> ()
    %run_scoped3A_95 = arith.constant 2 : i32
    "tpu.region"() ({
      %run_scoped3A_107 = tpu.sem_alloc : memref<!tpu.dma_semaphore, #tpu.memory_space<semaphore_mem>>
      %dma_start3A = arith.constant 250 : i32
      %dma_start3A_108 = arith.constant 0 : i32
      %dma_start3A_109 = tpu.memref_slice %arg10[%dma_start3A, %dma_start3A_108] : memref<750x16xf32, #tpu.memory_space<vmem>> -> memref<125x16xf32, #tpu.memory_space<vmem>>
      %dma_start3A_110 = arith.constant 0 : i32
      %dma_start3A_111 = tpu.memref_slice %arg9[%run_scoped3A_95, %dma_start3A_110] : memref<6x125xi32, #tpu.memory_space<vmem>> -> memref<1x125xi32, #tpu.memory_space<vmem>>
      %dma_start3A_112 = tpu.memref_squeeze %dma_start3A_111 : memref<1x125xi32, #tpu.memory_space<vmem>> -> memref<125xi32, #tpu.memory_space<vmem>>
      %dma_start3A_113 = arith.constant 0 : i32
      %dma_start3A_114 = arith.constant 0 : i32
      %dma_start3A_115 = tpu.memref_slice %arg11[%dma_start3A_113, %dma_start3A_114] : memref<48000x16xf32, #tpu.memory_space<vmem_shared>> -> memref<48000x16xf32, #tpu.memory_space<vmem_shared>>
      tpu.enqueue_indirect_dma source(%dma_start3A_109 : memref<125x16xf32, #tpu.memory_space<vmem>>) target(%dma_start3A_115 : memref<48000x16xf32, #tpu.memory_space<vmem_shared>>) offsets(%dma_start3A_112 : memref<125xi32, #tpu.memory_space<vmem>>) semaphore(%run_scoped3A_107 : memref<!tpu.dma_semaphore, #tpu.memory_space<semaphore_mem>>) {add = true}
      %dma_wait3A = arith.constant 250 : i32
      %dma_wait3A_116 = arith.constant 0 : i32
      %dma_wait3A_117 = tpu.memref_slice %arg10[%dma_wait3A, %dma_wait3A_116] : memref<750x16xf32, #tpu.memory_space<vmem>> -> memref<125x16xf32, #tpu.memory_space<vmem>>
      %dma_wait3A_118 = arith.constant 0 : i32
      %dma_wait3A_119 = tpu.memref_slice %arg9[%run_scoped3A_95, %dma_wait3A_118] : memref<6x125xi32, #tpu.memory_space<vmem>> -> memref<1x125xi32, #tpu.memory_space<vmem>>
      %dma_wait3A_120 = tpu.memref_squeeze %dma_wait3A_119 : memref<1x125xi32, #tpu.memory_space<vmem>> -> memref<125xi32, #tpu.memory_space<vmem>>
      %dma_wait3A_121 = arith.constant 0 : i32
      %dma_wait3A_122 = arith.constant 0 : i32
      %dma_wait3A_123 = tpu.memref_slice %arg11[%dma_wait3A_121, %dma_wait3A_122] : memref<48000x16xf32, #tpu.memory_space<vmem_shared>> -> memref<48000x16xf32, #tpu.memory_space<vmem_shared>>
      tpu.wait_indirect_dma semaphore(%run_scoped3A_107 : memref<!tpu.dma_semaphore, #tpu.memory_space<semaphore_mem>>) src(%dma_wait3A_117 : memref<125x16xf32, #tpu.memory_space<vmem>>) dst(%dma_wait3A_123 : memref<48000x16xf32, #tpu.memory_space<vmem_shared>>)
      tpu.yield
    }) : () -> ()
    %run_scoped3A_96 = arith.constant 3 : i32
    "tpu.region"() ({
      %run_scoped3A_107 = tpu.sem_alloc : memref<!tpu.dma_semaphore, #tpu.memory_space<semaphore_mem>>
      %dma_start3A = arith.constant 375 : i32
      %dma_start3A_108 = arith.constant 0 : i32
      %dma_start3A_109 = tpu.memref_slice %arg10[%dma_start3A, %dma_start3A_108] : memref<750x16xf32, #tpu.memory_space<vmem>> -> memref<125x16xf32, #tpu.memory_space<vmem>>
      %dma_start3A_110 = arith.constant 0 : i32
      %dma_start3A_111 = tpu.memref_slice %arg9[%run_scoped3A_96, %dma_start3A_110] : memref<6x125xi32, #tpu.memory_space<vmem>> -> memref<1x125xi32, #tpu.memory_space<vmem>>
      %dma_start3A_112 = tpu.memref_squeeze %dma_start3A_111 : memref<1x125xi32, #tpu.memory_space<vmem>> -> memref<125xi32, #tpu.memory_space<vmem>>
      %dma_start3A_113 = arith.constant 0 : i32
      %dma_start3A_114 = arith.constant 0 : i32
      %dma_start3A_115 = tpu.memref_slice %arg11[%dma_start3A_113, %dma_start3A_114] : memref<48000x16xf32, #tpu.memory_space<vmem_shared>> -> memref<48000x16xf32, #tpu.memory_space<vmem_shared>>
      tpu.enqueue_indirect_dma source(%dma_start3A_109 : memref<125x16xf32, #tpu.memory_space<vmem>>) target(%dma_start3A_115 : memref<48000x16xf32, #tpu.memory_space<vmem_shared>>) offsets(%dma_start3A_112 : memref<125xi32, #tpu.memory_space<vmem>>) semaphore(%run_scoped3A_107 : memref<!tpu.dma_semaphore, #tpu.memory_space<semaphore_mem>>) {add = true}
      %dma_wait3A = arith.constant 375 : i32
      %dma_wait3A_116 = arith.constant 0 : i32
      %dma_wait3A_117 = tpu.memref_slice %arg10[%dma_wait3A, %dma_wait3A_116] : memref<750x16xf32, #tpu.memory_space<vmem>> -> memref<125x16xf32, #tpu.memory_space<vmem>>
      %dma_wait3A_118 = arith.constant 0 : i32
      %dma_wait3A_119 = tpu.memref_slice %arg9[%run_scoped3A_96, %dma_wait3A_118] : memref<6x125xi32, #tpu.memory_space<vmem>> -> memref<1x125xi32, #tpu.memory_space<vmem>>
      %dma_wait3A_120 = tpu.memref_squeeze %dma_wait3A_119 : memref<1x125xi32, #tpu.memory_space<vmem>> -> memref<125xi32, #tpu.memory_space<vmem>>
      %dma_wait3A_121 = arith.constant 0 : i32
      %dma_wait3A_122 = arith.constant 0 : i32
      %dma_wait3A_123 = tpu.memref_slice %arg11[%dma_wait3A_121, %dma_wait3A_122] : memref<48000x16xf32, #tpu.memory_space<vmem_shared>> -> memref<48000x16xf32, #tpu.memory_space<vmem_shared>>
      tpu.wait_indirect_dma semaphore(%run_scoped3A_107 : memref<!tpu.dma_semaphore, #tpu.memory_space<semaphore_mem>>) src(%dma_wait3A_117 : memref<125x16xf32, #tpu.memory_space<vmem>>) dst(%dma_wait3A_123 : memref<48000x16xf32, #tpu.memory_space<vmem_shared>>)
      tpu.yield
    }) : () -> ()
    %run_scoped3A_97 = arith.constant 4 : i32
    "tpu.region"() ({
      %run_scoped3A_107 = tpu.sem_alloc : memref<!tpu.dma_semaphore, #tpu.memory_space<semaphore_mem>>
      %dma_start3A = arith.constant 500 : i32
      %dma_start3A_108 = arith.constant 0 : i32
      %dma_start3A_109 = tpu.memref_slice %arg10[%dma_start3A, %dma_start3A_108] : memref<750x16xf32, #tpu.memory_space<vmem>> -> memref<125x16xf32, #tpu.memory_space<vmem>>
      %dma_start3A_110 = arith.constant 0 : i32
      %dma_start3A_111 = tpu.memref_slice %arg9[%run_scoped3A_97, %dma_start3A_110] : memref<6x125xi32, #tpu.memory_space<vmem>> -> memref<1x125xi32, #tpu.memory_space<vmem>>
      %dma_start3A_112 = tpu.memref_squeeze %dma_start3A_111 : memref<1x125xi32, #tpu.memory_space<vmem>> -> memref<125xi32, #tpu.memory_space<vmem>>
      %dma_start3A_113 = arith.constant 0 : i32
      %dma_start3A_114 = arith.constant 0 : i32
      %dma_start3A_115 = tpu.memref_slice %arg11[%dma_start3A_113, %dma_start3A_114] : memref<48000x16xf32, #tpu.memory_space<vmem_shared>> -> memref<48000x16xf32, #tpu.memory_space<vmem_shared>>
      tpu.enqueue_indirect_dma source(%dma_start3A_109 : memref<125x16xf32, #tpu.memory_space<vmem>>) target(%dma_start3A_115 : memref<48000x16xf32, #tpu.memory_space<vmem_shared>>) offsets(%dma_start3A_112 : memref<125xi32, #tpu.memory_space<vmem>>) semaphore(%run_scoped3A_107 : memref<!tpu.dma_semaphore, #tpu.memory_space<semaphore_mem>>) {add = true}
      %dma_wait3A = arith.constant 500 : i32
      %dma_wait3A_116 = arith.constant 0 : i32
      %dma_wait3A_117 = tpu.memref_slice %arg10[%dma_wait3A, %dma_wait3A_116] : memref<750x16xf32, #tpu.memory_space<vmem>> -> memref<125x16xf32, #tpu.memory_space<vmem>>
      %dma_wait3A_118 = arith.constant 0 : i32
      %dma_wait3A_119 = tpu.memref_slice %arg9[%run_scoped3A_97, %dma_wait3A_118] : memref<6x125xi32, #tpu.memory_space<vmem>> -> memref<1x125xi32, #tpu.memory_space<vmem>>
      %dma_wait3A_120 = tpu.memref_squeeze %dma_wait3A_119 : memref<1x125xi32, #tpu.memory_space<vmem>> -> memref<125xi32, #tpu.memory_space<vmem>>
      %dma_wait3A_121 = arith.constant 0 : i32
      %dma_wait3A_122 = arith.constant 0 : i32
      %dma_wait3A_123 = tpu.memref_slice %arg11[%dma_wait3A_121, %dma_wait3A_122] : memref<48000x16xf32, #tpu.memory_space<vmem_shared>> -> memref<48000x16xf32, #tpu.memory_space<vmem_shared>>
      tpu.wait_indirect_dma semaphore(%run_scoped3A_107 : memref<!tpu.dma_semaphore, #tpu.memory_space<semaphore_mem>>) src(%dma_wait3A_117 : memref<125x16xf32, #tpu.memory_space<vmem>>) dst(%dma_wait3A_123 : memref<48000x16xf32, #tpu.memory_space<vmem_shared>>)
      tpu.yield
    }) : () -> ()
    %run_scoped3A_98 = arith.constant 5 : i32
    "tpu.region"() ({
      %run_scoped3A_107 = tpu.sem_alloc : memref<!tpu.dma_semaphore, #tpu.memory_space<semaphore_mem>>
      %dma_start3A = arith.constant 625 : i32
      %dma_start3A_108 = arith.constant 0 : i32
      %dma_start3A_109 = tpu.memref_slice %arg10[%dma_start3A, %dma_start3A_108] : memref<750x16xf32, #tpu.memory_space<vmem>> -> memref<125x16xf32, #tpu.memory_space<vmem>>
      %dma_start3A_110 = arith.constant 0 : i32
      %dma_start3A_111 = tpu.memref_slice %arg9[%run_scoped3A_98, %dma_start3A_110] : memref<6x125xi32, #tpu.memory_space<vmem>> -> memref<1x125xi32, #tpu.memory_space<vmem>>
      %dma_start3A_112 = tpu.memref_squeeze %dma_start3A_111 : memref<1x125xi32, #tpu.memory_space<vmem>> -> memref<125xi32, #tpu.memory_space<vmem>>
      %dma_start3A_113 = arith.constant 0 : i32
      %dma_start3A_114 = arith.constant 0 : i32
      %dma_start3A_115 = tpu.memref_slice %arg11[%dma_start3A_113, %dma_start3A_114] : memref<48000x16xf32, #tpu.memory_space<vmem_shared>> -> memref<48000x16xf32, #tpu.memory_space<vmem_shared>>
      tpu.enqueue_indirect_dma source(%dma_start3A_109 : memref<125x16xf32, #tpu.memory_space<vmem>>) target(%dma_start3A_115 : memref<48000x16xf32, #tpu.memory_space<vmem_shared>>) offsets(%dma_start3A_112 : memref<125xi32, #tpu.memory_space<vmem>>) semaphore(%run_scoped3A_107 : memref<!tpu.dma_semaphore, #tpu.memory_space<semaphore_mem>>) {add = true}
      %dma_wait3A = arith.constant 625 : i32
      %dma_wait3A_116 = arith.constant 0 : i32
      %dma_wait3A_117 = tpu.memref_slice %arg10[%dma_wait3A, %dma_wait3A_116] : memref<750x16xf32, #tpu.memory_space<vmem>> -> memref<125x16xf32, #tpu.memory_space<vmem>>
      %dma_wait3A_118 = arith.constant 0 : i32
      %dma_wait3A_119 = tpu.memref_slice %arg9[%run_scoped3A_98, %dma_wait3A_118] : memref<6x125xi32, #tpu.memory_space<vmem>> -> memref<1x125xi32, #tpu.memory_space<vmem>>
      %dma_wait3A_120 = tpu.memref_squeeze %dma_wait3A_119 : memref<1x125xi32, #tpu.memory_space<vmem>> -> memref<125xi32, #tpu.memory_space<vmem>>
      %dma_wait3A_121 = arith.constant 0 : i32
      %dma_wait3A_122 = arith.constant 0 : i32
      %dma_wait3A_123 = tpu.memref_slice %arg11[%dma_wait3A_121, %dma_wait3A_122] : memref<48000x16xf32, #tpu.memory_space<vmem_shared>> -> memref<48000x16xf32, #tpu.memory_space<vmem_shared>>
      tpu.wait_indirect_dma semaphore(%run_scoped3A_107 : memref<!tpu.dma_semaphore, #tpu.memory_space<semaphore_mem>>) src(%dma_wait3A_117 : memref<125x16xf32, #tpu.memory_space<vmem>>) dst(%dma_wait3A_123 : memref<48000x16xf32, #tpu.memory_space<vmem_shared>>)
      tpu.yield
    }) : () -> ()
    %barrier3A_99 = arith.constant 0 : index
    tpu.barrier barrier_id(%barrier3A_99)
    %mul3A_100 = arith.constant 750 : i32
    %mul3A_101 = arith.muli %arg1, %mul3A_100 : i32
    %mul3A_102 = arith.constant 12000 : i32
    %mul3A_103 = arith.muli %arg0, %mul3A_102 : i32
    %mul3A_104 = arith.constant 750 : i32
    %mul3A_105 = arith.muli %arg1, %mul3A_104 : i32
    %add3A_106 = arith.addi %mul3A_103, %mul3A_105 : i32
    "tpu.region"() ({
      %run_scoped3A_107 = tpu.sem_alloc : memref<!tpu.dma_semaphore, #tpu.memory_space<semaphore_mem>>
      %dma_start3A = arith.constant 0 : i32
      %dma_start3A_108 = tpu.memref_slice %arg6[%add3A_106, %dma_start3A] : memref<24000x16xf32, #tpu.memory_space<hbm>> -> memref<750x16xf32, #tpu.memory_space<hbm>>
      %dma_start3A_109 = arith.constant 0 : i32
      %dma_start3A_110 = tpu.memref_slice %arg11[%mul3A_101, %dma_start3A_109] : memref<48000x16xf32, #tpu.memory_space<vmem_shared>> -> memref<750x16xf32, #tpu.memory_space<vmem_shared>>
      tpu.enqueue_dma source(%dma_start3A_110 : memref<750x16xf32, #tpu.memory_space<vmem_shared>>) target(%dma_start3A_108 : memref<750x16xf32, #tpu.memory_space<hbm>>) target_semaphore(%run_scoped3A_107 : memref<!tpu.dma_semaphore, #tpu.memory_space<semaphore_mem>>)
      %dma_wait3A = arith.constant 0 : i32
      %dma_wait3A_111 = tpu.memref_slice %arg6[%add3A_106, %dma_wait3A] : memref<24000x16xf32, #tpu.memory_space<hbm>> -> memref<750x16xf32, #tpu.memory_space<hbm>>
      %dma_wait3A_112 = arith.constant 0 : i32
      %dma_wait3A_113 = tpu.memref_slice %arg11[%mul3A_101, %dma_wait3A_112] : memref<48000x16xf32, #tpu.memory_space<vmem_shared>> -> memref<750x16xf32, #tpu.memory_space<vmem_shared>>
      tpu.wait_dma2 semaphore(%run_scoped3A_107 : memref<!tpu.dma_semaphore, #tpu.memory_space<semaphore_mem>>) src(%dma_wait3A_113 : memref<750x16xf32, #tpu.memory_space<vmem_shared>>) dst(%dma_wait3A_111 : memref<750x16xf32, #tpu.memory_space<hbm>>)
      tpu.yield
    }) : () -> ()
    return
  }
}

#map = affine_map<(d0, d1) -> (0, 0)>
#map1 = affine_map<(d0, d1) -> (0, 0, 0)>
module attributes {stable_mosaic.version = 14 : i64} {
  func.func @_sc_agg_body(%arg0: i32, %arg1: i32, %arg2: memref<10000x32xbf16, #tpu.memory_space<hbm>>, %arg3: memref<32x80x125xi32, #tpu.memory_space<hbm>>, %arg4: memref<32x80x125xi32, #tpu.memory_space<hbm>>, %arg5: memref<3000x32xbf16, #tpu.memory_space<hbm>>, %arg6: memref<16x6x125xi32, #tpu.memory_space<hbm>>, %arg7: memref<24000x32xbf16, #tpu.memory_space<hbm>>, %arg8: memref<80x125xi32, #tpu.memory_space<vmem>>, %arg9: memref<80x125xi32, #tpu.memory_space<vmem>>, %arg10: memref<6x125xi32, #tpu.memory_space<vmem>>, %arg11: memref<4x125x32xbf16, #tpu.memory_space<vmem>>, %arg12: memref<750x32xbf16, #tpu.memory_space<vmem>>, %arg13: memref<48000x32xbf16, #tpu.memory_space<vmem_shared>>, %arg14: memref<4x!tpu.dma_semaphore, #tpu.memory_space<semaphore_mem>>, %arg15: memref<4x!tpu.dma_semaphore, #tpu.memory_space<semaphore_mem>>) attributes {dimension_semantics = [#tpu.dimension_semantics<core_parallel>, #tpu.dimension_semantics<subcore_parallel>], iteration_bounds = array<i64: 2, 16>, scalar_prefetch = 0 : i64, scratch_operands = 8 : i64, tpu.core_type = #tpu.core_type<sc_vector_subcore>, window_params = [{transform_indices = #map}, {transform_indices = #map1}, {transform_indices = #map1}, {transform_indices = #map}, {transform_indices = #map1}, {transform_indices = #map}]} {
    %mul3A = arith.constant 2 : i32
    %mul3A_0 = arith.muli %arg1, %mul3A : i32
    %add3A = arith.addi %mul3A_0, %arg0 : i32
    %jit3A = arith.constant 4 : i32
    %div3A = arith.divsi %arg1, %jit3A : i32
    %sign3A = arith.constant 0 : i32
    %sign3A_1 = arith.cmpi sgt, %arg1, %sign3A : i32
    %sign3A_2 = arith.extui %sign3A_1 : i1 to i32
    %sign3A_3 = arith.constant 0 : i32
    %sign3A_4 = arith.cmpi slt, %arg1, %sign3A_3 : i32
    %sign3A_5 = arith.extui %sign3A_4 : i1 to i32
    %sign3A_6 = arith.subi %sign3A_2, %sign3A_5 : i32
    %sign3A_7 = arith.constant 0 : i32
    %sign3A_8 = arith.cmpi sgt, %jit3A, %sign3A_7 : i32
    %sign3A_9 = arith.extui %sign3A_8 : i1 to i32
    %sign3A_10 = arith.constant 0 : i32
    %sign3A_11 = arith.cmpi slt, %jit3A, %sign3A_10 : i32
    %sign3A_12 = arith.extui %sign3A_11 : i1 to i32
    %sign3A_13 = arith.subi %sign3A_9, %sign3A_12 : i32
    %ne3A = arith.cmpi ne, %sign3A_6, %sign3A_13 : i32
    %rem3A = arith.remsi %arg1, %jit3A : i32
    %ne3A_14 = arith.constant 0 : i32
    %ne3A_15 = arith.cmpi ne, %rem3A, %ne3A_14 : i32
    %and3A = arith.andi %ne3A, %ne3A_15 : i1
    %sub3A = arith.constant 1 : i32
    %sub3A_16 = arith.subi %div3A, %sub3A : i32
    %select_n3A = arith.select %and3A, %sub3A_16, %div3A : i32
    %mul3A_17 = arith.constant 12000 : i32
    %mul3A_18 = arith.muli %select_n3A, %mul3A_17 : i32
    %jit3A_19 = arith.constant 4 : i32
    %eq3A = arith.constant 0 : i32
    %eq3A_20 = arith.cmpi eq, %jit3A_19, %eq3A : i32
    %jit3A_21 = arith.constant 1 : i32
    %select_n3A_22 = arith.select %eq3A_20, %jit3A_21, %jit3A_19 : i32
    %rem3A_23 = arith.remsi %arg1, %select_n3A_22 : i32
    %ne3A_24 = arith.constant 0 : i32
    %ne3A_25 = arith.cmpi ne, %rem3A_23, %ne3A_24 : i32
    %lt3A = arith.constant 0 : i32
    %lt3A_26 = arith.cmpi slt, %rem3A_23, %lt3A : i32
    %lt3A_27 = arith.constant 0 : i32
    %lt3A_28 = arith.cmpi slt, %select_n3A_22, %lt3A_27 : i32
    %ne3A_29 = arith.xori %lt3A_26, %lt3A_28 : i1
    %and3A_30 = arith.andi %ne3A_29, %ne3A_25 : i1
    %add3A_31 = arith.addi %rem3A_23, %select_n3A_22 : i32
    %select_n3A_32 = arith.select %and3A_30, %add3A_31, %rem3A_23 : i32
    %mul3A_33 = arith.constant 3000 : i32
    %mul3A_34 = arith.muli %select_n3A_32, %mul3A_33 : i32
    %add3A_35 = arith.addi %mul3A_18, %mul3A_34 : i32
    "tpu.region"() ({
      %run_scoped3A_227 = tpu.sem_alloc : memref<!tpu.dma_semaphore, #tpu.memory_space<semaphore_mem>>
      %dma_start3A_228 = arith.constant 0 : i32
      %dma_start3A_229 = arith.constant 0 : i32
      %dma_start3A_230 = tpu.memref_slice %arg3[%add3A, %dma_start3A_228, %dma_start3A_229] : memref<32x80x125xi32, #tpu.memory_space<hbm>> -> memref<1x80x125xi32, #tpu.memory_space<hbm>>
      %dma_start3A_231 = tpu.memref_squeeze %dma_start3A_230 : memref<1x80x125xi32, #tpu.memory_space<hbm>> -> memref<80x125xi32, #tpu.memory_space<hbm>>
      %dma_start3A_232 = arith.constant 0 : i32
      %dma_start3A_233 = arith.constant 0 : i32
      %dma_start3A_234 = tpu.memref_slice %arg3[%add3A, %dma_start3A_232, %dma_start3A_233] : memref<32x80x125xi32, #tpu.memory_space<hbm>> -> memref<1x80x125xi32, #tpu.memory_space<hbm>>
      %dma_start3A_235 = tpu.memref_squeeze %dma_start3A_234 : memref<1x80x125xi32, #tpu.memory_space<hbm>> -> memref<80x125xi32, #tpu.memory_space<hbm>>
      tpu.enqueue_dma source(%dma_start3A_235 : memref<80x125xi32, #tpu.memory_space<hbm>>) target(%arg8 : memref<80x125xi32, #tpu.memory_space<vmem>>) target_semaphore(%run_scoped3A_227 : memref<!tpu.dma_semaphore, #tpu.memory_space<semaphore_mem>>)
      %dma_wait3A_236 = arith.constant 0 : i32
      %dma_wait3A_237 = arith.constant 0 : i32
      %dma_wait3A_238 = tpu.memref_slice %arg3[%add3A, %dma_wait3A_236, %dma_wait3A_237] : memref<32x80x125xi32, #tpu.memory_space<hbm>> -> memref<1x80x125xi32, #tpu.memory_space<hbm>>
      %dma_wait3A_239 = tpu.memref_squeeze %dma_wait3A_238 : memref<1x80x125xi32, #tpu.memory_space<hbm>> -> memref<80x125xi32, #tpu.memory_space<hbm>>
      %dma_wait3A_240 = arith.constant 0 : i32
      %dma_wait3A_241 = arith.constant 0 : i32
      %dma_wait3A_242 = tpu.memref_slice %arg3[%add3A, %dma_wait3A_240, %dma_wait3A_241] : memref<32x80x125xi32, #tpu.memory_space<hbm>> -> memref<1x80x125xi32, #tpu.memory_space<hbm>>
      %dma_wait3A_243 = tpu.memref_squeeze %dma_wait3A_242 : memref<1x80x125xi32, #tpu.memory_space<hbm>> -> memref<80x125xi32, #tpu.memory_space<hbm>>
      tpu.wait_dma2 semaphore(%run_scoped3A_227 : memref<!tpu.dma_semaphore, #tpu.memory_space<semaphore_mem>>) src(%dma_wait3A_243 : memref<80x125xi32, #tpu.memory_space<hbm>>) dst(%arg8 : memref<80x125xi32, #tpu.memory_space<vmem>>)
      tpu.yield
    }) : () -> ()
    "tpu.region"() ({
      %run_scoped3A_227 = tpu.sem_alloc : memref<!tpu.dma_semaphore, #tpu.memory_space<semaphore_mem>>
      %dma_start3A_228 = arith.constant 0 : i32
      %dma_start3A_229 = arith.constant 0 : i32
      %dma_start3A_230 = tpu.memref_slice %arg4[%add3A, %dma_start3A_228, %dma_start3A_229] : memref<32x80x125xi32, #tpu.memory_space<hbm>> -> memref<1x80x125xi32, #tpu.memory_space<hbm>>
      %dma_start3A_231 = tpu.memref_squeeze %dma_start3A_230 : memref<1x80x125xi32, #tpu.memory_space<hbm>> -> memref<80x125xi32, #tpu.memory_space<hbm>>
      %dma_start3A_232 = arith.constant 0 : i32
      %dma_start3A_233 = arith.constant 0 : i32
      %dma_start3A_234 = tpu.memref_slice %arg4[%add3A, %dma_start3A_232, %dma_start3A_233] : memref<32x80x125xi32, #tpu.memory_space<hbm>> -> memref<1x80x125xi32, #tpu.memory_space<hbm>>
      %dma_start3A_235 = tpu.memref_squeeze %dma_start3A_234 : memref<1x80x125xi32, #tpu.memory_space<hbm>> -> memref<80x125xi32, #tpu.memory_space<hbm>>
      tpu.enqueue_dma source(%dma_start3A_235 : memref<80x125xi32, #tpu.memory_space<hbm>>) target(%arg9 : memref<80x125xi32, #tpu.memory_space<vmem>>) target_semaphore(%run_scoped3A_227 : memref<!tpu.dma_semaphore, #tpu.memory_space<semaphore_mem>>)
      %dma_wait3A_236 = arith.constant 0 : i32
      %dma_wait3A_237 = arith.constant 0 : i32
      %dma_wait3A_238 = tpu.memref_slice %arg4[%add3A, %dma_wait3A_236, %dma_wait3A_237] : memref<32x80x125xi32, #tpu.memory_space<hbm>> -> memref<1x80x125xi32, #tpu.memory_space<hbm>>
      %dma_wait3A_239 = tpu.memref_squeeze %dma_wait3A_238 : memref<1x80x125xi32, #tpu.memory_space<hbm>> -> memref<80x125xi32, #tpu.memory_space<hbm>>
      %dma_wait3A_240 = arith.constant 0 : i32
      %dma_wait3A_241 = arith.constant 0 : i32
      %dma_wait3A_242 = tpu.memref_slice %arg4[%add3A, %dma_wait3A_240, %dma_wait3A_241] : memref<32x80x125xi32, #tpu.memory_space<hbm>> -> memref<1x80x125xi32, #tpu.memory_space<hbm>>
      %dma_wait3A_243 = tpu.memref_squeeze %dma_wait3A_242 : memref<1x80x125xi32, #tpu.memory_space<hbm>> -> memref<80x125xi32, #tpu.memory_space<hbm>>
      tpu.wait_dma2 semaphore(%run_scoped3A_227 : memref<!tpu.dma_semaphore, #tpu.memory_space<semaphore_mem>>) src(%dma_wait3A_243 : memref<80x125xi32, #tpu.memory_space<hbm>>) dst(%arg9 : memref<80x125xi32, #tpu.memory_space<vmem>>)
      tpu.yield
    }) : () -> ()
    "tpu.region"() ({
      %run_scoped3A_227 = tpu.sem_alloc : memref<!tpu.dma_semaphore, #tpu.memory_space<semaphore_mem>>
      %dma_start3A_228 = arith.constant 0 : i32
      %dma_start3A_229 = arith.constant 0 : i32
      %dma_start3A_230 = tpu.memref_slice %arg6[%arg1, %dma_start3A_228, %dma_start3A_229] : memref<16x6x125xi32, #tpu.memory_space<hbm>> -> memref<1x6x125xi32, #tpu.memory_space<hbm>>
      %dma_start3A_231 = tpu.memref_squeeze %dma_start3A_230 : memref<1x6x125xi32, #tpu.memory_space<hbm>> -> memref<6x125xi32, #tpu.memory_space<hbm>>
      %dma_start3A_232 = arith.constant 0 : i32
      %dma_start3A_233 = arith.constant 0 : i32
      %dma_start3A_234 = tpu.memref_slice %arg6[%arg1, %dma_start3A_232, %dma_start3A_233] : memref<16x6x125xi32, #tpu.memory_space<hbm>> -> memref<1x6x125xi32, #tpu.memory_space<hbm>>
      %dma_start3A_235 = tpu.memref_squeeze %dma_start3A_234 : memref<1x6x125xi32, #tpu.memory_space<hbm>> -> memref<6x125xi32, #tpu.memory_space<hbm>>
      tpu.enqueue_dma source(%dma_start3A_235 : memref<6x125xi32, #tpu.memory_space<hbm>>) target(%arg10 : memref<6x125xi32, #tpu.memory_space<vmem>>) target_semaphore(%run_scoped3A_227 : memref<!tpu.dma_semaphore, #tpu.memory_space<semaphore_mem>>)
      %dma_wait3A_236 = arith.constant 0 : i32
      %dma_wait3A_237 = arith.constant 0 : i32
      %dma_wait3A_238 = tpu.memref_slice %arg6[%arg1, %dma_wait3A_236, %dma_wait3A_237] : memref<16x6x125xi32, #tpu.memory_space<hbm>> -> memref<1x6x125xi32, #tpu.memory_space<hbm>>
      %dma_wait3A_239 = tpu.memref_squeeze %dma_wait3A_238 : memref<1x6x125xi32, #tpu.memory_space<hbm>> -> memref<6x125xi32, #tpu.memory_space<hbm>>
      %dma_wait3A_240 = arith.constant 0 : i32
      %dma_wait3A_241 = arith.constant 0 : i32
      %dma_wait3A_242 = tpu.memref_slice %arg6[%arg1, %dma_wait3A_240, %dma_wait3A_241] : memref<16x6x125xi32, #tpu.memory_space<hbm>> -> memref<1x6x125xi32, #tpu.memory_space<hbm>>
      %dma_wait3A_243 = tpu.memref_squeeze %dma_wait3A_242 : memref<1x6x125xi32, #tpu.memory_space<hbm>> -> memref<6x125xi32, #tpu.memory_space<hbm>>
      tpu.wait_dma2 semaphore(%run_scoped3A_227 : memref<!tpu.dma_semaphore, #tpu.memory_space<semaphore_mem>>) src(%dma_wait3A_243 : memref<6x125xi32, #tpu.memory_space<hbm>>) dst(%arg10 : memref<6x125xi32, #tpu.memory_space<vmem>>)
      tpu.yield
    }) : () -> ()
    "tpu.region"() ({
      %run_scoped3A_227 = tpu.sem_alloc : memref<!tpu.dma_semaphore, #tpu.memory_space<semaphore_mem>>
      %dma_start3A_228 = arith.constant 0 : i32
      %dma_start3A_229 = tpu.memref_slice %arg13[%add3A_35, %dma_start3A_228] : memref<48000x32xbf16, #tpu.memory_space<vmem_shared>> -> memref<3000x32xbf16, #tpu.memory_space<vmem_shared>>
      tpu.enqueue_dma source(%arg5 : memref<3000x32xbf16, #tpu.memory_space<hbm>>) target(%dma_start3A_229 : memref<3000x32xbf16, #tpu.memory_space<vmem_shared>>) target_semaphore(%run_scoped3A_227 : memref<!tpu.dma_semaphore, #tpu.memory_space<semaphore_mem>>)
      %dma_wait3A_230 = arith.constant 0 : i32
      %dma_wait3A_231 = tpu.memref_slice %arg13[%add3A_35, %dma_wait3A_230] : memref<48000x32xbf16, #tpu.memory_space<vmem_shared>> -> memref<3000x32xbf16, #tpu.memory_space<vmem_shared>>
      tpu.wait_dma2 semaphore(%run_scoped3A_227 : memref<!tpu.dma_semaphore, #tpu.memory_space<semaphore_mem>>) src(%arg5 : memref<3000x32xbf16, #tpu.memory_space<hbm>>) dst(%dma_wait3A_231 : memref<3000x32xbf16, #tpu.memory_space<vmem_shared>>)
      tpu.yield
    }) : () -> ()
    %barrier3A = arith.constant 0 : index
    tpu.barrier barrier_id(%barrier3A)
    %jit3A_36 = arith.constant 4 : i32
    %div3A_37 = arith.divsi %arg1, %jit3A_36 : i32
    %sign3A_38 = arith.constant 0 : i32
    %sign3A_39 = arith.cmpi sgt, %arg1, %sign3A_38 : i32
    %sign3A_40 = arith.extui %sign3A_39 : i1 to i32
    %sign3A_41 = arith.constant 0 : i32
    %sign3A_42 = arith.cmpi slt, %arg1, %sign3A_41 : i32
    %sign3A_43 = arith.extui %sign3A_42 : i1 to i32
    %sign3A_44 = arith.subi %sign3A_40, %sign3A_43 : i32
    %sign3A_45 = arith.constant 0 : i32
    %sign3A_46 = arith.cmpi sgt, %jit3A_36, %sign3A_45 : i32
    %sign3A_47 = arith.extui %sign3A_46 : i1 to i32
    %sign3A_48 = arith.constant 0 : i32
    %sign3A_49 = arith.cmpi slt, %jit3A_36, %sign3A_48 : i32
    %sign3A_50 = arith.extui %sign3A_49 : i1 to i32
    %sign3A_51 = arith.subi %sign3A_47, %sign3A_50 : i32
    %ne3A_52 = arith.cmpi ne, %sign3A_44, %sign3A_51 : i32
    %rem3A_53 = arith.remsi %arg1, %jit3A_36 : i32
    %ne3A_54 = arith.constant 0 : i32
    %ne3A_55 = arith.cmpi ne, %rem3A_53, %ne3A_54 : i32
    %and3A_56 = arith.andi %ne3A_52, %ne3A_55 : i1
    %sub3A_57 = arith.constant 1 : i32
    %sub3A_58 = arith.subi %div3A_37, %sub3A_57 : i32
    %select_n3A_59 = arith.select %and3A_56, %sub3A_58, %div3A_37 : i32
    %mul3A_60 = arith.constant 12000 : i32
    %mul3A_61 = arith.muli %select_n3A_59, %mul3A_60 : i32
    %dma_start3A = arith.constant 0 : i32
    %dma_start3A_62 = arith.constant 0 : i32
    %dma_start3A_63 = arith.constant 0 : i32
    %dma_start3A_64 = arith.constant 0 : i32
    %dma_start3A_65 = arith.constant 0 : i32
    %dma_start3A_66 = tpu.memref_slice %arg11[%dma_start3A_62, %dma_start3A_64, %dma_start3A_65] : memref<4x125x32xbf16, #tpu.memory_space<vmem>> -> memref<1x125x32xbf16, #tpu.memory_space<vmem>>
    %dma_start3A_67 = tpu.memref_squeeze %dma_start3A_66 : memref<1x125x32xbf16, #tpu.memory_space<vmem>> -> memref<125x32xbf16, #tpu.memory_space<vmem>>
    %dma_start3A_68 = arith.constant 0 : i32
    %dma_start3A_69 = tpu.memref_slice %arg8[%dma_start3A, %dma_start3A_68] : memref<80x125xi32, #tpu.memory_space<vmem>> -> memref<1x125xi32, #tpu.memory_space<vmem>>
    %dma_start3A_70 = tpu.memref_squeeze %dma_start3A_69 : memref<1x125xi32, #tpu.memory_space<vmem>> -> memref<125xi32, #tpu.memory_space<vmem>>
    %dma_start3A_71 = arith.constant 0 : i32
    %dma_start3A_72 = arith.constant 0 : i32
    %dma_start3A_73 = tpu.memref_slice %arg2[%dma_start3A_71, %dma_start3A_72] : memref<10000x32xbf16, #tpu.memory_space<hbm>> -> memref<10000x32xbf16, #tpu.memory_space<hbm>>
    %dma_start3A_74 = tpu.memref_slice %arg14[%dma_start3A_63] : memref<4x!tpu.dma_semaphore, #tpu.memory_space<semaphore_mem>> -> memref<1x!tpu.dma_semaphore, #tpu.memory_space<semaphore_mem>>
    %dma_start3A_75 = tpu.memref_squeeze %dma_start3A_74 : memref<1x!tpu.dma_semaphore, #tpu.memory_space<semaphore_mem>> -> memref<!tpu.dma_semaphore, #tpu.memory_space<semaphore_mem>>
    tpu.enqueue_indirect_dma source(%dma_start3A_73 : memref<10000x32xbf16, #tpu.memory_space<hbm>>) target(%dma_start3A_67 : memref<125x32xbf16, #tpu.memory_space<vmem>>) offsets(%dma_start3A_70 : memref<125xi32, #tpu.memory_space<vmem>>) semaphore(%dma_start3A_75 : memref<!tpu.dma_semaphore, #tpu.memory_space<semaphore_mem>>)
    %dma_start3A_76 = arith.constant 1 : i32
    %dma_start3A_77 = arith.constant 1 : i32
    %dma_start3A_78 = arith.constant 1 : i32
    %dma_start3A_79 = arith.constant 0 : i32
    %dma_start3A_80 = arith.constant 0 : i32
    %dma_start3A_81 = tpu.memref_slice %arg11[%dma_start3A_77, %dma_start3A_79, %dma_start3A_80] : memref<4x125x32xbf16, #tpu.memory_space<vmem>> -> memref<1x125x32xbf16, #tpu.memory_space<vmem>>
    %dma_start3A_82 = tpu.memref_squeeze %dma_start3A_81 : memref<1x125x32xbf16, #tpu.memory_space<vmem>> -> memref<125x32xbf16, #tpu.memory_space<vmem>>
    %dma_start3A_83 = arith.constant 0 : i32
    %dma_start3A_84 = tpu.memref_slice %arg8[%dma_start3A_76, %dma_start3A_83] : memref<80x125xi32, #tpu.memory_space<vmem>> -> memref<1x125xi32, #tpu.memory_space<vmem>>
    %dma_start3A_85 = tpu.memref_squeeze %dma_start3A_84 : memref<1x125xi32, #tpu.memory_space<vmem>> -> memref<125xi32, #tpu.memory_space<vmem>>
    %dma_start3A_86 = arith.constant 0 : i32
    %dma_start3A_87 = arith.constant 0 : i32
    %dma_start3A_88 = tpu.memref_slice %arg2[%dma_start3A_86, %dma_start3A_87] : memref<10000x32xbf16, #tpu.memory_space<hbm>> -> memref<10000x32xbf16, #tpu.memory_space<hbm>>
    %dma_start3A_89 = tpu.memref_slice %arg14[%dma_start3A_78] : memref<4x!tpu.dma_semaphore, #tpu.memory_space<semaphore_mem>> -> memref<1x!tpu.dma_semaphore, #tpu.memory_space<semaphore_mem>>
    %dma_start3A_90 = tpu.memref_squeeze %dma_start3A_89 : memref<1x!tpu.dma_semaphore, #tpu.memory_space<semaphore_mem>> -> memref<!tpu.dma_semaphore, #tpu.memory_space<semaphore_mem>>
    tpu.enqueue_indirect_dma source(%dma_start3A_88 : memref<10000x32xbf16, #tpu.memory_space<hbm>>) target(%dma_start3A_82 : memref<125x32xbf16, #tpu.memory_space<vmem>>) offsets(%dma_start3A_85 : memref<125xi32, #tpu.memory_space<vmem>>) semaphore(%dma_start3A_90 : memref<!tpu.dma_semaphore, #tpu.memory_space<semaphore_mem>>)
    %dma_start3A_91 = arith.constant 2 : i32
    %dma_start3A_92 = arith.constant 2 : i32
    %dma_start3A_93 = arith.constant 2 : i32
    %dma_start3A_94 = arith.constant 0 : i32
    %dma_start3A_95 = arith.constant 0 : i32
    %dma_start3A_96 = tpu.memref_slice %arg11[%dma_start3A_92, %dma_start3A_94, %dma_start3A_95] : memref<4x125x32xbf16, #tpu.memory_space<vmem>> -> memref<1x125x32xbf16, #tpu.memory_space<vmem>>
    %dma_start3A_97 = tpu.memref_squeeze %dma_start3A_96 : memref<1x125x32xbf16, #tpu.memory_space<vmem>> -> memref<125x32xbf16, #tpu.memory_space<vmem>>
    %dma_start3A_98 = arith.constant 0 : i32
    %dma_start3A_99 = tpu.memref_slice %arg8[%dma_start3A_91, %dma_start3A_98] : memref<80x125xi32, #tpu.memory_space<vmem>> -> memref<1x125xi32, #tpu.memory_space<vmem>>
    %dma_start3A_100 = tpu.memref_squeeze %dma_start3A_99 : memref<1x125xi32, #tpu.memory_space<vmem>> -> memref<125xi32, #tpu.memory_space<vmem>>
    %dma_start3A_101 = arith.constant 0 : i32
    %dma_start3A_102 = arith.constant 0 : i32
    %dma_start3A_103 = tpu.memref_slice %arg2[%dma_start3A_101, %dma_start3A_102] : memref<10000x32xbf16, #tpu.memory_space<hbm>> -> memref<10000x32xbf16, #tpu.memory_space<hbm>>
    %dma_start3A_104 = tpu.memref_slice %arg14[%dma_start3A_93] : memref<4x!tpu.dma_semaphore, #tpu.memory_space<semaphore_mem>> -> memref<1x!tpu.dma_semaphore, #tpu.memory_space<semaphore_mem>>
    %dma_start3A_105 = tpu.memref_squeeze %dma_start3A_104 : memref<1x!tpu.dma_semaphore, #tpu.memory_space<semaphore_mem>> -> memref<!tpu.dma_semaphore, #tpu.memory_space<semaphore_mem>>
    tpu.enqueue_indirect_dma source(%dma_start3A_103 : memref<10000x32xbf16, #tpu.memory_space<hbm>>) target(%dma_start3A_97 : memref<125x32xbf16, #tpu.memory_space<vmem>>) offsets(%dma_start3A_100 : memref<125xi32, #tpu.memory_space<vmem>>) semaphore(%dma_start3A_105 : memref<!tpu.dma_semaphore, #tpu.memory_space<semaphore_mem>>)
    %dma_start3A_106 = arith.constant 3 : i32
    %dma_start3A_107 = arith.constant 3 : i32
    %dma_start3A_108 = arith.constant 3 : i32
    %dma_start3A_109 = arith.constant 0 : i32
    %dma_start3A_110 = arith.constant 0 : i32
    %dma_start3A_111 = tpu.memref_slice %arg11[%dma_start3A_107, %dma_start3A_109, %dma_start3A_110] : memref<4x125x32xbf16, #tpu.memory_space<vmem>> -> memref<1x125x32xbf16, #tpu.memory_space<vmem>>
    %dma_start3A_112 = tpu.memref_squeeze %dma_start3A_111 : memref<1x125x32xbf16, #tpu.memory_space<vmem>> -> memref<125x32xbf16, #tpu.memory_space<vmem>>
    %dma_start3A_113 = arith.constant 0 : i32
    %dma_start3A_114 = tpu.memref_slice %arg8[%dma_start3A_106, %dma_start3A_113] : memref<80x125xi32, #tpu.memory_space<vmem>> -> memref<1x125xi32, #tpu.memory_space<vmem>>
    %dma_start3A_115 = tpu.memref_squeeze %dma_start3A_114 : memref<1x125xi32, #tpu.memory_space<vmem>> -> memref<125xi32, #tpu.memory_space<vmem>>
    %dma_start3A_116 = arith.constant 0 : i32
    %dma_start3A_117 = arith.constant 0 : i32
    %dma_start3A_118 = tpu.memref_slice %arg2[%dma_start3A_116, %dma_start3A_117] : memref<10000x32xbf16, #tpu.memory_space<hbm>> -> memref<10000x32xbf16, #tpu.memory_space<hbm>>
    %dma_start3A_119 = tpu.memref_slice %arg14[%dma_start3A_108] : memref<4x!tpu.dma_semaphore, #tpu.memory_space<semaphore_mem>> -> memref<1x!tpu.dma_semaphore, #tpu.memory_space<semaphore_mem>>
    %dma_start3A_120 = tpu.memref_squeeze %dma_start3A_119 : memref<1x!tpu.dma_semaphore, #tpu.memory_space<semaphore_mem>> -> memref<!tpu.dma_semaphore, #tpu.memory_space<semaphore_mem>>
    tpu.enqueue_indirect_dma source(%dma_start3A_118 : memref<10000x32xbf16, #tpu.memory_space<hbm>>) target(%dma_start3A_112 : memref<125x32xbf16, #tpu.memory_space<vmem>>) offsets(%dma_start3A_115 : memref<125xi32, #tpu.memory_space<vmem>>) semaphore(%dma_start3A_120 : memref<!tpu.dma_semaphore, #tpu.memory_space<semaphore_mem>>)
    %scan3A = arith.constant 0 : i32
    %scan3A_121 = arith.constant 0 : i32
    %scan3A_122 = arith.constant 20 : i32
    %scan3A_123 = arith.addi %scan3A_121, %scan3A_122 : i32
    %scan3A_124 = arith.constant 1 : i32
    scf.for %scan3A_227 = %scan3A_121 to %scan3A_123 step %scan3A_124  : i32 {
      %mul3A_228 = arith.constant 4 : i32
      %mul3A_229 = arith.muli %scan3A_227, %mul3A_228 : i32
      %add3A_230 = arith.constant 0 : i32
      %add3A_231 = arith.addi %mul3A_229, %add3A_230 : i32
      %dma_wait3A_232 = arith.constant 0 : i32
      %dma_wait3A_233 = arith.constant 0 : i32
      %dma_wait3A_234 = arith.constant 0 : i32
      %dma_wait3A_235 = arith.constant 0 : i32
      %dma_wait3A_236 = tpu.memref_slice %arg11[%dma_wait3A_232, %dma_wait3A_234, %dma_wait3A_235] : memref<4x125x32xbf16, #tpu.memory_space<vmem>> -> memref<1x125x32xbf16, #tpu.memory_space<vmem>>
      %dma_wait3A_237 = tpu.memref_squeeze %dma_wait3A_236 : memref<1x125x32xbf16, #tpu.memory_space<vmem>> -> memref<125x32xbf16, #tpu.memory_space<vmem>>
      %dma_wait3A_238 = arith.constant 0 : i32
      %dma_wait3A_239 = tpu.memref_slice %arg8[%add3A_231, %dma_wait3A_238] : memref<80x125xi32, #tpu.memory_space<vmem>> -> memref<1x125xi32, #tpu.memory_space<vmem>>
      %dma_wait3A_240 = tpu.memref_squeeze %dma_wait3A_239 : memref<1x125xi32, #tpu.memory_space<vmem>> -> memref<125xi32, #tpu.memory_space<vmem>>
      %dma_wait3A_241 = arith.constant 0 : i32
      %dma_wait3A_242 = arith.constant 0 : i32
      %dma_wait3A_243 = tpu.memref_slice %arg2[%dma_wait3A_241, %dma_wait3A_242] : memref<10000x32xbf16, #tpu.memory_space<hbm>> -> memref<10000x32xbf16, #tpu.memory_space<hbm>>
      %dma_wait3A_244 = tpu.memref_slice %arg14[%dma_wait3A_233] : memref<4x!tpu.dma_semaphore, #tpu.memory_space<semaphore_mem>> -> memref<1x!tpu.dma_semaphore, #tpu.memory_space<semaphore_mem>>
      %dma_wait3A_245 = tpu.memref_squeeze %dma_wait3A_244 : memref<1x!tpu.dma_semaphore, #tpu.memory_space<semaphore_mem>> -> memref<!tpu.dma_semaphore, #tpu.memory_space<semaphore_mem>>
      tpu.wait_indirect_dma semaphore(%dma_wait3A_245 : memref<!tpu.dma_semaphore, #tpu.memory_space<semaphore_mem>>) src(%dma_wait3A_243 : memref<10000x32xbf16, #tpu.memory_space<hbm>>) dst(%dma_wait3A_237 : memref<125x32xbf16, #tpu.memory_space<vmem>>)
      %dma_start3A_246 = arith.constant 0 : i32
      %dma_start3A_247 = arith.constant 0 : i32
      %dma_start3A_248 = arith.constant 0 : i32
      %dma_start3A_249 = arith.constant 0 : i32
      %dma_start3A_250 = tpu.memref_slice %arg11[%dma_start3A_246, %dma_start3A_248, %dma_start3A_249] : memref<4x125x32xbf16, #tpu.memory_space<vmem>> -> memref<1x125x32xbf16, #tpu.memory_space<vmem>>
      %dma_start3A_251 = tpu.memref_squeeze %dma_start3A_250 : memref<1x125x32xbf16, #tpu.memory_space<vmem>> -> memref<125x32xbf16, #tpu.memory_space<vmem>>
      %dma_start3A_252 = arith.constant 0 : i32
      %dma_start3A_253 = tpu.memref_slice %arg9[%add3A_231, %dma_start3A_252] : memref<80x125xi32, #tpu.memory_space<vmem>> -> memref<1x125xi32, #tpu.memory_space<vmem>>
      %dma_start3A_254 = tpu.memref_squeeze %dma_start3A_253 : memref<1x125xi32, #tpu.memory_space<vmem>> -> memref<125xi32, #tpu.memory_space<vmem>>
      %dma_start3A_255 = arith.constant 0 : i32
      %dma_start3A_256 = tpu.memref_slice %arg13[%mul3A_61, %dma_start3A_255] : memref<48000x32xbf16, #tpu.memory_space<vmem_shared>> -> memref<12000x32xbf16, #tpu.memory_space<vmem_shared>>
      %dma_start3A_257 = arith.constant 0 : i32
      %dma_start3A_258 = arith.constant 0 : i32
      %dma_start3A_259 = tpu.memref_slice %dma_start3A_256[%dma_start3A_257, %dma_start3A_258] : memref<12000x32xbf16, #tpu.memory_space<vmem_shared>> -> memref<12000x32xbf16, #tpu.memory_space<vmem_shared>>
      %dma_start3A_260 = tpu.memref_slice %arg15[%dma_start3A_247] : memref<4x!tpu.dma_semaphore, #tpu.memory_space<semaphore_mem>> -> memref<1x!tpu.dma_semaphore, #tpu.memory_space<semaphore_mem>>
      %dma_start3A_261 = tpu.memref_squeeze %dma_start3A_260 : memref<1x!tpu.dma_semaphore, #tpu.memory_space<semaphore_mem>> -> memref<!tpu.dma_semaphore, #tpu.memory_space<semaphore_mem>>
      tpu.enqueue_indirect_dma source(%dma_start3A_251 : memref<125x32xbf16, #tpu.memory_space<vmem>>) target(%dma_start3A_259 : memref<12000x32xbf16, #tpu.memory_space<vmem_shared>>) offsets(%dma_start3A_254 : memref<125xi32, #tpu.memory_space<vmem>>) semaphore(%dma_start3A_261 : memref<!tpu.dma_semaphore, #tpu.memory_space<semaphore_mem>>) {add = true}
      %add3A_262 = arith.constant 1 : i32
      %add3A_263 = arith.addi %mul3A_229, %add3A_262 : i32
      %dma_wait3A_264 = arith.constant 1 : i32
      %dma_wait3A_265 = arith.constant 1 : i32
      %dma_wait3A_266 = arith.constant 0 : i32
      %dma_wait3A_267 = arith.constant 0 : i32
      %dma_wait3A_268 = tpu.memref_slice %arg11[%dma_wait3A_264, %dma_wait3A_266, %dma_wait3A_267] : memref<4x125x32xbf16, #tpu.memory_space<vmem>> -> memref<1x125x32xbf16, #tpu.memory_space<vmem>>
      %dma_wait3A_269 = tpu.memref_squeeze %dma_wait3A_268 : memref<1x125x32xbf16, #tpu.memory_space<vmem>> -> memref<125x32xbf16, #tpu.memory_space<vmem>>
      %dma_wait3A_270 = arith.constant 0 : i32
      %dma_wait3A_271 = tpu.memref_slice %arg8[%add3A_263, %dma_wait3A_270] : memref<80x125xi32, #tpu.memory_space<vmem>> -> memref<1x125xi32, #tpu.memory_space<vmem>>
      %dma_wait3A_272 = tpu.memref_squeeze %dma_wait3A_271 : memref<1x125xi32, #tpu.memory_space<vmem>> -> memref<125xi32, #tpu.memory_space<vmem>>
      %dma_wait3A_273 = arith.constant 0 : i32
      %dma_wait3A_274 = arith.constant 0 : i32
      %dma_wait3A_275 = tpu.memref_slice %arg2[%dma_wait3A_273, %dma_wait3A_274] : memref<10000x32xbf16, #tpu.memory_space<hbm>> -> memref<10000x32xbf16, #tpu.memory_space<hbm>>
      %dma_wait3A_276 = tpu.memref_slice %arg14[%dma_wait3A_265] : memref<4x!tpu.dma_semaphore, #tpu.memory_space<semaphore_mem>> -> memref<1x!tpu.dma_semaphore, #tpu.memory_space<semaphore_mem>>
      %dma_wait3A_277 = tpu.memref_squeeze %dma_wait3A_276 : memref<1x!tpu.dma_semaphore, #tpu.memory_space<semaphore_mem>> -> memref<!tpu.dma_semaphore, #tpu.memory_space<semaphore_mem>>
      tpu.wait_indirect_dma semaphore(%dma_wait3A_277 : memref<!tpu.dma_semaphore, #tpu.memory_space<semaphore_mem>>) src(%dma_wait3A_275 : memref<10000x32xbf16, #tpu.memory_space<hbm>>) dst(%dma_wait3A_269 : memref<125x32xbf16, #tpu.memory_space<vmem>>)
      %dma_start3A_278 = arith.constant 1 : i32
      %dma_start3A_279 = arith.constant 1 : i32
      %dma_start3A_280 = arith.constant 0 : i32
      %dma_start3A_281 = arith.constant 0 : i32
      %dma_start3A_282 = tpu.memref_slice %arg11[%dma_start3A_278, %dma_start3A_280, %dma_start3A_281] : memref<4x125x32xbf16, #tpu.memory_space<vmem>> -> memref<1x125x32xbf16, #tpu.memory_space<vmem>>
      %dma_start3A_283 = tpu.memref_squeeze %dma_start3A_282 : memref<1x125x32xbf16, #tpu.memory_space<vmem>> -> memref<125x32xbf16, #tpu.memory_space<vmem>>
      %dma_start3A_284 = arith.constant 0 : i32
      %dma_start3A_285 = tpu.memref_slice %arg9[%add3A_263, %dma_start3A_284] : memref<80x125xi32, #tpu.memory_space<vmem>> -> memref<1x125xi32, #tpu.memory_space<vmem>>
      %dma_start3A_286 = tpu.memref_squeeze %dma_start3A_285 : memref<1x125xi32, #tpu.memory_space<vmem>> -> memref<125xi32, #tpu.memory_space<vmem>>
      %dma_start3A_287 = arith.constant 0 : i32
      %dma_start3A_288 = tpu.memref_slice %arg13[%mul3A_61, %dma_start3A_287] : memref<48000x32xbf16, #tpu.memory_space<vmem_shared>> -> memref<12000x32xbf16, #tpu.memory_space<vmem_shared>>
      %dma_start3A_289 = arith.constant 0 : i32
      %dma_start3A_290 = arith.constant 0 : i32
      %dma_start3A_291 = tpu.memref_slice %dma_start3A_288[%dma_start3A_289, %dma_start3A_290] : memref<12000x32xbf16, #tpu.memory_space<vmem_shared>> -> memref<12000x32xbf16, #tpu.memory_space<vmem_shared>>
      %dma_start3A_292 = tpu.memref_slice %arg15[%dma_start3A_279] : memref<4x!tpu.dma_semaphore, #tpu.memory_space<semaphore_mem>> -> memref<1x!tpu.dma_semaphore, #tpu.memory_space<semaphore_mem>>
      %dma_start3A_293 = tpu.memref_squeeze %dma_start3A_292 : memref<1x!tpu.dma_semaphore, #tpu.memory_space<semaphore_mem>> -> memref<!tpu.dma_semaphore, #tpu.memory_space<semaphore_mem>>
      tpu.enqueue_indirect_dma source(%dma_start3A_283 : memref<125x32xbf16, #tpu.memory_space<vmem>>) target(%dma_start3A_291 : memref<12000x32xbf16, #tpu.memory_space<vmem_shared>>) offsets(%dma_start3A_286 : memref<125xi32, #tpu.memory_space<vmem>>) semaphore(%dma_start3A_293 : memref<!tpu.dma_semaphore, #tpu.memory_space<semaphore_mem>>) {add = true}
      %add3A_294 = arith.constant 2 : i32
      %add3A_295 = arith.addi %mul3A_229, %add3A_294 : i32
      %dma_wait3A_296 = arith.constant 2 : i32
      %dma_wait3A_297 = arith.constant 2 : i32
      %dma_wait3A_298 = arith.constant 0 : i32
      %dma_wait3A_299 = arith.constant 0 : i32
      %dma_wait3A_300 = tpu.memref_slice %arg11[%dma_wait3A_296, %dma_wait3A_298, %dma_wait3A_299] : memref<4x125x32xbf16, #tpu.memory_space<vmem>> -> memref<1x125x32xbf16, #tpu.memory_space<vmem>>
      %dma_wait3A_301 = tpu.memref_squeeze %dma_wait3A_300 : memref<1x125x32xbf16, #tpu.memory_space<vmem>> -> memref<125x32xbf16, #tpu.memory_space<vmem>>
      %dma_wait3A_302 = arith.constant 0 : i32
      %dma_wait3A_303 = tpu.memref_slice %arg8[%add3A_295, %dma_wait3A_302] : memref<80x125xi32, #tpu.memory_space<vmem>> -> memref<1x125xi32, #tpu.memory_space<vmem>>
      %dma_wait3A_304 = tpu.memref_squeeze %dma_wait3A_303 : memref<1x125xi32, #tpu.memory_space<vmem>> -> memref<125xi32, #tpu.memory_space<vmem>>
      %dma_wait3A_305 = arith.constant 0 : i32
      %dma_wait3A_306 = arith.constant 0 : i32
      %dma_wait3A_307 = tpu.memref_slice %arg2[%dma_wait3A_305, %dma_wait3A_306] : memref<10000x32xbf16, #tpu.memory_space<hbm>> -> memref<10000x32xbf16, #tpu.memory_space<hbm>>
      %dma_wait3A_308 = tpu.memref_slice %arg14[%dma_wait3A_297] : memref<4x!tpu.dma_semaphore, #tpu.memory_space<semaphore_mem>> -> memref<1x!tpu.dma_semaphore, #tpu.memory_space<semaphore_mem>>
      %dma_wait3A_309 = tpu.memref_squeeze %dma_wait3A_308 : memref<1x!tpu.dma_semaphore, #tpu.memory_space<semaphore_mem>> -> memref<!tpu.dma_semaphore, #tpu.memory_space<semaphore_mem>>
      tpu.wait_indirect_dma semaphore(%dma_wait3A_309 : memref<!tpu.dma_semaphore, #tpu.memory_space<semaphore_mem>>) src(%dma_wait3A_307 : memref<10000x32xbf16, #tpu.memory_space<hbm>>) dst(%dma_wait3A_301 : memref<125x32xbf16, #tpu.memory_space<vmem>>)
      %dma_start3A_310 = arith.constant 2 : i32
      %dma_start3A_311 = arith.constant 2 : i32
      %dma_start3A_312 = arith.constant 0 : i32
      %dma_start3A_313 = arith.constant 0 : i32
      %dma_start3A_314 = tpu.memref_slice %arg11[%dma_start3A_310, %dma_start3A_312, %dma_start3A_313] : memref<4x125x32xbf16, #tpu.memory_space<vmem>> -> memref<1x125x32xbf16, #tpu.memory_space<vmem>>
      %dma_start3A_315 = tpu.memref_squeeze %dma_start3A_314 : memref<1x125x32xbf16, #tpu.memory_space<vmem>> -> memref<125x32xbf16, #tpu.memory_space<vmem>>
      %dma_start3A_316 = arith.constant 0 : i32
      %dma_start3A_317 = tpu.memref_slice %arg9[%add3A_295, %dma_start3A_316] : memref<80x125xi32, #tpu.memory_space<vmem>> -> memref<1x125xi32, #tpu.memory_space<vmem>>
      %dma_start3A_318 = tpu.memref_squeeze %dma_start3A_317 : memref<1x125xi32, #tpu.memory_space<vmem>> -> memref<125xi32, #tpu.memory_space<vmem>>
      %dma_start3A_319 = arith.constant 0 : i32
      %dma_start3A_320 = tpu.memref_slice %arg13[%mul3A_61, %dma_start3A_319] : memref<48000x32xbf16, #tpu.memory_space<vmem_shared>> -> memref<12000x32xbf16, #tpu.memory_space<vmem_shared>>
      %dma_start3A_321 = arith.constant 0 : i32
      %dma_start3A_322 = arith.constant 0 : i32
      %dma_start3A_323 = tpu.memref_slice %dma_start3A_320[%dma_start3A_321, %dma_start3A_322] : memref<12000x32xbf16, #tpu.memory_space<vmem_shared>> -> memref<12000x32xbf16, #tpu.memory_space<vmem_shared>>
      %dma_start3A_324 = tpu.memref_slice %arg15[%dma_start3A_311] : memref<4x!tpu.dma_semaphore, #tpu.memory_space<semaphore_mem>> -> memref<1x!tpu.dma_semaphore, #tpu.memory_space<semaphore_mem>>
      %dma_start3A_325 = tpu.memref_squeeze %dma_start3A_324 : memref<1x!tpu.dma_semaphore, #tpu.memory_space<semaphore_mem>> -> memref<!tpu.dma_semaphore, #tpu.memory_space<semaphore_mem>>
      tpu.enqueue_indirect_dma source(%dma_start3A_315 : memref<125x32xbf16, #tpu.memory_space<vmem>>) target(%dma_start3A_323 : memref<12000x32xbf16, #tpu.memory_space<vmem_shared>>) offsets(%dma_start3A_318 : memref<125xi32, #tpu.memory_space<vmem>>) semaphore(%dma_start3A_325 : memref<!tpu.dma_semaphore, #tpu.memory_space<semaphore_mem>>) {add = true}
      %add3A_326 = arith.constant 3 : i32
      %add3A_327 = arith.addi %mul3A_229, %add3A_326 : i32
      %dma_wait3A_328 = arith.constant 3 : i32
      %dma_wait3A_329 = arith.constant 3 : i32
      %dma_wait3A_330 = arith.constant 0 : i32
      %dma_wait3A_331 = arith.constant 0 : i32
      %dma_wait3A_332 = tpu.memref_slice %arg11[%dma_wait3A_328, %dma_wait3A_330, %dma_wait3A_331] : memref<4x125x32xbf16, #tpu.memory_space<vmem>> -> memref<1x125x32xbf16, #tpu.memory_space<vmem>>
      %dma_wait3A_333 = tpu.memref_squeeze %dma_wait3A_332 : memref<1x125x32xbf16, #tpu.memory_space<vmem>> -> memref<125x32xbf16, #tpu.memory_space<vmem>>
      %dma_wait3A_334 = arith.constant 0 : i32
      %dma_wait3A_335 = tpu.memref_slice %arg8[%add3A_327, %dma_wait3A_334] : memref<80x125xi32, #tpu.memory_space<vmem>> -> memref<1x125xi32, #tpu.memory_space<vmem>>
      %dma_wait3A_336 = tpu.memref_squeeze %dma_wait3A_335 : memref<1x125xi32, #tpu.memory_space<vmem>> -> memref<125xi32, #tpu.memory_space<vmem>>
      %dma_wait3A_337 = arith.constant 0 : i32
      %dma_wait3A_338 = arith.constant 0 : i32
      %dma_wait3A_339 = tpu.memref_slice %arg2[%dma_wait3A_337, %dma_wait3A_338] : memref<10000x32xbf16, #tpu.memory_space<hbm>> -> memref<10000x32xbf16, #tpu.memory_space<hbm>>
      %dma_wait3A_340 = tpu.memref_slice %arg14[%dma_wait3A_329] : memref<4x!tpu.dma_semaphore, #tpu.memory_space<semaphore_mem>> -> memref<1x!tpu.dma_semaphore, #tpu.memory_space<semaphore_mem>>
      %dma_wait3A_341 = tpu.memref_squeeze %dma_wait3A_340 : memref<1x!tpu.dma_semaphore, #tpu.memory_space<semaphore_mem>> -> memref<!tpu.dma_semaphore, #tpu.memory_space<semaphore_mem>>
      tpu.wait_indirect_dma semaphore(%dma_wait3A_341 : memref<!tpu.dma_semaphore, #tpu.memory_space<semaphore_mem>>) src(%dma_wait3A_339 : memref<10000x32xbf16, #tpu.memory_space<hbm>>) dst(%dma_wait3A_333 : memref<125x32xbf16, #tpu.memory_space<vmem>>)
      %dma_start3A_342 = arith.constant 3 : i32
      %dma_start3A_343 = arith.constant 3 : i32
      %dma_start3A_344 = arith.constant 0 : i32
      %dma_start3A_345 = arith.constant 0 : i32
      %dma_start3A_346 = tpu.memref_slice %arg11[%dma_start3A_342, %dma_start3A_344, %dma_start3A_345] : memref<4x125x32xbf16, #tpu.memory_space<vmem>> -> memref<1x125x32xbf16, #tpu.memory_space<vmem>>
      %dma_start3A_347 = tpu.memref_squeeze %dma_start3A_346 : memref<1x125x32xbf16, #tpu.memory_space<vmem>> -> memref<125x32xbf16, #tpu.memory_space<vmem>>
      %dma_start3A_348 = arith.constant 0 : i32
      %dma_start3A_349 = tpu.memref_slice %arg9[%add3A_327, %dma_start3A_348] : memref<80x125xi32, #tpu.memory_space<vmem>> -> memref<1x125xi32, #tpu.memory_space<vmem>>
      %dma_start3A_350 = tpu.memref_squeeze %dma_start3A_349 : memref<1x125xi32, #tpu.memory_space<vmem>> -> memref<125xi32, #tpu.memory_space<vmem>>
      %dma_start3A_351 = arith.constant 0 : i32
      %dma_start3A_352 = tpu.memref_slice %arg13[%mul3A_61, %dma_start3A_351] : memref<48000x32xbf16, #tpu.memory_space<vmem_shared>> -> memref<12000x32xbf16, #tpu.memory_space<vmem_shared>>
      %dma_start3A_353 = arith.constant 0 : i32
      %dma_start3A_354 = arith.constant 0 : i32
      %dma_start3A_355 = tpu.memref_slice %dma_start3A_352[%dma_start3A_353, %dma_start3A_354] : memref<12000x32xbf16, #tpu.memory_space<vmem_shared>> -> memref<12000x32xbf16, #tpu.memory_space<vmem_shared>>
      %dma_start3A_356 = tpu.memref_slice %arg15[%dma_start3A_343] : memref<4x!tpu.dma_semaphore, #tpu.memory_space<semaphore_mem>> -> memref<1x!tpu.dma_semaphore, #tpu.memory_space<semaphore_mem>>
      %dma_start3A_357 = tpu.memref_squeeze %dma_start3A_356 : memref<1x!tpu.dma_semaphore, #tpu.memory_space<semaphore_mem>> -> memref<!tpu.dma_semaphore, #tpu.memory_space<semaphore_mem>>
      tpu.enqueue_indirect_dma source(%dma_start3A_347 : memref<125x32xbf16, #tpu.memory_space<vmem>>) target(%dma_start3A_355 : memref<12000x32xbf16, #tpu.memory_space<vmem_shared>>) offsets(%dma_start3A_350 : memref<125xi32, #tpu.memory_space<vmem>>) semaphore(%dma_start3A_357 : memref<!tpu.dma_semaphore, #tpu.memory_space<semaphore_mem>>) {add = true}
      %add3A_358 = arith.constant 0 : i32
      %add3A_359 = arith.addi %mul3A_229, %add3A_358 : i32
      %add3A_360 = arith.constant 4 : i32
      %add3A_361 = arith.addi %add3A_359, %add3A_360 : i32
      %lt3A_362 = arith.constant 80 : i32
      %lt3A_363 = arith.cmpi slt, %add3A_361, %lt3A_362 : i32
      %convert_element_type3A = arith.extui %lt3A_363 : i1 to i32
      %cond3A = arith.constant 0 : i32
      %cond3A_364 = arith.cmpi ne, %convert_element_type3A, %cond3A : i32
      scf.if %cond3A_364 {
        %dma_wait3A_392 = arith.constant 0 : i32
        %dma_wait3A_393 = arith.constant 0 : i32
        %dma_wait3A_394 = arith.constant 0 : i32
        %dma_wait3A_395 = arith.constant 0 : i32
        %dma_wait3A_396 = tpu.memref_slice %arg11[%dma_wait3A_392, %dma_wait3A_394, %dma_wait3A_395] : memref<4x125x32xbf16, #tpu.memory_space<vmem>> -> memref<1x125x32xbf16, #tpu.memory_space<vmem>>
        %dma_wait3A_397 = tpu.memref_squeeze %dma_wait3A_396 : memref<1x125x32xbf16, #tpu.memory_space<vmem>> -> memref<125x32xbf16, #tpu.memory_space<vmem>>
        %dma_wait3A_398 = arith.constant 0 : i32
        %dma_wait3A_399 = tpu.memref_slice %arg9[%add3A_359, %dma_wait3A_398] : memref<80x125xi32, #tpu.memory_space<vmem>> -> memref<1x125xi32, #tpu.memory_space<vmem>>
        %dma_wait3A_400 = tpu.memref_squeeze %dma_wait3A_399 : memref<1x125xi32, #tpu.memory_space<vmem>> -> memref<125xi32, #tpu.memory_space<vmem>>
        %dma_wait3A_401 = arith.constant 0 : i32
        %dma_wait3A_402 = tpu.memref_slice %arg13[%mul3A_61, %dma_wait3A_401] : memref<48000x32xbf16, #tpu.memory_space<vmem_shared>> -> memref<12000x32xbf16, #tpu.memory_space<vmem_shared>>
        %dma_wait3A_403 = arith.constant 0 : i32
        %dma_wait3A_404 = arith.constant 0 : i32
        %dma_wait3A_405 = tpu.memref_slice %dma_wait3A_402[%dma_wait3A_403, %dma_wait3A_404] : memref<12000x32xbf16, #tpu.memory_space<vmem_shared>> -> memref<12000x32xbf16, #tpu.memory_space<vmem_shared>>
        %dma_wait3A_406 = tpu.memref_slice %arg15[%dma_wait3A_393] : memref<4x!tpu.dma_semaphore, #tpu.memory_space<semaphore_mem>> -> memref<1x!tpu.dma_semaphore, #tpu.memory_space<semaphore_mem>>
        %dma_wait3A_407 = tpu.memref_squeeze %dma_wait3A_406 : memref<1x!tpu.dma_semaphore, #tpu.memory_space<semaphore_mem>> -> memref<!tpu.dma_semaphore, #tpu.memory_space<semaphore_mem>>
        tpu.wait_indirect_dma semaphore(%dma_wait3A_407 : memref<!tpu.dma_semaphore, #tpu.memory_space<semaphore_mem>>) src(%dma_wait3A_397 : memref<125x32xbf16, #tpu.memory_space<vmem>>) dst(%dma_wait3A_405 : memref<12000x32xbf16, #tpu.memory_space<vmem_shared>>)
        %add3A_408 = arith.constant 4 : i32
        %add3A_409 = arith.addi %add3A_359, %add3A_408 : i32
        %dma_start3A_410 = arith.constant 0 : i32
        %dma_start3A_411 = arith.constant 0 : i32
        %dma_start3A_412 = arith.constant 0 : i32
        %dma_start3A_413 = arith.constant 0 : i32
        %dma_start3A_414 = tpu.memref_slice %arg11[%dma_start3A_410, %dma_start3A_412, %dma_start3A_413] : memref<4x125x32xbf16, #tpu.memory_space<vmem>> -> memref<1x125x32xbf16, #tpu.memory_space<vmem>>
        %dma_start3A_415 = tpu.memref_squeeze %dma_start3A_414 : memref<1x125x32xbf16, #tpu.memory_space<vmem>> -> memref<125x32xbf16, #tpu.memory_space<vmem>>
        %dma_start3A_416 = arith.constant 0 : i32
        %dma_start3A_417 = tpu.memref_slice %arg8[%add3A_409, %dma_start3A_416] : memref<80x125xi32, #tpu.memory_space<vmem>> -> memref<1x125xi32, #tpu.memory_space<vmem>>
        %dma_start3A_418 = tpu.memref_squeeze %dma_start3A_417 : memref<1x125xi32, #tpu.memory_space<vmem>> -> memref<125xi32, #tpu.memory_space<vmem>>
        %dma_start3A_419 = arith.constant 0 : i32
        %dma_start3A_420 = arith.constant 0 : i32
        %dma_start3A_421 = tpu.memref_slice %arg2[%dma_start3A_419, %dma_start3A_420] : memref<10000x32xbf16, #tpu.memory_space<hbm>> -> memref<10000x32xbf16, #tpu.memory_space<hbm>>
        %dma_start3A_422 = tpu.memref_slice %arg14[%dma_start3A_411] : memref<4x!tpu.dma_semaphore, #tpu.memory_space<semaphore_mem>> -> memref<1x!tpu.dma_semaphore, #tpu.memory_space<semaphore_mem>>
        %dma_start3A_423 = tpu.memref_squeeze %dma_start3A_422 : memref<1x!tpu.dma_semaphore, #tpu.memory_space<semaphore_mem>> -> memref<!tpu.dma_semaphore, #tpu.memory_space<semaphore_mem>>
        tpu.enqueue_indirect_dma source(%dma_start3A_421 : memref<10000x32xbf16, #tpu.memory_space<hbm>>) target(%dma_start3A_415 : memref<125x32xbf16, #tpu.memory_space<vmem>>) offsets(%dma_start3A_418 : memref<125xi32, #tpu.memory_space<vmem>>) semaphore(%dma_start3A_423 : memref<!tpu.dma_semaphore, #tpu.memory_space<semaphore_mem>>)
      } else {
      }
      %add3A_365 = arith.constant 1 : i32
      %add3A_366 = arith.addi %mul3A_229, %add3A_365 : i32
      %add3A_367 = arith.constant 4 : i32
      %add3A_368 = arith.addi %add3A_366, %add3A_367 : i32
      %lt3A_369 = arith.constant 80 : i32
      %lt3A_370 = arith.cmpi slt, %add3A_368, %lt3A_369 : i32
      %convert_element_type3A_371 = arith.extui %lt3A_370 : i1 to i32
      %cond3A_372 = arith.constant 0 : i32
      %cond3A_373 = arith.cmpi ne, %convert_element_type3A_371, %cond3A_372 : i32
      scf.if %cond3A_373 {
        %dma_wait3A_392 = arith.constant 1 : i32
        %dma_wait3A_393 = arith.constant 1 : i32
        %dma_wait3A_394 = arith.constant 0 : i32
        %dma_wait3A_395 = arith.constant 0 : i32
        %dma_wait3A_396 = tpu.memref_slice %arg11[%dma_wait3A_392, %dma_wait3A_394, %dma_wait3A_395] : memref<4x125x32xbf16, #tpu.memory_space<vmem>> -> memref<1x125x32xbf16, #tpu.memory_space<vmem>>
        %dma_wait3A_397 = tpu.memref_squeeze %dma_wait3A_396 : memref<1x125x32xbf16, #tpu.memory_space<vmem>> -> memref<125x32xbf16, #tpu.memory_space<vmem>>
        %dma_wait3A_398 = arith.constant 0 : i32
        %dma_wait3A_399 = tpu.memref_slice %arg9[%add3A_366, %dma_wait3A_398] : memref<80x125xi32, #tpu.memory_space<vmem>> -> memref<1x125xi32, #tpu.memory_space<vmem>>
        %dma_wait3A_400 = tpu.memref_squeeze %dma_wait3A_399 : memref<1x125xi32, #tpu.memory_space<vmem>> -> memref<125xi32, #tpu.memory_space<vmem>>
        %dma_wait3A_401 = arith.constant 0 : i32
        %dma_wait3A_402 = tpu.memref_slice %arg13[%mul3A_61, %dma_wait3A_401] : memref<48000x32xbf16, #tpu.memory_space<vmem_shared>> -> memref<12000x32xbf16, #tpu.memory_space<vmem_shared>>
        %dma_wait3A_403 = arith.constant 0 : i32
        %dma_wait3A_404 = arith.constant 0 : i32
        %dma_wait3A_405 = tpu.memref_slice %dma_wait3A_402[%dma_wait3A_403, %dma_wait3A_404] : memref<12000x32xbf16, #tpu.memory_space<vmem_shared>> -> memref<12000x32xbf16, #tpu.memory_space<vmem_shared>>
        %dma_wait3A_406 = tpu.memref_slice %arg15[%dma_wait3A_393] : memref<4x!tpu.dma_semaphore, #tpu.memory_space<semaphore_mem>> -> memref<1x!tpu.dma_semaphore, #tpu.memory_space<semaphore_mem>>
        %dma_wait3A_407 = tpu.memref_squeeze %dma_wait3A_406 : memref<1x!tpu.dma_semaphore, #tpu.memory_space<semaphore_mem>> -> memref<!tpu.dma_semaphore, #tpu.memory_space<semaphore_mem>>
        tpu.wait_indirect_dma semaphore(%dma_wait3A_407 : memref<!tpu.dma_semaphore, #tpu.memory_space<semaphore_mem>>) src(%dma_wait3A_397 : memref<125x32xbf16, #tpu.memory_space<vmem>>) dst(%dma_wait3A_405 : memref<12000x32xbf16, #tpu.memory_space<vmem_shared>>)
        %add3A_408 = arith.constant 4 : i32
        %add3A_409 = arith.addi %add3A_366, %add3A_408 : i32
        %dma_start3A_410 = arith.constant 1 : i32
        %dma_start3A_411 = arith.constant 1 : i32
        %dma_start3A_412 = arith.constant 0 : i32
        %dma_start3A_413 = arith.constant 0 : i32
        %dma_start3A_414 = tpu.memref_slice %arg11[%dma_start3A_410, %dma_start3A_412, %dma_start3A_413] : memref<4x125x32xbf16, #tpu.memory_space<vmem>> -> memref<1x125x32xbf16, #tpu.memory_space<vmem>>
        %dma_start3A_415 = tpu.memref_squeeze %dma_start3A_414 : memref<1x125x32xbf16, #tpu.memory_space<vmem>> -> memref<125x32xbf16, #tpu.memory_space<vmem>>
        %dma_start3A_416 = arith.constant 0 : i32
        %dma_start3A_417 = tpu.memref_slice %arg8[%add3A_409, %dma_start3A_416] : memref<80x125xi32, #tpu.memory_space<vmem>> -> memref<1x125xi32, #tpu.memory_space<vmem>>
        %dma_start3A_418 = tpu.memref_squeeze %dma_start3A_417 : memref<1x125xi32, #tpu.memory_space<vmem>> -> memref<125xi32, #tpu.memory_space<vmem>>
        %dma_start3A_419 = arith.constant 0 : i32
        %dma_start3A_420 = arith.constant 0 : i32
        %dma_start3A_421 = tpu.memref_slice %arg2[%dma_start3A_419, %dma_start3A_420] : memref<10000x32xbf16, #tpu.memory_space<hbm>> -> memref<10000x32xbf16, #tpu.memory_space<hbm>>
        %dma_start3A_422 = tpu.memref_slice %arg14[%dma_start3A_411] : memref<4x!tpu.dma_semaphore, #tpu.memory_space<semaphore_mem>> -> memref<1x!tpu.dma_semaphore, #tpu.memory_space<semaphore_mem>>
        %dma_start3A_423 = tpu.memref_squeeze %dma_start3A_422 : memref<1x!tpu.dma_semaphore, #tpu.memory_space<semaphore_mem>> -> memref<!tpu.dma_semaphore, #tpu.memory_space<semaphore_mem>>
        tpu.enqueue_indirect_dma source(%dma_start3A_421 : memref<10000x32xbf16, #tpu.memory_space<hbm>>) target(%dma_start3A_415 : memref<125x32xbf16, #tpu.memory_space<vmem>>) offsets(%dma_start3A_418 : memref<125xi32, #tpu.memory_space<vmem>>) semaphore(%dma_start3A_423 : memref<!tpu.dma_semaphore, #tpu.memory_space<semaphore_mem>>)
      } else {
      }
      %add3A_374 = arith.constant 2 : i32
      %add3A_375 = arith.addi %mul3A_229, %add3A_374 : i32
      %add3A_376 = arith.constant 4 : i32
      %add3A_377 = arith.addi %add3A_375, %add3A_376 : i32
      %lt3A_378 = arith.constant 80 : i32
      %lt3A_379 = arith.cmpi slt, %add3A_377, %lt3A_378 : i32
      %convert_element_type3A_380 = arith.extui %lt3A_379 : i1 to i32
      %cond3A_381 = arith.constant 0 : i32
      %cond3A_382 = arith.cmpi ne, %convert_element_type3A_380, %cond3A_381 : i32
      scf.if %cond3A_382 {
        %dma_wait3A_392 = arith.constant 2 : i32
        %dma_wait3A_393 = arith.constant 2 : i32
        %dma_wait3A_394 = arith.constant 0 : i32
        %dma_wait3A_395 = arith.constant 0 : i32
        %dma_wait3A_396 = tpu.memref_slice %arg11[%dma_wait3A_392, %dma_wait3A_394, %dma_wait3A_395] : memref<4x125x32xbf16, #tpu.memory_space<vmem>> -> memref<1x125x32xbf16, #tpu.memory_space<vmem>>
        %dma_wait3A_397 = tpu.memref_squeeze %dma_wait3A_396 : memref<1x125x32xbf16, #tpu.memory_space<vmem>> -> memref<125x32xbf16, #tpu.memory_space<vmem>>
        %dma_wait3A_398 = arith.constant 0 : i32
        %dma_wait3A_399 = tpu.memref_slice %arg9[%add3A_375, %dma_wait3A_398] : memref<80x125xi32, #tpu.memory_space<vmem>> -> memref<1x125xi32, #tpu.memory_space<vmem>>
        %dma_wait3A_400 = tpu.memref_squeeze %dma_wait3A_399 : memref<1x125xi32, #tpu.memory_space<vmem>> -> memref<125xi32, #tpu.memory_space<vmem>>
        %dma_wait3A_401 = arith.constant 0 : i32
        %dma_wait3A_402 = tpu.memref_slice %arg13[%mul3A_61, %dma_wait3A_401] : memref<48000x32xbf16, #tpu.memory_space<vmem_shared>> -> memref<12000x32xbf16, #tpu.memory_space<vmem_shared>>
        %dma_wait3A_403 = arith.constant 0 : i32
        %dma_wait3A_404 = arith.constant 0 : i32
        %dma_wait3A_405 = tpu.memref_slice %dma_wait3A_402[%dma_wait3A_403, %dma_wait3A_404] : memref<12000x32xbf16, #tpu.memory_space<vmem_shared>> -> memref<12000x32xbf16, #tpu.memory_space<vmem_shared>>
        %dma_wait3A_406 = tpu.memref_slice %arg15[%dma_wait3A_393] : memref<4x!tpu.dma_semaphore, #tpu.memory_space<semaphore_mem>> -> memref<1x!tpu.dma_semaphore, #tpu.memory_space<semaphore_mem>>
        %dma_wait3A_407 = tpu.memref_squeeze %dma_wait3A_406 : memref<1x!tpu.dma_semaphore, #tpu.memory_space<semaphore_mem>> -> memref<!tpu.dma_semaphore, #tpu.memory_space<semaphore_mem>>
        tpu.wait_indirect_dma semaphore(%dma_wait3A_407 : memref<!tpu.dma_semaphore, #tpu.memory_space<semaphore_mem>>) src(%dma_wait3A_397 : memref<125x32xbf16, #tpu.memory_space<vmem>>) dst(%dma_wait3A_405 : memref<12000x32xbf16, #tpu.memory_space<vmem_shared>>)
        %add3A_408 = arith.constant 4 : i32
        %add3A_409 = arith.addi %add3A_375, %add3A_408 : i32
        %dma_start3A_410 = arith.constant 2 : i32
        %dma_start3A_411 = arith.constant 2 : i32
        %dma_start3A_412 = arith.constant 0 : i32
        %dma_start3A_413 = arith.constant 0 : i32
        %dma_start3A_414 = tpu.memref_slice %arg11[%dma_start3A_410, %dma_start3A_412, %dma_start3A_413] : memref<4x125x32xbf16, #tpu.memory_space<vmem>> -> memref<1x125x32xbf16, #tpu.memory_space<vmem>>
        %dma_start3A_415 = tpu.memref_squeeze %dma_start3A_414 : memref<1x125x32xbf16, #tpu.memory_space<vmem>> -> memref<125x32xbf16, #tpu.memory_space<vmem>>
        %dma_start3A_416 = arith.constant 0 : i32
        %dma_start3A_417 = tpu.memref_slice %arg8[%add3A_409, %dma_start3A_416] : memref<80x125xi32, #tpu.memory_space<vmem>> -> memref<1x125xi32, #tpu.memory_space<vmem>>
        %dma_start3A_418 = tpu.memref_squeeze %dma_start3A_417 : memref<1x125xi32, #tpu.memory_space<vmem>> -> memref<125xi32, #tpu.memory_space<vmem>>
        %dma_start3A_419 = arith.constant 0 : i32
        %dma_start3A_420 = arith.constant 0 : i32
        %dma_start3A_421 = tpu.memref_slice %arg2[%dma_start3A_419, %dma_start3A_420] : memref<10000x32xbf16, #tpu.memory_space<hbm>> -> memref<10000x32xbf16, #tpu.memory_space<hbm>>
        %dma_start3A_422 = tpu.memref_slice %arg14[%dma_start3A_411] : memref<4x!tpu.dma_semaphore, #tpu.memory_space<semaphore_mem>> -> memref<1x!tpu.dma_semaphore, #tpu.memory_space<semaphore_mem>>
        %dma_start3A_423 = tpu.memref_squeeze %dma_start3A_422 : memref<1x!tpu.dma_semaphore, #tpu.memory_space<semaphore_mem>> -> memref<!tpu.dma_semaphore, #tpu.memory_space<semaphore_mem>>
        tpu.enqueue_indirect_dma source(%dma_start3A_421 : memref<10000x32xbf16, #tpu.memory_space<hbm>>) target(%dma_start3A_415 : memref<125x32xbf16, #tpu.memory_space<vmem>>) offsets(%dma_start3A_418 : memref<125xi32, #tpu.memory_space<vmem>>) semaphore(%dma_start3A_423 : memref<!tpu.dma_semaphore, #tpu.memory_space<semaphore_mem>>)
      } else {
      }
      %add3A_383 = arith.constant 3 : i32
      %add3A_384 = arith.addi %mul3A_229, %add3A_383 : i32
      %add3A_385 = arith.constant 4 : i32
      %add3A_386 = arith.addi %add3A_384, %add3A_385 : i32
      %lt3A_387 = arith.constant 80 : i32
      %lt3A_388 = arith.cmpi slt, %add3A_386, %lt3A_387 : i32
      %convert_element_type3A_389 = arith.extui %lt3A_388 : i1 to i32
      %cond3A_390 = arith.constant 0 : i32
      %cond3A_391 = arith.cmpi ne, %convert_element_type3A_389, %cond3A_390 : i32
      scf.if %cond3A_391 {
        %dma_wait3A_392 = arith.constant 3 : i32
        %dma_wait3A_393 = arith.constant 3 : i32
        %dma_wait3A_394 = arith.constant 0 : i32
        %dma_wait3A_395 = arith.constant 0 : i32
        %dma_wait3A_396 = tpu.memref_slice %arg11[%dma_wait3A_392, %dma_wait3A_394, %dma_wait3A_395] : memref<4x125x32xbf16, #tpu.memory_space<vmem>> -> memref<1x125x32xbf16, #tpu.memory_space<vmem>>
        %dma_wait3A_397 = tpu.memref_squeeze %dma_wait3A_396 : memref<1x125x32xbf16, #tpu.memory_space<vmem>> -> memref<125x32xbf16, #tpu.memory_space<vmem>>
        %dma_wait3A_398 = arith.constant 0 : i32
        %dma_wait3A_399 = tpu.memref_slice %arg9[%add3A_384, %dma_wait3A_398] : memref<80x125xi32, #tpu.memory_space<vmem>> -> memref<1x125xi32, #tpu.memory_space<vmem>>
        %dma_wait3A_400 = tpu.memref_squeeze %dma_wait3A_399 : memref<1x125xi32, #tpu.memory_space<vmem>> -> memref<125xi32, #tpu.memory_space<vmem>>
        %dma_wait3A_401 = arith.constant 0 : i32
        %dma_wait3A_402 = tpu.memref_slice %arg13[%mul3A_61, %dma_wait3A_401] : memref<48000x32xbf16, #tpu.memory_space<vmem_shared>> -> memref<12000x32xbf16, #tpu.memory_space<vmem_shared>>
        %dma_wait3A_403 = arith.constant 0 : i32
        %dma_wait3A_404 = arith.constant 0 : i32
        %dma_wait3A_405 = tpu.memref_slice %dma_wait3A_402[%dma_wait3A_403, %dma_wait3A_404] : memref<12000x32xbf16, #tpu.memory_space<vmem_shared>> -> memref<12000x32xbf16, #tpu.memory_space<vmem_shared>>
        %dma_wait3A_406 = tpu.memref_slice %arg15[%dma_wait3A_393] : memref<4x!tpu.dma_semaphore, #tpu.memory_space<semaphore_mem>> -> memref<1x!tpu.dma_semaphore, #tpu.memory_space<semaphore_mem>>
        %dma_wait3A_407 = tpu.memref_squeeze %dma_wait3A_406 : memref<1x!tpu.dma_semaphore, #tpu.memory_space<semaphore_mem>> -> memref<!tpu.dma_semaphore, #tpu.memory_space<semaphore_mem>>
        tpu.wait_indirect_dma semaphore(%dma_wait3A_407 : memref<!tpu.dma_semaphore, #tpu.memory_space<semaphore_mem>>) src(%dma_wait3A_397 : memref<125x32xbf16, #tpu.memory_space<vmem>>) dst(%dma_wait3A_405 : memref<12000x32xbf16, #tpu.memory_space<vmem_shared>>)
        %add3A_408 = arith.constant 4 : i32
        %add3A_409 = arith.addi %add3A_384, %add3A_408 : i32
        %dma_start3A_410 = arith.constant 3 : i32
        %dma_start3A_411 = arith.constant 3 : i32
        %dma_start3A_412 = arith.constant 0 : i32
        %dma_start3A_413 = arith.constant 0 : i32
        %dma_start3A_414 = tpu.memref_slice %arg11[%dma_start3A_410, %dma_start3A_412, %dma_start3A_413] : memref<4x125x32xbf16, #tpu.memory_space<vmem>> -> memref<1x125x32xbf16, #tpu.memory_space<vmem>>
        %dma_start3A_415 = tpu.memref_squeeze %dma_start3A_414 : memref<1x125x32xbf16, #tpu.memory_space<vmem>> -> memref<125x32xbf16, #tpu.memory_space<vmem>>
        %dma_start3A_416 = arith.constant 0 : i32
        %dma_start3A_417 = tpu.memref_slice %arg8[%add3A_409, %dma_start3A_416] : memref<80x125xi32, #tpu.memory_space<vmem>> -> memref<1x125xi32, #tpu.memory_space<vmem>>
        %dma_start3A_418 = tpu.memref_squeeze %dma_start3A_417 : memref<1x125xi32, #tpu.memory_space<vmem>> -> memref<125xi32, #tpu.memory_space<vmem>>
        %dma_start3A_419 = arith.constant 0 : i32
        %dma_start3A_420 = arith.constant 0 : i32
        %dma_start3A_421 = tpu.memref_slice %arg2[%dma_start3A_419, %dma_start3A_420] : memref<10000x32xbf16, #tpu.memory_space<hbm>> -> memref<10000x32xbf16, #tpu.memory_space<hbm>>
        %dma_start3A_422 = tpu.memref_slice %arg14[%dma_start3A_411] : memref<4x!tpu.dma_semaphore, #tpu.memory_space<semaphore_mem>> -> memref<1x!tpu.dma_semaphore, #tpu.memory_space<semaphore_mem>>
        %dma_start3A_423 = tpu.memref_squeeze %dma_start3A_422 : memref<1x!tpu.dma_semaphore, #tpu.memory_space<semaphore_mem>> -> memref<!tpu.dma_semaphore, #tpu.memory_space<semaphore_mem>>
        tpu.enqueue_indirect_dma source(%dma_start3A_421 : memref<10000x32xbf16, #tpu.memory_space<hbm>>) target(%dma_start3A_415 : memref<125x32xbf16, #tpu.memory_space<vmem>>) offsets(%dma_start3A_418 : memref<125xi32, #tpu.memory_space<vmem>>) semaphore(%dma_start3A_423 : memref<!tpu.dma_semaphore, #tpu.memory_space<semaphore_mem>>)
      } else {
      }
    }
    %scan3A_125 = arith.constant 20 : i32
    %dma_wait3A = arith.constant 0 : i32
    %dma_wait3A_126 = arith.constant 76 : i32
    %dma_wait3A_127 = arith.constant 0 : i32
    %dma_wait3A_128 = arith.constant 0 : i32
    %dma_wait3A_129 = arith.constant 0 : i32
    %dma_wait3A_130 = tpu.memref_slice %arg11[%dma_wait3A, %dma_wait3A_128, %dma_wait3A_129] : memref<4x125x32xbf16, #tpu.memory_space<vmem>> -> memref<1x125x32xbf16, #tpu.memory_space<vmem>>
    %dma_wait3A_131 = tpu.memref_squeeze %dma_wait3A_130 : memref<1x125x32xbf16, #tpu.memory_space<vmem>> -> memref<125x32xbf16, #tpu.memory_space<vmem>>
    %dma_wait3A_132 = arith.constant 0 : i32
    %dma_wait3A_133 = tpu.memref_slice %arg9[%dma_wait3A_126, %dma_wait3A_132] : memref<80x125xi32, #tpu.memory_space<vmem>> -> memref<1x125xi32, #tpu.memory_space<vmem>>
    %dma_wait3A_134 = tpu.memref_squeeze %dma_wait3A_133 : memref<1x125xi32, #tpu.memory_space<vmem>> -> memref<125xi32, #tpu.memory_space<vmem>>
    %dma_wait3A_135 = arith.constant 0 : i32
    %dma_wait3A_136 = tpu.memref_slice %arg13[%mul3A_61, %dma_wait3A_135] : memref<48000x32xbf16, #tpu.memory_space<vmem_shared>> -> memref<12000x32xbf16, #tpu.memory_space<vmem_shared>>
    %dma_wait3A_137 = arith.constant 0 : i32
    %dma_wait3A_138 = arith.constant 0 : i32
    %dma_wait3A_139 = tpu.memref_slice %dma_wait3A_136[%dma_wait3A_137, %dma_wait3A_138] : memref<12000x32xbf16, #tpu.memory_space<vmem_shared>> -> memref<12000x32xbf16, #tpu.memory_space<vmem_shared>>
    %dma_wait3A_140 = tpu.memref_slice %arg15[%dma_wait3A_127] : memref<4x!tpu.dma_semaphore, #tpu.memory_space<semaphore_mem>> -> memref<1x!tpu.dma_semaphore, #tpu.memory_space<semaphore_mem>>
    %dma_wait3A_141 = tpu.memref_squeeze %dma_wait3A_140 : memref<1x!tpu.dma_semaphore, #tpu.memory_space<semaphore_mem>> -> memref<!tpu.dma_semaphore, #tpu.memory_space<semaphore_mem>>
    tpu.wait_indirect_dma semaphore(%dma_wait3A_141 : memref<!tpu.dma_semaphore, #tpu.memory_space<semaphore_mem>>) src(%dma_wait3A_131 : memref<125x32xbf16, #tpu.memory_space<vmem>>) dst(%dma_wait3A_139 : memref<12000x32xbf16, #tpu.memory_space<vmem_shared>>)
    %dma_wait3A_142 = arith.constant 1 : i32
    %dma_wait3A_143 = arith.constant 77 : i32
    %dma_wait3A_144 = arith.constant 1 : i32
    %dma_wait3A_145 = arith.constant 0 : i32
    %dma_wait3A_146 = arith.constant 0 : i32
    %dma_wait3A_147 = tpu.memref_slice %arg11[%dma_wait3A_142, %dma_wait3A_145, %dma_wait3A_146] : memref<4x125x32xbf16, #tpu.memory_space<vmem>> -> memref<1x125x32xbf16, #tpu.memory_space<vmem>>
    %dma_wait3A_148 = tpu.memref_squeeze %dma_wait3A_147 : memref<1x125x32xbf16, #tpu.memory_space<vmem>> -> memref<125x32xbf16, #tpu.memory_space<vmem>>
    %dma_wait3A_149 = arith.constant 0 : i32
    %dma_wait3A_150 = tpu.memref_slice %arg9[%dma_wait3A_143, %dma_wait3A_149] : memref<80x125xi32, #tpu.memory_space<vmem>> -> memref<1x125xi32, #tpu.memory_space<vmem>>
    %dma_wait3A_151 = tpu.memref_squeeze %dma_wait3A_150 : memref<1x125xi32, #tpu.memory_space<vmem>> -> memref<125xi32, #tpu.memory_space<vmem>>
    %dma_wait3A_152 = arith.constant 0 : i32
    %dma_wait3A_153 = tpu.memref_slice %arg13[%mul3A_61, %dma_wait3A_152] : memref<48000x32xbf16, #tpu.memory_space<vmem_shared>> -> memref<12000x32xbf16, #tpu.memory_space<vmem_shared>>
    %dma_wait3A_154 = arith.constant 0 : i32
    %dma_wait3A_155 = arith.constant 0 : i32
    %dma_wait3A_156 = tpu.memref_slice %dma_wait3A_153[%dma_wait3A_154, %dma_wait3A_155] : memref<12000x32xbf16, #tpu.memory_space<vmem_shared>> -> memref<12000x32xbf16, #tpu.memory_space<vmem_shared>>
    %dma_wait3A_157 = tpu.memref_slice %arg15[%dma_wait3A_144] : memref<4x!tpu.dma_semaphore, #tpu.memory_space<semaphore_mem>> -> memref<1x!tpu.dma_semaphore, #tpu.memory_space<semaphore_mem>>
    %dma_wait3A_158 = tpu.memref_squeeze %dma_wait3A_157 : memref<1x!tpu.dma_semaphore, #tpu.memory_space<semaphore_mem>> -> memref<!tpu.dma_semaphore, #tpu.memory_space<semaphore_mem>>
    tpu.wait_indirect_dma semaphore(%dma_wait3A_158 : memref<!tpu.dma_semaphore, #tpu.memory_space<semaphore_mem>>) src(%dma_wait3A_148 : memref<125x32xbf16, #tpu.memory_space<vmem>>) dst(%dma_wait3A_156 : memref<12000x32xbf16, #tpu.memory_space<vmem_shared>>)
    %dma_wait3A_159 = arith.constant 2 : i32
    %dma_wait3A_160 = arith.constant 78 : i32
    %dma_wait3A_161 = arith.constant 2 : i32
    %dma_wait3A_162 = arith.constant 0 : i32
    %dma_wait3A_163 = arith.constant 0 : i32
    %dma_wait3A_164 = tpu.memref_slice %arg11[%dma_wait3A_159, %dma_wait3A_162, %dma_wait3A_163] : memref<4x125x32xbf16, #tpu.memory_space<vmem>> -> memref<1x125x32xbf16, #tpu.memory_space<vmem>>
    %dma_wait3A_165 = tpu.memref_squeeze %dma_wait3A_164 : memref<1x125x32xbf16, #tpu.memory_space<vmem>> -> memref<125x32xbf16, #tpu.memory_space<vmem>>
    %dma_wait3A_166 = arith.constant 0 : i32
    %dma_wait3A_167 = tpu.memref_slice %arg9[%dma_wait3A_160, %dma_wait3A_166] : memref<80x125xi32, #tpu.memory_space<vmem>> -> memref<1x125xi32, #tpu.memory_space<vmem>>
    %dma_wait3A_168 = tpu.memref_squeeze %dma_wait3A_167 : memref<1x125xi32, #tpu.memory_space<vmem>> -> memref<125xi32, #tpu.memory_space<vmem>>
    %dma_wait3A_169 = arith.constant 0 : i32
    %dma_wait3A_170 = tpu.memref_slice %arg13[%mul3A_61, %dma_wait3A_169] : memref<48000x32xbf16, #tpu.memory_space<vmem_shared>> -> memref<12000x32xbf16, #tpu.memory_space<vmem_shared>>
    %dma_wait3A_171 = arith.constant 0 : i32
    %dma_wait3A_172 = arith.constant 0 : i32
    %dma_wait3A_173 = tpu.memref_slice %dma_wait3A_170[%dma_wait3A_171, %dma_wait3A_172] : memref<12000x32xbf16, #tpu.memory_space<vmem_shared>> -> memref<12000x32xbf16, #tpu.memory_space<vmem_shared>>
    %dma_wait3A_174 = tpu.memref_slice %arg15[%dma_wait3A_161] : memref<4x!tpu.dma_semaphore, #tpu.memory_space<semaphore_mem>> -> memref<1x!tpu.dma_semaphore, #tpu.memory_space<semaphore_mem>>
    %dma_wait3A_175 = tpu.memref_squeeze %dma_wait3A_174 : memref<1x!tpu.dma_semaphore, #tpu.memory_space<semaphore_mem>> -> memref<!tpu.dma_semaphore, #tpu.memory_space<semaphore_mem>>
    tpu.wait_indirect_dma semaphore(%dma_wait3A_175 : memref<!tpu.dma_semaphore, #tpu.memory_space<semaphore_mem>>) src(%dma_wait3A_165 : memref<125x32xbf16, #tpu.memory_space<vmem>>) dst(%dma_wait3A_173 : memref<12000x32xbf16, #tpu.memory_space<vmem_shared>>)
    %dma_wait3A_176 = arith.constant 3 : i32
    %dma_wait3A_177 = arith.constant 79 : i32
    %dma_wait3A_178 = arith.constant 3 : i32
    %dma_wait3A_179 = arith.constant 0 : i32
    %dma_wait3A_180 = arith.constant 0 : i32
    %dma_wait3A_181 = tpu.memref_slice %arg11[%dma_wait3A_176, %dma_wait3A_179, %dma_wait3A_180] : memref<4x125x32xbf16, #tpu.memory_space<vmem>> -> memref<1x125x32xbf16, #tpu.memory_space<vmem>>
    %dma_wait3A_182 = tpu.memref_squeeze %dma_wait3A_181 : memref<1x125x32xbf16, #tpu.memory_space<vmem>> -> memref<125x32xbf16, #tpu.memory_space<vmem>>
    %dma_wait3A_183 = arith.constant 0 : i32
    %dma_wait3A_184 = tpu.memref_slice %arg9[%dma_wait3A_177, %dma_wait3A_183] : memref<80x125xi32, #tpu.memory_space<vmem>> -> memref<1x125xi32, #tpu.memory_space<vmem>>
    %dma_wait3A_185 = tpu.memref_squeeze %dma_wait3A_184 : memref<1x125xi32, #tpu.memory_space<vmem>> -> memref<125xi32, #tpu.memory_space<vmem>>
    %dma_wait3A_186 = arith.constant 0 : i32
    %dma_wait3A_187 = tpu.memref_slice %arg13[%mul3A_61, %dma_wait3A_186] : memref<48000x32xbf16, #tpu.memory_space<vmem_shared>> -> memref<12000x32xbf16, #tpu.memory_space<vmem_shared>>
    %dma_wait3A_188 = arith.constant 0 : i32
    %dma_wait3A_189 = arith.constant 0 : i32
    %dma_wait3A_190 = tpu.memref_slice %dma_wait3A_187[%dma_wait3A_188, %dma_wait3A_189] : memref<12000x32xbf16, #tpu.memory_space<vmem_shared>> -> memref<12000x32xbf16, #tpu.memory_space<vmem_shared>>
    %dma_wait3A_191 = tpu.memref_slice %arg15[%dma_wait3A_178] : memref<4x!tpu.dma_semaphore, #tpu.memory_space<semaphore_mem>> -> memref<1x!tpu.dma_semaphore, #tpu.memory_space<semaphore_mem>>
    %dma_wait3A_192 = tpu.memref_squeeze %dma_wait3A_191 : memref<1x!tpu.dma_semaphore, #tpu.memory_space<semaphore_mem>> -> memref<!tpu.dma_semaphore, #tpu.memory_space<semaphore_mem>>
    tpu.wait_indirect_dma semaphore(%dma_wait3A_192 : memref<!tpu.dma_semaphore, #tpu.memory_space<semaphore_mem>>) src(%dma_wait3A_182 : memref<125x32xbf16, #tpu.memory_space<vmem>>) dst(%dma_wait3A_190 : memref<12000x32xbf16, #tpu.memory_space<vmem_shared>>)
    %barrier3A_193 = arith.constant 0 : index
    tpu.barrier barrier_id(%barrier3A_193)
    %mul3A_194 = arith.constant 750 : i32
    %mul3A_195 = arith.muli %arg1, %mul3A_194 : i32
    %add3A_196 = arith.constant 12000 : i32
    %add3A_197 = arith.addi %add3A_196, %mul3A_195 : i32
    "tpu.region"() ({
      %run_scoped3A_227 = tpu.sem_alloc : memref<!tpu.dma_semaphore, #tpu.memory_space<semaphore_mem>>
      %dma_start3A_228 = arith.constant 0 : i32
      %dma_start3A_229 = tpu.memref_slice %arg13[%add3A_197, %dma_start3A_228] : memref<48000x32xbf16, #tpu.memory_space<vmem_shared>> -> memref<750x32xbf16, #tpu.memory_space<vmem_shared>>
      %dma_start3A_230 = arith.constant 0 : i32
      %dma_start3A_231 = tpu.memref_slice %arg13[%add3A_197, %dma_start3A_230] : memref<48000x32xbf16, #tpu.memory_space<vmem_shared>> -> memref<750x32xbf16, #tpu.memory_space<vmem_shared>>
      tpu.enqueue_dma source(%dma_start3A_231 : memref<750x32xbf16, #tpu.memory_space<vmem_shared>>) target(%arg12 : memref<750x32xbf16, #tpu.memory_space<vmem>>) target_semaphore(%run_scoped3A_227 : memref<!tpu.dma_semaphore, #tpu.memory_space<semaphore_mem>>)
      %dma_wait3A_232 = arith.constant 0 : i32
      %dma_wait3A_233 = tpu.memref_slice %arg13[%add3A_197, %dma_wait3A_232] : memref<48000x32xbf16, #tpu.memory_space<vmem_shared>> -> memref<750x32xbf16, #tpu.memory_space<vmem_shared>>
      %dma_wait3A_234 = arith.constant 0 : i32
      %dma_wait3A_235 = tpu.memref_slice %arg13[%add3A_197, %dma_wait3A_234] : memref<48000x32xbf16, #tpu.memory_space<vmem_shared>> -> memref<750x32xbf16, #tpu.memory_space<vmem_shared>>
      tpu.wait_dma2 semaphore(%run_scoped3A_227 : memref<!tpu.dma_semaphore, #tpu.memory_space<semaphore_mem>>) src(%dma_wait3A_235 : memref<750x32xbf16, #tpu.memory_space<vmem_shared>>) dst(%arg12 : memref<750x32xbf16, #tpu.memory_space<vmem>>)
      tpu.yield
    }) : () -> ()
    %run_scoped3A = arith.constant 0 : i32
    "tpu.region"() ({
      %run_scoped3A_227 = tpu.sem_alloc : memref<!tpu.dma_semaphore, #tpu.memory_space<semaphore_mem>>
      %dma_start3A_228 = arith.constant 0 : i32
      %dma_start3A_229 = arith.constant 0 : i32
      %dma_start3A_230 = tpu.memref_slice %arg12[%dma_start3A_228, %dma_start3A_229] : memref<750x32xbf16, #tpu.memory_space<vmem>> -> memref<125x32xbf16, #tpu.memory_space<vmem>>
      %dma_start3A_231 = arith.constant 0 : i32
      %dma_start3A_232 = tpu.memref_slice %arg10[%run_scoped3A, %dma_start3A_231] : memref<6x125xi32, #tpu.memory_space<vmem>> -> memref<1x125xi32, #tpu.memory_space<vmem>>
      %dma_start3A_233 = tpu.memref_squeeze %dma_start3A_232 : memref<1x125xi32, #tpu.memory_space<vmem>> -> memref<125xi32, #tpu.memory_space<vmem>>
      %dma_start3A_234 = arith.constant 0 : i32
      %dma_start3A_235 = arith.constant 0 : i32
      %dma_start3A_236 = tpu.memref_slice %arg13[%dma_start3A_234, %dma_start3A_235] : memref<48000x32xbf16, #tpu.memory_space<vmem_shared>> -> memref<48000x32xbf16, #tpu.memory_space<vmem_shared>>
      tpu.enqueue_indirect_dma source(%dma_start3A_230 : memref<125x32xbf16, #tpu.memory_space<vmem>>) target(%dma_start3A_236 : memref<48000x32xbf16, #tpu.memory_space<vmem_shared>>) offsets(%dma_start3A_233 : memref<125xi32, #tpu.memory_space<vmem>>) semaphore(%run_scoped3A_227 : memref<!tpu.dma_semaphore, #tpu.memory_space<semaphore_mem>>) {add = true}
      %dma_wait3A_237 = arith.constant 0 : i32
      %dma_wait3A_238 = arith.constant 0 : i32
      %dma_wait3A_239 = tpu.memref_slice %arg12[%dma_wait3A_237, %dma_wait3A_238] : memref<750x32xbf16, #tpu.memory_space<vmem>> -> memref<125x32xbf16, #tpu.memory_space<vmem>>
      %dma_wait3A_240 = arith.constant 0 : i32
      %dma_wait3A_241 = tpu.memref_slice %arg10[%run_scoped3A, %dma_wait3A_240] : memref<6x125xi32, #tpu.memory_space<vmem>> -> memref<1x125xi32, #tpu.memory_space<vmem>>
      %dma_wait3A_242 = tpu.memref_squeeze %dma_wait3A_241 : memref<1x125xi32, #tpu.memory_space<vmem>> -> memref<125xi32, #tpu.memory_space<vmem>>
      %dma_wait3A_243 = arith.constant 0 : i32
      %dma_wait3A_244 = arith.constant 0 : i32
      %dma_wait3A_245 = tpu.memref_slice %arg13[%dma_wait3A_243, %dma_wait3A_244] : memref<48000x32xbf16, #tpu.memory_space<vmem_shared>> -> memref<48000x32xbf16, #tpu.memory_space<vmem_shared>>
      tpu.wait_indirect_dma semaphore(%run_scoped3A_227 : memref<!tpu.dma_semaphore, #tpu.memory_space<semaphore_mem>>) src(%dma_wait3A_239 : memref<125x32xbf16, #tpu.memory_space<vmem>>) dst(%dma_wait3A_245 : memref<48000x32xbf16, #tpu.memory_space<vmem_shared>>)
      tpu.yield
    }) : () -> ()
    %run_scoped3A_198 = arith.constant 1 : i32
    "tpu.region"() ({
      %run_scoped3A_227 = tpu.sem_alloc : memref<!tpu.dma_semaphore, #tpu.memory_space<semaphore_mem>>
      %dma_start3A_228 = arith.constant 125 : i32
      %dma_start3A_229 = arith.constant 0 : i32
      %dma_start3A_230 = tpu.memref_slice %arg12[%dma_start3A_228, %dma_start3A_229] : memref<750x32xbf16, #tpu.memory_space<vmem>> -> memref<125x32xbf16, #tpu.memory_space<vmem>>
      %dma_start3A_231 = arith.constant 0 : i32
      %dma_start3A_232 = tpu.memref_slice %arg10[%run_scoped3A_198, %dma_start3A_231] : memref<6x125xi32, #tpu.memory_space<vmem>> -> memref<1x125xi32, #tpu.memory_space<vmem>>
      %dma_start3A_233 = tpu.memref_squeeze %dma_start3A_232 : memref<1x125xi32, #tpu.memory_space<vmem>> -> memref<125xi32, #tpu.memory_space<vmem>>
      %dma_start3A_234 = arith.constant 0 : i32
      %dma_start3A_235 = arith.constant 0 : i32
      %dma_start3A_236 = tpu.memref_slice %arg13[%dma_start3A_234, %dma_start3A_235] : memref<48000x32xbf16, #tpu.memory_space<vmem_shared>> -> memref<48000x32xbf16, #tpu.memory_space<vmem_shared>>
      tpu.enqueue_indirect_dma source(%dma_start3A_230 : memref<125x32xbf16, #tpu.memory_space<vmem>>) target(%dma_start3A_236 : memref<48000x32xbf16, #tpu.memory_space<vmem_shared>>) offsets(%dma_start3A_233 : memref<125xi32, #tpu.memory_space<vmem>>) semaphore(%run_scoped3A_227 : memref<!tpu.dma_semaphore, #tpu.memory_space<semaphore_mem>>) {add = true}
      %dma_wait3A_237 = arith.constant 125 : i32
      %dma_wait3A_238 = arith.constant 0 : i32
      %dma_wait3A_239 = tpu.memref_slice %arg12[%dma_wait3A_237, %dma_wait3A_238] : memref<750x32xbf16, #tpu.memory_space<vmem>> -> memref<125x32xbf16, #tpu.memory_space<vmem>>
      %dma_wait3A_240 = arith.constant 0 : i32
      %dma_wait3A_241 = tpu.memref_slice %arg10[%run_scoped3A_198, %dma_wait3A_240] : memref<6x125xi32, #tpu.memory_space<vmem>> -> memref<1x125xi32, #tpu.memory_space<vmem>>
      %dma_wait3A_242 = tpu.memref_squeeze %dma_wait3A_241 : memref<1x125xi32, #tpu.memory_space<vmem>> -> memref<125xi32, #tpu.memory_space<vmem>>
      %dma_wait3A_243 = arith.constant 0 : i32
      %dma_wait3A_244 = arith.constant 0 : i32
      %dma_wait3A_245 = tpu.memref_slice %arg13[%dma_wait3A_243, %dma_wait3A_244] : memref<48000x32xbf16, #tpu.memory_space<vmem_shared>> -> memref<48000x32xbf16, #tpu.memory_space<vmem_shared>>
      tpu.wait_indirect_dma semaphore(%run_scoped3A_227 : memref<!tpu.dma_semaphore, #tpu.memory_space<semaphore_mem>>) src(%dma_wait3A_239 : memref<125x32xbf16, #tpu.memory_space<vmem>>) dst(%dma_wait3A_245 : memref<48000x32xbf16, #tpu.memory_space<vmem_shared>>)
      tpu.yield
    }) : () -> ()
    %run_scoped3A_199 = arith.constant 2 : i32
    "tpu.region"() ({
      %run_scoped3A_227 = tpu.sem_alloc : memref<!tpu.dma_semaphore, #tpu.memory_space<semaphore_mem>>
      %dma_start3A_228 = arith.constant 250 : i32
      %dma_start3A_229 = arith.constant 0 : i32
      %dma_start3A_230 = tpu.memref_slice %arg12[%dma_start3A_228, %dma_start3A_229] : memref<750x32xbf16, #tpu.memory_space<vmem>> -> memref<125x32xbf16, #tpu.memory_space<vmem>>
      %dma_start3A_231 = arith.constant 0 : i32
      %dma_start3A_232 = tpu.memref_slice %arg10[%run_scoped3A_199, %dma_start3A_231] : memref<6x125xi32, #tpu.memory_space<vmem>> -> memref<1x125xi32, #tpu.memory_space<vmem>>
      %dma_start3A_233 = tpu.memref_squeeze %dma_start3A_232 : memref<1x125xi32, #tpu.memory_space<vmem>> -> memref<125xi32, #tpu.memory_space<vmem>>
      %dma_start3A_234 = arith.constant 0 : i32
      %dma_start3A_235 = arith.constant 0 : i32
      %dma_start3A_236 = tpu.memref_slice %arg13[%dma_start3A_234, %dma_start3A_235] : memref<48000x32xbf16, #tpu.memory_space<vmem_shared>> -> memref<48000x32xbf16, #tpu.memory_space<vmem_shared>>
      tpu.enqueue_indirect_dma source(%dma_start3A_230 : memref<125x32xbf16, #tpu.memory_space<vmem>>) target(%dma_start3A_236 : memref<48000x32xbf16, #tpu.memory_space<vmem_shared>>) offsets(%dma_start3A_233 : memref<125xi32, #tpu.memory_space<vmem>>) semaphore(%run_scoped3A_227 : memref<!tpu.dma_semaphore, #tpu.memory_space<semaphore_mem>>) {add = true}
      %dma_wait3A_237 = arith.constant 250 : i32
      %dma_wait3A_238 = arith.constant 0 : i32
      %dma_wait3A_239 = tpu.memref_slice %arg12[%dma_wait3A_237, %dma_wait3A_238] : memref<750x32xbf16, #tpu.memory_space<vmem>> -> memref<125x32xbf16, #tpu.memory_space<vmem>>
      %dma_wait3A_240 = arith.constant 0 : i32
      %dma_wait3A_241 = tpu.memref_slice %arg10[%run_scoped3A_199, %dma_wait3A_240] : memref<6x125xi32, #tpu.memory_space<vmem>> -> memref<1x125xi32, #tpu.memory_space<vmem>>
      %dma_wait3A_242 = tpu.memref_squeeze %dma_wait3A_241 : memref<1x125xi32, #tpu.memory_space<vmem>> -> memref<125xi32, #tpu.memory_space<vmem>>
      %dma_wait3A_243 = arith.constant 0 : i32
      %dma_wait3A_244 = arith.constant 0 : i32
      %dma_wait3A_245 = tpu.memref_slice %arg13[%dma_wait3A_243, %dma_wait3A_244] : memref<48000x32xbf16, #tpu.memory_space<vmem_shared>> -> memref<48000x32xbf16, #tpu.memory_space<vmem_shared>>
      tpu.wait_indirect_dma semaphore(%run_scoped3A_227 : memref<!tpu.dma_semaphore, #tpu.memory_space<semaphore_mem>>) src(%dma_wait3A_239 : memref<125x32xbf16, #tpu.memory_space<vmem>>) dst(%dma_wait3A_245 : memref<48000x32xbf16, #tpu.memory_space<vmem_shared>>)
      tpu.yield
    }) : () -> ()
    %run_scoped3A_200 = arith.constant 3 : i32
    "tpu.region"() ({
      %run_scoped3A_227 = tpu.sem_alloc : memref<!tpu.dma_semaphore, #tpu.memory_space<semaphore_mem>>
      %dma_start3A_228 = arith.constant 375 : i32
      %dma_start3A_229 = arith.constant 0 : i32
      %dma_start3A_230 = tpu.memref_slice %arg12[%dma_start3A_228, %dma_start3A_229] : memref<750x32xbf16, #tpu.memory_space<vmem>> -> memref<125x32xbf16, #tpu.memory_space<vmem>>
      %dma_start3A_231 = arith.constant 0 : i32
      %dma_start3A_232 = tpu.memref_slice %arg10[%run_scoped3A_200, %dma_start3A_231] : memref<6x125xi32, #tpu.memory_space<vmem>> -> memref<1x125xi32, #tpu.memory_space<vmem>>
      %dma_start3A_233 = tpu.memref_squeeze %dma_start3A_232 : memref<1x125xi32, #tpu.memory_space<vmem>> -> memref<125xi32, #tpu.memory_space<vmem>>
      %dma_start3A_234 = arith.constant 0 : i32
      %dma_start3A_235 = arith.constant 0 : i32
      %dma_start3A_236 = tpu.memref_slice %arg13[%dma_start3A_234, %dma_start3A_235] : memref<48000x32xbf16, #tpu.memory_space<vmem_shared>> -> memref<48000x32xbf16, #tpu.memory_space<vmem_shared>>
      tpu.enqueue_indirect_dma source(%dma_start3A_230 : memref<125x32xbf16, #tpu.memory_space<vmem>>) target(%dma_start3A_236 : memref<48000x32xbf16, #tpu.memory_space<vmem_shared>>) offsets(%dma_start3A_233 : memref<125xi32, #tpu.memory_space<vmem>>) semaphore(%run_scoped3A_227 : memref<!tpu.dma_semaphore, #tpu.memory_space<semaphore_mem>>) {add = true}
      %dma_wait3A_237 = arith.constant 375 : i32
      %dma_wait3A_238 = arith.constant 0 : i32
      %dma_wait3A_239 = tpu.memref_slice %arg12[%dma_wait3A_237, %dma_wait3A_238] : memref<750x32xbf16, #tpu.memory_space<vmem>> -> memref<125x32xbf16, #tpu.memory_space<vmem>>
      %dma_wait3A_240 = arith.constant 0 : i32
      %dma_wait3A_241 = tpu.memref_slice %arg10[%run_scoped3A_200, %dma_wait3A_240] : memref<6x125xi32, #tpu.memory_space<vmem>> -> memref<1x125xi32, #tpu.memory_space<vmem>>
      %dma_wait3A_242 = tpu.memref_squeeze %dma_wait3A_241 : memref<1x125xi32, #tpu.memory_space<vmem>> -> memref<125xi32, #tpu.memory_space<vmem>>
      %dma_wait3A_243 = arith.constant 0 : i32
      %dma_wait3A_244 = arith.constant 0 : i32
      %dma_wait3A_245 = tpu.memref_slice %arg13[%dma_wait3A_243, %dma_wait3A_244] : memref<48000x32xbf16, #tpu.memory_space<vmem_shared>> -> memref<48000x32xbf16, #tpu.memory_space<vmem_shared>>
      tpu.wait_indirect_dma semaphore(%run_scoped3A_227 : memref<!tpu.dma_semaphore, #tpu.memory_space<semaphore_mem>>) src(%dma_wait3A_239 : memref<125x32xbf16, #tpu.memory_space<vmem>>) dst(%dma_wait3A_245 : memref<48000x32xbf16, #tpu.memory_space<vmem_shared>>)
      tpu.yield
    }) : () -> ()
    %run_scoped3A_201 = arith.constant 4 : i32
    "tpu.region"() ({
      %run_scoped3A_227 = tpu.sem_alloc : memref<!tpu.dma_semaphore, #tpu.memory_space<semaphore_mem>>
      %dma_start3A_228 = arith.constant 500 : i32
      %dma_start3A_229 = arith.constant 0 : i32
      %dma_start3A_230 = tpu.memref_slice %arg12[%dma_start3A_228, %dma_start3A_229] : memref<750x32xbf16, #tpu.memory_space<vmem>> -> memref<125x32xbf16, #tpu.memory_space<vmem>>
      %dma_start3A_231 = arith.constant 0 : i32
      %dma_start3A_232 = tpu.memref_slice %arg10[%run_scoped3A_201, %dma_start3A_231] : memref<6x125xi32, #tpu.memory_space<vmem>> -> memref<1x125xi32, #tpu.memory_space<vmem>>
      %dma_start3A_233 = tpu.memref_squeeze %dma_start3A_232 : memref<1x125xi32, #tpu.memory_space<vmem>> -> memref<125xi32, #tpu.memory_space<vmem>>
      %dma_start3A_234 = arith.constant 0 : i32
      %dma_start3A_235 = arith.constant 0 : i32
      %dma_start3A_236 = tpu.memref_slice %arg13[%dma_start3A_234, %dma_start3A_235] : memref<48000x32xbf16, #tpu.memory_space<vmem_shared>> -> memref<48000x32xbf16, #tpu.memory_space<vmem_shared>>
      tpu.enqueue_indirect_dma source(%dma_start3A_230 : memref<125x32xbf16, #tpu.memory_space<vmem>>) target(%dma_start3A_236 : memref<48000x32xbf16, #tpu.memory_space<vmem_shared>>) offsets(%dma_start3A_233 : memref<125xi32, #tpu.memory_space<vmem>>) semaphore(%run_scoped3A_227 : memref<!tpu.dma_semaphore, #tpu.memory_space<semaphore_mem>>) {add = true}
      %dma_wait3A_237 = arith.constant 500 : i32
      %dma_wait3A_238 = arith.constant 0 : i32
      %dma_wait3A_239 = tpu.memref_slice %arg12[%dma_wait3A_237, %dma_wait3A_238] : memref<750x32xbf16, #tpu.memory_space<vmem>> -> memref<125x32xbf16, #tpu.memory_space<vmem>>
      %dma_wait3A_240 = arith.constant 0 : i32
      %dma_wait3A_241 = tpu.memref_slice %arg10[%run_scoped3A_201, %dma_wait3A_240] : memref<6x125xi32, #tpu.memory_space<vmem>> -> memref<1x125xi32, #tpu.memory_space<vmem>>
      %dma_wait3A_242 = tpu.memref_squeeze %dma_wait3A_241 : memref<1x125xi32, #tpu.memory_space<vmem>> -> memref<125xi32, #tpu.memory_space<vmem>>
      %dma_wait3A_243 = arith.constant 0 : i32
      %dma_wait3A_244 = arith.constant 0 : i32
      %dma_wait3A_245 = tpu.memref_slice %arg13[%dma_wait3A_243, %dma_wait3A_244] : memref<48000x32xbf16, #tpu.memory_space<vmem_shared>> -> memref<48000x32xbf16, #tpu.memory_space<vmem_shared>>
      tpu.wait_indirect_dma semaphore(%run_scoped3A_227 : memref<!tpu.dma_semaphore, #tpu.memory_space<semaphore_mem>>) src(%dma_wait3A_239 : memref<125x32xbf16, #tpu.memory_space<vmem>>) dst(%dma_wait3A_245 : memref<48000x32xbf16, #tpu.memory_space<vmem_shared>>)
      tpu.yield
    }) : () -> ()
    %run_scoped3A_202 = arith.constant 5 : i32
    "tpu.region"() ({
      %run_scoped3A_227 = tpu.sem_alloc : memref<!tpu.dma_semaphore, #tpu.memory_space<semaphore_mem>>
      %dma_start3A_228 = arith.constant 625 : i32
      %dma_start3A_229 = arith.constant 0 : i32
      %dma_start3A_230 = tpu.memref_slice %arg12[%dma_start3A_228, %dma_start3A_229] : memref<750x32xbf16, #tpu.memory_space<vmem>> -> memref<125x32xbf16, #tpu.memory_space<vmem>>
      %dma_start3A_231 = arith.constant 0 : i32
      %dma_start3A_232 = tpu.memref_slice %arg10[%run_scoped3A_202, %dma_start3A_231] : memref<6x125xi32, #tpu.memory_space<vmem>> -> memref<1x125xi32, #tpu.memory_space<vmem>>
      %dma_start3A_233 = tpu.memref_squeeze %dma_start3A_232 : memref<1x125xi32, #tpu.memory_space<vmem>> -> memref<125xi32, #tpu.memory_space<vmem>>
      %dma_start3A_234 = arith.constant 0 : i32
      %dma_start3A_235 = arith.constant 0 : i32
      %dma_start3A_236 = tpu.memref_slice %arg13[%dma_start3A_234, %dma_start3A_235] : memref<48000x32xbf16, #tpu.memory_space<vmem_shared>> -> memref<48000x32xbf16, #tpu.memory_space<vmem_shared>>
      tpu.enqueue_indirect_dma source(%dma_start3A_230 : memref<125x32xbf16, #tpu.memory_space<vmem>>) target(%dma_start3A_236 : memref<48000x32xbf16, #tpu.memory_space<vmem_shared>>) offsets(%dma_start3A_233 : memref<125xi32, #tpu.memory_space<vmem>>) semaphore(%run_scoped3A_227 : memref<!tpu.dma_semaphore, #tpu.memory_space<semaphore_mem>>) {add = true}
      %dma_wait3A_237 = arith.constant 625 : i32
      %dma_wait3A_238 = arith.constant 0 : i32
      %dma_wait3A_239 = tpu.memref_slice %arg12[%dma_wait3A_237, %dma_wait3A_238] : memref<750x32xbf16, #tpu.memory_space<vmem>> -> memref<125x32xbf16, #tpu.memory_space<vmem>>
      %dma_wait3A_240 = arith.constant 0 : i32
      %dma_wait3A_241 = tpu.memref_slice %arg10[%run_scoped3A_202, %dma_wait3A_240] : memref<6x125xi32, #tpu.memory_space<vmem>> -> memref<1x125xi32, #tpu.memory_space<vmem>>
      %dma_wait3A_242 = tpu.memref_squeeze %dma_wait3A_241 : memref<1x125xi32, #tpu.memory_space<vmem>> -> memref<125xi32, #tpu.memory_space<vmem>>
      %dma_wait3A_243 = arith.constant 0 : i32
      %dma_wait3A_244 = arith.constant 0 : i32
      %dma_wait3A_245 = tpu.memref_slice %arg13[%dma_wait3A_243, %dma_wait3A_244] : memref<48000x32xbf16, #tpu.memory_space<vmem_shared>> -> memref<48000x32xbf16, #tpu.memory_space<vmem_shared>>
      tpu.wait_indirect_dma semaphore(%run_scoped3A_227 : memref<!tpu.dma_semaphore, #tpu.memory_space<semaphore_mem>>) src(%dma_wait3A_239 : memref<125x32xbf16, #tpu.memory_space<vmem>>) dst(%dma_wait3A_245 : memref<48000x32xbf16, #tpu.memory_space<vmem_shared>>)
      tpu.yield
    }) : () -> ()
    %add3A_203 = arith.constant 24000 : i32
    %add3A_204 = arith.addi %add3A_203, %mul3A_195 : i32
    "tpu.region"() ({
      %run_scoped3A_227 = tpu.sem_alloc : memref<!tpu.dma_semaphore, #tpu.memory_space<semaphore_mem>>
      %dma_start3A_228 = arith.constant 0 : i32
      %dma_start3A_229 = tpu.memref_slice %arg13[%add3A_204, %dma_start3A_228] : memref<48000x32xbf16, #tpu.memory_space<vmem_shared>> -> memref<750x32xbf16, #tpu.memory_space<vmem_shared>>
      %dma_start3A_230 = arith.constant 0 : i32
      %dma_start3A_231 = tpu.memref_slice %arg13[%add3A_204, %dma_start3A_230] : memref<48000x32xbf16, #tpu.memory_space<vmem_shared>> -> memref<750x32xbf16, #tpu.memory_space<vmem_shared>>
      tpu.enqueue_dma source(%dma_start3A_231 : memref<750x32xbf16, #tpu.memory_space<vmem_shared>>) target(%arg12 : memref<750x32xbf16, #tpu.memory_space<vmem>>) target_semaphore(%run_scoped3A_227 : memref<!tpu.dma_semaphore, #tpu.memory_space<semaphore_mem>>)
      %dma_wait3A_232 = arith.constant 0 : i32
      %dma_wait3A_233 = tpu.memref_slice %arg13[%add3A_204, %dma_wait3A_232] : memref<48000x32xbf16, #tpu.memory_space<vmem_shared>> -> memref<750x32xbf16, #tpu.memory_space<vmem_shared>>
      %dma_wait3A_234 = arith.constant 0 : i32
      %dma_wait3A_235 = tpu.memref_slice %arg13[%add3A_204, %dma_wait3A_234] : memref<48000x32xbf16, #tpu.memory_space<vmem_shared>> -> memref<750x32xbf16, #tpu.memory_space<vmem_shared>>
      tpu.wait_dma2 semaphore(%run_scoped3A_227 : memref<!tpu.dma_semaphore, #tpu.memory_space<semaphore_mem>>) src(%dma_wait3A_235 : memref<750x32xbf16, #tpu.memory_space<vmem_shared>>) dst(%arg12 : memref<750x32xbf16, #tpu.memory_space<vmem>>)
      tpu.yield
    }) : () -> ()
    %run_scoped3A_205 = arith.constant 0 : i32
    "tpu.region"() ({
      %run_scoped3A_227 = tpu.sem_alloc : memref<!tpu.dma_semaphore, #tpu.memory_space<semaphore_mem>>
      %dma_start3A_228 = arith.constant 0 : i32
      %dma_start3A_229 = arith.constant 0 : i32
      %dma_start3A_230 = tpu.memref_slice %arg12[%dma_start3A_228, %dma_start3A_229] : memref<750x32xbf16, #tpu.memory_space<vmem>> -> memref<125x32xbf16, #tpu.memory_space<vmem>>
      %dma_start3A_231 = arith.constant 0 : i32
      %dma_start3A_232 = tpu.memref_slice %arg10[%run_scoped3A_205, %dma_start3A_231] : memref<6x125xi32, #tpu.memory_space<vmem>> -> memref<1x125xi32, #tpu.memory_space<vmem>>
      %dma_start3A_233 = tpu.memref_squeeze %dma_start3A_232 : memref<1x125xi32, #tpu.memory_space<vmem>> -> memref<125xi32, #tpu.memory_space<vmem>>
      %dma_start3A_234 = arith.constant 0 : i32
      %dma_start3A_235 = arith.constant 0 : i32
      %dma_start3A_236 = tpu.memref_slice %arg13[%dma_start3A_234, %dma_start3A_235] : memref<48000x32xbf16, #tpu.memory_space<vmem_shared>> -> memref<48000x32xbf16, #tpu.memory_space<vmem_shared>>
      tpu.enqueue_indirect_dma source(%dma_start3A_230 : memref<125x32xbf16, #tpu.memory_space<vmem>>) target(%dma_start3A_236 : memref<48000x32xbf16, #tpu.memory_space<vmem_shared>>) offsets(%dma_start3A_233 : memref<125xi32, #tpu.memory_space<vmem>>) semaphore(%run_scoped3A_227 : memref<!tpu.dma_semaphore, #tpu.memory_space<semaphore_mem>>) {add = true}
      %dma_wait3A_237 = arith.constant 0 : i32
      %dma_wait3A_238 = arith.constant 0 : i32
      %dma_wait3A_239 = tpu.memref_slice %arg12[%dma_wait3A_237, %dma_wait3A_238] : memref<750x32xbf16, #tpu.memory_space<vmem>> -> memref<125x32xbf16, #tpu.memory_space<vmem>>
      %dma_wait3A_240 = arith.constant 0 : i32
      %dma_wait3A_241 = tpu.memref_slice %arg10[%run_scoped3A_205, %dma_wait3A_240] : memref<6x125xi32, #tpu.memory_space<vmem>> -> memref<1x125xi32, #tpu.memory_space<vmem>>
      %dma_wait3A_242 = tpu.memref_squeeze %dma_wait3A_241 : memref<1x125xi32, #tpu.memory_space<vmem>> -> memref<125xi32, #tpu.memory_space<vmem>>
      %dma_wait3A_243 = arith.constant 0 : i32
      %dma_wait3A_244 = arith.constant 0 : i32
      %dma_wait3A_245 = tpu.memref_slice %arg13[%dma_wait3A_243, %dma_wait3A_244] : memref<48000x32xbf16, #tpu.memory_space<vmem_shared>> -> memref<48000x32xbf16, #tpu.memory_space<vmem_shared>>
      tpu.wait_indirect_dma semaphore(%run_scoped3A_227 : memref<!tpu.dma_semaphore, #tpu.memory_space<semaphore_mem>>) src(%dma_wait3A_239 : memref<125x32xbf16, #tpu.memory_space<vmem>>) dst(%dma_wait3A_245 : memref<48000x32xbf16, #tpu.memory_space<vmem_shared>>)
      tpu.yield
    }) : () -> ()
    %run_scoped3A_206 = arith.constant 1 : i32
    "tpu.region"() ({
      %run_scoped3A_227 = tpu.sem_alloc : memref<!tpu.dma_semaphore, #tpu.memory_space<semaphore_mem>>
      %dma_start3A_228 = arith.constant 125 : i32
      %dma_start3A_229 = arith.constant 0 : i32
      %dma_start3A_230 = tpu.memref_slice %arg12[%dma_start3A_228, %dma_start3A_229] : memref<750x32xbf16, #tpu.memory_space<vmem>> -> memref<125x32xbf16, #tpu.memory_space<vmem>>
      %dma_start3A_231 = arith.constant 0 : i32
      %dma_start3A_232 = tpu.memref_slice %arg10[%run_scoped3A_206, %dma_start3A_231] : memref<6x125xi32, #tpu.memory_space<vmem>> -> memref<1x125xi32, #tpu.memory_space<vmem>>
      %dma_start3A_233 = tpu.memref_squeeze %dma_start3A_232 : memref<1x125xi32, #tpu.memory_space<vmem>> -> memref<125xi32, #tpu.memory_space<vmem>>
      %dma_start3A_234 = arith.constant 0 : i32
      %dma_start3A_235 = arith.constant 0 : i32
      %dma_start3A_236 = tpu.memref_slice %arg13[%dma_start3A_234, %dma_start3A_235] : memref<48000x32xbf16, #tpu.memory_space<vmem_shared>> -> memref<48000x32xbf16, #tpu.memory_space<vmem_shared>>
      tpu.enqueue_indirect_dma source(%dma_start3A_230 : memref<125x32xbf16, #tpu.memory_space<vmem>>) target(%dma_start3A_236 : memref<48000x32xbf16, #tpu.memory_space<vmem_shared>>) offsets(%dma_start3A_233 : memref<125xi32, #tpu.memory_space<vmem>>) semaphore(%run_scoped3A_227 : memref<!tpu.dma_semaphore, #tpu.memory_space<semaphore_mem>>) {add = true}
      %dma_wait3A_237 = arith.constant 125 : i32
      %dma_wait3A_238 = arith.constant 0 : i32
      %dma_wait3A_239 = tpu.memref_slice %arg12[%dma_wait3A_237, %dma_wait3A_238] : memref<750x32xbf16, #tpu.memory_space<vmem>> -> memref<125x32xbf16, #tpu.memory_space<vmem>>
      %dma_wait3A_240 = arith.constant 0 : i32
      %dma_wait3A_241 = tpu.memref_slice %arg10[%run_scoped3A_206, %dma_wait3A_240] : memref<6x125xi32, #tpu.memory_space<vmem>> -> memref<1x125xi32, #tpu.memory_space<vmem>>
      %dma_wait3A_242 = tpu.memref_squeeze %dma_wait3A_241 : memref<1x125xi32, #tpu.memory_space<vmem>> -> memref<125xi32, #tpu.memory_space<vmem>>
      %dma_wait3A_243 = arith.constant 0 : i32
      %dma_wait3A_244 = arith.constant 0 : i32
      %dma_wait3A_245 = tpu.memref_slice %arg13[%dma_wait3A_243, %dma_wait3A_244] : memref<48000x32xbf16, #tpu.memory_space<vmem_shared>> -> memref<48000x32xbf16, #tpu.memory_space<vmem_shared>>
      tpu.wait_indirect_dma semaphore(%run_scoped3A_227 : memref<!tpu.dma_semaphore, #tpu.memory_space<semaphore_mem>>) src(%dma_wait3A_239 : memref<125x32xbf16, #tpu.memory_space<vmem>>) dst(%dma_wait3A_245 : memref<48000x32xbf16, #tpu.memory_space<vmem_shared>>)
      tpu.yield
    }) : () -> ()
    %run_scoped3A_207 = arith.constant 2 : i32
    "tpu.region"() ({
      %run_scoped3A_227 = tpu.sem_alloc : memref<!tpu.dma_semaphore, #tpu.memory_space<semaphore_mem>>
      %dma_start3A_228 = arith.constant 250 : i32
      %dma_start3A_229 = arith.constant 0 : i32
      %dma_start3A_230 = tpu.memref_slice %arg12[%dma_start3A_228, %dma_start3A_229] : memref<750x32xbf16, #tpu.memory_space<vmem>> -> memref<125x32xbf16, #tpu.memory_space<vmem>>
      %dma_start3A_231 = arith.constant 0 : i32
      %dma_start3A_232 = tpu.memref_slice %arg10[%run_scoped3A_207, %dma_start3A_231] : memref<6x125xi32, #tpu.memory_space<vmem>> -> memref<1x125xi32, #tpu.memory_space<vmem>>
      %dma_start3A_233 = tpu.memref_squeeze %dma_start3A_232 : memref<1x125xi32, #tpu.memory_space<vmem>> -> memref<125xi32, #tpu.memory_space<vmem>>
      %dma_start3A_234 = arith.constant 0 : i32
      %dma_start3A_235 = arith.constant 0 : i32
      %dma_start3A_236 = tpu.memref_slice %arg13[%dma_start3A_234, %dma_start3A_235] : memref<48000x32xbf16, #tpu.memory_space<vmem_shared>> -> memref<48000x32xbf16, #tpu.memory_space<vmem_shared>>
      tpu.enqueue_indirect_dma source(%dma_start3A_230 : memref<125x32xbf16, #tpu.memory_space<vmem>>) target(%dma_start3A_236 : memref<48000x32xbf16, #tpu.memory_space<vmem_shared>>) offsets(%dma_start3A_233 : memref<125xi32, #tpu.memory_space<vmem>>) semaphore(%run_scoped3A_227 : memref<!tpu.dma_semaphore, #tpu.memory_space<semaphore_mem>>) {add = true}
      %dma_wait3A_237 = arith.constant 250 : i32
      %dma_wait3A_238 = arith.constant 0 : i32
      %dma_wait3A_239 = tpu.memref_slice %arg12[%dma_wait3A_237, %dma_wait3A_238] : memref<750x32xbf16, #tpu.memory_space<vmem>> -> memref<125x32xbf16, #tpu.memory_space<vmem>>
      %dma_wait3A_240 = arith.constant 0 : i32
      %dma_wait3A_241 = tpu.memref_slice %arg10[%run_scoped3A_207, %dma_wait3A_240] : memref<6x125xi32, #tpu.memory_space<vmem>> -> memref<1x125xi32, #tpu.memory_space<vmem>>
      %dma_wait3A_242 = tpu.memref_squeeze %dma_wait3A_241 : memref<1x125xi32, #tpu.memory_space<vmem>> -> memref<125xi32, #tpu.memory_space<vmem>>
      %dma_wait3A_243 = arith.constant 0 : i32
      %dma_wait3A_244 = arith.constant 0 : i32
      %dma_wait3A_245 = tpu.memref_slice %arg13[%dma_wait3A_243, %dma_wait3A_244] : memref<48000x32xbf16, #tpu.memory_space<vmem_shared>> -> memref<48000x32xbf16, #tpu.memory_space<vmem_shared>>
      tpu.wait_indirect_dma semaphore(%run_scoped3A_227 : memref<!tpu.dma_semaphore, #tpu.memory_space<semaphore_mem>>) src(%dma_wait3A_239 : memref<125x32xbf16, #tpu.memory_space<vmem>>) dst(%dma_wait3A_245 : memref<48000x32xbf16, #tpu.memory_space<vmem_shared>>)
      tpu.yield
    }) : () -> ()
    %run_scoped3A_208 = arith.constant 3 : i32
    "tpu.region"() ({
      %run_scoped3A_227 = tpu.sem_alloc : memref<!tpu.dma_semaphore, #tpu.memory_space<semaphore_mem>>
      %dma_start3A_228 = arith.constant 375 : i32
      %dma_start3A_229 = arith.constant 0 : i32
      %dma_start3A_230 = tpu.memref_slice %arg12[%dma_start3A_228, %dma_start3A_229] : memref<750x32xbf16, #tpu.memory_space<vmem>> -> memref<125x32xbf16, #tpu.memory_space<vmem>>
      %dma_start3A_231 = arith.constant 0 : i32
      %dma_start3A_232 = tpu.memref_slice %arg10[%run_scoped3A_208, %dma_start3A_231] : memref<6x125xi32, #tpu.memory_space<vmem>> -> memref<1x125xi32, #tpu.memory_space<vmem>>
      %dma_start3A_233 = tpu.memref_squeeze %dma_start3A_232 : memref<1x125xi32, #tpu.memory_space<vmem>> -> memref<125xi32, #tpu.memory_space<vmem>>
      %dma_start3A_234 = arith.constant 0 : i32
      %dma_start3A_235 = arith.constant 0 : i32
      %dma_start3A_236 = tpu.memref_slice %arg13[%dma_start3A_234, %dma_start3A_235] : memref<48000x32xbf16, #tpu.memory_space<vmem_shared>> -> memref<48000x32xbf16, #tpu.memory_space<vmem_shared>>
      tpu.enqueue_indirect_dma source(%dma_start3A_230 : memref<125x32xbf16, #tpu.memory_space<vmem>>) target(%dma_start3A_236 : memref<48000x32xbf16, #tpu.memory_space<vmem_shared>>) offsets(%dma_start3A_233 : memref<125xi32, #tpu.memory_space<vmem>>) semaphore(%run_scoped3A_227 : memref<!tpu.dma_semaphore, #tpu.memory_space<semaphore_mem>>) {add = true}
      %dma_wait3A_237 = arith.constant 375 : i32
      %dma_wait3A_238 = arith.constant 0 : i32
      %dma_wait3A_239 = tpu.memref_slice %arg12[%dma_wait3A_237, %dma_wait3A_238] : memref<750x32xbf16, #tpu.memory_space<vmem>> -> memref<125x32xbf16, #tpu.memory_space<vmem>>
      %dma_wait3A_240 = arith.constant 0 : i32
      %dma_wait3A_241 = tpu.memref_slice %arg10[%run_scoped3A_208, %dma_wait3A_240] : memref<6x125xi32, #tpu.memory_space<vmem>> -> memref<1x125xi32, #tpu.memory_space<vmem>>
      %dma_wait3A_242 = tpu.memref_squeeze %dma_wait3A_241 : memref<1x125xi32, #tpu.memory_space<vmem>> -> memref<125xi32, #tpu.memory_space<vmem>>
      %dma_wait3A_243 = arith.constant 0 : i32
      %dma_wait3A_244 = arith.constant 0 : i32
      %dma_wait3A_245 = tpu.memref_slice %arg13[%dma_wait3A_243, %dma_wait3A_244] : memref<48000x32xbf16, #tpu.memory_space<vmem_shared>> -> memref<48000x32xbf16, #tpu.memory_space<vmem_shared>>
      tpu.wait_indirect_dma semaphore(%run_scoped3A_227 : memref<!tpu.dma_semaphore, #tpu.memory_space<semaphore_mem>>) src(%dma_wait3A_239 : memref<125x32xbf16, #tpu.memory_space<vmem>>) dst(%dma_wait3A_245 : memref<48000x32xbf16, #tpu.memory_space<vmem_shared>>)
      tpu.yield
    }) : () -> ()
    %run_scoped3A_209 = arith.constant 4 : i32
    "tpu.region"() ({
      %run_scoped3A_227 = tpu.sem_alloc : memref<!tpu.dma_semaphore, #tpu.memory_space<semaphore_mem>>
      %dma_start3A_228 = arith.constant 500 : i32
      %dma_start3A_229 = arith.constant 0 : i32
      %dma_start3A_230 = tpu.memref_slice %arg12[%dma_start3A_228, %dma_start3A_229] : memref<750x32xbf16, #tpu.memory_space<vmem>> -> memref<125x32xbf16, #tpu.memory_space<vmem>>
      %dma_start3A_231 = arith.constant 0 : i32
      %dma_start3A_232 = tpu.memref_slice %arg10[%run_scoped3A_209, %dma_start3A_231] : memref<6x125xi32, #tpu.memory_space<vmem>> -> memref<1x125xi32, #tpu.memory_space<vmem>>
      %dma_start3A_233 = tpu.memref_squeeze %dma_start3A_232 : memref<1x125xi32, #tpu.memory_space<vmem>> -> memref<125xi32, #tpu.memory_space<vmem>>
      %dma_start3A_234 = arith.constant 0 : i32
      %dma_start3A_235 = arith.constant 0 : i32
      %dma_start3A_236 = tpu.memref_slice %arg13[%dma_start3A_234, %dma_start3A_235] : memref<48000x32xbf16, #tpu.memory_space<vmem_shared>> -> memref<48000x32xbf16, #tpu.memory_space<vmem_shared>>
      tpu.enqueue_indirect_dma source(%dma_start3A_230 : memref<125x32xbf16, #tpu.memory_space<vmem>>) target(%dma_start3A_236 : memref<48000x32xbf16, #tpu.memory_space<vmem_shared>>) offsets(%dma_start3A_233 : memref<125xi32, #tpu.memory_space<vmem>>) semaphore(%run_scoped3A_227 : memref<!tpu.dma_semaphore, #tpu.memory_space<semaphore_mem>>) {add = true}
      %dma_wait3A_237 = arith.constant 500 : i32
      %dma_wait3A_238 = arith.constant 0 : i32
      %dma_wait3A_239 = tpu.memref_slice %arg12[%dma_wait3A_237, %dma_wait3A_238] : memref<750x32xbf16, #tpu.memory_space<vmem>> -> memref<125x32xbf16, #tpu.memory_space<vmem>>
      %dma_wait3A_240 = arith.constant 0 : i32
      %dma_wait3A_241 = tpu.memref_slice %arg10[%run_scoped3A_209, %dma_wait3A_240] : memref<6x125xi32, #tpu.memory_space<vmem>> -> memref<1x125xi32, #tpu.memory_space<vmem>>
      %dma_wait3A_242 = tpu.memref_squeeze %dma_wait3A_241 : memref<1x125xi32, #tpu.memory_space<vmem>> -> memref<125xi32, #tpu.memory_space<vmem>>
      %dma_wait3A_243 = arith.constant 0 : i32
      %dma_wait3A_244 = arith.constant 0 : i32
      %dma_wait3A_245 = tpu.memref_slice %arg13[%dma_wait3A_243, %dma_wait3A_244] : memref<48000x32xbf16, #tpu.memory_space<vmem_shared>> -> memref<48000x32xbf16, #tpu.memory_space<vmem_shared>>
      tpu.wait_indirect_dma semaphore(%run_scoped3A_227 : memref<!tpu.dma_semaphore, #tpu.memory_space<semaphore_mem>>) src(%dma_wait3A_239 : memref<125x32xbf16, #tpu.memory_space<vmem>>) dst(%dma_wait3A_245 : memref<48000x32xbf16, #tpu.memory_space<vmem_shared>>)
      tpu.yield
    }) : () -> ()
    %run_scoped3A_210 = arith.constant 5 : i32
    "tpu.region"() ({
      %run_scoped3A_227 = tpu.sem_alloc : memref<!tpu.dma_semaphore, #tpu.memory_space<semaphore_mem>>
      %dma_start3A_228 = arith.constant 625 : i32
      %dma_start3A_229 = arith.constant 0 : i32
      %dma_start3A_230 = tpu.memref_slice %arg12[%dma_start3A_228, %dma_start3A_229] : memref<750x32xbf16, #tpu.memory_space<vmem>> -> memref<125x32xbf16, #tpu.memory_space<vmem>>
      %dma_start3A_231 = arith.constant 0 : i32
      %dma_start3A_232 = tpu.memref_slice %arg10[%run_scoped3A_210, %dma_start3A_231] : memref<6x125xi32, #tpu.memory_space<vmem>> -> memref<1x125xi32, #tpu.memory_space<vmem>>
      %dma_start3A_233 = tpu.memref_squeeze %dma_start3A_232 : memref<1x125xi32, #tpu.memory_space<vmem>> -> memref<125xi32, #tpu.memory_space<vmem>>
      %dma_start3A_234 = arith.constant 0 : i32
      %dma_start3A_235 = arith.constant 0 : i32
      %dma_start3A_236 = tpu.memref_slice %arg13[%dma_start3A_234, %dma_start3A_235] : memref<48000x32xbf16, #tpu.memory_space<vmem_shared>> -> memref<48000x32xbf16, #tpu.memory_space<vmem_shared>>
      tpu.enqueue_indirect_dma source(%dma_start3A_230 : memref<125x32xbf16, #tpu.memory_space<vmem>>) target(%dma_start3A_236 : memref<48000x32xbf16, #tpu.memory_space<vmem_shared>>) offsets(%dma_start3A_233 : memref<125xi32, #tpu.memory_space<vmem>>) semaphore(%run_scoped3A_227 : memref<!tpu.dma_semaphore, #tpu.memory_space<semaphore_mem>>) {add = true}
      %dma_wait3A_237 = arith.constant 625 : i32
      %dma_wait3A_238 = arith.constant 0 : i32
      %dma_wait3A_239 = tpu.memref_slice %arg12[%dma_wait3A_237, %dma_wait3A_238] : memref<750x32xbf16, #tpu.memory_space<vmem>> -> memref<125x32xbf16, #tpu.memory_space<vmem>>
      %dma_wait3A_240 = arith.constant 0 : i32
      %dma_wait3A_241 = tpu.memref_slice %arg10[%run_scoped3A_210, %dma_wait3A_240] : memref<6x125xi32, #tpu.memory_space<vmem>> -> memref<1x125xi32, #tpu.memory_space<vmem>>
      %dma_wait3A_242 = tpu.memref_squeeze %dma_wait3A_241 : memref<1x125xi32, #tpu.memory_space<vmem>> -> memref<125xi32, #tpu.memory_space<vmem>>
      %dma_wait3A_243 = arith.constant 0 : i32
      %dma_wait3A_244 = arith.constant 0 : i32
      %dma_wait3A_245 = tpu.memref_slice %arg13[%dma_wait3A_243, %dma_wait3A_244] : memref<48000x32xbf16, #tpu.memory_space<vmem_shared>> -> memref<48000x32xbf16, #tpu.memory_space<vmem_shared>>
      tpu.wait_indirect_dma semaphore(%run_scoped3A_227 : memref<!tpu.dma_semaphore, #tpu.memory_space<semaphore_mem>>) src(%dma_wait3A_239 : memref<125x32xbf16, #tpu.memory_space<vmem>>) dst(%dma_wait3A_245 : memref<48000x32xbf16, #tpu.memory_space<vmem_shared>>)
      tpu.yield
    }) : () -> ()
    %add3A_211 = arith.constant 36000 : i32
    %add3A_212 = arith.addi %add3A_211, %mul3A_195 : i32
    "tpu.region"() ({
      %run_scoped3A_227 = tpu.sem_alloc : memref<!tpu.dma_semaphore, #tpu.memory_space<semaphore_mem>>
      %dma_start3A_228 = arith.constant 0 : i32
      %dma_start3A_229 = tpu.memref_slice %arg13[%add3A_212, %dma_start3A_228] : memref<48000x32xbf16, #tpu.memory_space<vmem_shared>> -> memref<750x32xbf16, #tpu.memory_space<vmem_shared>>
      %dma_start3A_230 = arith.constant 0 : i32
      %dma_start3A_231 = tpu.memref_slice %arg13[%add3A_212, %dma_start3A_230] : memref<48000x32xbf16, #tpu.memory_space<vmem_shared>> -> memref<750x32xbf16, #tpu.memory_space<vmem_shared>>
      tpu.enqueue_dma source(%dma_start3A_231 : memref<750x32xbf16, #tpu.memory_space<vmem_shared>>) target(%arg12 : memref<750x32xbf16, #tpu.memory_space<vmem>>) target_semaphore(%run_scoped3A_227 : memref<!tpu.dma_semaphore, #tpu.memory_space<semaphore_mem>>)
      %dma_wait3A_232 = arith.constant 0 : i32
      %dma_wait3A_233 = tpu.memref_slice %arg13[%add3A_212, %dma_wait3A_232] : memref<48000x32xbf16, #tpu.memory_space<vmem_shared>> -> memref<750x32xbf16, #tpu.memory_space<vmem_shared>>
      %dma_wait3A_234 = arith.constant 0 : i32
      %dma_wait3A_235 = tpu.memref_slice %arg13[%add3A_212, %dma_wait3A_234] : memref<48000x32xbf16, #tpu.memory_space<vmem_shared>> -> memref<750x32xbf16, #tpu.memory_space<vmem_shared>>
      tpu.wait_dma2 semaphore(%run_scoped3A_227 : memref<!tpu.dma_semaphore, #tpu.memory_space<semaphore_mem>>) src(%dma_wait3A_235 : memref<750x32xbf16, #tpu.memory_space<vmem_shared>>) dst(%arg12 : memref<750x32xbf16, #tpu.memory_space<vmem>>)
      tpu.yield
    }) : () -> ()
    %run_scoped3A_213 = arith.constant 0 : i32
    "tpu.region"() ({
      %run_scoped3A_227 = tpu.sem_alloc : memref<!tpu.dma_semaphore, #tpu.memory_space<semaphore_mem>>
      %dma_start3A_228 = arith.constant 0 : i32
      %dma_start3A_229 = arith.constant 0 : i32
      %dma_start3A_230 = tpu.memref_slice %arg12[%dma_start3A_228, %dma_start3A_229] : memref<750x32xbf16, #tpu.memory_space<vmem>> -> memref<125x32xbf16, #tpu.memory_space<vmem>>
      %dma_start3A_231 = arith.constant 0 : i32
      %dma_start3A_232 = tpu.memref_slice %arg10[%run_scoped3A_213, %dma_start3A_231] : memref<6x125xi32, #tpu.memory_space<vmem>> -> memref<1x125xi32, #tpu.memory_space<vmem>>
      %dma_start3A_233 = tpu.memref_squeeze %dma_start3A_232 : memref<1x125xi32, #tpu.memory_space<vmem>> -> memref<125xi32, #tpu.memory_space<vmem>>
      %dma_start3A_234 = arith.constant 0 : i32
      %dma_start3A_235 = arith.constant 0 : i32
      %dma_start3A_236 = tpu.memref_slice %arg13[%dma_start3A_234, %dma_start3A_235] : memref<48000x32xbf16, #tpu.memory_space<vmem_shared>> -> memref<48000x32xbf16, #tpu.memory_space<vmem_shared>>
      tpu.enqueue_indirect_dma source(%dma_start3A_230 : memref<125x32xbf16, #tpu.memory_space<vmem>>) target(%dma_start3A_236 : memref<48000x32xbf16, #tpu.memory_space<vmem_shared>>) offsets(%dma_start3A_233 : memref<125xi32, #tpu.memory_space<vmem>>) semaphore(%run_scoped3A_227 : memref<!tpu.dma_semaphore, #tpu.memory_space<semaphore_mem>>) {add = true}
      %dma_wait3A_237 = arith.constant 0 : i32
      %dma_wait3A_238 = arith.constant 0 : i32
      %dma_wait3A_239 = tpu.memref_slice %arg12[%dma_wait3A_237, %dma_wait3A_238] : memref<750x32xbf16, #tpu.memory_space<vmem>> -> memref<125x32xbf16, #tpu.memory_space<vmem>>
      %dma_wait3A_240 = arith.constant 0 : i32
      %dma_wait3A_241 = tpu.memref_slice %arg10[%run_scoped3A_213, %dma_wait3A_240] : memref<6x125xi32, #tpu.memory_space<vmem>> -> memref<1x125xi32, #tpu.memory_space<vmem>>
      %dma_wait3A_242 = tpu.memref_squeeze %dma_wait3A_241 : memref<1x125xi32, #tpu.memory_space<vmem>> -> memref<125xi32, #tpu.memory_space<vmem>>
      %dma_wait3A_243 = arith.constant 0 : i32
      %dma_wait3A_244 = arith.constant 0 : i32
      %dma_wait3A_245 = tpu.memref_slice %arg13[%dma_wait3A_243, %dma_wait3A_244] : memref<48000x32xbf16, #tpu.memory_space<vmem_shared>> -> memref<48000x32xbf16, #tpu.memory_space<vmem_shared>>
      tpu.wait_indirect_dma semaphore(%run_scoped3A_227 : memref<!tpu.dma_semaphore, #tpu.memory_space<semaphore_mem>>) src(%dma_wait3A_239 : memref<125x32xbf16, #tpu.memory_space<vmem>>) dst(%dma_wait3A_245 : memref<48000x32xbf16, #tpu.memory_space<vmem_shared>>)
      tpu.yield
    }) : () -> ()
    %run_scoped3A_214 = arith.constant 1 : i32
    "tpu.region"() ({
      %run_scoped3A_227 = tpu.sem_alloc : memref<!tpu.dma_semaphore, #tpu.memory_space<semaphore_mem>>
      %dma_start3A_228 = arith.constant 125 : i32
      %dma_start3A_229 = arith.constant 0 : i32
      %dma_start3A_230 = tpu.memref_slice %arg12[%dma_start3A_228, %dma_start3A_229] : memref<750x32xbf16, #tpu.memory_space<vmem>> -> memref<125x32xbf16, #tpu.memory_space<vmem>>
      %dma_start3A_231 = arith.constant 0 : i32
      %dma_start3A_232 = tpu.memref_slice %arg10[%run_scoped3A_214, %dma_start3A_231] : memref<6x125xi32, #tpu.memory_space<vmem>> -> memref<1x125xi32, #tpu.memory_space<vmem>>
      %dma_start3A_233 = tpu.memref_squeeze %dma_start3A_232 : memref<1x125xi32, #tpu.memory_space<vmem>> -> memref<125xi32, #tpu.memory_space<vmem>>
      %dma_start3A_234 = arith.constant 0 : i32
      %dma_start3A_235 = arith.constant 0 : i32
      %dma_start3A_236 = tpu.memref_slice %arg13[%dma_start3A_234, %dma_start3A_235] : memref<48000x32xbf16, #tpu.memory_space<vmem_shared>> -> memref<48000x32xbf16, #tpu.memory_space<vmem_shared>>
      tpu.enqueue_indirect_dma source(%dma_start3A_230 : memref<125x32xbf16, #tpu.memory_space<vmem>>) target(%dma_start3A_236 : memref<48000x32xbf16, #tpu.memory_space<vmem_shared>>) offsets(%dma_start3A_233 : memref<125xi32, #tpu.memory_space<vmem>>) semaphore(%run_scoped3A_227 : memref<!tpu.dma_semaphore, #tpu.memory_space<semaphore_mem>>) {add = true}
      %dma_wait3A_237 = arith.constant 125 : i32
      %dma_wait3A_238 = arith.constant 0 : i32
      %dma_wait3A_239 = tpu.memref_slice %arg12[%dma_wait3A_237, %dma_wait3A_238] : memref<750x32xbf16, #tpu.memory_space<vmem>> -> memref<125x32xbf16, #tpu.memory_space<vmem>>
      %dma_wait3A_240 = arith.constant 0 : i32
      %dma_wait3A_241 = tpu.memref_slice %arg10[%run_scoped3A_214, %dma_wait3A_240] : memref<6x125xi32, #tpu.memory_space<vmem>> -> memref<1x125xi32, #tpu.memory_space<vmem>>
      %dma_wait3A_242 = tpu.memref_squeeze %dma_wait3A_241 : memref<1x125xi32, #tpu.memory_space<vmem>> -> memref<125xi32, #tpu.memory_space<vmem>>
      %dma_wait3A_243 = arith.constant 0 : i32
      %dma_wait3A_244 = arith.constant 0 : i32
      %dma_wait3A_245 = tpu.memref_slice %arg13[%dma_wait3A_243, %dma_wait3A_244] : memref<48000x32xbf16, #tpu.memory_space<vmem_shared>> -> memref<48000x32xbf16, #tpu.memory_space<vmem_shared>>
      tpu.wait_indirect_dma semaphore(%run_scoped3A_227 : memref<!tpu.dma_semaphore, #tpu.memory_space<semaphore_mem>>) src(%dma_wait3A_239 : memref<125x32xbf16, #tpu.memory_space<vmem>>) dst(%dma_wait3A_245 : memref<48000x32xbf16, #tpu.memory_space<vmem_shared>>)
      tpu.yield
    }) : () -> ()
    %run_scoped3A_215 = arith.constant 2 : i32
    "tpu.region"() ({
      %run_scoped3A_227 = tpu.sem_alloc : memref<!tpu.dma_semaphore, #tpu.memory_space<semaphore_mem>>
      %dma_start3A_228 = arith.constant 250 : i32
      %dma_start3A_229 = arith.constant 0 : i32
      %dma_start3A_230 = tpu.memref_slice %arg12[%dma_start3A_228, %dma_start3A_229] : memref<750x32xbf16, #tpu.memory_space<vmem>> -> memref<125x32xbf16, #tpu.memory_space<vmem>>
      %dma_start3A_231 = arith.constant 0 : i32
      %dma_start3A_232 = tpu.memref_slice %arg10[%run_scoped3A_215, %dma_start3A_231] : memref<6x125xi32, #tpu.memory_space<vmem>> -> memref<1x125xi32, #tpu.memory_space<vmem>>
      %dma_start3A_233 = tpu.memref_squeeze %dma_start3A_232 : memref<1x125xi32, #tpu.memory_space<vmem>> -> memref<125xi32, #tpu.memory_space<vmem>>
      %dma_start3A_234 = arith.constant 0 : i32
      %dma_start3A_235 = arith.constant 0 : i32
      %dma_start3A_236 = tpu.memref_slice %arg13[%dma_start3A_234, %dma_start3A_235] : memref<48000x32xbf16, #tpu.memory_space<vmem_shared>> -> memref<48000x32xbf16, #tpu.memory_space<vmem_shared>>
      tpu.enqueue_indirect_dma source(%dma_start3A_230 : memref<125x32xbf16, #tpu.memory_space<vmem>>) target(%dma_start3A_236 : memref<48000x32xbf16, #tpu.memory_space<vmem_shared>>) offsets(%dma_start3A_233 : memref<125xi32, #tpu.memory_space<vmem>>) semaphore(%run_scoped3A_227 : memref<!tpu.dma_semaphore, #tpu.memory_space<semaphore_mem>>) {add = true}
      %dma_wait3A_237 = arith.constant 250 : i32
      %dma_wait3A_238 = arith.constant 0 : i32
      %dma_wait3A_239 = tpu.memref_slice %arg12[%dma_wait3A_237, %dma_wait3A_238] : memref<750x32xbf16, #tpu.memory_space<vmem>> -> memref<125x32xbf16, #tpu.memory_space<vmem>>
      %dma_wait3A_240 = arith.constant 0 : i32
      %dma_wait3A_241 = tpu.memref_slice %arg10[%run_scoped3A_215, %dma_wait3A_240] : memref<6x125xi32, #tpu.memory_space<vmem>> -> memref<1x125xi32, #tpu.memory_space<vmem>>
      %dma_wait3A_242 = tpu.memref_squeeze %dma_wait3A_241 : memref<1x125xi32, #tpu.memory_space<vmem>> -> memref<125xi32, #tpu.memory_space<vmem>>
      %dma_wait3A_243 = arith.constant 0 : i32
      %dma_wait3A_244 = arith.constant 0 : i32
      %dma_wait3A_245 = tpu.memref_slice %arg13[%dma_wait3A_243, %dma_wait3A_244] : memref<48000x32xbf16, #tpu.memory_space<vmem_shared>> -> memref<48000x32xbf16, #tpu.memory_space<vmem_shared>>
      tpu.wait_indirect_dma semaphore(%run_scoped3A_227 : memref<!tpu.dma_semaphore, #tpu.memory_space<semaphore_mem>>) src(%dma_wait3A_239 : memref<125x32xbf16, #tpu.memory_space<vmem>>) dst(%dma_wait3A_245 : memref<48000x32xbf16, #tpu.memory_space<vmem_shared>>)
      tpu.yield
    }) : () -> ()
    %run_scoped3A_216 = arith.constant 3 : i32
    "tpu.region"() ({
      %run_scoped3A_227 = tpu.sem_alloc : memref<!tpu.dma_semaphore, #tpu.memory_space<semaphore_mem>>
      %dma_start3A_228 = arith.constant 375 : i32
      %dma_start3A_229 = arith.constant 0 : i32
      %dma_start3A_230 = tpu.memref_slice %arg12[%dma_start3A_228, %dma_start3A_229] : memref<750x32xbf16, #tpu.memory_space<vmem>> -> memref<125x32xbf16, #tpu.memory_space<vmem>>
      %dma_start3A_231 = arith.constant 0 : i32
      %dma_start3A_232 = tpu.memref_slice %arg10[%run_scoped3A_216, %dma_start3A_231] : memref<6x125xi32, #tpu.memory_space<vmem>> -> memref<1x125xi32, #tpu.memory_space<vmem>>
      %dma_start3A_233 = tpu.memref_squeeze %dma_start3A_232 : memref<1x125xi32, #tpu.memory_space<vmem>> -> memref<125xi32, #tpu.memory_space<vmem>>
      %dma_start3A_234 = arith.constant 0 : i32
      %dma_start3A_235 = arith.constant 0 : i32
      %dma_start3A_236 = tpu.memref_slice %arg13[%dma_start3A_234, %dma_start3A_235] : memref<48000x32xbf16, #tpu.memory_space<vmem_shared>> -> memref<48000x32xbf16, #tpu.memory_space<vmem_shared>>
      tpu.enqueue_indirect_dma source(%dma_start3A_230 : memref<125x32xbf16, #tpu.memory_space<vmem>>) target(%dma_start3A_236 : memref<48000x32xbf16, #tpu.memory_space<vmem_shared>>) offsets(%dma_start3A_233 : memref<125xi32, #tpu.memory_space<vmem>>) semaphore(%run_scoped3A_227 : memref<!tpu.dma_semaphore, #tpu.memory_space<semaphore_mem>>) {add = true}
      %dma_wait3A_237 = arith.constant 375 : i32
      %dma_wait3A_238 = arith.constant 0 : i32
      %dma_wait3A_239 = tpu.memref_slice %arg12[%dma_wait3A_237, %dma_wait3A_238] : memref<750x32xbf16, #tpu.memory_space<vmem>> -> memref<125x32xbf16, #tpu.memory_space<vmem>>
      %dma_wait3A_240 = arith.constant 0 : i32
      %dma_wait3A_241 = tpu.memref_slice %arg10[%run_scoped3A_216, %dma_wait3A_240] : memref<6x125xi32, #tpu.memory_space<vmem>> -> memref<1x125xi32, #tpu.memory_space<vmem>>
      %dma_wait3A_242 = tpu.memref_squeeze %dma_wait3A_241 : memref<1x125xi32, #tpu.memory_space<vmem>> -> memref<125xi32, #tpu.memory_space<vmem>>
      %dma_wait3A_243 = arith.constant 0 : i32
      %dma_wait3A_244 = arith.constant 0 : i32
      %dma_wait3A_245 = tpu.memref_slice %arg13[%dma_wait3A_243, %dma_wait3A_244] : memref<48000x32xbf16, #tpu.memory_space<vmem_shared>> -> memref<48000x32xbf16, #tpu.memory_space<vmem_shared>>
      tpu.wait_indirect_dma semaphore(%run_scoped3A_227 : memref<!tpu.dma_semaphore, #tpu.memory_space<semaphore_mem>>) src(%dma_wait3A_239 : memref<125x32xbf16, #tpu.memory_space<vmem>>) dst(%dma_wait3A_245 : memref<48000x32xbf16, #tpu.memory_space<vmem_shared>>)
      tpu.yield
    }) : () -> ()
    %run_scoped3A_217 = arith.constant 4 : i32
    "tpu.region"() ({
      %run_scoped3A_227 = tpu.sem_alloc : memref<!tpu.dma_semaphore, #tpu.memory_space<semaphore_mem>>
      %dma_start3A_228 = arith.constant 500 : i32
      %dma_start3A_229 = arith.constant 0 : i32
      %dma_start3A_230 = tpu.memref_slice %arg12[%dma_start3A_228, %dma_start3A_229] : memref<750x32xbf16, #tpu.memory_space<vmem>> -> memref<125x32xbf16, #tpu.memory_space<vmem>>
      %dma_start3A_231 = arith.constant 0 : i32
      %dma_start3A_232 = tpu.memref_slice %arg10[%run_scoped3A_217, %dma_start3A_231] : memref<6x125xi32, #tpu.memory_space<vmem>> -> memref<1x125xi32, #tpu.memory_space<vmem>>
      %dma_start3A_233 = tpu.memref_squeeze %dma_start3A_232 : memref<1x125xi32, #tpu.memory_space<vmem>> -> memref<125xi32, #tpu.memory_space<vmem>>
      %dma_start3A_234 = arith.constant 0 : i32
      %dma_start3A_235 = arith.constant 0 : i32
      %dma_start3A_236 = tpu.memref_slice %arg13[%dma_start3A_234, %dma_start3A_235] : memref<48000x32xbf16, #tpu.memory_space<vmem_shared>> -> memref<48000x32xbf16, #tpu.memory_space<vmem_shared>>
      tpu.enqueue_indirect_dma source(%dma_start3A_230 : memref<125x32xbf16, #tpu.memory_space<vmem>>) target(%dma_start3A_236 : memref<48000x32xbf16, #tpu.memory_space<vmem_shared>>) offsets(%dma_start3A_233 : memref<125xi32, #tpu.memory_space<vmem>>) semaphore(%run_scoped3A_227 : memref<!tpu.dma_semaphore, #tpu.memory_space<semaphore_mem>>) {add = true}
      %dma_wait3A_237 = arith.constant 500 : i32
      %dma_wait3A_238 = arith.constant 0 : i32
      %dma_wait3A_239 = tpu.memref_slice %arg12[%dma_wait3A_237, %dma_wait3A_238] : memref<750x32xbf16, #tpu.memory_space<vmem>> -> memref<125x32xbf16, #tpu.memory_space<vmem>>
      %dma_wait3A_240 = arith.constant 0 : i32
      %dma_wait3A_241 = tpu.memref_slice %arg10[%run_scoped3A_217, %dma_wait3A_240] : memref<6x125xi32, #tpu.memory_space<vmem>> -> memref<1x125xi32, #tpu.memory_space<vmem>>
      %dma_wait3A_242 = tpu.memref_squeeze %dma_wait3A_241 : memref<1x125xi32, #tpu.memory_space<vmem>> -> memref<125xi32, #tpu.memory_space<vmem>>
      %dma_wait3A_243 = arith.constant 0 : i32
      %dma_wait3A_244 = arith.constant 0 : i32
      %dma_wait3A_245 = tpu.memref_slice %arg13[%dma_wait3A_243, %dma_wait3A_244] : memref<48000x32xbf16, #tpu.memory_space<vmem_shared>> -> memref<48000x32xbf16, #tpu.memory_space<vmem_shared>>
      tpu.wait_indirect_dma semaphore(%run_scoped3A_227 : memref<!tpu.dma_semaphore, #tpu.memory_space<semaphore_mem>>) src(%dma_wait3A_239 : memref<125x32xbf16, #tpu.memory_space<vmem>>) dst(%dma_wait3A_245 : memref<48000x32xbf16, #tpu.memory_space<vmem_shared>>)
      tpu.yield
    }) : () -> ()
    %run_scoped3A_218 = arith.constant 5 : i32
    "tpu.region"() ({
      %run_scoped3A_227 = tpu.sem_alloc : memref<!tpu.dma_semaphore, #tpu.memory_space<semaphore_mem>>
      %dma_start3A_228 = arith.constant 625 : i32
      %dma_start3A_229 = arith.constant 0 : i32
      %dma_start3A_230 = tpu.memref_slice %arg12[%dma_start3A_228, %dma_start3A_229] : memref<750x32xbf16, #tpu.memory_space<vmem>> -> memref<125x32xbf16, #tpu.memory_space<vmem>>
      %dma_start3A_231 = arith.constant 0 : i32
      %dma_start3A_232 = tpu.memref_slice %arg10[%run_scoped3A_218, %dma_start3A_231] : memref<6x125xi32, #tpu.memory_space<vmem>> -> memref<1x125xi32, #tpu.memory_space<vmem>>
      %dma_start3A_233 = tpu.memref_squeeze %dma_start3A_232 : memref<1x125xi32, #tpu.memory_space<vmem>> -> memref<125xi32, #tpu.memory_space<vmem>>
      %dma_start3A_234 = arith.constant 0 : i32
      %dma_start3A_235 = arith.constant 0 : i32
      %dma_start3A_236 = tpu.memref_slice %arg13[%dma_start3A_234, %dma_start3A_235] : memref<48000x32xbf16, #tpu.memory_space<vmem_shared>> -> memref<48000x32xbf16, #tpu.memory_space<vmem_shared>>
      tpu.enqueue_indirect_dma source(%dma_start3A_230 : memref<125x32xbf16, #tpu.memory_space<vmem>>) target(%dma_start3A_236 : memref<48000x32xbf16, #tpu.memory_space<vmem_shared>>) offsets(%dma_start3A_233 : memref<125xi32, #tpu.memory_space<vmem>>) semaphore(%run_scoped3A_227 : memref<!tpu.dma_semaphore, #tpu.memory_space<semaphore_mem>>) {add = true}
      %dma_wait3A_237 = arith.constant 625 : i32
      %dma_wait3A_238 = arith.constant 0 : i32
      %dma_wait3A_239 = tpu.memref_slice %arg12[%dma_wait3A_237, %dma_wait3A_238] : memref<750x32xbf16, #tpu.memory_space<vmem>> -> memref<125x32xbf16, #tpu.memory_space<vmem>>
      %dma_wait3A_240 = arith.constant 0 : i32
      %dma_wait3A_241 = tpu.memref_slice %arg10[%run_scoped3A_218, %dma_wait3A_240] : memref<6x125xi32, #tpu.memory_space<vmem>> -> memref<1x125xi32, #tpu.memory_space<vmem>>
      %dma_wait3A_242 = tpu.memref_squeeze %dma_wait3A_241 : memref<1x125xi32, #tpu.memory_space<vmem>> -> memref<125xi32, #tpu.memory_space<vmem>>
      %dma_wait3A_243 = arith.constant 0 : i32
      %dma_wait3A_244 = arith.constant 0 : i32
      %dma_wait3A_245 = tpu.memref_slice %arg13[%dma_wait3A_243, %dma_wait3A_244] : memref<48000x32xbf16, #tpu.memory_space<vmem_shared>> -> memref<48000x32xbf16, #tpu.memory_space<vmem_shared>>
      tpu.wait_indirect_dma semaphore(%run_scoped3A_227 : memref<!tpu.dma_semaphore, #tpu.memory_space<semaphore_mem>>) src(%dma_wait3A_239 : memref<125x32xbf16, #tpu.memory_space<vmem>>) dst(%dma_wait3A_245 : memref<48000x32xbf16, #tpu.memory_space<vmem_shared>>)
      tpu.yield
    }) : () -> ()
    %barrier3A_219 = arith.constant 0 : index
    tpu.barrier barrier_id(%barrier3A_219)
    %mul3A_220 = arith.constant 750 : i32
    %mul3A_221 = arith.muli %arg1, %mul3A_220 : i32
    %mul3A_222 = arith.constant 12000 : i32
    %mul3A_223 = arith.muli %arg0, %mul3A_222 : i32
    %mul3A_224 = arith.constant 750 : i32
    %mul3A_225 = arith.muli %arg1, %mul3A_224 : i32
    %add3A_226 = arith.addi %mul3A_223, %mul3A_225 : i32
    "tpu.region"() ({
      %run_scoped3A_227 = tpu.sem_alloc : memref<!tpu.dma_semaphore, #tpu.memory_space<semaphore_mem>>
      %dma_start3A_228 = arith.constant 0 : i32
      %dma_start3A_229 = tpu.memref_slice %arg7[%add3A_226, %dma_start3A_228] : memref<24000x32xbf16, #tpu.memory_space<hbm>> -> memref<750x32xbf16, #tpu.memory_space<hbm>>
      %dma_start3A_230 = arith.constant 0 : i32
      %dma_start3A_231 = tpu.memref_slice %arg13[%mul3A_221, %dma_start3A_230] : memref<48000x32xbf16, #tpu.memory_space<vmem_shared>> -> memref<750x32xbf16, #tpu.memory_space<vmem_shared>>
      tpu.enqueue_dma source(%dma_start3A_231 : memref<750x32xbf16, #tpu.memory_space<vmem_shared>>) target(%dma_start3A_229 : memref<750x32xbf16, #tpu.memory_space<hbm>>) target_semaphore(%run_scoped3A_227 : memref<!tpu.dma_semaphore, #tpu.memory_space<semaphore_mem>>)
      %dma_wait3A_232 = arith.constant 0 : i32
      %dma_wait3A_233 = tpu.memref_slice %arg7[%add3A_226, %dma_wait3A_232] : memref<24000x32xbf16, #tpu.memory_space<hbm>> -> memref<750x32xbf16, #tpu.memory_space<hbm>>
      %dma_wait3A_234 = arith.constant 0 : i32
      %dma_wait3A_235 = tpu.memref_slice %arg13[%mul3A_221, %dma_wait3A_234] : memref<48000x32xbf16, #tpu.memory_space<vmem_shared>> -> memref<750x32xbf16, #tpu.memory_space<vmem_shared>>
      tpu.wait_dma2 semaphore(%run_scoped3A_227 : memref<!tpu.dma_semaphore, #tpu.memory_space<semaphore_mem>>) src(%dma_wait3A_235 : memref<750x32xbf16, #tpu.memory_space<vmem_shared>>) dst(%dma_wait3A_233 : memref<750x32xbf16, #tpu.memory_space<hbm>>)
      tpu.yield
    }) : () -> ()
    return
  }
}

#map = affine_map<(d0, d1) -> (0, 0)>
#map1 = affine_map<(d0, d1) -> (0, 0, 0)>
module attributes {stable_mosaic.version = 14 : i64} {
  func.func @_sc_agg_body(%arg0: i32, %arg1: i32, %arg2: memref<10000x32xbf16, #tpu.memory_space<hbm>>, %arg3: memref<32x80x125xi32, #tpu.memory_space<hbm>>, %arg4: memref<32x80x125xi32, #tpu.memory_space<hbm>>, %arg5: memref<3000x32xbf16, #tpu.memory_space<hbm>>, %arg6: memref<16x6x125xi32, #tpu.memory_space<hbm>>, %arg7: memref<24000x32xbf16, #tpu.memory_space<hbm>>, %arg8: memref<80x125xi32, #tpu.memory_space<vmem>>, %arg9: memref<80x125xi32, #tpu.memory_space<vmem>>, %arg10: memref<6x125xi32, #tpu.memory_space<vmem>>, %arg11: memref<4x125x32xbf16, #tpu.memory_space<vmem>>, %arg12: memref<750x32xbf16, #tpu.memory_space<vmem>>, %arg13: memref<48000x32xbf16, #tpu.memory_space<vmem_shared>>, %arg14: memref<4x!tpu.dma_semaphore, #tpu.memory_space<semaphore_mem>>, %arg15: memref<4x!tpu.dma_semaphore, #tpu.memory_space<semaphore_mem>>) attributes {dimension_semantics = [#tpu.dimension_semantics<core_parallel>, #tpu.dimension_semantics<subcore_parallel>], iteration_bounds = array<i64: 2, 16>, scalar_prefetch = 0 : i64, scratch_operands = 8 : i64, tpu.core_type = #tpu.core_type<sc_vector_subcore>, window_params = [{transform_indices = #map}, {transform_indices = #map1}, {transform_indices = #map1}, {transform_indices = #map}, {transform_indices = #map1}, {transform_indices = #map}]} {
    %mul3A = arith.constant 2 : i32
    %mul3A_0 = arith.muli %arg1, %mul3A : i32
    %add3A = arith.addi %mul3A_0, %arg0 : i32
    %jit3A = arith.constant 4 : i32
    %div3A = arith.divsi %arg1, %jit3A : i32
    %sign3A = arith.constant 0 : i32
    %sign3A_1 = arith.cmpi sgt, %arg1, %sign3A : i32
    %sign3A_2 = arith.extui %sign3A_1 : i1 to i32
    %sign3A_3 = arith.constant 0 : i32
    %sign3A_4 = arith.cmpi slt, %arg1, %sign3A_3 : i32
    %sign3A_5 = arith.extui %sign3A_4 : i1 to i32
    %sign3A_6 = arith.subi %sign3A_2, %sign3A_5 : i32
    %sign3A_7 = arith.constant 0 : i32
    %sign3A_8 = arith.cmpi sgt, %jit3A, %sign3A_7 : i32
    %sign3A_9 = arith.extui %sign3A_8 : i1 to i32
    %sign3A_10 = arith.constant 0 : i32
    %sign3A_11 = arith.cmpi slt, %jit3A, %sign3A_10 : i32
    %sign3A_12 = arith.extui %sign3A_11 : i1 to i32
    %sign3A_13 = arith.subi %sign3A_9, %sign3A_12 : i32
    %ne3A = arith.cmpi ne, %sign3A_6, %sign3A_13 : i32
    %rem3A = arith.remsi %arg1, %jit3A : i32
    %ne3A_14 = arith.constant 0 : i32
    %ne3A_15 = arith.cmpi ne, %rem3A, %ne3A_14 : i32
    %and3A = arith.andi %ne3A, %ne3A_15 : i1
    %sub3A = arith.constant 1 : i32
    %sub3A_16 = arith.subi %div3A, %sub3A : i32
    %select_n3A = arith.select %and3A, %sub3A_16, %div3A : i32
    %mul3A_17 = arith.constant 12000 : i32
    %mul3A_18 = arith.muli %select_n3A, %mul3A_17 : i32
    %jit3A_19 = arith.constant 4 : i32
    %eq3A = arith.constant 0 : i32
    %eq3A_20 = arith.cmpi eq, %jit3A_19, %eq3A : i32
    %jit3A_21 = arith.constant 1 : i32
    %select_n3A_22 = arith.select %eq3A_20, %jit3A_21, %jit3A_19 : i32
    %rem3A_23 = arith.remsi %arg1, %select_n3A_22 : i32
    %ne3A_24 = arith.constant 0 : i32
    %ne3A_25 = arith.cmpi ne, %rem3A_23, %ne3A_24 : i32
    %lt3A = arith.constant 0 : i32
    %lt3A_26 = arith.cmpi slt, %rem3A_23, %lt3A : i32
    %lt3A_27 = arith.constant 0 : i32
    %lt3A_28 = arith.cmpi slt, %select_n3A_22, %lt3A_27 : i32
    %ne3A_29 = arith.xori %lt3A_26, %lt3A_28 : i1
    %and3A_30 = arith.andi %ne3A_29, %ne3A_25 : i1
    %add3A_31 = arith.addi %rem3A_23, %select_n3A_22 : i32
    %select_n3A_32 = arith.select %and3A_30, %add3A_31, %rem3A_23 : i32
    %mul3A_33 = arith.constant 3000 : i32
    %mul3A_34 = arith.muli %select_n3A_32, %mul3A_33 : i32
    %add3A_35 = arith.addi %mul3A_18, %mul3A_34 : i32
    "tpu.region"() ({
      %run_scoped3A_227 = tpu.sem_alloc : memref<!tpu.dma_semaphore, #tpu.memory_space<semaphore_mem>>
      %dma_start3A_228 = arith.constant 0 : i32
      %dma_start3A_229 = arith.constant 0 : i32
      %dma_start3A_230 = tpu.memref_slice %arg3[%add3A, %dma_start3A_228, %dma_start3A_229] : memref<32x80x125xi32, #tpu.memory_space<hbm>> -> memref<1x80x125xi32, #tpu.memory_space<hbm>>
      %dma_start3A_231 = tpu.memref_squeeze %dma_start3A_230 : memref<1x80x125xi32, #tpu.memory_space<hbm>> -> memref<80x125xi32, #tpu.memory_space<hbm>>
      %dma_start3A_232 = arith.constant 0 : i32
      %dma_start3A_233 = arith.constant 0 : i32
      %dma_start3A_234 = tpu.memref_slice %arg3[%add3A, %dma_start3A_232, %dma_start3A_233] : memref<32x80x125xi32, #tpu.memory_space<hbm>> -> memref<1x80x125xi32, #tpu.memory_space<hbm>>
      %dma_start3A_235 = tpu.memref_squeeze %dma_start3A_234 : memref<1x80x125xi32, #tpu.memory_space<hbm>> -> memref<80x125xi32, #tpu.memory_space<hbm>>
      tpu.enqueue_dma source(%dma_start3A_235 : memref<80x125xi32, #tpu.memory_space<hbm>>) target(%arg8 : memref<80x125xi32, #tpu.memory_space<vmem>>) target_semaphore(%run_scoped3A_227 : memref<!tpu.dma_semaphore, #tpu.memory_space<semaphore_mem>>)
      %dma_wait3A_236 = arith.constant 0 : i32
      %dma_wait3A_237 = arith.constant 0 : i32
      %dma_wait3A_238 = tpu.memref_slice %arg3[%add3A, %dma_wait3A_236, %dma_wait3A_237] : memref<32x80x125xi32, #tpu.memory_space<hbm>> -> memref<1x80x125xi32, #tpu.memory_space<hbm>>
      %dma_wait3A_239 = tpu.memref_squeeze %dma_wait3A_238 : memref<1x80x125xi32, #tpu.memory_space<hbm>> -> memref<80x125xi32, #tpu.memory_space<hbm>>
      %dma_wait3A_240 = arith.constant 0 : i32
      %dma_wait3A_241 = arith.constant 0 : i32
      %dma_wait3A_242 = tpu.memref_slice %arg3[%add3A, %dma_wait3A_240, %dma_wait3A_241] : memref<32x80x125xi32, #tpu.memory_space<hbm>> -> memref<1x80x125xi32, #tpu.memory_space<hbm>>
      %dma_wait3A_243 = tpu.memref_squeeze %dma_wait3A_242 : memref<1x80x125xi32, #tpu.memory_space<hbm>> -> memref<80x125xi32, #tpu.memory_space<hbm>>
      tpu.wait_dma2 semaphore(%run_scoped3A_227 : memref<!tpu.dma_semaphore, #tpu.memory_space<semaphore_mem>>) src(%dma_wait3A_243 : memref<80x125xi32, #tpu.memory_space<hbm>>) dst(%arg8 : memref<80x125xi32, #tpu.memory_space<vmem>>)
      tpu.yield
    }) : () -> ()
    "tpu.region"() ({
      %run_scoped3A_227 = tpu.sem_alloc : memref<!tpu.dma_semaphore, #tpu.memory_space<semaphore_mem>>
      %dma_start3A_228 = arith.constant 0 : i32
      %dma_start3A_229 = arith.constant 0 : i32
      %dma_start3A_230 = tpu.memref_slice %arg4[%add3A, %dma_start3A_228, %dma_start3A_229] : memref<32x80x125xi32, #tpu.memory_space<hbm>> -> memref<1x80x125xi32, #tpu.memory_space<hbm>>
      %dma_start3A_231 = tpu.memref_squeeze %dma_start3A_230 : memref<1x80x125xi32, #tpu.memory_space<hbm>> -> memref<80x125xi32, #tpu.memory_space<hbm>>
      %dma_start3A_232 = arith.constant 0 : i32
      %dma_start3A_233 = arith.constant 0 : i32
      %dma_start3A_234 = tpu.memref_slice %arg4[%add3A, %dma_start3A_232, %dma_start3A_233] : memref<32x80x125xi32, #tpu.memory_space<hbm>> -> memref<1x80x125xi32, #tpu.memory_space<hbm>>
      %dma_start3A_235 = tpu.memref_squeeze %dma_start3A_234 : memref<1x80x125xi32, #tpu.memory_space<hbm>> -> memref<80x125xi32, #tpu.memory_space<hbm>>
      tpu.enqueue_dma source(%dma_start3A_235 : memref<80x125xi32, #tpu.memory_space<hbm>>) target(%arg9 : memref<80x125xi32, #tpu.memory_space<vmem>>) target_semaphore(%run_scoped3A_227 : memref<!tpu.dma_semaphore, #tpu.memory_space<semaphore_mem>>)
      %dma_wait3A_236 = arith.constant 0 : i32
      %dma_wait3A_237 = arith.constant 0 : i32
      %dma_wait3A_238 = tpu.memref_slice %arg4[%add3A, %dma_wait3A_236, %dma_wait3A_237] : memref<32x80x125xi32, #tpu.memory_space<hbm>> -> memref<1x80x125xi32, #tpu.memory_space<hbm>>
      %dma_wait3A_239 = tpu.memref_squeeze %dma_wait3A_238 : memref<1x80x125xi32, #tpu.memory_space<hbm>> -> memref<80x125xi32, #tpu.memory_space<hbm>>
      %dma_wait3A_240 = arith.constant 0 : i32
      %dma_wait3A_241 = arith.constant 0 : i32
      %dma_wait3A_242 = tpu.memref_slice %arg4[%add3A, %dma_wait3A_240, %dma_wait3A_241] : memref<32x80x125xi32, #tpu.memory_space<hbm>> -> memref<1x80x125xi32, #tpu.memory_space<hbm>>
      %dma_wait3A_243 = tpu.memref_squeeze %dma_wait3A_242 : memref<1x80x125xi32, #tpu.memory_space<hbm>> -> memref<80x125xi32, #tpu.memory_space<hbm>>
      tpu.wait_dma2 semaphore(%run_scoped3A_227 : memref<!tpu.dma_semaphore, #tpu.memory_space<semaphore_mem>>) src(%dma_wait3A_243 : memref<80x125xi32, #tpu.memory_space<hbm>>) dst(%arg9 : memref<80x125xi32, #tpu.memory_space<vmem>>)
      tpu.yield
    }) : () -> ()
    "tpu.region"() ({
      %run_scoped3A_227 = tpu.sem_alloc : memref<!tpu.dma_semaphore, #tpu.memory_space<semaphore_mem>>
      %dma_start3A_228 = arith.constant 0 : i32
      %dma_start3A_229 = arith.constant 0 : i32
      %dma_start3A_230 = tpu.memref_slice %arg6[%arg1, %dma_start3A_228, %dma_start3A_229] : memref<16x6x125xi32, #tpu.memory_space<hbm>> -> memref<1x6x125xi32, #tpu.memory_space<hbm>>
      %dma_start3A_231 = tpu.memref_squeeze %dma_start3A_230 : memref<1x6x125xi32, #tpu.memory_space<hbm>> -> memref<6x125xi32, #tpu.memory_space<hbm>>
      %dma_start3A_232 = arith.constant 0 : i32
      %dma_start3A_233 = arith.constant 0 : i32
      %dma_start3A_234 = tpu.memref_slice %arg6[%arg1, %dma_start3A_232, %dma_start3A_233] : memref<16x6x125xi32, #tpu.memory_space<hbm>> -> memref<1x6x125xi32, #tpu.memory_space<hbm>>
      %dma_start3A_235 = tpu.memref_squeeze %dma_start3A_234 : memref<1x6x125xi32, #tpu.memory_space<hbm>> -> memref<6x125xi32, #tpu.memory_space<hbm>>
      tpu.enqueue_dma source(%dma_start3A_235 : memref<6x125xi32, #tpu.memory_space<hbm>>) target(%arg10 : memref<6x125xi32, #tpu.memory_space<vmem>>) target_semaphore(%run_scoped3A_227 : memref<!tpu.dma_semaphore, #tpu.memory_space<semaphore_mem>>)
      %dma_wait3A_236 = arith.constant 0 : i32
      %dma_wait3A_237 = arith.constant 0 : i32
      %dma_wait3A_238 = tpu.memref_slice %arg6[%arg1, %dma_wait3A_236, %dma_wait3A_237] : memref<16x6x125xi32, #tpu.memory_space<hbm>> -> memref<1x6x125xi32, #tpu.memory_space<hbm>>
      %dma_wait3A_239 = tpu.memref_squeeze %dma_wait3A_238 : memref<1x6x125xi32, #tpu.memory_space<hbm>> -> memref<6x125xi32, #tpu.memory_space<hbm>>
      %dma_wait3A_240 = arith.constant 0 : i32
      %dma_wait3A_241 = arith.constant 0 : i32
      %dma_wait3A_242 = tpu.memref_slice %arg6[%arg1, %dma_wait3A_240, %dma_wait3A_241] : memref<16x6x125xi32, #tpu.memory_space<hbm>> -> memref<1x6x125xi32, #tpu.memory_space<hbm>>
      %dma_wait3A_243 = tpu.memref_squeeze %dma_wait3A_242 : memref<1x6x125xi32, #tpu.memory_space<hbm>> -> memref<6x125xi32, #tpu.memory_space<hbm>>
      tpu.wait_dma2 semaphore(%run_scoped3A_227 : memref<!tpu.dma_semaphore, #tpu.memory_space<semaphore_mem>>) src(%dma_wait3A_243 : memref<6x125xi32, #tpu.memory_space<hbm>>) dst(%arg10 : memref<6x125xi32, #tpu.memory_space<vmem>>)
      tpu.yield
    }) : () -> ()
    "tpu.region"() ({
      %run_scoped3A_227 = tpu.sem_alloc : memref<!tpu.dma_semaphore, #tpu.memory_space<semaphore_mem>>
      %dma_start3A_228 = arith.constant 0 : i32
      %dma_start3A_229 = tpu.memref_slice %arg13[%add3A_35, %dma_start3A_228] : memref<48000x32xbf16, #tpu.memory_space<vmem_shared>> -> memref<3000x32xbf16, #tpu.memory_space<vmem_shared>>
      tpu.enqueue_dma source(%arg5 : memref<3000x32xbf16, #tpu.memory_space<hbm>>) target(%dma_start3A_229 : memref<3000x32xbf16, #tpu.memory_space<vmem_shared>>) target_semaphore(%run_scoped3A_227 : memref<!tpu.dma_semaphore, #tpu.memory_space<semaphore_mem>>)
      %dma_wait3A_230 = arith.constant 0 : i32
      %dma_wait3A_231 = tpu.memref_slice %arg13[%add3A_35, %dma_wait3A_230] : memref<48000x32xbf16, #tpu.memory_space<vmem_shared>> -> memref<3000x32xbf16, #tpu.memory_space<vmem_shared>>
      tpu.wait_dma2 semaphore(%run_scoped3A_227 : memref<!tpu.dma_semaphore, #tpu.memory_space<semaphore_mem>>) src(%arg5 : memref<3000x32xbf16, #tpu.memory_space<hbm>>) dst(%dma_wait3A_231 : memref<3000x32xbf16, #tpu.memory_space<vmem_shared>>)
      tpu.yield
    }) : () -> ()
    %barrier3A = arith.constant 0 : index
    tpu.barrier barrier_id(%barrier3A)
    %jit3A_36 = arith.constant 4 : i32
    %div3A_37 = arith.divsi %arg1, %jit3A_36 : i32
    %sign3A_38 = arith.constant 0 : i32
    %sign3A_39 = arith.cmpi sgt, %arg1, %sign3A_38 : i32
    %sign3A_40 = arith.extui %sign3A_39 : i1 to i32
    %sign3A_41 = arith.constant 0 : i32
    %sign3A_42 = arith.cmpi slt, %arg1, %sign3A_41 : i32
    %sign3A_43 = arith.extui %sign3A_42 : i1 to i32
    %sign3A_44 = arith.subi %sign3A_40, %sign3A_43 : i32
    %sign3A_45 = arith.constant 0 : i32
    %sign3A_46 = arith.cmpi sgt, %jit3A_36, %sign3A_45 : i32
    %sign3A_47 = arith.extui %sign3A_46 : i1 to i32
    %sign3A_48 = arith.constant 0 : i32
    %sign3A_49 = arith.cmpi slt, %jit3A_36, %sign3A_48 : i32
    %sign3A_50 = arith.extui %sign3A_49 : i1 to i32
    %sign3A_51 = arith.subi %sign3A_47, %sign3A_50 : i32
    %ne3A_52 = arith.cmpi ne, %sign3A_44, %sign3A_51 : i32
    %rem3A_53 = arith.remsi %arg1, %jit3A_36 : i32
    %ne3A_54 = arith.constant 0 : i32
    %ne3A_55 = arith.cmpi ne, %rem3A_53, %ne3A_54 : i32
    %and3A_56 = arith.andi %ne3A_52, %ne3A_55 : i1
    %sub3A_57 = arith.constant 1 : i32
    %sub3A_58 = arith.subi %div3A_37, %sub3A_57 : i32
    %select_n3A_59 = arith.select %and3A_56, %sub3A_58, %div3A_37 : i32
    %mul3A_60 = arith.constant 12000 : i32
    %mul3A_61 = arith.muli %select_n3A_59, %mul3A_60 : i32
    %dma_start3A = arith.constant 0 : i32
    %dma_start3A_62 = arith.constant 0 : i32
    %dma_start3A_63 = arith.constant 0 : i32
    %dma_start3A_64 = arith.constant 0 : i32
    %dma_start3A_65 = arith.constant 0 : i32
    %dma_start3A_66 = tpu.memref_slice %arg11[%dma_start3A_62, %dma_start3A_64, %dma_start3A_65] : memref<4x125x32xbf16, #tpu.memory_space<vmem>> -> memref<1x125x32xbf16, #tpu.memory_space<vmem>>
    %dma_start3A_67 = tpu.memref_squeeze %dma_start3A_66 : memref<1x125x32xbf16, #tpu.memory_space<vmem>> -> memref<125x32xbf16, #tpu.memory_space<vmem>>
    %dma_start3A_68 = arith.constant 0 : i32
    %dma_start3A_69 = tpu.memref_slice %arg8[%dma_start3A, %dma_start3A_68] : memref<80x125xi32, #tpu.memory_space<vmem>> -> memref<1x125xi32, #tpu.memory_space<vmem>>
    %dma_start3A_70 = tpu.memref_squeeze %dma_start3A_69 : memref<1x125xi32, #tpu.memory_space<vmem>> -> memref<125xi32, #tpu.memory_space<vmem>>
    %dma_start3A_71 = arith.constant 0 : i32
    %dma_start3A_72 = arith.constant 0 : i32
    %dma_start3A_73 = tpu.memref_slice %arg2[%dma_start3A_71, %dma_start3A_72] : memref<10000x32xbf16, #tpu.memory_space<hbm>> -> memref<10000x32xbf16, #tpu.memory_space<hbm>>
    %dma_start3A_74 = tpu.memref_slice %arg14[%dma_start3A_63] : memref<4x!tpu.dma_semaphore, #tpu.memory_space<semaphore_mem>> -> memref<1x!tpu.dma_semaphore, #tpu.memory_space<semaphore_mem>>
    %dma_start3A_75 = tpu.memref_squeeze %dma_start3A_74 : memref<1x!tpu.dma_semaphore, #tpu.memory_space<semaphore_mem>> -> memref<!tpu.dma_semaphore, #tpu.memory_space<semaphore_mem>>
    tpu.enqueue_indirect_dma source(%dma_start3A_73 : memref<10000x32xbf16, #tpu.memory_space<hbm>>) target(%dma_start3A_67 : memref<125x32xbf16, #tpu.memory_space<vmem>>) offsets(%dma_start3A_70 : memref<125xi32, #tpu.memory_space<vmem>>) semaphore(%dma_start3A_75 : memref<!tpu.dma_semaphore, #tpu.memory_space<semaphore_mem>>)
    %dma_start3A_76 = arith.constant 1 : i32
    %dma_start3A_77 = arith.constant 1 : i32
    %dma_start3A_78 = arith.constant 1 : i32
    %dma_start3A_79 = arith.constant 0 : i32
    %dma_start3A_80 = arith.constant 0 : i32
    %dma_start3A_81 = tpu.memref_slice %arg11[%dma_start3A_77, %dma_start3A_79, %dma_start3A_80] : memref<4x125x32xbf16, #tpu.memory_space<vmem>> -> memref<1x125x32xbf16, #tpu.memory_space<vmem>>
    %dma_start3A_82 = tpu.memref_squeeze %dma_start3A_81 : memref<1x125x32xbf16, #tpu.memory_space<vmem>> -> memref<125x32xbf16, #tpu.memory_space<vmem>>
    %dma_start3A_83 = arith.constant 0 : i32
    %dma_start3A_84 = tpu.memref_slice %arg8[%dma_start3A_76, %dma_start3A_83] : memref<80x125xi32, #tpu.memory_space<vmem>> -> memref<1x125xi32, #tpu.memory_space<vmem>>
    %dma_start3A_85 = tpu.memref_squeeze %dma_start3A_84 : memref<1x125xi32, #tpu.memory_space<vmem>> -> memref<125xi32, #tpu.memory_space<vmem>>
    %dma_start3A_86 = arith.constant 0 : i32
    %dma_start3A_87 = arith.constant 0 : i32
    %dma_start3A_88 = tpu.memref_slice %arg2[%dma_start3A_86, %dma_start3A_87] : memref<10000x32xbf16, #tpu.memory_space<hbm>> -> memref<10000x32xbf16, #tpu.memory_space<hbm>>
    %dma_start3A_89 = tpu.memref_slice %arg14[%dma_start3A_78] : memref<4x!tpu.dma_semaphore, #tpu.memory_space<semaphore_mem>> -> memref<1x!tpu.dma_semaphore, #tpu.memory_space<semaphore_mem>>
    %dma_start3A_90 = tpu.memref_squeeze %dma_start3A_89 : memref<1x!tpu.dma_semaphore, #tpu.memory_space<semaphore_mem>> -> memref<!tpu.dma_semaphore, #tpu.memory_space<semaphore_mem>>
    tpu.enqueue_indirect_dma source(%dma_start3A_88 : memref<10000x32xbf16, #tpu.memory_space<hbm>>) target(%dma_start3A_82 : memref<125x32xbf16, #tpu.memory_space<vmem>>) offsets(%dma_start3A_85 : memref<125xi32, #tpu.memory_space<vmem>>) semaphore(%dma_start3A_90 : memref<!tpu.dma_semaphore, #tpu.memory_space<semaphore_mem>>)
    %dma_start3A_91 = arith.constant 2 : i32
    %dma_start3A_92 = arith.constant 2 : i32
    %dma_start3A_93 = arith.constant 2 : i32
    %dma_start3A_94 = arith.constant 0 : i32
    %dma_start3A_95 = arith.constant 0 : i32
    %dma_start3A_96 = tpu.memref_slice %arg11[%dma_start3A_92, %dma_start3A_94, %dma_start3A_95] : memref<4x125x32xbf16, #tpu.memory_space<vmem>> -> memref<1x125x32xbf16, #tpu.memory_space<vmem>>
    %dma_start3A_97 = tpu.memref_squeeze %dma_start3A_96 : memref<1x125x32xbf16, #tpu.memory_space<vmem>> -> memref<125x32xbf16, #tpu.memory_space<vmem>>
    %dma_start3A_98 = arith.constant 0 : i32
    %dma_start3A_99 = tpu.memref_slice %arg8[%dma_start3A_91, %dma_start3A_98] : memref<80x125xi32, #tpu.memory_space<vmem>> -> memref<1x125xi32, #tpu.memory_space<vmem>>
    %dma_start3A_100 = tpu.memref_squeeze %dma_start3A_99 : memref<1x125xi32, #tpu.memory_space<vmem>> -> memref<125xi32, #tpu.memory_space<vmem>>
    %dma_start3A_101 = arith.constant 0 : i32
    %dma_start3A_102 = arith.constant 0 : i32
    %dma_start3A_103 = tpu.memref_slice %arg2[%dma_start3A_101, %dma_start3A_102] : memref<10000x32xbf16, #tpu.memory_space<hbm>> -> memref<10000x32xbf16, #tpu.memory_space<hbm>>
    %dma_start3A_104 = tpu.memref_slice %arg14[%dma_start3A_93] : memref<4x!tpu.dma_semaphore, #tpu.memory_space<semaphore_mem>> -> memref<1x!tpu.dma_semaphore, #tpu.memory_space<semaphore_mem>>
    %dma_start3A_105 = tpu.memref_squeeze %dma_start3A_104 : memref<1x!tpu.dma_semaphore, #tpu.memory_space<semaphore_mem>> -> memref<!tpu.dma_semaphore, #tpu.memory_space<semaphore_mem>>
    tpu.enqueue_indirect_dma source(%dma_start3A_103 : memref<10000x32xbf16, #tpu.memory_space<hbm>>) target(%dma_start3A_97 : memref<125x32xbf16, #tpu.memory_space<vmem>>) offsets(%dma_start3A_100 : memref<125xi32, #tpu.memory_space<vmem>>) semaphore(%dma_start3A_105 : memref<!tpu.dma_semaphore, #tpu.memory_space<semaphore_mem>>)
    %dma_start3A_106 = arith.constant 3 : i32
    %dma_start3A_107 = arith.constant 3 : i32
    %dma_start3A_108 = arith.constant 3 : i32
    %dma_start3A_109 = arith.constant 0 : i32
    %dma_start3A_110 = arith.constant 0 : i32
    %dma_start3A_111 = tpu.memref_slice %arg11[%dma_start3A_107, %dma_start3A_109, %dma_start3A_110] : memref<4x125x32xbf16, #tpu.memory_space<vmem>> -> memref<1x125x32xbf16, #tpu.memory_space<vmem>>
    %dma_start3A_112 = tpu.memref_squeeze %dma_start3A_111 : memref<1x125x32xbf16, #tpu.memory_space<vmem>> -> memref<125x32xbf16, #tpu.memory_space<vmem>>
    %dma_start3A_113 = arith.constant 0 : i32
    %dma_start3A_114 = tpu.memref_slice %arg8[%dma_start3A_106, %dma_start3A_113] : memref<80x125xi32, #tpu.memory_space<vmem>> -> memref<1x125xi32, #tpu.memory_space<vmem>>
    %dma_start3A_115 = tpu.memref_squeeze %dma_start3A_114 : memref<1x125xi32, #tpu.memory_space<vmem>> -> memref<125xi32, #tpu.memory_space<vmem>>
    %dma_start3A_116 = arith.constant 0 : i32
    %dma_start3A_117 = arith.constant 0 : i32
    %dma_start3A_118 = tpu.memref_slice %arg2[%dma_start3A_116, %dma_start3A_117] : memref<10000x32xbf16, #tpu.memory_space<hbm>> -> memref<10000x32xbf16, #tpu.memory_space<hbm>>
    %dma_start3A_119 = tpu.memref_slice %arg14[%dma_start3A_108] : memref<4x!tpu.dma_semaphore, #tpu.memory_space<semaphore_mem>> -> memref<1x!tpu.dma_semaphore, #tpu.memory_space<semaphore_mem>>
    %dma_start3A_120 = tpu.memref_squeeze %dma_start3A_119 : memref<1x!tpu.dma_semaphore, #tpu.memory_space<semaphore_mem>> -> memref<!tpu.dma_semaphore, #tpu.memory_space<semaphore_mem>>
    tpu.enqueue_indirect_dma source(%dma_start3A_118 : memref<10000x32xbf16, #tpu.memory_space<hbm>>) target(%dma_start3A_112 : memref<125x32xbf16, #tpu.memory_space<vmem>>) offsets(%dma_start3A_115 : memref<125xi32, #tpu.memory_space<vmem>>) semaphore(%dma_start3A_120 : memref<!tpu.dma_semaphore, #tpu.memory_space<semaphore_mem>>)
    %scan3A = arith.constant 0 : i32
    %scan3A_121 = arith.constant 0 : i32
    %scan3A_122 = arith.constant 20 : i32
    %scan3A_123 = arith.addi %scan3A_121, %scan3A_122 : i32
    %scan3A_124 = arith.constant 1 : i32
    scf.for %scan3A_227 = %scan3A_121 to %scan3A_123 step %scan3A_124  : i32 {
      %mul3A_228 = arith.constant 4 : i32
      %mul3A_229 = arith.muli %scan3A_227, %mul3A_228 : i32
      %add3A_230 = arith.constant 0 : i32
      %add3A_231 = arith.addi %mul3A_229, %add3A_230 : i32
      %dma_wait3A_232 = arith.constant 0 : i32
      %dma_wait3A_233 = arith.constant 0 : i32
      %dma_wait3A_234 = arith.constant 0 : i32
      %dma_wait3A_235 = arith.constant 0 : i32
      %dma_wait3A_236 = tpu.memref_slice %arg11[%dma_wait3A_232, %dma_wait3A_234, %dma_wait3A_235] : memref<4x125x32xbf16, #tpu.memory_space<vmem>> -> memref<1x125x32xbf16, #tpu.memory_space<vmem>>
      %dma_wait3A_237 = tpu.memref_squeeze %dma_wait3A_236 : memref<1x125x32xbf16, #tpu.memory_space<vmem>> -> memref<125x32xbf16, #tpu.memory_space<vmem>>
      %dma_wait3A_238 = arith.constant 0 : i32
      %dma_wait3A_239 = tpu.memref_slice %arg8[%add3A_231, %dma_wait3A_238] : memref<80x125xi32, #tpu.memory_space<vmem>> -> memref<1x125xi32, #tpu.memory_space<vmem>>
      %dma_wait3A_240 = tpu.memref_squeeze %dma_wait3A_239 : memref<1x125xi32, #tpu.memory_space<vmem>> -> memref<125xi32, #tpu.memory_space<vmem>>
      %dma_wait3A_241 = arith.constant 0 : i32
      %dma_wait3A_242 = arith.constant 0 : i32
      %dma_wait3A_243 = tpu.memref_slice %arg2[%dma_wait3A_241, %dma_wait3A_242] : memref<10000x32xbf16, #tpu.memory_space<hbm>> -> memref<10000x32xbf16, #tpu.memory_space<hbm>>
      %dma_wait3A_244 = tpu.memref_slice %arg14[%dma_wait3A_233] : memref<4x!tpu.dma_semaphore, #tpu.memory_space<semaphore_mem>> -> memref<1x!tpu.dma_semaphore, #tpu.memory_space<semaphore_mem>>
      %dma_wait3A_245 = tpu.memref_squeeze %dma_wait3A_244 : memref<1x!tpu.dma_semaphore, #tpu.memory_space<semaphore_mem>> -> memref<!tpu.dma_semaphore, #tpu.memory_space<semaphore_mem>>
      tpu.wait_indirect_dma semaphore(%dma_wait3A_245 : memref<!tpu.dma_semaphore, #tpu.memory_space<semaphore_mem>>) src(%dma_wait3A_243 : memref<10000x32xbf16, #tpu.memory_space<hbm>>) dst(%dma_wait3A_237 : memref<125x32xbf16, #tpu.memory_space<vmem>>)
      %dma_start3A_246 = arith.constant 0 : i32
      %dma_start3A_247 = arith.constant 0 : i32
      %dma_start3A_248 = arith.constant 0 : i32
      %dma_start3A_249 = arith.constant 0 : i32
      %dma_start3A_250 = tpu.memref_slice %arg11[%dma_start3A_246, %dma_start3A_248, %dma_start3A_249] : memref<4x125x32xbf16, #tpu.memory_space<vmem>> -> memref<1x125x32xbf16, #tpu.memory_space<vmem>>
      %dma_start3A_251 = tpu.memref_squeeze %dma_start3A_250 : memref<1x125x32xbf16, #tpu.memory_space<vmem>> -> memref<125x32xbf16, #tpu.memory_space<vmem>>
      %dma_start3A_252 = arith.constant 0 : i32
      %dma_start3A_253 = tpu.memref_slice %arg9[%add3A_231, %dma_start3A_252] : memref<80x125xi32, #tpu.memory_space<vmem>> -> memref<1x125xi32, #tpu.memory_space<vmem>>
      %dma_start3A_254 = tpu.memref_squeeze %dma_start3A_253 : memref<1x125xi32, #tpu.memory_space<vmem>> -> memref<125xi32, #tpu.memory_space<vmem>>
      %dma_start3A_255 = arith.constant 0 : i32
      %dma_start3A_256 = tpu.memref_slice %arg13[%mul3A_61, %dma_start3A_255] : memref<48000x32xbf16, #tpu.memory_space<vmem_shared>> -> memref<12000x32xbf16, #tpu.memory_space<vmem_shared>>
      %dma_start3A_257 = arith.constant 0 : i32
      %dma_start3A_258 = arith.constant 0 : i32
      %dma_start3A_259 = tpu.memref_slice %dma_start3A_256[%dma_start3A_257, %dma_start3A_258] : memref<12000x32xbf16, #tpu.memory_space<vmem_shared>> -> memref<12000x32xbf16, #tpu.memory_space<vmem_shared>>
      %dma_start3A_260 = tpu.memref_slice %arg15[%dma_start3A_247] : memref<4x!tpu.dma_semaphore, #tpu.memory_space<semaphore_mem>> -> memref<1x!tpu.dma_semaphore, #tpu.memory_space<semaphore_mem>>
      %dma_start3A_261 = tpu.memref_squeeze %dma_start3A_260 : memref<1x!tpu.dma_semaphore, #tpu.memory_space<semaphore_mem>> -> memref<!tpu.dma_semaphore, #tpu.memory_space<semaphore_mem>>
      tpu.enqueue_indirect_dma source(%dma_start3A_251 : memref<125x32xbf16, #tpu.memory_space<vmem>>) target(%dma_start3A_259 : memref<12000x32xbf16, #tpu.memory_space<vmem_shared>>) offsets(%dma_start3A_254 : memref<125xi32, #tpu.memory_space<vmem>>) semaphore(%dma_start3A_261 : memref<!tpu.dma_semaphore, #tpu.memory_space<semaphore_mem>>) {add = true}
      %add3A_262 = arith.constant 1 : i32
      %add3A_263 = arith.addi %mul3A_229, %add3A_262 : i32
      %dma_wait3A_264 = arith.constant 1 : i32
      %dma_wait3A_265 = arith.constant 1 : i32
      %dma_wait3A_266 = arith.constant 0 : i32
      %dma_wait3A_267 = arith.constant 0 : i32
      %dma_wait3A_268 = tpu.memref_slice %arg11[%dma_wait3A_264, %dma_wait3A_266, %dma_wait3A_267] : memref<4x125x32xbf16, #tpu.memory_space<vmem>> -> memref<1x125x32xbf16, #tpu.memory_space<vmem>>
      %dma_wait3A_269 = tpu.memref_squeeze %dma_wait3A_268 : memref<1x125x32xbf16, #tpu.memory_space<vmem>> -> memref<125x32xbf16, #tpu.memory_space<vmem>>
      %dma_wait3A_270 = arith.constant 0 : i32
      %dma_wait3A_271 = tpu.memref_slice %arg8[%add3A_263, %dma_wait3A_270] : memref<80x125xi32, #tpu.memory_space<vmem>> -> memref<1x125xi32, #tpu.memory_space<vmem>>
      %dma_wait3A_272 = tpu.memref_squeeze %dma_wait3A_271 : memref<1x125xi32, #tpu.memory_space<vmem>> -> memref<125xi32, #tpu.memory_space<vmem>>
      %dma_wait3A_273 = arith.constant 0 : i32
      %dma_wait3A_274 = arith.constant 0 : i32
      %dma_wait3A_275 = tpu.memref_slice %arg2[%dma_wait3A_273, %dma_wait3A_274] : memref<10000x32xbf16, #tpu.memory_space<hbm>> -> memref<10000x32xbf16, #tpu.memory_space<hbm>>
      %dma_wait3A_276 = tpu.memref_slice %arg14[%dma_wait3A_265] : memref<4x!tpu.dma_semaphore, #tpu.memory_space<semaphore_mem>> -> memref<1x!tpu.dma_semaphore, #tpu.memory_space<semaphore_mem>>
      %dma_wait3A_277 = tpu.memref_squeeze %dma_wait3A_276 : memref<1x!tpu.dma_semaphore, #tpu.memory_space<semaphore_mem>> -> memref<!tpu.dma_semaphore, #tpu.memory_space<semaphore_mem>>
      tpu.wait_indirect_dma semaphore(%dma_wait3A_277 : memref<!tpu.dma_semaphore, #tpu.memory_space<semaphore_mem>>) src(%dma_wait3A_275 : memref<10000x32xbf16, #tpu.memory_space<hbm>>) dst(%dma_wait3A_269 : memref<125x32xbf16, #tpu.memory_space<vmem>>)
      %dma_start3A_278 = arith.constant 1 : i32
      %dma_start3A_279 = arith.constant 1 : i32
      %dma_start3A_280 = arith.constant 0 : i32
      %dma_start3A_281 = arith.constant 0 : i32
      %dma_start3A_282 = tpu.memref_slice %arg11[%dma_start3A_278, %dma_start3A_280, %dma_start3A_281] : memref<4x125x32xbf16, #tpu.memory_space<vmem>> -> memref<1x125x32xbf16, #tpu.memory_space<vmem>>
      %dma_start3A_283 = tpu.memref_squeeze %dma_start3A_282 : memref<1x125x32xbf16, #tpu.memory_space<vmem>> -> memref<125x32xbf16, #tpu.memory_space<vmem>>
      %dma_start3A_284 = arith.constant 0 : i32
      %dma_start3A_285 = tpu.memref_slice %arg9[%add3A_263, %dma_start3A_284] : memref<80x125xi32, #tpu.memory_space<vmem>> -> memref<1x125xi32, #tpu.memory_space<vmem>>
      %dma_start3A_286 = tpu.memref_squeeze %dma_start3A_285 : memref<1x125xi32, #tpu.memory_space<vmem>> -> memref<125xi32, #tpu.memory_space<vmem>>
      %dma_start3A_287 = arith.constant 0 : i32
      %dma_start3A_288 = tpu.memref_slice %arg13[%mul3A_61, %dma_start3A_287] : memref<48000x32xbf16, #tpu.memory_space<vmem_shared>> -> memref<12000x32xbf16, #tpu.memory_space<vmem_shared>>
      %dma_start3A_289 = arith.constant 0 : i32
      %dma_start3A_290 = arith.constant 0 : i32
      %dma_start3A_291 = tpu.memref_slice %dma_start3A_288[%dma_start3A_289, %dma_start3A_290] : memref<12000x32xbf16, #tpu.memory_space<vmem_shared>> -> memref<12000x32xbf16, #tpu.memory_space<vmem_shared>>
      %dma_start3A_292 = tpu.memref_slice %arg15[%dma_start3A_279] : memref<4x!tpu.dma_semaphore, #tpu.memory_space<semaphore_mem>> -> memref<1x!tpu.dma_semaphore, #tpu.memory_space<semaphore_mem>>
      %dma_start3A_293 = tpu.memref_squeeze %dma_start3A_292 : memref<1x!tpu.dma_semaphore, #tpu.memory_space<semaphore_mem>> -> memref<!tpu.dma_semaphore, #tpu.memory_space<semaphore_mem>>
      tpu.enqueue_indirect_dma source(%dma_start3A_283 : memref<125x32xbf16, #tpu.memory_space<vmem>>) target(%dma_start3A_291 : memref<12000x32xbf16, #tpu.memory_space<vmem_shared>>) offsets(%dma_start3A_286 : memref<125xi32, #tpu.memory_space<vmem>>) semaphore(%dma_start3A_293 : memref<!tpu.dma_semaphore, #tpu.memory_space<semaphore_mem>>) {add = true}
      %add3A_294 = arith.constant 2 : i32
      %add3A_295 = arith.addi %mul3A_229, %add3A_294 : i32
      %dma_wait3A_296 = arith.constant 2 : i32
      %dma_wait3A_297 = arith.constant 2 : i32
      %dma_wait3A_298 = arith.constant 0 : i32
      %dma_wait3A_299 = arith.constant 0 : i32
      %dma_wait3A_300 = tpu.memref_slice %arg11[%dma_wait3A_296, %dma_wait3A_298, %dma_wait3A_299] : memref<4x125x32xbf16, #tpu.memory_space<vmem>> -> memref<1x125x32xbf16, #tpu.memory_space<vmem>>
      %dma_wait3A_301 = tpu.memref_squeeze %dma_wait3A_300 : memref<1x125x32xbf16, #tpu.memory_space<vmem>> -> memref<125x32xbf16, #tpu.memory_space<vmem>>
      %dma_wait3A_302 = arith.constant 0 : i32
      %dma_wait3A_303 = tpu.memref_slice %arg8[%add3A_295, %dma_wait3A_302] : memref<80x125xi32, #tpu.memory_space<vmem>> -> memref<1x125xi32, #tpu.memory_space<vmem>>
      %dma_wait3A_304 = tpu.memref_squeeze %dma_wait3A_303 : memref<1x125xi32, #tpu.memory_space<vmem>> -> memref<125xi32, #tpu.memory_space<vmem>>
      %dma_wait3A_305 = arith.constant 0 : i32
      %dma_wait3A_306 = arith.constant 0 : i32
      %dma_wait3A_307 = tpu.memref_slice %arg2[%dma_wait3A_305, %dma_wait3A_306] : memref<10000x32xbf16, #tpu.memory_space<hbm>> -> memref<10000x32xbf16, #tpu.memory_space<hbm>>
      %dma_wait3A_308 = tpu.memref_slice %arg14[%dma_wait3A_297] : memref<4x!tpu.dma_semaphore, #tpu.memory_space<semaphore_mem>> -> memref<1x!tpu.dma_semaphore, #tpu.memory_space<semaphore_mem>>
      %dma_wait3A_309 = tpu.memref_squeeze %dma_wait3A_308 : memref<1x!tpu.dma_semaphore, #tpu.memory_space<semaphore_mem>> -> memref<!tpu.dma_semaphore, #tpu.memory_space<semaphore_mem>>
      tpu.wait_indirect_dma semaphore(%dma_wait3A_309 : memref<!tpu.dma_semaphore, #tpu.memory_space<semaphore_mem>>) src(%dma_wait3A_307 : memref<10000x32xbf16, #tpu.memory_space<hbm>>) dst(%dma_wait3A_301 : memref<125x32xbf16, #tpu.memory_space<vmem>>)
      %dma_start3A_310 = arith.constant 2 : i32
      %dma_start3A_311 = arith.constant 2 : i32
      %dma_start3A_312 = arith.constant 0 : i32
      %dma_start3A_313 = arith.constant 0 : i32
      %dma_start3A_314 = tpu.memref_slice %arg11[%dma_start3A_310, %dma_start3A_312, %dma_start3A_313] : memref<4x125x32xbf16, #tpu.memory_space<vmem>> -> memref<1x125x32xbf16, #tpu.memory_space<vmem>>
      %dma_start3A_315 = tpu.memref_squeeze %dma_start3A_314 : memref<1x125x32xbf16, #tpu.memory_space<vmem>> -> memref<125x32xbf16, #tpu.memory_space<vmem>>
      %dma_start3A_316 = arith.constant 0 : i32
      %dma_start3A_317 = tpu.memref_slice %arg9[%add3A_295, %dma_start3A_316] : memref<80x125xi32, #tpu.memory_space<vmem>> -> memref<1x125xi32, #tpu.memory_space<vmem>>
      %dma_start3A_318 = tpu.memref_squeeze %dma_start3A_317 : memref<1x125xi32, #tpu.memory_space<vmem>> -> memref<125xi32, #tpu.memory_space<vmem>>
      %dma_start3A_319 = arith.constant 0 : i32
      %dma_start3A_320 = tpu.memref_slice %arg13[%mul3A_61, %dma_start3A_319] : memref<48000x32xbf16, #tpu.memory_space<vmem_shared>> -> memref<12000x32xbf16, #tpu.memory_space<vmem_shared>>
      %dma_start3A_321 = arith.constant 0 : i32
      %dma_start3A_322 = arith.constant 0 : i32
      %dma_start3A_323 = tpu.memref_slice %dma_start3A_320[%dma_start3A_321, %dma_start3A_322] : memref<12000x32xbf16, #tpu.memory_space<vmem_shared>> -> memref<12000x32xbf16, #tpu.memory_space<vmem_shared>>
      %dma_start3A_324 = tpu.memref_slice %arg15[%dma_start3A_311] : memref<4x!tpu.dma_semaphore, #tpu.memory_space<semaphore_mem>> -> memref<1x!tpu.dma_semaphore, #tpu.memory_space<semaphore_mem>>
      %dma_start3A_325 = tpu.memref_squeeze %dma_start3A_324 : memref<1x!tpu.dma_semaphore, #tpu.memory_space<semaphore_mem>> -> memref<!tpu.dma_semaphore, #tpu.memory_space<semaphore_mem>>
      tpu.enqueue_indirect_dma source(%dma_start3A_315 : memref<125x32xbf16, #tpu.memory_space<vmem>>) target(%dma_start3A_323 : memref<12000x32xbf16, #tpu.memory_space<vmem_shared>>) offsets(%dma_start3A_318 : memref<125xi32, #tpu.memory_space<vmem>>) semaphore(%dma_start3A_325 : memref<!tpu.dma_semaphore, #tpu.memory_space<semaphore_mem>>) {add = true}
      %add3A_326 = arith.constant 3 : i32
      %add3A_327 = arith.addi %mul3A_229, %add3A_326 : i32
      %dma_wait3A_328 = arith.constant 3 : i32
      %dma_wait3A_329 = arith.constant 3 : i32
      %dma_wait3A_330 = arith.constant 0 : i32
      %dma_wait3A_331 = arith.constant 0 : i32
      %dma_wait3A_332 = tpu.memref_slice %arg11[%dma_wait3A_328, %dma_wait3A_330, %dma_wait3A_331] : memref<4x125x32xbf16, #tpu.memory_space<vmem>> -> memref<1x125x32xbf16, #tpu.memory_space<vmem>>
      %dma_wait3A_333 = tpu.memref_squeeze %dma_wait3A_332 : memref<1x125x32xbf16, #tpu.memory_space<vmem>> -> memref<125x32xbf16, #tpu.memory_space<vmem>>
      %dma_wait3A_334 = arith.constant 0 : i32
      %dma_wait3A_335 = tpu.memref_slice %arg8[%add3A_327, %dma_wait3A_334] : memref<80x125xi32, #tpu.memory_space<vmem>> -> memref<1x125xi32, #tpu.memory_space<vmem>>
      %dma_wait3A_336 = tpu.memref_squeeze %dma_wait3A_335 : memref<1x125xi32, #tpu.memory_space<vmem>> -> memref<125xi32, #tpu.memory_space<vmem>>
      %dma_wait3A_337 = arith.constant 0 : i32
      %dma_wait3A_338 = arith.constant 0 : i32
      %dma_wait3A_339 = tpu.memref_slice %arg2[%dma_wait3A_337, %dma_wait3A_338] : memref<10000x32xbf16, #tpu.memory_space<hbm>> -> memref<10000x32xbf16, #tpu.memory_space<hbm>>
      %dma_wait3A_340 = tpu.memref_slice %arg14[%dma_wait3A_329] : memref<4x!tpu.dma_semaphore, #tpu.memory_space<semaphore_mem>> -> memref<1x!tpu.dma_semaphore, #tpu.memory_space<semaphore_mem>>
      %dma_wait3A_341 = tpu.memref_squeeze %dma_wait3A_340 : memref<1x!tpu.dma_semaphore, #tpu.memory_space<semaphore_mem>> -> memref<!tpu.dma_semaphore, #tpu.memory_space<semaphore_mem>>
      tpu.wait_indirect_dma semaphore(%dma_wait3A_341 : memref<!tpu.dma_semaphore, #tpu.memory_space<semaphore_mem>>) src(%dma_wait3A_339 : memref<10000x32xbf16, #tpu.memory_space<hbm>>) dst(%dma_wait3A_333 : memref<125x32xbf16, #tpu.memory_space<vmem>>)
      %dma_start3A_342 = arith.constant 3 : i32
      %dma_start3A_343 = arith.constant 3 : i32
      %dma_start3A_344 = arith.constant 0 : i32
      %dma_start3A_345 = arith.constant 0 : i32
      %dma_start3A_346 = tpu.memref_slice %arg11[%dma_start3A_342, %dma_start3A_344, %dma_start3A_345] : memref<4x125x32xbf16, #tpu.memory_space<vmem>> -> memref<1x125x32xbf16, #tpu.memory_space<vmem>>
      %dma_start3A_347 = tpu.memref_squeeze %dma_start3A_346 : memref<1x125x32xbf16, #tpu.memory_space<vmem>> -> memref<125x32xbf16, #tpu.memory_space<vmem>>
      %dma_start3A_348 = arith.constant 0 : i32
      %dma_start3A_349 = tpu.memref_slice %arg9[%add3A_327, %dma_start3A_348] : memref<80x125xi32, #tpu.memory_space<vmem>> -> memref<1x125xi32, #tpu.memory_space<vmem>>
      %dma_start3A_350 = tpu.memref_squeeze %dma_start3A_349 : memref<1x125xi32, #tpu.memory_space<vmem>> -> memref<125xi32, #tpu.memory_space<vmem>>
      %dma_start3A_351 = arith.constant 0 : i32
      %dma_start3A_352 = tpu.memref_slice %arg13[%mul3A_61, %dma_start3A_351] : memref<48000x32xbf16, #tpu.memory_space<vmem_shared>> -> memref<12000x32xbf16, #tpu.memory_space<vmem_shared>>
      %dma_start3A_353 = arith.constant 0 : i32
      %dma_start3A_354 = arith.constant 0 : i32
      %dma_start3A_355 = tpu.memref_slice %dma_start3A_352[%dma_start3A_353, %dma_start3A_354] : memref<12000x32xbf16, #tpu.memory_space<vmem_shared>> -> memref<12000x32xbf16, #tpu.memory_space<vmem_shared>>
      %dma_start3A_356 = tpu.memref_slice %arg15[%dma_start3A_343] : memref<4x!tpu.dma_semaphore, #tpu.memory_space<semaphore_mem>> -> memref<1x!tpu.dma_semaphore, #tpu.memory_space<semaphore_mem>>
      %dma_start3A_357 = tpu.memref_squeeze %dma_start3A_356 : memref<1x!tpu.dma_semaphore, #tpu.memory_space<semaphore_mem>> -> memref<!tpu.dma_semaphore, #tpu.memory_space<semaphore_mem>>
      tpu.enqueue_indirect_dma source(%dma_start3A_347 : memref<125x32xbf16, #tpu.memory_space<vmem>>) target(%dma_start3A_355 : memref<12000x32xbf16, #tpu.memory_space<vmem_shared>>) offsets(%dma_start3A_350 : memref<125xi32, #tpu.memory_space<vmem>>) semaphore(%dma_start3A_357 : memref<!tpu.dma_semaphore, #tpu.memory_space<semaphore_mem>>) {add = true}
      %add3A_358 = arith.constant 0 : i32
      %add3A_359 = arith.addi %mul3A_229, %add3A_358 : i32
      %add3A_360 = arith.constant 4 : i32
      %add3A_361 = arith.addi %add3A_359, %add3A_360 : i32
      %lt3A_362 = arith.constant 80 : i32
      %lt3A_363 = arith.cmpi slt, %add3A_361, %lt3A_362 : i32
      %convert_element_type3A = arith.extui %lt3A_363 : i1 to i32
      %cond3A = arith.constant 0 : i32
      %cond3A_364 = arith.cmpi ne, %convert_element_type3A, %cond3A : i32
      scf.if %cond3A_364 {
        %dma_wait3A_392 = arith.constant 0 : i32
        %dma_wait3A_393 = arith.constant 0 : i32
        %dma_wait3A_394 = arith.constant 0 : i32
        %dma_wait3A_395 = arith.constant 0 : i32
        %dma_wait3A_396 = tpu.memref_slice %arg11[%dma_wait3A_392, %dma_wait3A_394, %dma_wait3A_395] : memref<4x125x32xbf16, #tpu.memory_space<vmem>> -> memref<1x125x32xbf16, #tpu.memory_space<vmem>>
        %dma_wait3A_397 = tpu.memref_squeeze %dma_wait3A_396 : memref<1x125x32xbf16, #tpu.memory_space<vmem>> -> memref<125x32xbf16, #tpu.memory_space<vmem>>
        %dma_wait3A_398 = arith.constant 0 : i32
        %dma_wait3A_399 = tpu.memref_slice %arg9[%add3A_359, %dma_wait3A_398] : memref<80x125xi32, #tpu.memory_space<vmem>> -> memref<1x125xi32, #tpu.memory_space<vmem>>
        %dma_wait3A_400 = tpu.memref_squeeze %dma_wait3A_399 : memref<1x125xi32, #tpu.memory_space<vmem>> -> memref<125xi32, #tpu.memory_space<vmem>>
        %dma_wait3A_401 = arith.constant 0 : i32
        %dma_wait3A_402 = tpu.memref_slice %arg13[%mul3A_61, %dma_wait3A_401] : memref<48000x32xbf16, #tpu.memory_space<vmem_shared>> -> memref<12000x32xbf16, #tpu.memory_space<vmem_shared>>
        %dma_wait3A_403 = arith.constant 0 : i32
        %dma_wait3A_404 = arith.constant 0 : i32
        %dma_wait3A_405 = tpu.memref_slice %dma_wait3A_402[%dma_wait3A_403, %dma_wait3A_404] : memref<12000x32xbf16, #tpu.memory_space<vmem_shared>> -> memref<12000x32xbf16, #tpu.memory_space<vmem_shared>>
        %dma_wait3A_406 = tpu.memref_slice %arg15[%dma_wait3A_393] : memref<4x!tpu.dma_semaphore, #tpu.memory_space<semaphore_mem>> -> memref<1x!tpu.dma_semaphore, #tpu.memory_space<semaphore_mem>>
        %dma_wait3A_407 = tpu.memref_squeeze %dma_wait3A_406 : memref<1x!tpu.dma_semaphore, #tpu.memory_space<semaphore_mem>> -> memref<!tpu.dma_semaphore, #tpu.memory_space<semaphore_mem>>
        tpu.wait_indirect_dma semaphore(%dma_wait3A_407 : memref<!tpu.dma_semaphore, #tpu.memory_space<semaphore_mem>>) src(%dma_wait3A_397 : memref<125x32xbf16, #tpu.memory_space<vmem>>) dst(%dma_wait3A_405 : memref<12000x32xbf16, #tpu.memory_space<vmem_shared>>)
        %add3A_408 = arith.constant 4 : i32
        %add3A_409 = arith.addi %add3A_359, %add3A_408 : i32
        %dma_start3A_410 = arith.constant 0 : i32
        %dma_start3A_411 = arith.constant 0 : i32
        %dma_start3A_412 = arith.constant 0 : i32
        %dma_start3A_413 = arith.constant 0 : i32
        %dma_start3A_414 = tpu.memref_slice %arg11[%dma_start3A_410, %dma_start3A_412, %dma_start3A_413] : memref<4x125x32xbf16, #tpu.memory_space<vmem>> -> memref<1x125x32xbf16, #tpu.memory_space<vmem>>
        %dma_start3A_415 = tpu.memref_squeeze %dma_start3A_414 : memref<1x125x32xbf16, #tpu.memory_space<vmem>> -> memref<125x32xbf16, #tpu.memory_space<vmem>>
        %dma_start3A_416 = arith.constant 0 : i32
        %dma_start3A_417 = tpu.memref_slice %arg8[%add3A_409, %dma_start3A_416] : memref<80x125xi32, #tpu.memory_space<vmem>> -> memref<1x125xi32, #tpu.memory_space<vmem>>
        %dma_start3A_418 = tpu.memref_squeeze %dma_start3A_417 : memref<1x125xi32, #tpu.memory_space<vmem>> -> memref<125xi32, #tpu.memory_space<vmem>>
        %dma_start3A_419 = arith.constant 0 : i32
        %dma_start3A_420 = arith.constant 0 : i32
        %dma_start3A_421 = tpu.memref_slice %arg2[%dma_start3A_419, %dma_start3A_420] : memref<10000x32xbf16, #tpu.memory_space<hbm>> -> memref<10000x32xbf16, #tpu.memory_space<hbm>>
        %dma_start3A_422 = tpu.memref_slice %arg14[%dma_start3A_411] : memref<4x!tpu.dma_semaphore, #tpu.memory_space<semaphore_mem>> -> memref<1x!tpu.dma_semaphore, #tpu.memory_space<semaphore_mem>>
        %dma_start3A_423 = tpu.memref_squeeze %dma_start3A_422 : memref<1x!tpu.dma_semaphore, #tpu.memory_space<semaphore_mem>> -> memref<!tpu.dma_semaphore, #tpu.memory_space<semaphore_mem>>
        tpu.enqueue_indirect_dma source(%dma_start3A_421 : memref<10000x32xbf16, #tpu.memory_space<hbm>>) target(%dma_start3A_415 : memref<125x32xbf16, #tpu.memory_space<vmem>>) offsets(%dma_start3A_418 : memref<125xi32, #tpu.memory_space<vmem>>) semaphore(%dma_start3A_423 : memref<!tpu.dma_semaphore, #tpu.memory_space<semaphore_mem>>)
      } else {
      }
      %add3A_365 = arith.constant 1 : i32
      %add3A_366 = arith.addi %mul3A_229, %add3A_365 : i32
      %add3A_367 = arith.constant 4 : i32
      %add3A_368 = arith.addi %add3A_366, %add3A_367 : i32
      %lt3A_369 = arith.constant 80 : i32
      %lt3A_370 = arith.cmpi slt, %add3A_368, %lt3A_369 : i32
      %convert_element_type3A_371 = arith.extui %lt3A_370 : i1 to i32
      %cond3A_372 = arith.constant 0 : i32
      %cond3A_373 = arith.cmpi ne, %convert_element_type3A_371, %cond3A_372 : i32
      scf.if %cond3A_373 {
        %dma_wait3A_392 = arith.constant 1 : i32
        %dma_wait3A_393 = arith.constant 1 : i32
        %dma_wait3A_394 = arith.constant 0 : i32
        %dma_wait3A_395 = arith.constant 0 : i32
        %dma_wait3A_396 = tpu.memref_slice %arg11[%dma_wait3A_392, %dma_wait3A_394, %dma_wait3A_395] : memref<4x125x32xbf16, #tpu.memory_space<vmem>> -> memref<1x125x32xbf16, #tpu.memory_space<vmem>>
        %dma_wait3A_397 = tpu.memref_squeeze %dma_wait3A_396 : memref<1x125x32xbf16, #tpu.memory_space<vmem>> -> memref<125x32xbf16, #tpu.memory_space<vmem>>
        %dma_wait3A_398 = arith.constant 0 : i32
        %dma_wait3A_399 = tpu.memref_slice %arg9[%add3A_366, %dma_wait3A_398] : memref<80x125xi32, #tpu.memory_space<vmem>> -> memref<1x125xi32, #tpu.memory_space<vmem>>
        %dma_wait3A_400 = tpu.memref_squeeze %dma_wait3A_399 : memref<1x125xi32, #tpu.memory_space<vmem>> -> memref<125xi32, #tpu.memory_space<vmem>>
        %dma_wait3A_401 = arith.constant 0 : i32
        %dma_wait3A_402 = tpu.memref_slice %arg13[%mul3A_61, %dma_wait3A_401] : memref<48000x32xbf16, #tpu.memory_space<vmem_shared>> -> memref<12000x32xbf16, #tpu.memory_space<vmem_shared>>
        %dma_wait3A_403 = arith.constant 0 : i32
        %dma_wait3A_404 = arith.constant 0 : i32
        %dma_wait3A_405 = tpu.memref_slice %dma_wait3A_402[%dma_wait3A_403, %dma_wait3A_404] : memref<12000x32xbf16, #tpu.memory_space<vmem_shared>> -> memref<12000x32xbf16, #tpu.memory_space<vmem_shared>>
        %dma_wait3A_406 = tpu.memref_slice %arg15[%dma_wait3A_393] : memref<4x!tpu.dma_semaphore, #tpu.memory_space<semaphore_mem>> -> memref<1x!tpu.dma_semaphore, #tpu.memory_space<semaphore_mem>>
        %dma_wait3A_407 = tpu.memref_squeeze %dma_wait3A_406 : memref<1x!tpu.dma_semaphore, #tpu.memory_space<semaphore_mem>> -> memref<!tpu.dma_semaphore, #tpu.memory_space<semaphore_mem>>
        tpu.wait_indirect_dma semaphore(%dma_wait3A_407 : memref<!tpu.dma_semaphore, #tpu.memory_space<semaphore_mem>>) src(%dma_wait3A_397 : memref<125x32xbf16, #tpu.memory_space<vmem>>) dst(%dma_wait3A_405 : memref<12000x32xbf16, #tpu.memory_space<vmem_shared>>)
        %add3A_408 = arith.constant 4 : i32
        %add3A_409 = arith.addi %add3A_366, %add3A_408 : i32
        %dma_start3A_410 = arith.constant 1 : i32
        %dma_start3A_411 = arith.constant 1 : i32
        %dma_start3A_412 = arith.constant 0 : i32
        %dma_start3A_413 = arith.constant 0 : i32
        %dma_start3A_414 = tpu.memref_slice %arg11[%dma_start3A_410, %dma_start3A_412, %dma_start3A_413] : memref<4x125x32xbf16, #tpu.memory_space<vmem>> -> memref<1x125x32xbf16, #tpu.memory_space<vmem>>
        %dma_start3A_415 = tpu.memref_squeeze %dma_start3A_414 : memref<1x125x32xbf16, #tpu.memory_space<vmem>> -> memref<125x32xbf16, #tpu.memory_space<vmem>>
        %dma_start3A_416 = arith.constant 0 : i32
        %dma_start3A_417 = tpu.memref_slice %arg8[%add3A_409, %dma_start3A_416] : memref<80x125xi32, #tpu.memory_space<vmem>> -> memref<1x125xi32, #tpu.memory_space<vmem>>
        %dma_start3A_418 = tpu.memref_squeeze %dma_start3A_417 : memref<1x125xi32, #tpu.memory_space<vmem>> -> memref<125xi32, #tpu.memory_space<vmem>>
        %dma_start3A_419 = arith.constant 0 : i32
        %dma_start3A_420 = arith.constant 0 : i32
        %dma_start3A_421 = tpu.memref_slice %arg2[%dma_start3A_419, %dma_start3A_420] : memref<10000x32xbf16, #tpu.memory_space<hbm>> -> memref<10000x32xbf16, #tpu.memory_space<hbm>>
        %dma_start3A_422 = tpu.memref_slice %arg14[%dma_start3A_411] : memref<4x!tpu.dma_semaphore, #tpu.memory_space<semaphore_mem>> -> memref<1x!tpu.dma_semaphore, #tpu.memory_space<semaphore_mem>>
        %dma_start3A_423 = tpu.memref_squeeze %dma_start3A_422 : memref<1x!tpu.dma_semaphore, #tpu.memory_space<semaphore_mem>> -> memref<!tpu.dma_semaphore, #tpu.memory_space<semaphore_mem>>
        tpu.enqueue_indirect_dma source(%dma_start3A_421 : memref<10000x32xbf16, #tpu.memory_space<hbm>>) target(%dma_start3A_415 : memref<125x32xbf16, #tpu.memory_space<vmem>>) offsets(%dma_start3A_418 : memref<125xi32, #tpu.memory_space<vmem>>) semaphore(%dma_start3A_423 : memref<!tpu.dma_semaphore, #tpu.memory_space<semaphore_mem>>)
      } else {
      }
      %add3A_374 = arith.constant 2 : i32
      %add3A_375 = arith.addi %mul3A_229, %add3A_374 : i32
      %add3A_376 = arith.constant 4 : i32
      %add3A_377 = arith.addi %add3A_375, %add3A_376 : i32
      %lt3A_378 = arith.constant 80 : i32
      %lt3A_379 = arith.cmpi slt, %add3A_377, %lt3A_378 : i32
      %convert_element_type3A_380 = arith.extui %lt3A_379 : i1 to i32
      %cond3A_381 = arith.constant 0 : i32
      %cond3A_382 = arith.cmpi ne, %convert_element_type3A_380, %cond3A_381 : i32
      scf.if %cond3A_382 {
        %dma_wait3A_392 = arith.constant 2 : i32
        %dma_wait3A_393 = arith.constant 2 : i32
        %dma_wait3A_394 = arith.constant 0 : i32
        %dma_wait3A_395 = arith.constant 0 : i32
        %dma_wait3A_396 = tpu.memref_slice %arg11[%dma_wait3A_392, %dma_wait3A_394, %dma_wait3A_395] : memref<4x125x32xbf16, #tpu.memory_space<vmem>> -> memref<1x125x32xbf16, #tpu.memory_space<vmem>>
        %dma_wait3A_397 = tpu.memref_squeeze %dma_wait3A_396 : memref<1x125x32xbf16, #tpu.memory_space<vmem>> -> memref<125x32xbf16, #tpu.memory_space<vmem>>
        %dma_wait3A_398 = arith.constant 0 : i32
        %dma_wait3A_399 = tpu.memref_slice %arg9[%add3A_375, %dma_wait3A_398] : memref<80x125xi32, #tpu.memory_space<vmem>> -> memref<1x125xi32, #tpu.memory_space<vmem>>
        %dma_wait3A_400 = tpu.memref_squeeze %dma_wait3A_399 : memref<1x125xi32, #tpu.memory_space<vmem>> -> memref<125xi32, #tpu.memory_space<vmem>>
        %dma_wait3A_401 = arith.constant 0 : i32
        %dma_wait3A_402 = tpu.memref_slice %arg13[%mul3A_61, %dma_wait3A_401] : memref<48000x32xbf16, #tpu.memory_space<vmem_shared>> -> memref<12000x32xbf16, #tpu.memory_space<vmem_shared>>
        %dma_wait3A_403 = arith.constant 0 : i32
        %dma_wait3A_404 = arith.constant 0 : i32
        %dma_wait3A_405 = tpu.memref_slice %dma_wait3A_402[%dma_wait3A_403, %dma_wait3A_404] : memref<12000x32xbf16, #tpu.memory_space<vmem_shared>> -> memref<12000x32xbf16, #tpu.memory_space<vmem_shared>>
        %dma_wait3A_406 = tpu.memref_slice %arg15[%dma_wait3A_393] : memref<4x!tpu.dma_semaphore, #tpu.memory_space<semaphore_mem>> -> memref<1x!tpu.dma_semaphore, #tpu.memory_space<semaphore_mem>>
        %dma_wait3A_407 = tpu.memref_squeeze %dma_wait3A_406 : memref<1x!tpu.dma_semaphore, #tpu.memory_space<semaphore_mem>> -> memref<!tpu.dma_semaphore, #tpu.memory_space<semaphore_mem>>
        tpu.wait_indirect_dma semaphore(%dma_wait3A_407 : memref<!tpu.dma_semaphore, #tpu.memory_space<semaphore_mem>>) src(%dma_wait3A_397 : memref<125x32xbf16, #tpu.memory_space<vmem>>) dst(%dma_wait3A_405 : memref<12000x32xbf16, #tpu.memory_space<vmem_shared>>)
        %add3A_408 = arith.constant 4 : i32
        %add3A_409 = arith.addi %add3A_375, %add3A_408 : i32
        %dma_start3A_410 = arith.constant 2 : i32
        %dma_start3A_411 = arith.constant 2 : i32
        %dma_start3A_412 = arith.constant 0 : i32
        %dma_start3A_413 = arith.constant 0 : i32
        %dma_start3A_414 = tpu.memref_slice %arg11[%dma_start3A_410, %dma_start3A_412, %dma_start3A_413] : memref<4x125x32xbf16, #tpu.memory_space<vmem>> -> memref<1x125x32xbf16, #tpu.memory_space<vmem>>
        %dma_start3A_415 = tpu.memref_squeeze %dma_start3A_414 : memref<1x125x32xbf16, #tpu.memory_space<vmem>> -> memref<125x32xbf16, #tpu.memory_space<vmem>>
        %dma_start3A_416 = arith.constant 0 : i32
        %dma_start3A_417 = tpu.memref_slice %arg8[%add3A_409, %dma_start3A_416] : memref<80x125xi32, #tpu.memory_space<vmem>> -> memref<1x125xi32, #tpu.memory_space<vmem>>
        %dma_start3A_418 = tpu.memref_squeeze %dma_start3A_417 : memref<1x125xi32, #tpu.memory_space<vmem>> -> memref<125xi32, #tpu.memory_space<vmem>>
        %dma_start3A_419 = arith.constant 0 : i32
        %dma_start3A_420 = arith.constant 0 : i32
        %dma_start3A_421 = tpu.memref_slice %arg2[%dma_start3A_419, %dma_start3A_420] : memref<10000x32xbf16, #tpu.memory_space<hbm>> -> memref<10000x32xbf16, #tpu.memory_space<hbm>>
        %dma_start3A_422 = tpu.memref_slice %arg14[%dma_start3A_411] : memref<4x!tpu.dma_semaphore, #tpu.memory_space<semaphore_mem>> -> memref<1x!tpu.dma_semaphore, #tpu.memory_space<semaphore_mem>>
        %dma_start3A_423 = tpu.memref_squeeze %dma_start3A_422 : memref<1x!tpu.dma_semaphore, #tpu.memory_space<semaphore_mem>> -> memref<!tpu.dma_semaphore, #tpu.memory_space<semaphore_mem>>
        tpu.enqueue_indirect_dma source(%dma_start3A_421 : memref<10000x32xbf16, #tpu.memory_space<hbm>>) target(%dma_start3A_415 : memref<125x32xbf16, #tpu.memory_space<vmem>>) offsets(%dma_start3A_418 : memref<125xi32, #tpu.memory_space<vmem>>) semaphore(%dma_start3A_423 : memref<!tpu.dma_semaphore, #tpu.memory_space<semaphore_mem>>)
      } else {
      }
      %add3A_383 = arith.constant 3 : i32
      %add3A_384 = arith.addi %mul3A_229, %add3A_383 : i32
      %add3A_385 = arith.constant 4 : i32
      %add3A_386 = arith.addi %add3A_384, %add3A_385 : i32
      %lt3A_387 = arith.constant 80 : i32
      %lt3A_388 = arith.cmpi slt, %add3A_386, %lt3A_387 : i32
      %convert_element_type3A_389 = arith.extui %lt3A_388 : i1 to i32
      %cond3A_390 = arith.constant 0 : i32
      %cond3A_391 = arith.cmpi ne, %convert_element_type3A_389, %cond3A_390 : i32
      scf.if %cond3A_391 {
        %dma_wait3A_392 = arith.constant 3 : i32
        %dma_wait3A_393 = arith.constant 3 : i32
        %dma_wait3A_394 = arith.constant 0 : i32
        %dma_wait3A_395 = arith.constant 0 : i32
        %dma_wait3A_396 = tpu.memref_slice %arg11[%dma_wait3A_392, %dma_wait3A_394, %dma_wait3A_395] : memref<4x125x32xbf16, #tpu.memory_space<vmem>> -> memref<1x125x32xbf16, #tpu.memory_space<vmem>>
        %dma_wait3A_397 = tpu.memref_squeeze %dma_wait3A_396 : memref<1x125x32xbf16, #tpu.memory_space<vmem>> -> memref<125x32xbf16, #tpu.memory_space<vmem>>
        %dma_wait3A_398 = arith.constant 0 : i32
        %dma_wait3A_399 = tpu.memref_slice %arg9[%add3A_384, %dma_wait3A_398] : memref<80x125xi32, #tpu.memory_space<vmem>> -> memref<1x125xi32, #tpu.memory_space<vmem>>
        %dma_wait3A_400 = tpu.memref_squeeze %dma_wait3A_399 : memref<1x125xi32, #tpu.memory_space<vmem>> -> memref<125xi32, #tpu.memory_space<vmem>>
        %dma_wait3A_401 = arith.constant 0 : i32
        %dma_wait3A_402 = tpu.memref_slice %arg13[%mul3A_61, %dma_wait3A_401] : memref<48000x32xbf16, #tpu.memory_space<vmem_shared>> -> memref<12000x32xbf16, #tpu.memory_space<vmem_shared>>
        %dma_wait3A_403 = arith.constant 0 : i32
        %dma_wait3A_404 = arith.constant 0 : i32
        %dma_wait3A_405 = tpu.memref_slice %dma_wait3A_402[%dma_wait3A_403, %dma_wait3A_404] : memref<12000x32xbf16, #tpu.memory_space<vmem_shared>> -> memref<12000x32xbf16, #tpu.memory_space<vmem_shared>>
        %dma_wait3A_406 = tpu.memref_slice %arg15[%dma_wait3A_393] : memref<4x!tpu.dma_semaphore, #tpu.memory_space<semaphore_mem>> -> memref<1x!tpu.dma_semaphore, #tpu.memory_space<semaphore_mem>>
        %dma_wait3A_407 = tpu.memref_squeeze %dma_wait3A_406 : memref<1x!tpu.dma_semaphore, #tpu.memory_space<semaphore_mem>> -> memref<!tpu.dma_semaphore, #tpu.memory_space<semaphore_mem>>
        tpu.wait_indirect_dma semaphore(%dma_wait3A_407 : memref<!tpu.dma_semaphore, #tpu.memory_space<semaphore_mem>>) src(%dma_wait3A_397 : memref<125x32xbf16, #tpu.memory_space<vmem>>) dst(%dma_wait3A_405 : memref<12000x32xbf16, #tpu.memory_space<vmem_shared>>)
        %add3A_408 = arith.constant 4 : i32
        %add3A_409 = arith.addi %add3A_384, %add3A_408 : i32
        %dma_start3A_410 = arith.constant 3 : i32
        %dma_start3A_411 = arith.constant 3 : i32
        %dma_start3A_412 = arith.constant 0 : i32
        %dma_start3A_413 = arith.constant 0 : i32
        %dma_start3A_414 = tpu.memref_slice %arg11[%dma_start3A_410, %dma_start3A_412, %dma_start3A_413] : memref<4x125x32xbf16, #tpu.memory_space<vmem>> -> memref<1x125x32xbf16, #tpu.memory_space<vmem>>
        %dma_start3A_415 = tpu.memref_squeeze %dma_start3A_414 : memref<1x125x32xbf16, #tpu.memory_space<vmem>> -> memref<125x32xbf16, #tpu.memory_space<vmem>>
        %dma_start3A_416 = arith.constant 0 : i32
        %dma_start3A_417 = tpu.memref_slice %arg8[%add3A_409, %dma_start3A_416] : memref<80x125xi32, #tpu.memory_space<vmem>> -> memref<1x125xi32, #tpu.memory_space<vmem>>
        %dma_start3A_418 = tpu.memref_squeeze %dma_start3A_417 : memref<1x125xi32, #tpu.memory_space<vmem>> -> memref<125xi32, #tpu.memory_space<vmem>>
        %dma_start3A_419 = arith.constant 0 : i32
        %dma_start3A_420 = arith.constant 0 : i32
        %dma_start3A_421 = tpu.memref_slice %arg2[%dma_start3A_419, %dma_start3A_420] : memref<10000x32xbf16, #tpu.memory_space<hbm>> -> memref<10000x32xbf16, #tpu.memory_space<hbm>>
        %dma_start3A_422 = tpu.memref_slice %arg14[%dma_start3A_411] : memref<4x!tpu.dma_semaphore, #tpu.memory_space<semaphore_mem>> -> memref<1x!tpu.dma_semaphore, #tpu.memory_space<semaphore_mem>>
        %dma_start3A_423 = tpu.memref_squeeze %dma_start3A_422 : memref<1x!tpu.dma_semaphore, #tpu.memory_space<semaphore_mem>> -> memref<!tpu.dma_semaphore, #tpu.memory_space<semaphore_mem>>
        tpu.enqueue_indirect_dma source(%dma_start3A_421 : memref<10000x32xbf16, #tpu.memory_space<hbm>>) target(%dma_start3A_415 : memref<125x32xbf16, #tpu.memory_space<vmem>>) offsets(%dma_start3A_418 : memref<125xi32, #tpu.memory_space<vmem>>) semaphore(%dma_start3A_423 : memref<!tpu.dma_semaphore, #tpu.memory_space<semaphore_mem>>)
      } else {
      }
    }
    %scan3A_125 = arith.constant 20 : i32
    %dma_wait3A = arith.constant 0 : i32
    %dma_wait3A_126 = arith.constant 76 : i32
    %dma_wait3A_127 = arith.constant 0 : i32
    %dma_wait3A_128 = arith.constant 0 : i32
    %dma_wait3A_129 = arith.constant 0 : i32
    %dma_wait3A_130 = tpu.memref_slice %arg11[%dma_wait3A, %dma_wait3A_128, %dma_wait3A_129] : memref<4x125x32xbf16, #tpu.memory_space<vmem>> -> memref<1x125x32xbf16, #tpu.memory_space<vmem>>
    %dma_wait3A_131 = tpu.memref_squeeze %dma_wait3A_130 : memref<1x125x32xbf16, #tpu.memory_space<vmem>> -> memref<125x32xbf16, #tpu.memory_space<vmem>>
    %dma_wait3A_132 = arith.constant 0 : i32
    %dma_wait3A_133 = tpu.memref_slice %arg9[%dma_wait3A_126, %dma_wait3A_132] : memref<80x125xi32, #tpu.memory_space<vmem>> -> memref<1x125xi32, #tpu.memory_space<vmem>>
    %dma_wait3A_134 = tpu.memref_squeeze %dma_wait3A_133 : memref<1x125xi32, #tpu.memory_space<vmem>> -> memref<125xi32, #tpu.memory_space<vmem>>
    %dma_wait3A_135 = arith.constant 0 : i32
    %dma_wait3A_136 = tpu.memref_slice %arg13[%mul3A_61, %dma_wait3A_135] : memref<48000x32xbf16, #tpu.memory_space<vmem_shared>> -> memref<12000x32xbf16, #tpu.memory_space<vmem_shared>>
    %dma_wait3A_137 = arith.constant 0 : i32
    %dma_wait3A_138 = arith.constant 0 : i32
    %dma_wait3A_139 = tpu.memref_slice %dma_wait3A_136[%dma_wait3A_137, %dma_wait3A_138] : memref<12000x32xbf16, #tpu.memory_space<vmem_shared>> -> memref<12000x32xbf16, #tpu.memory_space<vmem_shared>>
    %dma_wait3A_140 = tpu.memref_slice %arg15[%dma_wait3A_127] : memref<4x!tpu.dma_semaphore, #tpu.memory_space<semaphore_mem>> -> memref<1x!tpu.dma_semaphore, #tpu.memory_space<semaphore_mem>>
    %dma_wait3A_141 = tpu.memref_squeeze %dma_wait3A_140 : memref<1x!tpu.dma_semaphore, #tpu.memory_space<semaphore_mem>> -> memref<!tpu.dma_semaphore, #tpu.memory_space<semaphore_mem>>
    tpu.wait_indirect_dma semaphore(%dma_wait3A_141 : memref<!tpu.dma_semaphore, #tpu.memory_space<semaphore_mem>>) src(%dma_wait3A_131 : memref<125x32xbf16, #tpu.memory_space<vmem>>) dst(%dma_wait3A_139 : memref<12000x32xbf16, #tpu.memory_space<vmem_shared>>)
    %dma_wait3A_142 = arith.constant 1 : i32
    %dma_wait3A_143 = arith.constant 77 : i32
    %dma_wait3A_144 = arith.constant 1 : i32
    %dma_wait3A_145 = arith.constant 0 : i32
    %dma_wait3A_146 = arith.constant 0 : i32
    %dma_wait3A_147 = tpu.memref_slice %arg11[%dma_wait3A_142, %dma_wait3A_145, %dma_wait3A_146] : memref<4x125x32xbf16, #tpu.memory_space<vmem>> -> memref<1x125x32xbf16, #tpu.memory_space<vmem>>
    %dma_wait3A_148 = tpu.memref_squeeze %dma_wait3A_147 : memref<1x125x32xbf16, #tpu.memory_space<vmem>> -> memref<125x32xbf16, #tpu.memory_space<vmem>>
    %dma_wait3A_149 = arith.constant 0 : i32
    %dma_wait3A_150 = tpu.memref_slice %arg9[%dma_wait3A_143, %dma_wait3A_149] : memref<80x125xi32, #tpu.memory_space<vmem>> -> memref<1x125xi32, #tpu.memory_space<vmem>>
    %dma_wait3A_151 = tpu.memref_squeeze %dma_wait3A_150 : memref<1x125xi32, #tpu.memory_space<vmem>> -> memref<125xi32, #tpu.memory_space<vmem>>
    %dma_wait3A_152 = arith.constant 0 : i32
    %dma_wait3A_153 = tpu.memref_slice %arg13[%mul3A_61, %dma_wait3A_152] : memref<48000x32xbf16, #tpu.memory_space<vmem_shared>> -> memref<12000x32xbf16, #tpu.memory_space<vmem_shared>>
    %dma_wait3A_154 = arith.constant 0 : i32
    %dma_wait3A_155 = arith.constant 0 : i32
    %dma_wait3A_156 = tpu.memref_slice %dma_wait3A_153[%dma_wait3A_154, %dma_wait3A_155] : memref<12000x32xbf16, #tpu.memory_space<vmem_shared>> -> memref<12000x32xbf16, #tpu.memory_space<vmem_shared>>
    %dma_wait3A_157 = tpu.memref_slice %arg15[%dma_wait3A_144] : memref<4x!tpu.dma_semaphore, #tpu.memory_space<semaphore_mem>> -> memref<1x!tpu.dma_semaphore, #tpu.memory_space<semaphore_mem>>
    %dma_wait3A_158 = tpu.memref_squeeze %dma_wait3A_157 : memref<1x!tpu.dma_semaphore, #tpu.memory_space<semaphore_mem>> -> memref<!tpu.dma_semaphore, #tpu.memory_space<semaphore_mem>>
    tpu.wait_indirect_dma semaphore(%dma_wait3A_158 : memref<!tpu.dma_semaphore, #tpu.memory_space<semaphore_mem>>) src(%dma_wait3A_148 : memref<125x32xbf16, #tpu.memory_space<vmem>>) dst(%dma_wait3A_156 : memref<12000x32xbf16, #tpu.memory_space<vmem_shared>>)
    %dma_wait3A_159 = arith.constant 2 : i32
    %dma_wait3A_160 = arith.constant 78 : i32
    %dma_wait3A_161 = arith.constant 2 : i32
    %dma_wait3A_162 = arith.constant 0 : i32
    %dma_wait3A_163 = arith.constant 0 : i32
    %dma_wait3A_164 = tpu.memref_slice %arg11[%dma_wait3A_159, %dma_wait3A_162, %dma_wait3A_163] : memref<4x125x32xbf16, #tpu.memory_space<vmem>> -> memref<1x125x32xbf16, #tpu.memory_space<vmem>>
    %dma_wait3A_165 = tpu.memref_squeeze %dma_wait3A_164 : memref<1x125x32xbf16, #tpu.memory_space<vmem>> -> memref<125x32xbf16, #tpu.memory_space<vmem>>
    %dma_wait3A_166 = arith.constant 0 : i32
    %dma_wait3A_167 = tpu.memref_slice %arg9[%dma_wait3A_160, %dma_wait3A_166] : memref<80x125xi32, #tpu.memory_space<vmem>> -> memref<1x125xi32, #tpu.memory_space<vmem>>
    %dma_wait3A_168 = tpu.memref_squeeze %dma_wait3A_167 : memref<1x125xi32, #tpu.memory_space<vmem>> -> memref<125xi32, #tpu.memory_space<vmem>>
    %dma_wait3A_169 = arith.constant 0 : i32
    %dma_wait3A_170 = tpu.memref_slice %arg13[%mul3A_61, %dma_wait3A_169] : memref<48000x32xbf16, #tpu.memory_space<vmem_shared>> -> memref<12000x32xbf16, #tpu.memory_space<vmem_shared>>
    %dma_wait3A_171 = arith.constant 0 : i32
    %dma_wait3A_172 = arith.constant 0 : i32
    %dma_wait3A_173 = tpu.memref_slice %dma_wait3A_170[%dma_wait3A_171, %dma_wait3A_172] : memref<12000x32xbf16, #tpu.memory_space<vmem_shared>> -> memref<12000x32xbf16, #tpu.memory_space<vmem_shared>>
    %dma_wait3A_174 = tpu.memref_slice %arg15[%dma_wait3A_161] : memref<4x!tpu.dma_semaphore, #tpu.memory_space<semaphore_mem>> -> memref<1x!tpu.dma_semaphore, #tpu.memory_space<semaphore_mem>>
    %dma_wait3A_175 = tpu.memref_squeeze %dma_wait3A_174 : memref<1x!tpu.dma_semaphore, #tpu.memory_space<semaphore_mem>> -> memref<!tpu.dma_semaphore, #tpu.memory_space<semaphore_mem>>
    tpu.wait_indirect_dma semaphore(%dma_wait3A_175 : memref<!tpu.dma_semaphore, #tpu.memory_space<semaphore_mem>>) src(%dma_wait3A_165 : memref<125x32xbf16, #tpu.memory_space<vmem>>) dst(%dma_wait3A_173 : memref<12000x32xbf16, #tpu.memory_space<vmem_shared>>)
    %dma_wait3A_176 = arith.constant 3 : i32
    %dma_wait3A_177 = arith.constant 79 : i32
    %dma_wait3A_178 = arith.constant 3 : i32
    %dma_wait3A_179 = arith.constant 0 : i32
    %dma_wait3A_180 = arith.constant 0 : i32
    %dma_wait3A_181 = tpu.memref_slice %arg11[%dma_wait3A_176, %dma_wait3A_179, %dma_wait3A_180] : memref<4x125x32xbf16, #tpu.memory_space<vmem>> -> memref<1x125x32xbf16, #tpu.memory_space<vmem>>
    %dma_wait3A_182 = tpu.memref_squeeze %dma_wait3A_181 : memref<1x125x32xbf16, #tpu.memory_space<vmem>> -> memref<125x32xbf16, #tpu.memory_space<vmem>>
    %dma_wait3A_183 = arith.constant 0 : i32
    %dma_wait3A_184 = tpu.memref_slice %arg9[%dma_wait3A_177, %dma_wait3A_183] : memref<80x125xi32, #tpu.memory_space<vmem>> -> memref<1x125xi32, #tpu.memory_space<vmem>>
    %dma_wait3A_185 = tpu.memref_squeeze %dma_wait3A_184 : memref<1x125xi32, #tpu.memory_space<vmem>> -> memref<125xi32, #tpu.memory_space<vmem>>
    %dma_wait3A_186 = arith.constant 0 : i32
    %dma_wait3A_187 = tpu.memref_slice %arg13[%mul3A_61, %dma_wait3A_186] : memref<48000x32xbf16, #tpu.memory_space<vmem_shared>> -> memref<12000x32xbf16, #tpu.memory_space<vmem_shared>>
    %dma_wait3A_188 = arith.constant 0 : i32
    %dma_wait3A_189 = arith.constant 0 : i32
    %dma_wait3A_190 = tpu.memref_slice %dma_wait3A_187[%dma_wait3A_188, %dma_wait3A_189] : memref<12000x32xbf16, #tpu.memory_space<vmem_shared>> -> memref<12000x32xbf16, #tpu.memory_space<vmem_shared>>
    %dma_wait3A_191 = tpu.memref_slice %arg15[%dma_wait3A_178] : memref<4x!tpu.dma_semaphore, #tpu.memory_space<semaphore_mem>> -> memref<1x!tpu.dma_semaphore, #tpu.memory_space<semaphore_mem>>
    %dma_wait3A_192 = tpu.memref_squeeze %dma_wait3A_191 : memref<1x!tpu.dma_semaphore, #tpu.memory_space<semaphore_mem>> -> memref<!tpu.dma_semaphore, #tpu.memory_space<semaphore_mem>>
    tpu.wait_indirect_dma semaphore(%dma_wait3A_192 : memref<!tpu.dma_semaphore, #tpu.memory_space<semaphore_mem>>) src(%dma_wait3A_182 : memref<125x32xbf16, #tpu.memory_space<vmem>>) dst(%dma_wait3A_190 : memref<12000x32xbf16, #tpu.memory_space<vmem_shared>>)
    %barrier3A_193 = arith.constant 0 : index
    tpu.barrier barrier_id(%barrier3A_193)
    %mul3A_194 = arith.constant 750 : i32
    %mul3A_195 = arith.muli %arg1, %mul3A_194 : i32
    %add3A_196 = arith.constant 12000 : i32
    %add3A_197 = arith.addi %add3A_196, %mul3A_195 : i32
    "tpu.region"() ({
      %run_scoped3A_227 = tpu.sem_alloc : memref<!tpu.dma_semaphore, #tpu.memory_space<semaphore_mem>>
      %dma_start3A_228 = arith.constant 0 : i32
      %dma_start3A_229 = tpu.memref_slice %arg13[%add3A_197, %dma_start3A_228] : memref<48000x32xbf16, #tpu.memory_space<vmem_shared>> -> memref<750x32xbf16, #tpu.memory_space<vmem_shared>>
      %dma_start3A_230 = arith.constant 0 : i32
      %dma_start3A_231 = tpu.memref_slice %arg13[%add3A_197, %dma_start3A_230] : memref<48000x32xbf16, #tpu.memory_space<vmem_shared>> -> memref<750x32xbf16, #tpu.memory_space<vmem_shared>>
      tpu.enqueue_dma source(%dma_start3A_231 : memref<750x32xbf16, #tpu.memory_space<vmem_shared>>) target(%arg12 : memref<750x32xbf16, #tpu.memory_space<vmem>>) target_semaphore(%run_scoped3A_227 : memref<!tpu.dma_semaphore, #tpu.memory_space<semaphore_mem>>)
      %dma_wait3A_232 = arith.constant 0 : i32
      %dma_wait3A_233 = tpu.memref_slice %arg13[%add3A_197, %dma_wait3A_232] : memref<48000x32xbf16, #tpu.memory_space<vmem_shared>> -> memref<750x32xbf16, #tpu.memory_space<vmem_shared>>
      %dma_wait3A_234 = arith.constant 0 : i32
      %dma_wait3A_235 = tpu.memref_slice %arg13[%add3A_197, %dma_wait3A_234] : memref<48000x32xbf16, #tpu.memory_space<vmem_shared>> -> memref<750x32xbf16, #tpu.memory_space<vmem_shared>>
      tpu.wait_dma2 semaphore(%run_scoped3A_227 : memref<!tpu.dma_semaphore, #tpu.memory_space<semaphore_mem>>) src(%dma_wait3A_235 : memref<750x32xbf16, #tpu.memory_space<vmem_shared>>) dst(%arg12 : memref<750x32xbf16, #tpu.memory_space<vmem>>)
      tpu.yield
    }) : () -> ()
    %run_scoped3A = arith.constant 0 : i32
    "tpu.region"() ({
      %run_scoped3A_227 = tpu.sem_alloc : memref<!tpu.dma_semaphore, #tpu.memory_space<semaphore_mem>>
      %dma_start3A_228 = arith.constant 0 : i32
      %dma_start3A_229 = arith.constant 0 : i32
      %dma_start3A_230 = tpu.memref_slice %arg12[%dma_start3A_228, %dma_start3A_229] : memref<750x32xbf16, #tpu.memory_space<vmem>> -> memref<125x32xbf16, #tpu.memory_space<vmem>>
      %dma_start3A_231 = arith.constant 0 : i32
      %dma_start3A_232 = tpu.memref_slice %arg10[%run_scoped3A, %dma_start3A_231] : memref<6x125xi32, #tpu.memory_space<vmem>> -> memref<1x125xi32, #tpu.memory_space<vmem>>
      %dma_start3A_233 = tpu.memref_squeeze %dma_start3A_232 : memref<1x125xi32, #tpu.memory_space<vmem>> -> memref<125xi32, #tpu.memory_space<vmem>>
      %dma_start3A_234 = arith.constant 0 : i32
      %dma_start3A_235 = arith.constant 0 : i32
      %dma_start3A_236 = tpu.memref_slice %arg13[%dma_start3A_234, %dma_start3A_235] : memref<48000x32xbf16, #tpu.memory_space<vmem_shared>> -> memref<48000x32xbf16, #tpu.memory_space<vmem_shared>>
      tpu.enqueue_indirect_dma source(%dma_start3A_230 : memref<125x32xbf16, #tpu.memory_space<vmem>>) target(%dma_start3A_236 : memref<48000x32xbf16, #tpu.memory_space<vmem_shared>>) offsets(%dma_start3A_233 : memref<125xi32, #tpu.memory_space<vmem>>) semaphore(%run_scoped3A_227 : memref<!tpu.dma_semaphore, #tpu.memory_space<semaphore_mem>>) {add = true}
      %dma_wait3A_237 = arith.constant 0 : i32
      %dma_wait3A_238 = arith.constant 0 : i32
      %dma_wait3A_239 = tpu.memref_slice %arg12[%dma_wait3A_237, %dma_wait3A_238] : memref<750x32xbf16, #tpu.memory_space<vmem>> -> memref<125x32xbf16, #tpu.memory_space<vmem>>
      %dma_wait3A_240 = arith.constant 0 : i32
      %dma_wait3A_241 = tpu.memref_slice %arg10[%run_scoped3A, %dma_wait3A_240] : memref<6x125xi32, #tpu.memory_space<vmem>> -> memref<1x125xi32, #tpu.memory_space<vmem>>
      %dma_wait3A_242 = tpu.memref_squeeze %dma_wait3A_241 : memref<1x125xi32, #tpu.memory_space<vmem>> -> memref<125xi32, #tpu.memory_space<vmem>>
      %dma_wait3A_243 = arith.constant 0 : i32
      %dma_wait3A_244 = arith.constant 0 : i32
      %dma_wait3A_245 = tpu.memref_slice %arg13[%dma_wait3A_243, %dma_wait3A_244] : memref<48000x32xbf16, #tpu.memory_space<vmem_shared>> -> memref<48000x32xbf16, #tpu.memory_space<vmem_shared>>
      tpu.wait_indirect_dma semaphore(%run_scoped3A_227 : memref<!tpu.dma_semaphore, #tpu.memory_space<semaphore_mem>>) src(%dma_wait3A_239 : memref<125x32xbf16, #tpu.memory_space<vmem>>) dst(%dma_wait3A_245 : memref<48000x32xbf16, #tpu.memory_space<vmem_shared>>)
      tpu.yield
    }) : () -> ()
    %run_scoped3A_198 = arith.constant 1 : i32
    "tpu.region"() ({
      %run_scoped3A_227 = tpu.sem_alloc : memref<!tpu.dma_semaphore, #tpu.memory_space<semaphore_mem>>
      %dma_start3A_228 = arith.constant 125 : i32
      %dma_start3A_229 = arith.constant 0 : i32
      %dma_start3A_230 = tpu.memref_slice %arg12[%dma_start3A_228, %dma_start3A_229] : memref<750x32xbf16, #tpu.memory_space<vmem>> -> memref<125x32xbf16, #tpu.memory_space<vmem>>
      %dma_start3A_231 = arith.constant 0 : i32
      %dma_start3A_232 = tpu.memref_slice %arg10[%run_scoped3A_198, %dma_start3A_231] : memref<6x125xi32, #tpu.memory_space<vmem>> -> memref<1x125xi32, #tpu.memory_space<vmem>>
      %dma_start3A_233 = tpu.memref_squeeze %dma_start3A_232 : memref<1x125xi32, #tpu.memory_space<vmem>> -> memref<125xi32, #tpu.memory_space<vmem>>
      %dma_start3A_234 = arith.constant 0 : i32
      %dma_start3A_235 = arith.constant 0 : i32
      %dma_start3A_236 = tpu.memref_slice %arg13[%dma_start3A_234, %dma_start3A_235] : memref<48000x32xbf16, #tpu.memory_space<vmem_shared>> -> memref<48000x32xbf16, #tpu.memory_space<vmem_shared>>
      tpu.enqueue_indirect_dma source(%dma_start3A_230 : memref<125x32xbf16, #tpu.memory_space<vmem>>) target(%dma_start3A_236 : memref<48000x32xbf16, #tpu.memory_space<vmem_shared>>) offsets(%dma_start3A_233 : memref<125xi32, #tpu.memory_space<vmem>>) semaphore(%run_scoped3A_227 : memref<!tpu.dma_semaphore, #tpu.memory_space<semaphore_mem>>) {add = true}
      %dma_wait3A_237 = arith.constant 125 : i32
      %dma_wait3A_238 = arith.constant 0 : i32
      %dma_wait3A_239 = tpu.memref_slice %arg12[%dma_wait3A_237, %dma_wait3A_238] : memref<750x32xbf16, #tpu.memory_space<vmem>> -> memref<125x32xbf16, #tpu.memory_space<vmem>>
      %dma_wait3A_240 = arith.constant 0 : i32
      %dma_wait3A_241 = tpu.memref_slice %arg10[%run_scoped3A_198, %dma_wait3A_240] : memref<6x125xi32, #tpu.memory_space<vmem>> -> memref<1x125xi32, #tpu.memory_space<vmem>>
      %dma_wait3A_242 = tpu.memref_squeeze %dma_wait3A_241 : memref<1x125xi32, #tpu.memory_space<vmem>> -> memref<125xi32, #tpu.memory_space<vmem>>
      %dma_wait3A_243 = arith.constant 0 : i32
      %dma_wait3A_244 = arith.constant 0 : i32
      %dma_wait3A_245 = tpu.memref_slice %arg13[%dma_wait3A_243, %dma_wait3A_244] : memref<48000x32xbf16, #tpu.memory_space<vmem_shared>> -> memref<48000x32xbf16, #tpu.memory_space<vmem_shared>>
      tpu.wait_indirect_dma semaphore(%run_scoped3A_227 : memref<!tpu.dma_semaphore, #tpu.memory_space<semaphore_mem>>) src(%dma_wait3A_239 : memref<125x32xbf16, #tpu.memory_space<vmem>>) dst(%dma_wait3A_245 : memref<48000x32xbf16, #tpu.memory_space<vmem_shared>>)
      tpu.yield
    }) : () -> ()
    %run_scoped3A_199 = arith.constant 2 : i32
    "tpu.region"() ({
      %run_scoped3A_227 = tpu.sem_alloc : memref<!tpu.dma_semaphore, #tpu.memory_space<semaphore_mem>>
      %dma_start3A_228 = arith.constant 250 : i32
      %dma_start3A_229 = arith.constant 0 : i32
      %dma_start3A_230 = tpu.memref_slice %arg12[%dma_start3A_228, %dma_start3A_229] : memref<750x32xbf16, #tpu.memory_space<vmem>> -> memref<125x32xbf16, #tpu.memory_space<vmem>>
      %dma_start3A_231 = arith.constant 0 : i32
      %dma_start3A_232 = tpu.memref_slice %arg10[%run_scoped3A_199, %dma_start3A_231] : memref<6x125xi32, #tpu.memory_space<vmem>> -> memref<1x125xi32, #tpu.memory_space<vmem>>
      %dma_start3A_233 = tpu.memref_squeeze %dma_start3A_232 : memref<1x125xi32, #tpu.memory_space<vmem>> -> memref<125xi32, #tpu.memory_space<vmem>>
      %dma_start3A_234 = arith.constant 0 : i32
      %dma_start3A_235 = arith.constant 0 : i32
      %dma_start3A_236 = tpu.memref_slice %arg13[%dma_start3A_234, %dma_start3A_235] : memref<48000x32xbf16, #tpu.memory_space<vmem_shared>> -> memref<48000x32xbf16, #tpu.memory_space<vmem_shared>>
      tpu.enqueue_indirect_dma source(%dma_start3A_230 : memref<125x32xbf16, #tpu.memory_space<vmem>>) target(%dma_start3A_236 : memref<48000x32xbf16, #tpu.memory_space<vmem_shared>>) offsets(%dma_start3A_233 : memref<125xi32, #tpu.memory_space<vmem>>) semaphore(%run_scoped3A_227 : memref<!tpu.dma_semaphore, #tpu.memory_space<semaphore_mem>>) {add = true}
      %dma_wait3A_237 = arith.constant 250 : i32
      %dma_wait3A_238 = arith.constant 0 : i32
      %dma_wait3A_239 = tpu.memref_slice %arg12[%dma_wait3A_237, %dma_wait3A_238] : memref<750x32xbf16, #tpu.memory_space<vmem>> -> memref<125x32xbf16, #tpu.memory_space<vmem>>
      %dma_wait3A_240 = arith.constant 0 : i32
      %dma_wait3A_241 = tpu.memref_slice %arg10[%run_scoped3A_199, %dma_wait3A_240] : memref<6x125xi32, #tpu.memory_space<vmem>> -> memref<1x125xi32, #tpu.memory_space<vmem>>
      %dma_wait3A_242 = tpu.memref_squeeze %dma_wait3A_241 : memref<1x125xi32, #tpu.memory_space<vmem>> -> memref<125xi32, #tpu.memory_space<vmem>>
      %dma_wait3A_243 = arith.constant 0 : i32
      %dma_wait3A_244 = arith.constant 0 : i32
      %dma_wait3A_245 = tpu.memref_slice %arg13[%dma_wait3A_243, %dma_wait3A_244] : memref<48000x32xbf16, #tpu.memory_space<vmem_shared>> -> memref<48000x32xbf16, #tpu.memory_space<vmem_shared>>
      tpu.wait_indirect_dma semaphore(%run_scoped3A_227 : memref<!tpu.dma_semaphore, #tpu.memory_space<semaphore_mem>>) src(%dma_wait3A_239 : memref<125x32xbf16, #tpu.memory_space<vmem>>) dst(%dma_wait3A_245 : memref<48000x32xbf16, #tpu.memory_space<vmem_shared>>)
      tpu.yield
    }) : () -> ()
    %run_scoped3A_200 = arith.constant 3 : i32
    "tpu.region"() ({
      %run_scoped3A_227 = tpu.sem_alloc : memref<!tpu.dma_semaphore, #tpu.memory_space<semaphore_mem>>
      %dma_start3A_228 = arith.constant 375 : i32
      %dma_start3A_229 = arith.constant 0 : i32
      %dma_start3A_230 = tpu.memref_slice %arg12[%dma_start3A_228, %dma_start3A_229] : memref<750x32xbf16, #tpu.memory_space<vmem>> -> memref<125x32xbf16, #tpu.memory_space<vmem>>
      %dma_start3A_231 = arith.constant 0 : i32
      %dma_start3A_232 = tpu.memref_slice %arg10[%run_scoped3A_200, %dma_start3A_231] : memref<6x125xi32, #tpu.memory_space<vmem>> -> memref<1x125xi32, #tpu.memory_space<vmem>>
      %dma_start3A_233 = tpu.memref_squeeze %dma_start3A_232 : memref<1x125xi32, #tpu.memory_space<vmem>> -> memref<125xi32, #tpu.memory_space<vmem>>
      %dma_start3A_234 = arith.constant 0 : i32
      %dma_start3A_235 = arith.constant 0 : i32
      %dma_start3A_236 = tpu.memref_slice %arg13[%dma_start3A_234, %dma_start3A_235] : memref<48000x32xbf16, #tpu.memory_space<vmem_shared>> -> memref<48000x32xbf16, #tpu.memory_space<vmem_shared>>
      tpu.enqueue_indirect_dma source(%dma_start3A_230 : memref<125x32xbf16, #tpu.memory_space<vmem>>) target(%dma_start3A_236 : memref<48000x32xbf16, #tpu.memory_space<vmem_shared>>) offsets(%dma_start3A_233 : memref<125xi32, #tpu.memory_space<vmem>>) semaphore(%run_scoped3A_227 : memref<!tpu.dma_semaphore, #tpu.memory_space<semaphore_mem>>) {add = true}
      %dma_wait3A_237 = arith.constant 375 : i32
      %dma_wait3A_238 = arith.constant 0 : i32
      %dma_wait3A_239 = tpu.memref_slice %arg12[%dma_wait3A_237, %dma_wait3A_238] : memref<750x32xbf16, #tpu.memory_space<vmem>> -> memref<125x32xbf16, #tpu.memory_space<vmem>>
      %dma_wait3A_240 = arith.constant 0 : i32
      %dma_wait3A_241 = tpu.memref_slice %arg10[%run_scoped3A_200, %dma_wait3A_240] : memref<6x125xi32, #tpu.memory_space<vmem>> -> memref<1x125xi32, #tpu.memory_space<vmem>>
      %dma_wait3A_242 = tpu.memref_squeeze %dma_wait3A_241 : memref<1x125xi32, #tpu.memory_space<vmem>> -> memref<125xi32, #tpu.memory_space<vmem>>
      %dma_wait3A_243 = arith.constant 0 : i32
      %dma_wait3A_244 = arith.constant 0 : i32
      %dma_wait3A_245 = tpu.memref_slice %arg13[%dma_wait3A_243, %dma_wait3A_244] : memref<48000x32xbf16, #tpu.memory_space<vmem_shared>> -> memref<48000x32xbf16, #tpu.memory_space<vmem_shared>>
      tpu.wait_indirect_dma semaphore(%run_scoped3A_227 : memref<!tpu.dma_semaphore, #tpu.memory_space<semaphore_mem>>) src(%dma_wait3A_239 : memref<125x32xbf16, #tpu.memory_space<vmem>>) dst(%dma_wait3A_245 : memref<48000x32xbf16, #tpu.memory_space<vmem_shared>>)
      tpu.yield
    }) : () -> ()
    %run_scoped3A_201 = arith.constant 4 : i32
    "tpu.region"() ({
      %run_scoped3A_227 = tpu.sem_alloc : memref<!tpu.dma_semaphore, #tpu.memory_space<semaphore_mem>>
      %dma_start3A_228 = arith.constant 500 : i32
      %dma_start3A_229 = arith.constant 0 : i32
      %dma_start3A_230 = tpu.memref_slice %arg12[%dma_start3A_228, %dma_start3A_229] : memref<750x32xbf16, #tpu.memory_space<vmem>> -> memref<125x32xbf16, #tpu.memory_space<vmem>>
      %dma_start3A_231 = arith.constant 0 : i32
      %dma_start3A_232 = tpu.memref_slice %arg10[%run_scoped3A_201, %dma_start3A_231] : memref<6x125xi32, #tpu.memory_space<vmem>> -> memref<1x125xi32, #tpu.memory_space<vmem>>
      %dma_start3A_233 = tpu.memref_squeeze %dma_start3A_232 : memref<1x125xi32, #tpu.memory_space<vmem>> -> memref<125xi32, #tpu.memory_space<vmem>>
      %dma_start3A_234 = arith.constant 0 : i32
      %dma_start3A_235 = arith.constant 0 : i32
      %dma_start3A_236 = tpu.memref_slice %arg13[%dma_start3A_234, %dma_start3A_235] : memref<48000x32xbf16, #tpu.memory_space<vmem_shared>> -> memref<48000x32xbf16, #tpu.memory_space<vmem_shared>>
      tpu.enqueue_indirect_dma source(%dma_start3A_230 : memref<125x32xbf16, #tpu.memory_space<vmem>>) target(%dma_start3A_236 : memref<48000x32xbf16, #tpu.memory_space<vmem_shared>>) offsets(%dma_start3A_233 : memref<125xi32, #tpu.memory_space<vmem>>) semaphore(%run_scoped3A_227 : memref<!tpu.dma_semaphore, #tpu.memory_space<semaphore_mem>>) {add = true}
      %dma_wait3A_237 = arith.constant 500 : i32
      %dma_wait3A_238 = arith.constant 0 : i32
      %dma_wait3A_239 = tpu.memref_slice %arg12[%dma_wait3A_237, %dma_wait3A_238] : memref<750x32xbf16, #tpu.memory_space<vmem>> -> memref<125x32xbf16, #tpu.memory_space<vmem>>
      %dma_wait3A_240 = arith.constant 0 : i32
      %dma_wait3A_241 = tpu.memref_slice %arg10[%run_scoped3A_201, %dma_wait3A_240] : memref<6x125xi32, #tpu.memory_space<vmem>> -> memref<1x125xi32, #tpu.memory_space<vmem>>
      %dma_wait3A_242 = tpu.memref_squeeze %dma_wait3A_241 : memref<1x125xi32, #tpu.memory_space<vmem>> -> memref<125xi32, #tpu.memory_space<vmem>>
      %dma_wait3A_243 = arith.constant 0 : i32
      %dma_wait3A_244 = arith.constant 0 : i32
      %dma_wait3A_245 = tpu.memref_slice %arg13[%dma_wait3A_243, %dma_wait3A_244] : memref<48000x32xbf16, #tpu.memory_space<vmem_shared>> -> memref<48000x32xbf16, #tpu.memory_space<vmem_shared>>
      tpu.wait_indirect_dma semaphore(%run_scoped3A_227 : memref<!tpu.dma_semaphore, #tpu.memory_space<semaphore_mem>>) src(%dma_wait3A_239 : memref<125x32xbf16, #tpu.memory_space<vmem>>) dst(%dma_wait3A_245 : memref<48000x32xbf16, #tpu.memory_space<vmem_shared>>)
      tpu.yield
    }) : () -> ()
    %run_scoped3A_202 = arith.constant 5 : i32
    "tpu.region"() ({
      %run_scoped3A_227 = tpu.sem_alloc : memref<!tpu.dma_semaphore, #tpu.memory_space<semaphore_mem>>
      %dma_start3A_228 = arith.constant 625 : i32
      %dma_start3A_229 = arith.constant 0 : i32
      %dma_start3A_230 = tpu.memref_slice %arg12[%dma_start3A_228, %dma_start3A_229] : memref<750x32xbf16, #tpu.memory_space<vmem>> -> memref<125x32xbf16, #tpu.memory_space<vmem>>
      %dma_start3A_231 = arith.constant 0 : i32
      %dma_start3A_232 = tpu.memref_slice %arg10[%run_scoped3A_202, %dma_start3A_231] : memref<6x125xi32, #tpu.memory_space<vmem>> -> memref<1x125xi32, #tpu.memory_space<vmem>>
      %dma_start3A_233 = tpu.memref_squeeze %dma_start3A_232 : memref<1x125xi32, #tpu.memory_space<vmem>> -> memref<125xi32, #tpu.memory_space<vmem>>
      %dma_start3A_234 = arith.constant 0 : i32
      %dma_start3A_235 = arith.constant 0 : i32
      %dma_start3A_236 = tpu.memref_slice %arg13[%dma_start3A_234, %dma_start3A_235] : memref<48000x32xbf16, #tpu.memory_space<vmem_shared>> -> memref<48000x32xbf16, #tpu.memory_space<vmem_shared>>
      tpu.enqueue_indirect_dma source(%dma_start3A_230 : memref<125x32xbf16, #tpu.memory_space<vmem>>) target(%dma_start3A_236 : memref<48000x32xbf16, #tpu.memory_space<vmem_shared>>) offsets(%dma_start3A_233 : memref<125xi32, #tpu.memory_space<vmem>>) semaphore(%run_scoped3A_227 : memref<!tpu.dma_semaphore, #tpu.memory_space<semaphore_mem>>) {add = true}
      %dma_wait3A_237 = arith.constant 625 : i32
      %dma_wait3A_238 = arith.constant 0 : i32
      %dma_wait3A_239 = tpu.memref_slice %arg12[%dma_wait3A_237, %dma_wait3A_238] : memref<750x32xbf16, #tpu.memory_space<vmem>> -> memref<125x32xbf16, #tpu.memory_space<vmem>>
      %dma_wait3A_240 = arith.constant 0 : i32
      %dma_wait3A_241 = tpu.memref_slice %arg10[%run_scoped3A_202, %dma_wait3A_240] : memref<6x125xi32, #tpu.memory_space<vmem>> -> memref<1x125xi32, #tpu.memory_space<vmem>>
      %dma_wait3A_242 = tpu.memref_squeeze %dma_wait3A_241 : memref<1x125xi32, #tpu.memory_space<vmem>> -> memref<125xi32, #tpu.memory_space<vmem>>
      %dma_wait3A_243 = arith.constant 0 : i32
      %dma_wait3A_244 = arith.constant 0 : i32
      %dma_wait3A_245 = tpu.memref_slice %arg13[%dma_wait3A_243, %dma_wait3A_244] : memref<48000x32xbf16, #tpu.memory_space<vmem_shared>> -> memref<48000x32xbf16, #tpu.memory_space<vmem_shared>>
      tpu.wait_indirect_dma semaphore(%run_scoped3A_227 : memref<!tpu.dma_semaphore, #tpu.memory_space<semaphore_mem>>) src(%dma_wait3A_239 : memref<125x32xbf16, #tpu.memory_space<vmem>>) dst(%dma_wait3A_245 : memref<48000x32xbf16, #tpu.memory_space<vmem_shared>>)
      tpu.yield
    }) : () -> ()
    %add3A_203 = arith.constant 24000 : i32
    %add3A_204 = arith.addi %add3A_203, %mul3A_195 : i32
    "tpu.region"() ({
      %run_scoped3A_227 = tpu.sem_alloc : memref<!tpu.dma_semaphore, #tpu.memory_space<semaphore_mem>>
      %dma_start3A_228 = arith.constant 0 : i32
      %dma_start3A_229 = tpu.memref_slice %arg13[%add3A_204, %dma_start3A_228] : memref<48000x32xbf16, #tpu.memory_space<vmem_shared>> -> memref<750x32xbf16, #tpu.memory_space<vmem_shared>>
      %dma_start3A_230 = arith.constant 0 : i32
      %dma_start3A_231 = tpu.memref_slice %arg13[%add3A_204, %dma_start3A_230] : memref<48000x32xbf16, #tpu.memory_space<vmem_shared>> -> memref<750x32xbf16, #tpu.memory_space<vmem_shared>>
      tpu.enqueue_dma source(%dma_start3A_231 : memref<750x32xbf16, #tpu.memory_space<vmem_shared>>) target(%arg12 : memref<750x32xbf16, #tpu.memory_space<vmem>>) target_semaphore(%run_scoped3A_227 : memref<!tpu.dma_semaphore, #tpu.memory_space<semaphore_mem>>)
      %dma_wait3A_232 = arith.constant 0 : i32
      %dma_wait3A_233 = tpu.memref_slice %arg13[%add3A_204, %dma_wait3A_232] : memref<48000x32xbf16, #tpu.memory_space<vmem_shared>> -> memref<750x32xbf16, #tpu.memory_space<vmem_shared>>
      %dma_wait3A_234 = arith.constant 0 : i32
      %dma_wait3A_235 = tpu.memref_slice %arg13[%add3A_204, %dma_wait3A_234] : memref<48000x32xbf16, #tpu.memory_space<vmem_shared>> -> memref<750x32xbf16, #tpu.memory_space<vmem_shared>>
      tpu.wait_dma2 semaphore(%run_scoped3A_227 : memref<!tpu.dma_semaphore, #tpu.memory_space<semaphore_mem>>) src(%dma_wait3A_235 : memref<750x32xbf16, #tpu.memory_space<vmem_shared>>) dst(%arg12 : memref<750x32xbf16, #tpu.memory_space<vmem>>)
      tpu.yield
    }) : () -> ()
    %run_scoped3A_205 = arith.constant 0 : i32
    "tpu.region"() ({
      %run_scoped3A_227 = tpu.sem_alloc : memref<!tpu.dma_semaphore, #tpu.memory_space<semaphore_mem>>
      %dma_start3A_228 = arith.constant 0 : i32
      %dma_start3A_229 = arith.constant 0 : i32
      %dma_start3A_230 = tpu.memref_slice %arg12[%dma_start3A_228, %dma_start3A_229] : memref<750x32xbf16, #tpu.memory_space<vmem>> -> memref<125x32xbf16, #tpu.memory_space<vmem>>
      %dma_start3A_231 = arith.constant 0 : i32
      %dma_start3A_232 = tpu.memref_slice %arg10[%run_scoped3A_205, %dma_start3A_231] : memref<6x125xi32, #tpu.memory_space<vmem>> -> memref<1x125xi32, #tpu.memory_space<vmem>>
      %dma_start3A_233 = tpu.memref_squeeze %dma_start3A_232 : memref<1x125xi32, #tpu.memory_space<vmem>> -> memref<125xi32, #tpu.memory_space<vmem>>
      %dma_start3A_234 = arith.constant 0 : i32
      %dma_start3A_235 = arith.constant 0 : i32
      %dma_start3A_236 = tpu.memref_slice %arg13[%dma_start3A_234, %dma_start3A_235] : memref<48000x32xbf16, #tpu.memory_space<vmem_shared>> -> memref<48000x32xbf16, #tpu.memory_space<vmem_shared>>
      tpu.enqueue_indirect_dma source(%dma_start3A_230 : memref<125x32xbf16, #tpu.memory_space<vmem>>) target(%dma_start3A_236 : memref<48000x32xbf16, #tpu.memory_space<vmem_shared>>) offsets(%dma_start3A_233 : memref<125xi32, #tpu.memory_space<vmem>>) semaphore(%run_scoped3A_227 : memref<!tpu.dma_semaphore, #tpu.memory_space<semaphore_mem>>) {add = true}
      %dma_wait3A_237 = arith.constant 0 : i32
      %dma_wait3A_238 = arith.constant 0 : i32
      %dma_wait3A_239 = tpu.memref_slice %arg12[%dma_wait3A_237, %dma_wait3A_238] : memref<750x32xbf16, #tpu.memory_space<vmem>> -> memref<125x32xbf16, #tpu.memory_space<vmem>>
      %dma_wait3A_240 = arith.constant 0 : i32
      %dma_wait3A_241 = tpu.memref_slice %arg10[%run_scoped3A_205, %dma_wait3A_240] : memref<6x125xi32, #tpu.memory_space<vmem>> -> memref<1x125xi32, #tpu.memory_space<vmem>>
      %dma_wait3A_242 = tpu.memref_squeeze %dma_wait3A_241 : memref<1x125xi32, #tpu.memory_space<vmem>> -> memref<125xi32, #tpu.memory_space<vmem>>
      %dma_wait3A_243 = arith.constant 0 : i32
      %dma_wait3A_244 = arith.constant 0 : i32
      %dma_wait3A_245 = tpu.memref_slice %arg13[%dma_wait3A_243, %dma_wait3A_244] : memref<48000x32xbf16, #tpu.memory_space<vmem_shared>> -> memref<48000x32xbf16, #tpu.memory_space<vmem_shared>>
      tpu.wait_indirect_dma semaphore(%run_scoped3A_227 : memref<!tpu.dma_semaphore, #tpu.memory_space<semaphore_mem>>) src(%dma_wait3A_239 : memref<125x32xbf16, #tpu.memory_space<vmem>>) dst(%dma_wait3A_245 : memref<48000x32xbf16, #tpu.memory_space<vmem_shared>>)
      tpu.yield
    }) : () -> ()
    %run_scoped3A_206 = arith.constant 1 : i32
    "tpu.region"() ({
      %run_scoped3A_227 = tpu.sem_alloc : memref<!tpu.dma_semaphore, #tpu.memory_space<semaphore_mem>>
      %dma_start3A_228 = arith.constant 125 : i32
      %dma_start3A_229 = arith.constant 0 : i32
      %dma_start3A_230 = tpu.memref_slice %arg12[%dma_start3A_228, %dma_start3A_229] : memref<750x32xbf16, #tpu.memory_space<vmem>> -> memref<125x32xbf16, #tpu.memory_space<vmem>>
      %dma_start3A_231 = arith.constant 0 : i32
      %dma_start3A_232 = tpu.memref_slice %arg10[%run_scoped3A_206, %dma_start3A_231] : memref<6x125xi32, #tpu.memory_space<vmem>> -> memref<1x125xi32, #tpu.memory_space<vmem>>
      %dma_start3A_233 = tpu.memref_squeeze %dma_start3A_232 : memref<1x125xi32, #tpu.memory_space<vmem>> -> memref<125xi32, #tpu.memory_space<vmem>>
      %dma_start3A_234 = arith.constant 0 : i32
      %dma_start3A_235 = arith.constant 0 : i32
      %dma_start3A_236 = tpu.memref_slice %arg13[%dma_start3A_234, %dma_start3A_235] : memref<48000x32xbf16, #tpu.memory_space<vmem_shared>> -> memref<48000x32xbf16, #tpu.memory_space<vmem_shared>>
      tpu.enqueue_indirect_dma source(%dma_start3A_230 : memref<125x32xbf16, #tpu.memory_space<vmem>>) target(%dma_start3A_236 : memref<48000x32xbf16, #tpu.memory_space<vmem_shared>>) offsets(%dma_start3A_233 : memref<125xi32, #tpu.memory_space<vmem>>) semaphore(%run_scoped3A_227 : memref<!tpu.dma_semaphore, #tpu.memory_space<semaphore_mem>>) {add = true}
      %dma_wait3A_237 = arith.constant 125 : i32
      %dma_wait3A_238 = arith.constant 0 : i32
      %dma_wait3A_239 = tpu.memref_slice %arg12[%dma_wait3A_237, %dma_wait3A_238] : memref<750x32xbf16, #tpu.memory_space<vmem>> -> memref<125x32xbf16, #tpu.memory_space<vmem>>
      %dma_wait3A_240 = arith.constant 0 : i32
      %dma_wait3A_241 = tpu.memref_slice %arg10[%run_scoped3A_206, %dma_wait3A_240] : memref<6x125xi32, #tpu.memory_space<vmem>> -> memref<1x125xi32, #tpu.memory_space<vmem>>
      %dma_wait3A_242 = tpu.memref_squeeze %dma_wait3A_241 : memref<1x125xi32, #tpu.memory_space<vmem>> -> memref<125xi32, #tpu.memory_space<vmem>>
      %dma_wait3A_243 = arith.constant 0 : i32
      %dma_wait3A_244 = arith.constant 0 : i32
      %dma_wait3A_245 = tpu.memref_slice %arg13[%dma_wait3A_243, %dma_wait3A_244] : memref<48000x32xbf16, #tpu.memory_space<vmem_shared>> -> memref<48000x32xbf16, #tpu.memory_space<vmem_shared>>
      tpu.wait_indirect_dma semaphore(%run_scoped3A_227 : memref<!tpu.dma_semaphore, #tpu.memory_space<semaphore_mem>>) src(%dma_wait3A_239 : memref<125x32xbf16, #tpu.memory_space<vmem>>) dst(%dma_wait3A_245 : memref<48000x32xbf16, #tpu.memory_space<vmem_shared>>)
      tpu.yield
    }) : () -> ()
    %run_scoped3A_207 = arith.constant 2 : i32
    "tpu.region"() ({
      %run_scoped3A_227 = tpu.sem_alloc : memref<!tpu.dma_semaphore, #tpu.memory_space<semaphore_mem>>
      %dma_start3A_228 = arith.constant 250 : i32
      %dma_start3A_229 = arith.constant 0 : i32
      %dma_start3A_230 = tpu.memref_slice %arg12[%dma_start3A_228, %dma_start3A_229] : memref<750x32xbf16, #tpu.memory_space<vmem>> -> memref<125x32xbf16, #tpu.memory_space<vmem>>
      %dma_start3A_231 = arith.constant 0 : i32
      %dma_start3A_232 = tpu.memref_slice %arg10[%run_scoped3A_207, %dma_start3A_231] : memref<6x125xi32, #tpu.memory_space<vmem>> -> memref<1x125xi32, #tpu.memory_space<vmem>>
      %dma_start3A_233 = tpu.memref_squeeze %dma_start3A_232 : memref<1x125xi32, #tpu.memory_space<vmem>> -> memref<125xi32, #tpu.memory_space<vmem>>
      %dma_start3A_234 = arith.constant 0 : i32
      %dma_start3A_235 = arith.constant 0 : i32
      %dma_start3A_236 = tpu.memref_slice %arg13[%dma_start3A_234, %dma_start3A_235] : memref<48000x32xbf16, #tpu.memory_space<vmem_shared>> -> memref<48000x32xbf16, #tpu.memory_space<vmem_shared>>
      tpu.enqueue_indirect_dma source(%dma_start3A_230 : memref<125x32xbf16, #tpu.memory_space<vmem>>) target(%dma_start3A_236 : memref<48000x32xbf16, #tpu.memory_space<vmem_shared>>) offsets(%dma_start3A_233 : memref<125xi32, #tpu.memory_space<vmem>>) semaphore(%run_scoped3A_227 : memref<!tpu.dma_semaphore, #tpu.memory_space<semaphore_mem>>) {add = true}
      %dma_wait3A_237 = arith.constant 250 : i32
      %dma_wait3A_238 = arith.constant 0 : i32
      %dma_wait3A_239 = tpu.memref_slice %arg12[%dma_wait3A_237, %dma_wait3A_238] : memref<750x32xbf16, #tpu.memory_space<vmem>> -> memref<125x32xbf16, #tpu.memory_space<vmem>>
      %dma_wait3A_240 = arith.constant 0 : i32
      %dma_wait3A_241 = tpu.memref_slice %arg10[%run_scoped3A_207, %dma_wait3A_240] : memref<6x125xi32, #tpu.memory_space<vmem>> -> memref<1x125xi32, #tpu.memory_space<vmem>>
      %dma_wait3A_242 = tpu.memref_squeeze %dma_wait3A_241 : memref<1x125xi32, #tpu.memory_space<vmem>> -> memref<125xi32, #tpu.memory_space<vmem>>
      %dma_wait3A_243 = arith.constant 0 : i32
      %dma_wait3A_244 = arith.constant 0 : i32
      %dma_wait3A_245 = tpu.memref_slice %arg13[%dma_wait3A_243, %dma_wait3A_244] : memref<48000x32xbf16, #tpu.memory_space<vmem_shared>> -> memref<48000x32xbf16, #tpu.memory_space<vmem_shared>>
      tpu.wait_indirect_dma semaphore(%run_scoped3A_227 : memref<!tpu.dma_semaphore, #tpu.memory_space<semaphore_mem>>) src(%dma_wait3A_239 : memref<125x32xbf16, #tpu.memory_space<vmem>>) dst(%dma_wait3A_245 : memref<48000x32xbf16, #tpu.memory_space<vmem_shared>>)
      tpu.yield
    }) : () -> ()
    %run_scoped3A_208 = arith.constant 3 : i32
    "tpu.region"() ({
      %run_scoped3A_227 = tpu.sem_alloc : memref<!tpu.dma_semaphore, #tpu.memory_space<semaphore_mem>>
      %dma_start3A_228 = arith.constant 375 : i32
      %dma_start3A_229 = arith.constant 0 : i32
      %dma_start3A_230 = tpu.memref_slice %arg12[%dma_start3A_228, %dma_start3A_229] : memref<750x32xbf16, #tpu.memory_space<vmem>> -> memref<125x32xbf16, #tpu.memory_space<vmem>>
      %dma_start3A_231 = arith.constant 0 : i32
      %dma_start3A_232 = tpu.memref_slice %arg10[%run_scoped3A_208, %dma_start3A_231] : memref<6x125xi32, #tpu.memory_space<vmem>> -> memref<1x125xi32, #tpu.memory_space<vmem>>
      %dma_start3A_233 = tpu.memref_squeeze %dma_start3A_232 : memref<1x125xi32, #tpu.memory_space<vmem>> -> memref<125xi32, #tpu.memory_space<vmem>>
      %dma_start3A_234 = arith.constant 0 : i32
      %dma_start3A_235 = arith.constant 0 : i32
      %dma_start3A_236 = tpu.memref_slice %arg13[%dma_start3A_234, %dma_start3A_235] : memref<48000x32xbf16, #tpu.memory_space<vmem_shared>> -> memref<48000x32xbf16, #tpu.memory_space<vmem_shared>>
      tpu.enqueue_indirect_dma source(%dma_start3A_230 : memref<125x32xbf16, #tpu.memory_space<vmem>>) target(%dma_start3A_236 : memref<48000x32xbf16, #tpu.memory_space<vmem_shared>>) offsets(%dma_start3A_233 : memref<125xi32, #tpu.memory_space<vmem>>) semaphore(%run_scoped3A_227 : memref<!tpu.dma_semaphore, #tpu.memory_space<semaphore_mem>>) {add = true}
      %dma_wait3A_237 = arith.constant 375 : i32
      %dma_wait3A_238 = arith.constant 0 : i32
      %dma_wait3A_239 = tpu.memref_slice %arg12[%dma_wait3A_237, %dma_wait3A_238] : memref<750x32xbf16, #tpu.memory_space<vmem>> -> memref<125x32xbf16, #tpu.memory_space<vmem>>
      %dma_wait3A_240 = arith.constant 0 : i32
      %dma_wait3A_241 = tpu.memref_slice %arg10[%run_scoped3A_208, %dma_wait3A_240] : memref<6x125xi32, #tpu.memory_space<vmem>> -> memref<1x125xi32, #tpu.memory_space<vmem>>
      %dma_wait3A_242 = tpu.memref_squeeze %dma_wait3A_241 : memref<1x125xi32, #tpu.memory_space<vmem>> -> memref<125xi32, #tpu.memory_space<vmem>>
      %dma_wait3A_243 = arith.constant 0 : i32
      %dma_wait3A_244 = arith.constant 0 : i32
      %dma_wait3A_245 = tpu.memref_slice %arg13[%dma_wait3A_243, %dma_wait3A_244] : memref<48000x32xbf16, #tpu.memory_space<vmem_shared>> -> memref<48000x32xbf16, #tpu.memory_space<vmem_shared>>
      tpu.wait_indirect_dma semaphore(%run_scoped3A_227 : memref<!tpu.dma_semaphore, #tpu.memory_space<semaphore_mem>>) src(%dma_wait3A_239 : memref<125x32xbf16, #tpu.memory_space<vmem>>) dst(%dma_wait3A_245 : memref<48000x32xbf16, #tpu.memory_space<vmem_shared>>)
      tpu.yield
    }) : () -> ()
    %run_scoped3A_209 = arith.constant 4 : i32
    "tpu.region"() ({
      %run_scoped3A_227 = tpu.sem_alloc : memref<!tpu.dma_semaphore, #tpu.memory_space<semaphore_mem>>
      %dma_start3A_228 = arith.constant 500 : i32
      %dma_start3A_229 = arith.constant 0 : i32
      %dma_start3A_230 = tpu.memref_slice %arg12[%dma_start3A_228, %dma_start3A_229] : memref<750x32xbf16, #tpu.memory_space<vmem>> -> memref<125x32xbf16, #tpu.memory_space<vmem>>
      %dma_start3A_231 = arith.constant 0 : i32
      %dma_start3A_232 = tpu.memref_slice %arg10[%run_scoped3A_209, %dma_start3A_231] : memref<6x125xi32, #tpu.memory_space<vmem>> -> memref<1x125xi32, #tpu.memory_space<vmem>>
      %dma_start3A_233 = tpu.memref_squeeze %dma_start3A_232 : memref<1x125xi32, #tpu.memory_space<vmem>> -> memref<125xi32, #tpu.memory_space<vmem>>
      %dma_start3A_234 = arith.constant 0 : i32
      %dma_start3A_235 = arith.constant 0 : i32
      %dma_start3A_236 = tpu.memref_slice %arg13[%dma_start3A_234, %dma_start3A_235] : memref<48000x32xbf16, #tpu.memory_space<vmem_shared>> -> memref<48000x32xbf16, #tpu.memory_space<vmem_shared>>
      tpu.enqueue_indirect_dma source(%dma_start3A_230 : memref<125x32xbf16, #tpu.memory_space<vmem>>) target(%dma_start3A_236 : memref<48000x32xbf16, #tpu.memory_space<vmem_shared>>) offsets(%dma_start3A_233 : memref<125xi32, #tpu.memory_space<vmem>>) semaphore(%run_scoped3A_227 : memref<!tpu.dma_semaphore, #tpu.memory_space<semaphore_mem>>) {add = true}
      %dma_wait3A_237 = arith.constant 500 : i32
      %dma_wait3A_238 = arith.constant 0 : i32
      %dma_wait3A_239 = tpu.memref_slice %arg12[%dma_wait3A_237, %dma_wait3A_238] : memref<750x32xbf16, #tpu.memory_space<vmem>> -> memref<125x32xbf16, #tpu.memory_space<vmem>>
      %dma_wait3A_240 = arith.constant 0 : i32
      %dma_wait3A_241 = tpu.memref_slice %arg10[%run_scoped3A_209, %dma_wait3A_240] : memref<6x125xi32, #tpu.memory_space<vmem>> -> memref<1x125xi32, #tpu.memory_space<vmem>>
      %dma_wait3A_242 = tpu.memref_squeeze %dma_wait3A_241 : memref<1x125xi32, #tpu.memory_space<vmem>> -> memref<125xi32, #tpu.memory_space<vmem>>
      %dma_wait3A_243 = arith.constant 0 : i32
      %dma_wait3A_244 = arith.constant 0 : i32
      %dma_wait3A_245 = tpu.memref_slice %arg13[%dma_wait3A_243, %dma_wait3A_244] : memref<48000x32xbf16, #tpu.memory_space<vmem_shared>> -> memref<48000x32xbf16, #tpu.memory_space<vmem_shared>>
      tpu.wait_indirect_dma semaphore(%run_scoped3A_227 : memref<!tpu.dma_semaphore, #tpu.memory_space<semaphore_mem>>) src(%dma_wait3A_239 : memref<125x32xbf16, #tpu.memory_space<vmem>>) dst(%dma_wait3A_245 : memref<48000x32xbf16, #tpu.memory_space<vmem_shared>>)
      tpu.yield
    }) : () -> ()
    %run_scoped3A_210 = arith.constant 5 : i32
    "tpu.region"() ({
      %run_scoped3A_227 = tpu.sem_alloc : memref<!tpu.dma_semaphore, #tpu.memory_space<semaphore_mem>>
      %dma_start3A_228 = arith.constant 625 : i32
      %dma_start3A_229 = arith.constant 0 : i32
      %dma_start3A_230 = tpu.memref_slice %arg12[%dma_start3A_228, %dma_start3A_229] : memref<750x32xbf16, #tpu.memory_space<vmem>> -> memref<125x32xbf16, #tpu.memory_space<vmem>>
      %dma_start3A_231 = arith.constant 0 : i32
      %dma_start3A_232 = tpu.memref_slice %arg10[%run_scoped3A_210, %dma_start3A_231] : memref<6x125xi32, #tpu.memory_space<vmem>> -> memref<1x125xi32, #tpu.memory_space<vmem>>
      %dma_start3A_233 = tpu.memref_squeeze %dma_start3A_232 : memref<1x125xi32, #tpu.memory_space<vmem>> -> memref<125xi32, #tpu.memory_space<vmem>>
      %dma_start3A_234 = arith.constant 0 : i32
      %dma_start3A_235 = arith.constant 0 : i32
      %dma_start3A_236 = tpu.memref_slice %arg13[%dma_start3A_234, %dma_start3A_235] : memref<48000x32xbf16, #tpu.memory_space<vmem_shared>> -> memref<48000x32xbf16, #tpu.memory_space<vmem_shared>>
      tpu.enqueue_indirect_dma source(%dma_start3A_230 : memref<125x32xbf16, #tpu.memory_space<vmem>>) target(%dma_start3A_236 : memref<48000x32xbf16, #tpu.memory_space<vmem_shared>>) offsets(%dma_start3A_233 : memref<125xi32, #tpu.memory_space<vmem>>) semaphore(%run_scoped3A_227 : memref<!tpu.dma_semaphore, #tpu.memory_space<semaphore_mem>>) {add = true}
      %dma_wait3A_237 = arith.constant 625 : i32
      %dma_wait3A_238 = arith.constant 0 : i32
      %dma_wait3A_239 = tpu.memref_slice %arg12[%dma_wait3A_237, %dma_wait3A_238] : memref<750x32xbf16, #tpu.memory_space<vmem>> -> memref<125x32xbf16, #tpu.memory_space<vmem>>
      %dma_wait3A_240 = arith.constant 0 : i32
      %dma_wait3A_241 = tpu.memref_slice %arg10[%run_scoped3A_210, %dma_wait3A_240] : memref<6x125xi32, #tpu.memory_space<vmem>> -> memref<1x125xi32, #tpu.memory_space<vmem>>
      %dma_wait3A_242 = tpu.memref_squeeze %dma_wait3A_241 : memref<1x125xi32, #tpu.memory_space<vmem>> -> memref<125xi32, #tpu.memory_space<vmem>>
      %dma_wait3A_243 = arith.constant 0 : i32
      %dma_wait3A_244 = arith.constant 0 : i32
      %dma_wait3A_245 = tpu.memref_slice %arg13[%dma_wait3A_243, %dma_wait3A_244] : memref<48000x32xbf16, #tpu.memory_space<vmem_shared>> -> memref<48000x32xbf16, #tpu.memory_space<vmem_shared>>
      tpu.wait_indirect_dma semaphore(%run_scoped3A_227 : memref<!tpu.dma_semaphore, #tpu.memory_space<semaphore_mem>>) src(%dma_wait3A_239 : memref<125x32xbf16, #tpu.memory_space<vmem>>) dst(%dma_wait3A_245 : memref<48000x32xbf16, #tpu.memory_space<vmem_shared>>)
      tpu.yield
    }) : () -> ()
    %add3A_211 = arith.constant 36000 : i32
    %add3A_212 = arith.addi %add3A_211, %mul3A_195 : i32
    "tpu.region"() ({
      %run_scoped3A_227 = tpu.sem_alloc : memref<!tpu.dma_semaphore, #tpu.memory_space<semaphore_mem>>
      %dma_start3A_228 = arith.constant 0 : i32
      %dma_start3A_229 = tpu.memref_slice %arg13[%add3A_212, %dma_start3A_228] : memref<48000x32xbf16, #tpu.memory_space<vmem_shared>> -> memref<750x32xbf16, #tpu.memory_space<vmem_shared>>
      %dma_start3A_230 = arith.constant 0 : i32
      %dma_start3A_231 = tpu.memref_slice %arg13[%add3A_212, %dma_start3A_230] : memref<48000x32xbf16, #tpu.memory_space<vmem_shared>> -> memref<750x32xbf16, #tpu.memory_space<vmem_shared>>
      tpu.enqueue_dma source(%dma_start3A_231 : memref<750x32xbf16, #tpu.memory_space<vmem_shared>>) target(%arg12 : memref<750x32xbf16, #tpu.memory_space<vmem>>) target_semaphore(%run_scoped3A_227 : memref<!tpu.dma_semaphore, #tpu.memory_space<semaphore_mem>>)
      %dma_wait3A_232 = arith.constant 0 : i32
      %dma_wait3A_233 = tpu.memref_slice %arg13[%add3A_212, %dma_wait3A_232] : memref<48000x32xbf16, #tpu.memory_space<vmem_shared>> -> memref<750x32xbf16, #tpu.memory_space<vmem_shared>>
      %dma_wait3A_234 = arith.constant 0 : i32
      %dma_wait3A_235 = tpu.memref_slice %arg13[%add3A_212, %dma_wait3A_234] : memref<48000x32xbf16, #tpu.memory_space<vmem_shared>> -> memref<750x32xbf16, #tpu.memory_space<vmem_shared>>
      tpu.wait_dma2 semaphore(%run_scoped3A_227 : memref<!tpu.dma_semaphore, #tpu.memory_space<semaphore_mem>>) src(%dma_wait3A_235 : memref<750x32xbf16, #tpu.memory_space<vmem_shared>>) dst(%arg12 : memref<750x32xbf16, #tpu.memory_space<vmem>>)
      tpu.yield
    }) : () -> ()
    %run_scoped3A_213 = arith.constant 0 : i32
    "tpu.region"() ({
      %run_scoped3A_227 = tpu.sem_alloc : memref<!tpu.dma_semaphore, #tpu.memory_space<semaphore_mem>>
      %dma_start3A_228 = arith.constant 0 : i32
      %dma_start3A_229 = arith.constant 0 : i32
      %dma_start3A_230 = tpu.memref_slice %arg12[%dma_start3A_228, %dma_start3A_229] : memref<750x32xbf16, #tpu.memory_space<vmem>> -> memref<125x32xbf16, #tpu.memory_space<vmem>>
      %dma_start3A_231 = arith.constant 0 : i32
      %dma_start3A_232 = tpu.memref_slice %arg10[%run_scoped3A_213, %dma_start3A_231] : memref<6x125xi32, #tpu.memory_space<vmem>> -> memref<1x125xi32, #tpu.memory_space<vmem>>
      %dma_start3A_233 = tpu.memref_squeeze %dma_start3A_232 : memref<1x125xi32, #tpu.memory_space<vmem>> -> memref<125xi32, #tpu.memory_space<vmem>>
      %dma_start3A_234 = arith.constant 0 : i32
      %dma_start3A_235 = arith.constant 0 : i32
      %dma_start3A_236 = tpu.memref_slice %arg13[%dma_start3A_234, %dma_start3A_235] : memref<48000x32xbf16, #tpu.memory_space<vmem_shared>> -> memref<48000x32xbf16, #tpu.memory_space<vmem_shared>>
      tpu.enqueue_indirect_dma source(%dma_start3A_230 : memref<125x32xbf16, #tpu.memory_space<vmem>>) target(%dma_start3A_236 : memref<48000x32xbf16, #tpu.memory_space<vmem_shared>>) offsets(%dma_start3A_233 : memref<125xi32, #tpu.memory_space<vmem>>) semaphore(%run_scoped3A_227 : memref<!tpu.dma_semaphore, #tpu.memory_space<semaphore_mem>>) {add = true}
      %dma_wait3A_237 = arith.constant 0 : i32
      %dma_wait3A_238 = arith.constant 0 : i32
      %dma_wait3A_239 = tpu.memref_slice %arg12[%dma_wait3A_237, %dma_wait3A_238] : memref<750x32xbf16, #tpu.memory_space<vmem>> -> memref<125x32xbf16, #tpu.memory_space<vmem>>
      %dma_wait3A_240 = arith.constant 0 : i32
      %dma_wait3A_241 = tpu.memref_slice %arg10[%run_scoped3A_213, %dma_wait3A_240] : memref<6x125xi32, #tpu.memory_space<vmem>> -> memref<1x125xi32, #tpu.memory_space<vmem>>
      %dma_wait3A_242 = tpu.memref_squeeze %dma_wait3A_241 : memref<1x125xi32, #tpu.memory_space<vmem>> -> memref<125xi32, #tpu.memory_space<vmem>>
      %dma_wait3A_243 = arith.constant 0 : i32
      %dma_wait3A_244 = arith.constant 0 : i32
      %dma_wait3A_245 = tpu.memref_slice %arg13[%dma_wait3A_243, %dma_wait3A_244] : memref<48000x32xbf16, #tpu.memory_space<vmem_shared>> -> memref<48000x32xbf16, #tpu.memory_space<vmem_shared>>
      tpu.wait_indirect_dma semaphore(%run_scoped3A_227 : memref<!tpu.dma_semaphore, #tpu.memory_space<semaphore_mem>>) src(%dma_wait3A_239 : memref<125x32xbf16, #tpu.memory_space<vmem>>) dst(%dma_wait3A_245 : memref<48000x32xbf16, #tpu.memory_space<vmem_shared>>)
      tpu.yield
    }) : () -> ()
    %run_scoped3A_214 = arith.constant 1 : i32
    "tpu.region"() ({
      %run_scoped3A_227 = tpu.sem_alloc : memref<!tpu.dma_semaphore, #tpu.memory_space<semaphore_mem>>
      %dma_start3A_228 = arith.constant 125 : i32
      %dma_start3A_229 = arith.constant 0 : i32
      %dma_start3A_230 = tpu.memref_slice %arg12[%dma_start3A_228, %dma_start3A_229] : memref<750x32xbf16, #tpu.memory_space<vmem>> -> memref<125x32xbf16, #tpu.memory_space<vmem>>
      %dma_start3A_231 = arith.constant 0 : i32
      %dma_start3A_232 = tpu.memref_slice %arg10[%run_scoped3A_214, %dma_start3A_231] : memref<6x125xi32, #tpu.memory_space<vmem>> -> memref<1x125xi32, #tpu.memory_space<vmem>>
      %dma_start3A_233 = tpu.memref_squeeze %dma_start3A_232 : memref<1x125xi32, #tpu.memory_space<vmem>> -> memref<125xi32, #tpu.memory_space<vmem>>
      %dma_start3A_234 = arith.constant 0 : i32
      %dma_start3A_235 = arith.constant 0 : i32
      %dma_start3A_236 = tpu.memref_slice %arg13[%dma_start3A_234, %dma_start3A_235] : memref<48000x32xbf16, #tpu.memory_space<vmem_shared>> -> memref<48000x32xbf16, #tpu.memory_space<vmem_shared>>
      tpu.enqueue_indirect_dma source(%dma_start3A_230 : memref<125x32xbf16, #tpu.memory_space<vmem>>) target(%dma_start3A_236 : memref<48000x32xbf16, #tpu.memory_space<vmem_shared>>) offsets(%dma_start3A_233 : memref<125xi32, #tpu.memory_space<vmem>>) semaphore(%run_scoped3A_227 : memref<!tpu.dma_semaphore, #tpu.memory_space<semaphore_mem>>) {add = true}
      %dma_wait3A_237 = arith.constant 125 : i32
      %dma_wait3A_238 = arith.constant 0 : i32
      %dma_wait3A_239 = tpu.memref_slice %arg12[%dma_wait3A_237, %dma_wait3A_238] : memref<750x32xbf16, #tpu.memory_space<vmem>> -> memref<125x32xbf16, #tpu.memory_space<vmem>>
      %dma_wait3A_240 = arith.constant 0 : i32
      %dma_wait3A_241 = tpu.memref_slice %arg10[%run_scoped3A_214, %dma_wait3A_240] : memref<6x125xi32, #tpu.memory_space<vmem>> -> memref<1x125xi32, #tpu.memory_space<vmem>>
      %dma_wait3A_242 = tpu.memref_squeeze %dma_wait3A_241 : memref<1x125xi32, #tpu.memory_space<vmem>> -> memref<125xi32, #tpu.memory_space<vmem>>
      %dma_wait3A_243 = arith.constant 0 : i32
      %dma_wait3A_244 = arith.constant 0 : i32
      %dma_wait3A_245 = tpu.memref_slice %arg13[%dma_wait3A_243, %dma_wait3A_244] : memref<48000x32xbf16, #tpu.memory_space<vmem_shared>> -> memref<48000x32xbf16, #tpu.memory_space<vmem_shared>>
      tpu.wait_indirect_dma semaphore(%run_scoped3A_227 : memref<!tpu.dma_semaphore, #tpu.memory_space<semaphore_mem>>) src(%dma_wait3A_239 : memref<125x32xbf16, #tpu.memory_space<vmem>>) dst(%dma_wait3A_245 : memref<48000x32xbf16, #tpu.memory_space<vmem_shared>>)
      tpu.yield
    }) : () -> ()
    %run_scoped3A_215 = arith.constant 2 : i32
    "tpu.region"() ({
      %run_scoped3A_227 = tpu.sem_alloc : memref<!tpu.dma_semaphore, #tpu.memory_space<semaphore_mem>>
      %dma_start3A_228 = arith.constant 250 : i32
      %dma_start3A_229 = arith.constant 0 : i32
      %dma_start3A_230 = tpu.memref_slice %arg12[%dma_start3A_228, %dma_start3A_229] : memref<750x32xbf16, #tpu.memory_space<vmem>> -> memref<125x32xbf16, #tpu.memory_space<vmem>>
      %dma_start3A_231 = arith.constant 0 : i32
      %dma_start3A_232 = tpu.memref_slice %arg10[%run_scoped3A_215, %dma_start3A_231] : memref<6x125xi32, #tpu.memory_space<vmem>> -> memref<1x125xi32, #tpu.memory_space<vmem>>
      %dma_start3A_233 = tpu.memref_squeeze %dma_start3A_232 : memref<1x125xi32, #tpu.memory_space<vmem>> -> memref<125xi32, #tpu.memory_space<vmem>>
      %dma_start3A_234 = arith.constant 0 : i32
      %dma_start3A_235 = arith.constant 0 : i32
      %dma_start3A_236 = tpu.memref_slice %arg13[%dma_start3A_234, %dma_start3A_235] : memref<48000x32xbf16, #tpu.memory_space<vmem_shared>> -> memref<48000x32xbf16, #tpu.memory_space<vmem_shared>>
      tpu.enqueue_indirect_dma source(%dma_start3A_230 : memref<125x32xbf16, #tpu.memory_space<vmem>>) target(%dma_start3A_236 : memref<48000x32xbf16, #tpu.memory_space<vmem_shared>>) offsets(%dma_start3A_233 : memref<125xi32, #tpu.memory_space<vmem>>) semaphore(%run_scoped3A_227 : memref<!tpu.dma_semaphore, #tpu.memory_space<semaphore_mem>>) {add = true}
      %dma_wait3A_237 = arith.constant 250 : i32
      %dma_wait3A_238 = arith.constant 0 : i32
      %dma_wait3A_239 = tpu.memref_slice %arg12[%dma_wait3A_237, %dma_wait3A_238] : memref<750x32xbf16, #tpu.memory_space<vmem>> -> memref<125x32xbf16, #tpu.memory_space<vmem>>
      %dma_wait3A_240 = arith.constant 0 : i32
      %dma_wait3A_241 = tpu.memref_slice %arg10[%run_scoped3A_215, %dma_wait3A_240] : memref<6x125xi32, #tpu.memory_space<vmem>> -> memref<1x125xi32, #tpu.memory_space<vmem>>
      %dma_wait3A_242 = tpu.memref_squeeze %dma_wait3A_241 : memref<1x125xi32, #tpu.memory_space<vmem>> -> memref<125xi32, #tpu.memory_space<vmem>>
      %dma_wait3A_243 = arith.constant 0 : i32
      %dma_wait3A_244 = arith.constant 0 : i32
      %dma_wait3A_245 = tpu.memref_slice %arg13[%dma_wait3A_243, %dma_wait3A_244] : memref<48000x32xbf16, #tpu.memory_space<vmem_shared>> -> memref<48000x32xbf16, #tpu.memory_space<vmem_shared>>
      tpu.wait_indirect_dma semaphore(%run_scoped3A_227 : memref<!tpu.dma_semaphore, #tpu.memory_space<semaphore_mem>>) src(%dma_wait3A_239 : memref<125x32xbf16, #tpu.memory_space<vmem>>) dst(%dma_wait3A_245 : memref<48000x32xbf16, #tpu.memory_space<vmem_shared>>)
      tpu.yield
    }) : () -> ()
    %run_scoped3A_216 = arith.constant 3 : i32
    "tpu.region"() ({
      %run_scoped3A_227 = tpu.sem_alloc : memref<!tpu.dma_semaphore, #tpu.memory_space<semaphore_mem>>
      %dma_start3A_228 = arith.constant 375 : i32
      %dma_start3A_229 = arith.constant 0 : i32
      %dma_start3A_230 = tpu.memref_slice %arg12[%dma_start3A_228, %dma_start3A_229] : memref<750x32xbf16, #tpu.memory_space<vmem>> -> memref<125x32xbf16, #tpu.memory_space<vmem>>
      %dma_start3A_231 = arith.constant 0 : i32
      %dma_start3A_232 = tpu.memref_slice %arg10[%run_scoped3A_216, %dma_start3A_231] : memref<6x125xi32, #tpu.memory_space<vmem>> -> memref<1x125xi32, #tpu.memory_space<vmem>>
      %dma_start3A_233 = tpu.memref_squeeze %dma_start3A_232 : memref<1x125xi32, #tpu.memory_space<vmem>> -> memref<125xi32, #tpu.memory_space<vmem>>
      %dma_start3A_234 = arith.constant 0 : i32
      %dma_start3A_235 = arith.constant 0 : i32
      %dma_start3A_236 = tpu.memref_slice %arg13[%dma_start3A_234, %dma_start3A_235] : memref<48000x32xbf16, #tpu.memory_space<vmem_shared>> -> memref<48000x32xbf16, #tpu.memory_space<vmem_shared>>
      tpu.enqueue_indirect_dma source(%dma_start3A_230 : memref<125x32xbf16, #tpu.memory_space<vmem>>) target(%dma_start3A_236 : memref<48000x32xbf16, #tpu.memory_space<vmem_shared>>) offsets(%dma_start3A_233 : memref<125xi32, #tpu.memory_space<vmem>>) semaphore(%run_scoped3A_227 : memref<!tpu.dma_semaphore, #tpu.memory_space<semaphore_mem>>) {add = true}
      %dma_wait3A_237 = arith.constant 375 : i32
      %dma_wait3A_238 = arith.constant 0 : i32
      %dma_wait3A_239 = tpu.memref_slice %arg12[%dma_wait3A_237, %dma_wait3A_238] : memref<750x32xbf16, #tpu.memory_space<vmem>> -> memref<125x32xbf16, #tpu.memory_space<vmem>>
      %dma_wait3A_240 = arith.constant 0 : i32
      %dma_wait3A_241 = tpu.memref_slice %arg10[%run_scoped3A_216, %dma_wait3A_240] : memref<6x125xi32, #tpu.memory_space<vmem>> -> memref<1x125xi32, #tpu.memory_space<vmem>>
      %dma_wait3A_242 = tpu.memref_squeeze %dma_wait3A_241 : memref<1x125xi32, #tpu.memory_space<vmem>> -> memref<125xi32, #tpu.memory_space<vmem>>
      %dma_wait3A_243 = arith.constant 0 : i32
      %dma_wait3A_244 = arith.constant 0 : i32
      %dma_wait3A_245 = tpu.memref_slice %arg13[%dma_wait3A_243, %dma_wait3A_244] : memref<48000x32xbf16, #tpu.memory_space<vmem_shared>> -> memref<48000x32xbf16, #tpu.memory_space<vmem_shared>>
      tpu.wait_indirect_dma semaphore(%run_scoped3A_227 : memref<!tpu.dma_semaphore, #tpu.memory_space<semaphore_mem>>) src(%dma_wait3A_239 : memref<125x32xbf16, #tpu.memory_space<vmem>>) dst(%dma_wait3A_245 : memref<48000x32xbf16, #tpu.memory_space<vmem_shared>>)
      tpu.yield
    }) : () -> ()
    %run_scoped3A_217 = arith.constant 4 : i32
    "tpu.region"() ({
      %run_scoped3A_227 = tpu.sem_alloc : memref<!tpu.dma_semaphore, #tpu.memory_space<semaphore_mem>>
      %dma_start3A_228 = arith.constant 500 : i32
      %dma_start3A_229 = arith.constant 0 : i32
      %dma_start3A_230 = tpu.memref_slice %arg12[%dma_start3A_228, %dma_start3A_229] : memref<750x32xbf16, #tpu.memory_space<vmem>> -> memref<125x32xbf16, #tpu.memory_space<vmem>>
      %dma_start3A_231 = arith.constant 0 : i32
      %dma_start3A_232 = tpu.memref_slice %arg10[%run_scoped3A_217, %dma_start3A_231] : memref<6x125xi32, #tpu.memory_space<vmem>> -> memref<1x125xi32, #tpu.memory_space<vmem>>
      %dma_start3A_233 = tpu.memref_squeeze %dma_start3A_232 : memref<1x125xi32, #tpu.memory_space<vmem>> -> memref<125xi32, #tpu.memory_space<vmem>>
      %dma_start3A_234 = arith.constant 0 : i32
      %dma_start3A_235 = arith.constant 0 : i32
      %dma_start3A_236 = tpu.memref_slice %arg13[%dma_start3A_234, %dma_start3A_235] : memref<48000x32xbf16, #tpu.memory_space<vmem_shared>> -> memref<48000x32xbf16, #tpu.memory_space<vmem_shared>>
      tpu.enqueue_indirect_dma source(%dma_start3A_230 : memref<125x32xbf16, #tpu.memory_space<vmem>>) target(%dma_start3A_236 : memref<48000x32xbf16, #tpu.memory_space<vmem_shared>>) offsets(%dma_start3A_233 : memref<125xi32, #tpu.memory_space<vmem>>) semaphore(%run_scoped3A_227 : memref<!tpu.dma_semaphore, #tpu.memory_space<semaphore_mem>>) {add = true}
      %dma_wait3A_237 = arith.constant 500 : i32
      %dma_wait3A_238 = arith.constant 0 : i32
      %dma_wait3A_239 = tpu.memref_slice %arg12[%dma_wait3A_237, %dma_wait3A_238] : memref<750x32xbf16, #tpu.memory_space<vmem>> -> memref<125x32xbf16, #tpu.memory_space<vmem>>
      %dma_wait3A_240 = arith.constant 0 : i32
      %dma_wait3A_241 = tpu.memref_slice %arg10[%run_scoped3A_217, %dma_wait3A_240] : memref<6x125xi32, #tpu.memory_space<vmem>> -> memref<1x125xi32, #tpu.memory_space<vmem>>
      %dma_wait3A_242 = tpu.memref_squeeze %dma_wait3A_241 : memref<1x125xi32, #tpu.memory_space<vmem>> -> memref<125xi32, #tpu.memory_space<vmem>>
      %dma_wait3A_243 = arith.constant 0 : i32
      %dma_wait3A_244 = arith.constant 0 : i32
      %dma_wait3A_245 = tpu.memref_slice %arg13[%dma_wait3A_243, %dma_wait3A_244] : memref<48000x32xbf16, #tpu.memory_space<vmem_shared>> -> memref<48000x32xbf16, #tpu.memory_space<vmem_shared>>
      tpu.wait_indirect_dma semaphore(%run_scoped3A_227 : memref<!tpu.dma_semaphore, #tpu.memory_space<semaphore_mem>>) src(%dma_wait3A_239 : memref<125x32xbf16, #tpu.memory_space<vmem>>) dst(%dma_wait3A_245 : memref<48000x32xbf16, #tpu.memory_space<vmem_shared>>)
      tpu.yield
    }) : () -> ()
    %run_scoped3A_218 = arith.constant 5 : i32
    "tpu.region"() ({
      %run_scoped3A_227 = tpu.sem_alloc : memref<!tpu.dma_semaphore, #tpu.memory_space<semaphore_mem>>
      %dma_start3A_228 = arith.constant 625 : i32
      %dma_start3A_229 = arith.constant 0 : i32
      %dma_start3A_230 = tpu.memref_slice %arg12[%dma_start3A_228, %dma_start3A_229] : memref<750x32xbf16, #tpu.memory_space<vmem>> -> memref<125x32xbf16, #tpu.memory_space<vmem>>
      %dma_start3A_231 = arith.constant 0 : i32
      %dma_start3A_232 = tpu.memref_slice %arg10[%run_scoped3A_218, %dma_start3A_231] : memref<6x125xi32, #tpu.memory_space<vmem>> -> memref<1x125xi32, #tpu.memory_space<vmem>>
      %dma_start3A_233 = tpu.memref_squeeze %dma_start3A_232 : memref<1x125xi32, #tpu.memory_space<vmem>> -> memref<125xi32, #tpu.memory_space<vmem>>
      %dma_start3A_234 = arith.constant 0 : i32
      %dma_start3A_235 = arith.constant 0 : i32
      %dma_start3A_236 = tpu.memref_slice %arg13[%dma_start3A_234, %dma_start3A_235] : memref<48000x32xbf16, #tpu.memory_space<vmem_shared>> -> memref<48000x32xbf16, #tpu.memory_space<vmem_shared>>
      tpu.enqueue_indirect_dma source(%dma_start3A_230 : memref<125x32xbf16, #tpu.memory_space<vmem>>) target(%dma_start3A_236 : memref<48000x32xbf16, #tpu.memory_space<vmem_shared>>) offsets(%dma_start3A_233 : memref<125xi32, #tpu.memory_space<vmem>>) semaphore(%run_scoped3A_227 : memref<!tpu.dma_semaphore, #tpu.memory_space<semaphore_mem>>) {add = true}
      %dma_wait3A_237 = arith.constant 625 : i32
      %dma_wait3A_238 = arith.constant 0 : i32
      %dma_wait3A_239 = tpu.memref_slice %arg12[%dma_wait3A_237, %dma_wait3A_238] : memref<750x32xbf16, #tpu.memory_space<vmem>> -> memref<125x32xbf16, #tpu.memory_space<vmem>>
      %dma_wait3A_240 = arith.constant 0 : i32
      %dma_wait3A_241 = tpu.memref_slice %arg10[%run_scoped3A_218, %dma_wait3A_240] : memref<6x125xi32, #tpu.memory_space<vmem>> -> memref<1x125xi32, #tpu.memory_space<vmem>>
      %dma_wait3A_242 = tpu.memref_squeeze %dma_wait3A_241 : memref<1x125xi32, #tpu.memory_space<vmem>> -> memref<125xi32, #tpu.memory_space<vmem>>
      %dma_wait3A_243 = arith.constant 0 : i32
      %dma_wait3A_244 = arith.constant 0 : i32
      %dma_wait3A_245 = tpu.memref_slice %arg13[%dma_wait3A_243, %dma_wait3A_244] : memref<48000x32xbf16, #tpu.memory_space<vmem_shared>> -> memref<48000x32xbf16, #tpu.memory_space<vmem_shared>>
      tpu.wait_indirect_dma semaphore(%run_scoped3A_227 : memref<!tpu.dma_semaphore, #tpu.memory_space<semaphore_mem>>) src(%dma_wait3A_239 : memref<125x32xbf16, #tpu.memory_space<vmem>>) dst(%dma_wait3A_245 : memref<48000x32xbf16, #tpu.memory_space<vmem_shared>>)
      tpu.yield
    }) : () -> ()
    %barrier3A_219 = arith.constant 0 : index
    tpu.barrier barrier_id(%barrier3A_219)
    %mul3A_220 = arith.constant 750 : i32
    %mul3A_221 = arith.muli %arg1, %mul3A_220 : i32
    %mul3A_222 = arith.constant 12000 : i32
    %mul3A_223 = arith.muli %arg0, %mul3A_222 : i32
    %mul3A_224 = arith.constant 750 : i32
    %mul3A_225 = arith.muli %arg1, %mul3A_224 : i32
    %add3A_226 = arith.addi %mul3A_223, %mul3A_225 : i32
    "tpu.region"() ({
      %run_scoped3A_227 = tpu.sem_alloc : memref<!tpu.dma_semaphore, #tpu.memory_space<semaphore_mem>>
      %dma_start3A_228 = arith.constant 0 : i32
      %dma_start3A_229 = tpu.memref_slice %arg7[%add3A_226, %dma_start3A_228] : memref<24000x32xbf16, #tpu.memory_space<hbm>> -> memref<750x32xbf16, #tpu.memory_space<hbm>>
      %dma_start3A_230 = arith.constant 0 : i32
      %dma_start3A_231 = tpu.memref_slice %arg13[%mul3A_221, %dma_start3A_230] : memref<48000x32xbf16, #tpu.memory_space<vmem_shared>> -> memref<750x32xbf16, #tpu.memory_space<vmem_shared>>
      tpu.enqueue_dma source(%dma_start3A_231 : memref<750x32xbf16, #tpu.memory_space<vmem_shared>>) target(%dma_start3A_229 : memref<750x32xbf16, #tpu.memory_space<hbm>>) target_semaphore(%run_scoped3A_227 : memref<!tpu.dma_semaphore, #tpu.memory_space<semaphore_mem>>)
      %dma_wait3A_232 = arith.constant 0 : i32
      %dma_wait3A_233 = tpu.memref_slice %arg7[%add3A_226, %dma_wait3A_232] : memref<24000x32xbf16, #tpu.memory_space<hbm>> -> memref<750x32xbf16, #tpu.memory_space<hbm>>
      %dma_wait3A_234 = arith.constant 0 : i32
      %dma_wait3A_235 = tpu.memref_slice %arg13[%mul3A_221, %dma_wait3A_234] : memref<48000x32xbf16, #tpu.memory_space<vmem_shared>> -> memref<750x32xbf16, #tpu.memory_space<vmem_shared>>
      tpu.wait_dma2 semaphore(%run_scoped3A_227 : memref<!tpu.dma_semaphore, #tpu.memory_space<semaphore_mem>>) src(%dma_wait3A_235 : memref<750x32xbf16, #tpu.memory_space<vmem_shared>>) dst(%dma_wait3A_233 : memref<750x32xbf16, #tpu.memory_space<hbm>>)
      tpu.yield
    }) : () -> ()
    return
  }
}

module attributes {stable_mosaic.version = 14 : i64} {
  func.func @_tcmm_body(%arg0: i32, %arg1: memref<5000x128xf32, #tpu.memory_space<vmem>>, %arg2: memref<128x32xf32, #tpu.memory_space<vmem>>, %arg3: memref<5000x32xf32, #tpu.memory_space<vmem>>) attributes {dimension_semantics = [#tpu.dimension_semantics<arbitrary>], iteration_bounds = array<i64: 2>, scalar_prefetch = 0 : i64, scratch_operands = 0 : i64, tpu.core_type = #tpu.core_type<tc>, window_params = [{transform_indices = @transform_0, window_bounds = array<i64: 5000, 128>}, {pipeline_mode = #tpu.pipeline_mode<synchronous>, transform_indices = @transform_1, window_bounds = array<i64: 128, 32>}, {transform_indices = @transform_2, window_bounds = array<i64: 5000, 32>}]} {
    %get3A = arith.constant 0 : index
    %get3A_0 = arith.constant 0 : index
    %get3A_1 = vector.load %arg1[%get3A, %get3A_0] : memref<5000x128xf32, #tpu.memory_space<vmem>>, vector<5000x128xf32>
    %get3A_2 = arith.constant 0 : index
    %get3A_3 = arith.constant 0 : index
    %get3A_4 = vector.load %arg2[%get3A_2, %get3A_3] : memref<128x32xf32, #tpu.memory_space<vmem>>, vector<128x32xf32>
    %dot_general3A = arith.constant dense<0.000000e+00> : vector<5000x32xf32>
    %dot_general3A_5 = tpu.matmul %get3A_1, %get3A_4, %dot_general3A {dimension_numbers = #tpu.dot_dimension_numbers<[1], [0], [0], [1], [0, 0, 1, 1], [], []>, transpose_lhs_hint = false} : vector<5000x128xf32>, vector<128x32xf32>, vector<5000x32xf32> -> vector<5000x32xf32>
    %swap3A = arith.constant 0 : index
    %swap3A_6 = arith.constant 0 : index
    %swap3A_7 = vector.load %arg3[%swap3A, %swap3A_6] : memref<5000x32xf32, #tpu.memory_space<vmem>>, vector<5000x32xf32>
    tpu.vector_store %arg3[%swap3A, %swap3A_6], %dot_general3A_5 {strides = array<i32>} : memref<5000x32xf32, #tpu.memory_space<vmem>>, vector<5000x32xf32>,
    return
  }
  func.func @transform_0(%arg0: i32) -> (i32, i32) {
    %c0_i32 = arith.constant 0 : i32
    %c0_i32_0 = arith.constant 0 : i32
    return %arg0, %c0_i32 : i32, i32
  }
  func.func @transform_1(%arg0: i32) -> (i32, i32) {
    %c0_i32 = arith.constant 0 : i32
    %c0_i32_0 = arith.constant 0 : i32
    %c0_i32_1 = arith.constant 0 : i32
    return %c0_i32, %c0_i32_0 : i32, i32
  }
  func.func @transform_2(%arg0: i32) -> (i32, i32) {
    %c0_i32 = arith.constant 0 : i32
    %c0_i32_0 = arith.constant 0 : i32
    return %arg0, %c0_i32 : i32, i32
  }
}

module attributes {stable_mosaic.version = 14 : i64} {
  func.func @_tc1_body(%arg0: i32, %arg1: memref<5000x16xf32, #tpu.memory_space<vmem>>, %arg2: memref<5000x16xf32, #tpu.memory_space<vmem>>, %arg3: memref<5000x32xf32, #tpu.memory_space<vmem>>, %arg4: memref<5000x32xbf16, #tpu.memory_space<vmem>>) attributes {dimension_semantics = [#tpu.dimension_semantics<arbitrary>], iteration_bounds = array<i64: 2>, scalar_prefetch = 0 : i64, scratch_operands = 0 : i64, tpu.core_type = #tpu.core_type<tc>, window_params = [{transform_indices = @transform_0, window_bounds = array<i64: 5000, 16>}, {transform_indices = @transform_1, window_bounds = array<i64: 5000, 16>}, {transform_indices = @transform_2, window_bounds = array<i64: 5000, 32>}, {transform_indices = @transform_3, window_bounds = array<i64: 5000, 32>}]} {
    %get3A = arith.constant 0 : index
    %get3A_0 = arith.constant 0 : index
    %get3A_1 = vector.load %arg1[%get3A, %get3A_0] : memref<5000x16xf32, #tpu.memory_space<vmem>>, vector<5000x1xf32>
    %get3A_2 = arith.constant 0 : index
    %get3A_3 = arith.constant 0 : index
    %get3A_4 = vector.load %arg2[%get3A_2, %get3A_3] : memref<5000x16xf32, #tpu.memory_space<vmem>>, vector<5000x1xf32>
    %add3A = arith.addf %get3A_1, %get3A_4 : vector<5000x1xf32>
    %add3A_5 = arith.constant 1.000000e+00 : f32
    %add3A_6 = vector.broadcast %add3A_5 : f32 to vector<5000x1xf32>
    %add3A_7 = arith.addf %add3A, %add3A_6 : vector<5000x1xf32>
    %rsqrt3A = math.rsqrt %add3A_7 : vector<5000x1xf32>
    %get3A_8 = arith.constant 0 : index
    %get3A_9 = arith.constant 0 : index
    %get3A_10 = vector.load %arg3[%get3A_8, %get3A_9] : memref<5000x32xf32, #tpu.memory_space<vmem>>, vector<5000x32xf32>
    %mul3A = vector.broadcast %rsqrt3A : vector<5000x1xf32> to vector<5000x32xf32>
    %mul3A_11 = arith.mulf %get3A_10, %mul3A : vector<5000x32xf32>
    %convert_element_type3A = arith.truncf %mul3A_11 : vector<5000x32xf32> to vector<5000x32xbf16>
    %swap3A = arith.constant 0 : index
    %swap3A_12 = arith.constant 0 : index
    %swap3A_13 = vector.load %arg4[%swap3A, %swap3A_12] : memref<5000x32xbf16, #tpu.memory_space<vmem>>, vector<5000x32xbf16>
    tpu.vector_store %arg4[%swap3A, %swap3A_12], %convert_element_type3A {strides = array<i32>} : memref<5000x32xbf16, #tpu.memory_space<vmem>>, vector<5000x32xbf16>,
    return
  }
  func.func @transform_0(%arg0: i32) -> (i32, i32) {
    %c0_i32 = arith.constant 0 : i32
    %c0_i32_0 = arith.constant 0 : i32
    return %arg0, %c0_i32 : i32, i32
  }
  func.func @transform_1(%arg0: i32) -> (i32, i32) {
    %add3A = arith.constant 2 : i32
    %add3A_0 = arith.addi %add3A, %arg0 : i32
    %c0_i32 = arith.constant 0 : i32
    %c0_i32_1 = arith.constant 0 : i32
    return %add3A_0, %c0_i32 : i32, i32
  }
  func.func @transform_2(%arg0: i32) -> (i32, i32) {
    %c0_i32 = arith.constant 0 : i32
    %c0_i32_0 = arith.constant 0 : i32
    return %arg0, %c0_i32 : i32, i32
  }
  func.func @transform_3(%arg0: i32) -> (i32, i32) {
    %c0_i32 = arith.constant 0 : i32
    %c0_i32_0 = arith.constant 0 : i32
    return %arg0, %c0_i32 : i32, i32
  }
}

module attributes {stable_mosaic.version = 14 : i64} {
  func.func @_tc2_body(%arg0: i32, %arg1: memref<5000x16xf32, #tpu.memory_space<vmem>>, %arg2: memref<5000x16xf32, #tpu.memory_space<vmem>>, %arg3: memref<5000x32xbf16, #tpu.memory_space<vmem>>, %arg4: memref<5000x32xbf16, #tpu.memory_space<vmem>>, %arg5: memref<5000x32xbf16, #tpu.memory_space<vmem>>, %arg6: memref<32x32xf32, #tpu.memory_space<vmem>>, %arg7: memref<1x32xf32, #tpu.memory_space<vmem>>, %arg8: memref<5000x32xbf16, #tpu.memory_space<vmem>>) attributes {dimension_semantics = [#tpu.dimension_semantics<arbitrary>], iteration_bounds = array<i64: 2>, scalar_prefetch = 0 : i64, scratch_operands = 0 : i64, tpu.core_type = #tpu.core_type<tc>, window_params = [{transform_indices = @transform_0, window_bounds = array<i64: 5000, 16>}, {transform_indices = @transform_1, window_bounds = array<i64: 5000, 16>}, {transform_indices = @transform_2, window_bounds = array<i64: 5000, 32>}, {transform_indices = @transform_3, window_bounds = array<i64: 5000, 32>}, {transform_indices = @transform_4, window_bounds = array<i64: 5000, 32>}, {pipeline_mode = #tpu.pipeline_mode<synchronous>, transform_indices = @transform_5, window_bounds = array<i64: 32, 32>}, {pipeline_mode = #tpu.pipeline_mode<synchronous>, transform_indices = @transform_6, window_bounds = array<i64: 1, 32>}, {transform_indices = @transform_7, window_bounds = array<i64: 5000, 32>}]} {
    %get3A = arith.constant 0 : index
    %get3A_0 = arith.constant 0 : index
    %get3A_1 = vector.load %arg1[%get3A, %get3A_0] : memref<5000x16xf32, #tpu.memory_space<vmem>>, vector<5000x1xf32>
    %get3A_2 = arith.constant 0 : index
    %get3A_3 = arith.constant 0 : index
    %get3A_4 = vector.load %arg2[%get3A_2, %get3A_3] : memref<5000x16xf32, #tpu.memory_space<vmem>>, vector<5000x1xf32>
    %add3A = arith.addf %get3A_1, %get3A_4 : vector<5000x1xf32>
    %add3A_5 = arith.constant 1.000000e+00 : f32
    %add3A_6 = vector.broadcast %add3A_5 : f32 to vector<5000x1xf32>
    %add3A_7 = arith.addf %add3A, %add3A_6 : vector<5000x1xf32>
    %rsqrt3A = math.rsqrt %add3A_7 : vector<5000x1xf32>
    %get3A_8 = arith.constant 0 : index
    %get3A_9 = arith.constant 0 : index
    %get3A_10 = vector.load %arg3[%get3A_8, %get3A_9] : memref<5000x32xbf16, #tpu.memory_space<vmem>>, vector<5000x32xbf16>
    %convert_element_type3A = arith.extf %get3A_10 : vector<5000x32xbf16> to vector<5000x32xf32>
    %get3A_11 = arith.constant 0 : index
    %get3A_12 = arith.constant 0 : index
    %get3A_13 = vector.load %arg4[%get3A_11, %get3A_12] : memref<5000x32xbf16, #tpu.memory_space<vmem>>, vector<5000x32xbf16>
    %convert_element_type3A_14 = arith.extf %get3A_13 : vector<5000x32xbf16> to vector<5000x32xf32>
    %add3A_15 = arith.addf %convert_element_type3A, %convert_element_type3A_14 : vector<5000x32xf32>
    %get3A_16 = arith.constant 0 : index
    %get3A_17 = arith.constant 0 : index
    %get3A_18 = vector.load %arg5[%get3A_16, %get3A_17] : memref<5000x32xbf16, #tpu.memory_space<vmem>>, vector<5000x32xbf16>
    %convert_element_type3A_19 = arith.extf %get3A_18 : vector<5000x32xbf16> to vector<5000x32xf32>
    %add3A_20 = arith.addf %add3A_15, %convert_element_type3A_19 : vector<5000x32xf32>
    %mul3A = vector.broadcast %rsqrt3A : vector<5000x1xf32> to vector<5000x32xf32>
    %mul3A_21 = arith.mulf %add3A_20, %mul3A : vector<5000x32xf32>
    %get3A_22 = arith.constant 0 : index
    %get3A_23 = arith.constant 0 : index
    %get3A_24 = vector.load %arg7[%get3A_22, %get3A_23] : memref<1x32xf32, #tpu.memory_space<vmem>>, vector<1x32xf32>
    %add3A_25 = vector.broadcast %get3A_24 : vector<1x32xf32> to vector<5000x32xf32>
    %add3A_26 = arith.addf %mul3A_21, %add3A_25 : vector<5000x32xf32>
    %max3A = arith.constant 0.000000e+00 : f32
    %max3A_27 = vector.broadcast %max3A : f32 to vector<5000x32xf32>
    %max3A_28 = arith.maximumf %add3A_26, %max3A_27 : vector<5000x32xf32>
    %get3A_29 = arith.constant 0 : index
    %get3A_30 = arith.constant 0 : index
    %get3A_31 = vector.load %arg6[%get3A_29, %get3A_30] : memref<32x32xf32, #tpu.memory_space<vmem>>, vector<32x32xf32>
    %dot_general3A = arith.constant dense<0.000000e+00> : vector<5000x32xf32>
    %dot_general3A_32 = tpu.matmul %max3A_28, %get3A_31, %dot_general3A {dimension_numbers = #tpu.dot_dimension_numbers<[1], [0], [0], [1], [0, 0, 1, 1], [], []>, transpose_lhs_hint = false} : vector<5000x32xf32>, vector<32x32xf32>, vector<5000x32xf32> -> vector<5000x32xf32>
    %mul3A_33 = vector.broadcast %rsqrt3A : vector<5000x1xf32> to vector<5000x32xf32>
    %mul3A_34 = arith.mulf %dot_general3A_32, %mul3A_33 : vector<5000x32xf32>
    %convert_element_type3A_35 = arith.truncf %mul3A_34 : vector<5000x32xf32> to vector<5000x32xbf16>
    %swap3A = arith.constant 0 : index
    %swap3A_36 = arith.constant 0 : index
    %swap3A_37 = vector.load %arg8[%swap3A, %swap3A_36] : memref<5000x32xbf16, #tpu.memory_space<vmem>>, vector<5000x32xbf16>
    tpu.vector_store %arg8[%swap3A, %swap3A_36], %convert_element_type3A_35 {strides = array<i32>} : memref<5000x32xbf16, #tpu.memory_space<vmem>>, vector<5000x32xbf16>,
    return
  }
  func.func @transform_0(%arg0: i32) -> (i32, i32) {
    %c0_i32 = arith.constant 0 : i32
    %c0_i32_0 = arith.constant 0 : i32
    return %arg0, %c0_i32 : i32, i32
  }
  func.func @transform_1(%arg0: i32) -> (i32, i32) {
    %add3A = arith.constant 2 : i32
    %add3A_0 = arith.addi %add3A, %arg0 : i32
    %c0_i32 = arith.constant 0 : i32
    %c0_i32_1 = arith.constant 0 : i32
    return %add3A_0, %c0_i32 : i32, i32
  }
  func.func @transform_2(%arg0: i32) -> (i32, i32) {
    %c0_i32 = arith.constant 0 : i32
    %c0_i32_0 = arith.constant 0 : i32
    return %arg0, %c0_i32 : i32, i32
  }
  func.func @transform_3(%arg0: i32) -> (i32, i32) {
    %add3A = arith.constant 2 : i32
    %add3A_0 = arith.addi %add3A, %arg0 : i32
    %c0_i32 = arith.constant 0 : i32
    %c0_i32_1 = arith.constant 0 : i32
    return %add3A_0, %c0_i32 : i32, i32
  }
  func.func @transform_4(%arg0: i32) -> (i32, i32) {
    %c0_i32 = arith.constant 0 : i32
    %c0_i32_0 = arith.constant 0 : i32
    return %arg0, %c0_i32 : i32, i32
  }
  func.func @transform_5(%arg0: i32) -> (i32, i32) {
    %c0_i32 = arith.constant 0 : i32
    %c0_i32_0 = arith.constant 0 : i32
    %c0_i32_1 = arith.constant 0 : i32
    return %c0_i32, %c0_i32_0 : i32, i32
  }
  func.func @transform_6(%arg0: i32) -> (i32, i32) {
    %c0_i32 = arith.constant 0 : i32
    %c0_i32_0 = arith.constant 0 : i32
    %c0_i32_1 = arith.constant 0 : i32
    return %c0_i32, %c0_i32_0 : i32, i32
  }
  func.func @transform_7(%arg0: i32) -> (i32, i32) {
    %c0_i32 = arith.constant 0 : i32
    %c0_i32_0 = arith.constant 0 : i32
    return %arg0, %c0_i32 : i32, i32
  }
}

module attributes {stable_mosaic.version = 14 : i64} {
  func.func @_tc3_body(%arg0: i32, %arg1: memref<5000x16xf32, #tpu.memory_space<vmem>>, %arg2: memref<5000x16xf32, #tpu.memory_space<vmem>>, %arg3: memref<5000x32xbf16, #tpu.memory_space<vmem>>, %arg4: memref<5000x32xbf16, #tpu.memory_space<vmem>>, %arg5: memref<5000x32xbf16, #tpu.memory_space<vmem>>, %arg6: memref<1x32xf32, #tpu.memory_space<vmem>>, %arg7: memref<5000x25xf32, #tpu.memory_space<vmem>>) attributes {dimension_semantics = [#tpu.dimension_semantics<arbitrary>], iteration_bounds = array<i64: 2>, scalar_prefetch = 0 : i64, scratch_operands = 0 : i64, tpu.core_type = #tpu.core_type<tc>, window_params = [{transform_indices = @transform_0, window_bounds = array<i64: 5000, 16>}, {transform_indices = @transform_1, window_bounds = array<i64: 5000, 16>}, {transform_indices = @transform_2, window_bounds = array<i64: 5000, 32>}, {transform_indices = @transform_3, window_bounds = array<i64: 5000, 32>}, {transform_indices = @transform_4, window_bounds = array<i64: 5000, 32>}, {pipeline_mode = #tpu.pipeline_mode<synchronous>, transform_indices = @transform_5, window_bounds = array<i64: 1, 32>}, {transform_indices = @transform_6, window_bounds = array<i64: 5000, 25>}]} {
    %get3A = arith.constant 0 : index
    %get3A_0 = arith.constant 0 : index
    %get3A_1 = vector.load %arg1[%get3A, %get3A_0] : memref<5000x16xf32, #tpu.memory_space<vmem>>, vector<5000x1xf32>
    %get3A_2 = arith.constant 0 : index
    %get3A_3 = arith.constant 0 : index
    %get3A_4 = vector.load %arg2[%get3A_2, %get3A_3] : memref<5000x16xf32, #tpu.memory_space<vmem>>, vector<5000x1xf32>
    %add3A = arith.addf %get3A_1, %get3A_4 : vector<5000x1xf32>
    %add3A_5 = arith.constant 1.000000e+00 : f32
    %add3A_6 = vector.broadcast %add3A_5 : f32 to vector<5000x1xf32>
    %add3A_7 = arith.addf %add3A, %add3A_6 : vector<5000x1xf32>
    %rsqrt3A = math.rsqrt %add3A_7 : vector<5000x1xf32>
    %get3A_8 = arith.constant 0 : index
    %get3A_9 = arith.constant 0 : index
    %get3A_10 = vector.load %arg3[%get3A_8, %get3A_9] : memref<5000x32xbf16, #tpu.memory_space<vmem>>, vector<5000x32xbf16>
    %convert_element_type3A = arith.extf %get3A_10 : vector<5000x32xbf16> to vector<5000x32xf32>
    %get3A_11 = arith.constant 0 : index
    %get3A_12 = arith.constant 0 : index
    %get3A_13 = vector.load %arg4[%get3A_11, %get3A_12] : memref<5000x32xbf16, #tpu.memory_space<vmem>>, vector<5000x32xbf16>
    %convert_element_type3A_14 = arith.extf %get3A_13 : vector<5000x32xbf16> to vector<5000x32xf32>
    %add3A_15 = arith.addf %convert_element_type3A, %convert_element_type3A_14 : vector<5000x32xf32>
    %get3A_16 = arith.constant 0 : index
    %get3A_17 = arith.constant 0 : index
    %get3A_18 = vector.load %arg5[%get3A_16, %get3A_17] : memref<5000x32xbf16, #tpu.memory_space<vmem>>, vector<5000x32xbf16>
    %convert_element_type3A_19 = arith.extf %get3A_18 : vector<5000x32xbf16> to vector<5000x32xf32>
    %add3A_20 = arith.addf %add3A_15, %convert_element_type3A_19 : vector<5000x32xf32>
    %mul3A = vector.broadcast %rsqrt3A : vector<5000x1xf32> to vector<5000x32xf32>
    %mul3A_21 = arith.mulf %add3A_20, %mul3A : vector<5000x32xf32>
    %get3A_22 = arith.constant 0 : index
    %get3A_23 = arith.constant 0 : index
    %get3A_24 = vector.load %arg6[%get3A_22, %get3A_23] : memref<1x32xf32, #tpu.memory_space<vmem>>, vector<1x32xf32>
    %add3A_25 = vector.broadcast %get3A_24 : vector<1x32xf32> to vector<5000x32xf32>
    %add3A_26 = arith.addf %mul3A_21, %add3A_25 : vector<5000x32xf32>
    %slice3A = vector.extract_strided_slice %add3A_26 {offsets = [0, 0], sizes = [5000, 25], strides = [1, 1]} : vector<5000x32xf32> to vector<5000x25xf32>
    %swap3A = arith.constant 0 : index
    %swap3A_27 = arith.constant 0 : index
    %swap3A_28 = vector.load %arg7[%swap3A, %swap3A_27] : memref<5000x25xf32, #tpu.memory_space<vmem>>, vector<5000x25xf32>
    tpu.vector_store %arg7[%swap3A, %swap3A_27], %slice3A {strides = array<i32>} : memref<5000x25xf32, #tpu.memory_space<vmem>>, vector<5000x25xf32>,
    return
  }
  func.func @transform_0(%arg0: i32) -> (i32, i32) {
    %c0_i32 = arith.constant 0 : i32
    %c0_i32_0 = arith.constant 0 : i32
    return %arg0, %c0_i32 : i32, i32
  }
  func.func @transform_1(%arg0: i32) -> (i32, i32) {
    %add3A = arith.constant 2 : i32
    %add3A_0 = arith.addi %add3A, %arg0 : i32
    %c0_i32 = arith.constant 0 : i32
    %c0_i32_1 = arith.constant 0 : i32
    return %add3A_0, %c0_i32 : i32, i32
  }
  func.func @transform_2(%arg0: i32) -> (i32, i32) {
    %c0_i32 = arith.constant 0 : i32
    %c0_i32_0 = arith.constant 0 : i32
    return %arg0, %c0_i32 : i32, i32
  }
  func.func @transform_3(%arg0: i32) -> (i32, i32) {
    %add3A = arith.constant 2 : i32
    %add3A_0 = arith.addi %add3A, %arg0 : i32
    %c0_i32 = arith.constant 0 : i32
    %c0_i32_1 = arith.constant 0 : i32
    return %add3A_0, %c0_i32 : i32, i32
  }
  func.func @transform_4(%arg0: i32) -> (i32, i32) {
    %c0_i32 = arith.constant 0 : i32
    %c0_i32_0 = arith.constant 0 : i32
    return %arg0, %c0_i32 : i32, i32
  }
  func.func @transform_5(%arg0: i32) -> (i32, i32) {
    %c0_i32 = arith.constant 0 : i32
    %c0_i32_0 = arith.constant 0 : i32
    %c0_i32_1 = arith.constant 0 : i32
    return %c0_i32, %c0_i32_0 : i32, i32
  }
  func.func @transform_6(%arg0: i32) -> (i32, i32) {
    %c0_i32 = arith.constant 0 : i32
    %c0_i32_0 = arith.constant 0 : i32
    return %arg0, %c0_i32 : i32, i32
  }
}

</mosaic_0001>

<sc_bundles>
// kernel: kernel.12.cloned.1.call-start
scs
__scs_entry_jumppad:
0x0: {  	(pc) =	sbr.rel $0x88, $3  }
0x1: {  	(tag) =	ssettag $0x0;
	lr =	simm.s32 $0x1  }
0x2: {  	[smem:$0x3F9B] =	sst lr;
	_ =	strace $0xD0000000  }
0x3: {  	_ = 	snop  }
0x4: {  	_ = 	snop  }
0x5: {  	_ = 	snop  }
0x6: {  	_ = 	snop  }
0x7: {  	_ = 	snop  }
__scs_overlays_trampoline_lowered:
0x8: {  	[smem:$0x3FAA] =	sst s0  }
0x9: {  	[smem:$0x3FAB] =	sst s1  }
0xa: {  	[smem:$0x3FAC] =	sst s2  }
0xb: {  	[smem:$0x3FAD] =	sst s3  }
0xc: {  	[smem:$0x3FAE] =	sst s4  }
0xd: {  	[smem:$0x3FAF] =	sst s5  }
0xe: {  	[smem:$0x3FB0] =	sst s6  }
0xf: {  	[smem:$0x3FB1] =	sst s7  }
0x10: {  	[smem:$0x3FB2] =	sst s8  }
0x11: {  	[smem:$0x3FB3] =	sst s9;
	s0 =	simm.s32 @!p0 $0x0  }
0x12: {  	s1 =	sld [smem:$0x3F99];
	s0 =	simm.s32 @p0 $0x1  }
0x13: {  	[smem:$0x3FB4] =	sst s0;
	s0 =	simm.s32 @!p1 $0x0  }
0x14: {  	s2 =	sld [smem:$0x3F98];
	s0 =	simm.s32 @p1 $0x1  }
0x15: {  	[smem:$0x3FB5] =	sst s0;
	s0 =	simm.s32 @!p2 $0x0  }
0x16: {  	s3 =	sld [smem:$0x3FDB];
	s0 =	simm.s32 @p2 $0x1  }
0x17: {  	s4 =	simm.s32 $0x1BF5;
	[smem:$0x3FB7] =	sst s0  }
0x18: {  	s0 =	sld [smem:$0x3F9A];
	_ =	swait.ge [sflag:s4], $0x0  }
0x19: {  	s7 =	sld [smem:$0x3F9B]  }
0x1a: {  	s8 =	sadd.s32 $0xFFFFE003, lr  }
0x1b: {  	s9 =	sadd.s32 $0xFFFFFEF7, lr;
	s5 =	simm.s32 $0xFFFFFFFF;
	p2 =	slt.u32 s8, $0xFFFFF086  }
0x1c: {  	p1 =	slt.u32 s9, $0xF7A;
	s5 =	simm.s32 @!p2 $0x0  }
0x1d: {  	s5 =	simm.s32 @p1 $0x1;
	p0 =	seq.s32 s7, s2  }
0x1e: {  	s7 =	smul.u32 @!p0 $0xF7A, s2;
	p2 =	seq.s32 @!p0 s5, $0x0  }
0x1f: {  	s9 =	smul.u32 $0xF7A, s1;
	s8 =	simm.s32 @!p0 $0x1BF5;
	p2 =	por !p2, p0  }
0x20: {  	[sflag:s8] =	ssyncset.s32 @!p0 $0xFFFFF086;
	s6 =	sadd.s32 @!p0 s3, s7;
	s7 =	simm.s32 @!p0 $0x108  }
0x21: {  	s3 =	sadd.s32 s3, s9;
	s6 =	sadd.s32 @!p0 $0x88, s6;
	s7 =	simm.s32 @p2 $0x1082  }
0x22: {  	[simem:s7], [sflag:s8] =	dma.local @!p0 [hbm:s6], $0xF7A  }
0x23: {  	s9 =	sor.u32 $0xD0000000, s2;
	s6 =	simm.s32 $0x108;
	_ =	swait.ge @!p0 [sflag:s8], $0x0  }
0x24: {  	s3 =	sadd.s32 $0x88, s3;
	s6 =	simm.s32 @!p1 $0x1082;
	[sflag:s4] =	ssyncset.s32 $0xFFFFF086  }
0x25: {  	[simem:s6], [sflag:s4] =	dma.local [hbm:s3], $0xF7A  }
0x26: {  	[smem:$0x3F9B] =	sst s1;
	(tag) =	ssettag s2;
	_ =	strace s9  }
0x27: {  	s1 =	sld [smem:$0x3FAB]  }
0x28: {  	s2 =	sld [smem:$0x3FAC]  }
0x29: {  	s4 =	sld [smem:$0x3FAE]  }
0x2a: {  	p0 =	seq.s32 s5, $0x0;
	s5 =	sld [smem:$0x3FAF]  }
0x2b: {  	s6 =	sld [smem:$0x3FB0]  }
0x2c: {  	s7 =	sld [smem:$0x3FB1]  }
0x2d: {  	s3 =	simm.s32 $0x108;
	s8 =	sld [smem:$0x3FB2]  }
0x2e: {  	s3 =	simm.s32 @!p0 $0x1082;
	s9 =	sld [smem:$0x3FB3]  }
0x2f: {  	lr =	sadd.s32 s0, s3;
	s0 =	sld [smem:$0x3FAA]  }
0x30: {  	s3 =	sld [smem:$0x3FAD]  }
0x31: {  	[smem:$0x3FB6] =	sst s10  }
0x32: {  	s10 =	sld [smem:$0x3FB4];
	_ =	sdelay $0x3  }
0x33: {  	p0 =	seq.s32 s10, $0x1;
	s10 =	sld [smem:$0x3FB6];
	_ =	sdelay $0x3  }
0x34: {  	[smem:$0x3FB6] =	sst s10  }
0x35: {  	s10 =	sld [smem:$0x3FB5];
	_ =	sdelay $0x3  }
0x36: {  	p1 =	seq.s32 s10, $0x1;
	s10 =	sld [smem:$0x3FB6];
	_ =	sdelay $0x3  }
0x37: {  	[smem:$0x3FB6] =	sst s10  }
0x38: {  	s10 =	sld [smem:$0x3FB7]  }
0x39: {  	_ = 	snop;
	(pc) =	sbr.ind lr, $3  }
0x3a: {  	_ = 	snop  }
0x3b: {  	_ = 	snop  }
0x3c: {  	p2 =	seq.s32 s10, $0x1;
	s10 =	sld [smem:$0x3FB6]  }
0x3d: {  	_ =	shalt  }
0x3e: {  	_ =	shalt  }
0x3f: {  	_ =	shalt  }
0x40: {  	_ =	shalt  }
0x41: {  	_ =	shalt  }
0x42: {  	_ =	shalt  }
0x43: {  	_ =	shalt  }
0x44: {  	_ =	shalt  }
0x45: {  	_ =	shalt  }
0x46: {  	_ =	shalt  }
0x47: {  	_ =	shalt  }
0x48: {  	_ =	shalt  }
0x49: {  	_ =	shalt  }
0x4a: {  	_ =	shalt  }
0x4b: {  	_ =	shalt  }
0x4c: {  	_ =	shalt  }
0x4d: {  	_ =	shalt  }
0x4e: {  	_ =	shalt  }
0x4f: {  	_ =	shalt  }
0x50: {  	_ =	shalt  }
0x51: {  	_ =	shalt  }
0x52: {  	_ =	shalt  }
0x53: {  	_ =	shalt  }
0x54: {  	_ =	shalt  }
0x55: {  	_ =	shalt  }
0x56: {  	_ =	shalt  }
0x57: {  	_ =	shalt  }
0x58: {  	_ =	shalt  }
0x59: {  	_ =	shalt  }
0x5a: {  	_ =	shalt  }
0x5b: {  	_ =	shalt  }
0x5c: {  	_ =	shalt  }
0x5d: {  	_ =	shalt  }
0x5e: {  	_ =	shalt  }
0x5f: {  	_ =	shalt  }
0x60: {  	_ =	shalt  }
0x61: {  	_ =	shalt  }
0x62: {  	_ =	shalt  }
0x63: {  	_ =	shalt  }
0x64: {  	_ =	shalt  }
0x65: {  	_ =	shalt  }
0x66: {  	_ =	shalt  }
0x67: {  	_ =	shalt  }
0x68: {  	_ =	shalt  }
0x69: {  	_ =	shalt  }
0x6a: {  	_ =	shalt  }
0x6b: {  	_ =	shalt  }
0x6c: {  	_ =	shalt  }
0x6d: {  	_ =	shalt  }
0x6e: {  	_ =	shalt  }
0x6f: {  	_ =	shalt  }
0x70: {  	_ =	shalt  }
0x71: {  	_ =	shalt  }
0x72: {  	_ =	shalt  }
0x73: {  	_ =	shalt  }
0x74: {  	_ =	shalt  }
0x75: {  	_ =	shalt  }
0x76: {  	_ =	shalt  }
0x77: {  	_ =	shalt  }
0x78: {  	_ =	shalt  }
0x79: {  	_ =	shalt  }
0x7a: {  	_ =	shalt  }
0x7b: {  	_ =	shalt  }
0x7c: {  	_ =	shalt  }
0x7d: {  	_ =	shalt  }
0x7e: {  	_ =	shalt  }
0x7f: {  	_ =	shalt  }
0x80: {  	_ =	shalt  }
0x81: {  	_ =	shalt  }
0x82: {  	_ =	shalt  }
0x83: {  	_ =	shalt  }
0x84: {  	_ =	shalt  }
0x85: {  	_ =	shalt  }
0x86: {  	_ =	shalt  }
0x87: {  	_ =	shalt  }
.Lfunc_end0:
.L_simem_size_0:
called_computation.1_lowered:
.L_overlay_start_0:
0x88: {  	s2 =	sld [smem:$0x3FD9]  }
0x89: {  	s3 =	sld [smem:$0x3FFE];
	_ =	sdelay $0x1  }
0x8a: {  	s1 =	srdreg.scid  }
0x8b: {  	s0 =	sand.u32 $0x1, s1  }
0x8c: {  	s17 =	sshll.u32 s0, $0xA;
	s2 =	sadd.s32 s3, s2  }
0x8d: {  	s2 =	sadd.s32 s2, s17  }
0x8e: {  	[smem:$0x3FC2] =	sst s2  }
0x8f: {  	_ = 	snop  }
0x90: {  	s2 =	sld [smem:$0x3FD0];
	(tm) =	ssettm $0x1  }
0x91: {  	s18 =	sld [smem:$0x3FFB];
	_ =	sdelay $0x3  }
0x92: {  	_ =	strace s18  }
0x93: {  	s3 =	sld [smem:$0x3FFC];
	_ =	sdelay $0x3  }
0x94: {  	_ =	strace s3  }
0x95: {  	s3 =	sld [smem:$0x3FFD];
	_ =	sdelay $0x3  }
0x96: {  	_ =	strace s3  }
0x97: {  	_ =	strace $0x8FFFFFFF  }
0x98: {  	s19 =	sld [smem:$0x3FDB];
	_ =	sdelay $0x1  }
0x99: {  	s4 =	simm.s32 $_scs_section_size  }
0x9a: {  	s5 =	simm.s32 $_size__tile_overlayer_lowered;
	s6 =	simm.s32 $_tile_overlayer_lowered  }
0x9b: {  	s22 =	simm.s32 $0x1BFF;
	s21 =	sshll.u32 s6, $0x1;
	s3 =	sadd.s32 s4, s19  }
0x9c: {  	s7 =	simm.s32 $0x0;
	s20 =	sshll.u32 s5, $0x1;
	s5 =	sadd.s32 s21, s3  }
0x9d: {  	[timem:s7], [sflag:s22] =	dma.local [hbm:s5], s20  }
0x9e: {  	_ =	swait.ge [sflag:s22], s20  }
0x9f: {  	s4 =	ssub.s32 $0x0, s20;
	[sflag:s22] =	ssyncset.done $0x0  }
0xa0: {  	[sflag:s22] =	ssyncadd.s32 s4;
	_ =	sdelay $0x1  }
0xa1: {  	s23 =	simm.s32 $0x1B8B  }
0xa2: {  	_ =	swait.ge [sflag:s23], $0x1  }
0xa3: {  	[sflag:s23] =	ssyncset.done $0x0  }
0xa4: {  	s25 =	simm.s32 $0x1B8E;
	s24 =	sld [smem:$0x3FFE];
	[sflag:s23] =	ssyncadd.s32 $0xFFFFFFFF  }
0xa5: {  	s26 =	simm.s32 $execute0_lowered;
	[smem:$0x3FD2] =	sst s25  }
0xa6: {  	s5 =	sshll.u32 s26, $0x1;
	_ =	strace $0x80000049;
	[dreg:$0x1] =	wrdreg $0xFFFFFFFF  }
0xa7: {  	s28 =	simm.s32 $_size_execute0_lowered;
	s3 =	sadd.s32 s3, s5;
	[dreg:$0x0] =	wrdreg $0x0  }
0xa8: {  	s5 =	sshll.u32 s28, $0x1;
	[dreg:$0x2] =	wrdreg s3  }
0xa9: {  	[dreg:$0x3] =	wrdreg s5  }
0xaa: {  	[dreg:$0x4] =	wrdreg $0xC0  }
0xab: {  	_ =	task [dreg:s7], $0x5FFFF  }
0xac: {  	[dreg:$0x1] =	wrdreg $0xFFFFFFFF  }
0xad: {  	[dreg:$0x0] =	wrdreg $0x60  }
0xae: {  	[dreg:$0x2] =	wrdreg s2  }
0xaf: {  	[dreg:$0x3] =	wrdreg s24  }
0xb0: {  	[dreg:$0x4] =	wrdreg $0xA1200  }
0xb1: {  	[dreg:$0x5] =	wrdreg $0x9  }
0xb2: {  	_ =	task.clear_ibuf [dreg:s7], $0x6FFFF;
	_ =	strace $0x90000049  }
0xb3: {  	s29 =	simm.s32 $0x9;
	_ =	strace $0x8000004B  }
0xb4: {  	_ =	swait.ge [sflag:s29], $0x1  }
0xb5: {  	[sflag:s29] =	ssyncadd.s32 $0xFFFFFFFF  }
0xb6: {  	_ =	strace $0x9000004B  }
0xb7: {  	_ =	sfence  }
0xb8: {  	s30 =	sld [smem:$0x0];
	_ =	sdelay $0x2  }
0xb9: {  	s31 =	sshll.u32 s1, $0xD;
	s1 =	sshrl.u32 s1, $0x2  }
0xba: {  	s3 =	sand.u32 $0x4000, s31;
	s1 =	sadd.s32 s1, s30  }
0xbb: {  	s0 =	sor.u32 s3, s0;
	s1 =	sshll.u32 s1, $0x11  }
0xbc: {  	s0 =	sor.u32 s1, s0  }
0xbd: {  	s0 =	sadd.s32 $0x8F2B, s0  }
0xbe: {  	[sflag:s0] =	ssyncadd.remote.s32 $0x1  }
0xbf: {  	_ =	sfence.sel $0xFFFF  }
0xc0: {  	[dreg:$0x0] =	wrdreg $0xFFFFFFFF;
	(pc) =	sbr.abs _section_cstart, $3  }
0xc1: {  	[dreg:$0x1] =	wrdreg $0xFFFFFFFF  }
0xc2: {  	_ =	task.clear_ibuf [dreg:s7], $0x2FFFF;
	_ =	strace $0x9FFFFFFF  }
0xc3: {  	(tm) =	ssettm $0x7FFFFFFF  }
tec
execute0_lowered:
.L_overlay_start_1:
0x0: {  	(tag) =	ssettag $0x1  }
0x1: {  	s1 =	rddreg [dreg:$0x0]  }
0x2: {  	s0 =	rddreg [dreg:$0x1];
	s2 =	srdreg.scid  }
0x3: {  	s12 =	stileid.u32;
	s3 =	rddreg [dreg:$0x2]  }
0x4: {  	s4 =	simm.s32 $0x0;
	s29 =	simm.s32 $0x6A70;
	s30 =	simm.s32 $0x1  }
0x5: {  	s31 =	simm.s32 $0x2;
	s28 =	simm.s32 $0x8;
	s6 =	smul.u32 $0x60, s12  }
0x6: {  	s2 =	sand.u32 $0x1, s2;
	s5 =	sshll.u32 s12, $0x1;
	s8 =	smul.u32 $0x5DC, s12  }
0x7: {  	[smem:$0x7FF] =	sst s4;
	s9 =	sshrl.u32 s12, $0x2;
	s26 =	smul.u32 $0x5DC0, s2  }
0x8: {  	s7 =	sadd.s32 $0x21000, s0;
	s10 =	sand.u32 $0x3, s12;
	s11 =	smul.u32 $0x2EE0, s9  }
0x9: {  	s25 =	sshll.u32 s12, $0x6;
	s5 =	sor.u32 s2, s5;
	s10 =	smul.u32 $0xBB8, s10  }
0xa: {  	_ =	strace $0x8000004A;
	s2 =	ssub.s32 $0x2, s2;
	s9 =	smul.u32 $0xBB800, s9  }
0xb: {  	[dreg:$0x4] =	wrdreg s7;
	s5 =	smul.u32 $0x500, s5;
	s4 =	sshrl.u32 s2, $0x1  }
0xc: {  	s6 =	sadd.s32 s6, s0;
	s7 =	sadd.s32 s8, s26;
	s2 =	ssub.s32 s2, s4  }
0xd: {  	s8 =	smul.u32 $0xBB80, s12;
	s13 =	sadd.s32 s10, s11;
	s15 =	sadd.s32 $0xAA00, s6  }
0xe: {  	s18 =	sshrl.u32 s9, $0x2;
	s9 =	simm.s32 $0x5000;
	s11 =	sor.u32 $0x1C09, s25  }
0xf: {  	s25 =	simm.s32 $0x7;
	s6 =	simm.s32 $0x0;
	s12 =	simm.s32 $0x5100  }
0x10: {  	s5 =	sadd.s32 s5, s0;
	s0 =	sadd.s32 s7, s0;
	[dreg:$0x7] =	wrdreg s15  }
0x11: {  	s17 =	sshll.u32 s13, $0x4;
	s10 =	sadd.s32 s18, s3;
	s24 =	smax.u32 s2, $0x1  }
0x12: {  	s2 =	simm.s32 $0x3;
	[dreg:$0xf] =	wrdreg s11;
	s13 =	simm.s32 $0x81E0  }
0x13: {  	s15 =	simm.s32 $0x89B0;
	s18 =	simm.s32 $0x9950;
	s14 =	sadd.s32 $0x17000, s5  }
0x14: {  	s5 =	sadd.s32 $0xA00, s5;
	s16 =	sshrl.u32 s8, $0x2;
	[dreg:$0xd] =	wrdreg s24  }
0x15: {  	s20 =	sadd.s32 s17, s3;
	s0 =	sadd.s32 $0xB000, s0;
	[dreg:$0x5] =	wrdreg s14  }
0x16: {  	s24 =	simm.s32 $0x5AD0;
	s17 =	simm.s32 $0x5;
	[dreg:$0x6] =	wrdreg s5  }
0x17: {  	s19 =	sadd.s32 s16, s3;
	[dreg:$0xc] =	wrdreg s0;
	s16 =	simm.s32 $0x9  }
0x18: {  	s26 =	sshrl.u32 s20, $0x3;
	s0 =	simm.s32 $0x4;
	[dreg:$0x8] =	wrdreg s19  }
0x19: {  	s5 =	simm.s32 $0x7240;
	s21 =	sadd.s32 $0x2EE00, s19;
	[dreg:$0xe] =	wrdreg s26  }
0x1a: {  	s14 =	simm.s32 $0x5180;
	s22 =	sadd.s32 $0x5DC00, s19;
	[dreg:$0x9] =	wrdreg s21  }
0x1b: {  	s20 =	simm.s32 $0x5200;
	s23 =	sadd.s32 $0x8CA00, s19;
	[dreg:$0xa] =	wrdreg s22  }
0x1c: {  	s26 =	simm.s32 $0x62A0;
	s19 =	simm.s32 $0x5000;
	[dreg:$0xb] =	wrdreg s23  }
0x1d: {  	s21 =	simm.s32 $0x7D;
	s22 =	simm.s32 $0x5300;
	s23 =	simm.s32 $0x6  }
.LBB2_1:
0x1e: {  	s7 =	rddreg [dreg:$0x5];
	s4 =	simm.s32 $0x0  }
0x1f: {  	[tilespmem:s4], [sflag:$0x9] =	stream.linear.gather [hbm4b:s7+s4], $0x2800, $0x38;
	[tilespmem:$0x15CA0] =	vst v63  }
0x20: {  	_ =	swait.ge [sflag:s16], $0x2800  }
0x21: {  	[sflag:s16] =	ssyncset.done $0x0  }
0x22: {  	s8 =	simm.s32 $0x2800;
	s7 =	rddreg [dreg:$0x6];
	[sflag:s16] =	ssyncadd.s32 $0xFFFFD800  }
0x23: {  	[tilespmem:s8], [sflag:$0x9] =	stream.linear.gather [hbm4b:s7+s4], $0x2800, $0x38;
	[tilespmem:$0x15CA0] =	vst v63  }
0x24: {  	_ =	swait.ge [sflag:s16], $0x2800  }
0x25: {  	[sflag:s16] =	ssyncset.done $0x0  }
0x26: {  	s8 =	rddreg [dreg:$0x7];
	[sflag:s16] =	ssyncadd.s32 $0xFFFFD800  }
0x27: {  	[tilespmem:s9], [sflag:$0x9] =	stream.linear.gather [hbm4b:s8+s4], $0x300, $0x38;
	[tilespmem:$0x15CA0] =	vst v63  }
0x28: {  	_ =	swait.ge [sflag:s16], $0x300  }
0x29: {  	[sflag:s16] =	ssyncset.done $0x0;
	s7 =	rddreg [dreg:$0x4]  }
0x2a: {  	s8 =	rddreg [dreg:$0xe];
	[sflag:s16] =	ssyncadd.s32 $0xFFFFFD00  }
0x2b: {  	[spmem:s8], [sflag:s11] =	dma.local [hbm:s7], $0x1770  }
0x2c: {  	_ =	swait.ge [sflag:s16], $0x1770  }
0x2d: {  	[sflag:s16] =	ssyncset.done $0x0  }
0x2e: {  	[sflag:s16] =	ssyncadd.s32 $0xFFFFE890  }
0x2f: {  	[bflag:$0x0] =	sbarrier.arrive $0xFFFF  }
0x30: {  	[tilespmem:s22], [sflag:$0x1] =	stream.indirect.gather [hbm4b:s1+s21], $0x10, s4, s21, $0xb8;
	[tilespmem:$0x15CA0] =	vst v63  }
0x31: {  	s11 =	simm.s32 $0x80  }
0x32: {  	[tilespmem:s24], [sflag:$0x2] =	stream.indirect.gather [hbm4b:s1+s21], $0x10, s11, s21, $0xb8;
	[tilespmem:$0x15CA0] =	vst v63  }
0x33: {  	s4 =	simm.s32 $0x100  }
0x34: {  	[tilespmem:s26], [sflag:$0x3] =	stream.indirect.gather [hbm4b:s1+s21], $0x10, s4, s21, $0xb8;
	[tilespmem:$0x15CA0] =	vst v63  }
0x35: {  	s8 =	simm.s32 $0x180  }
0x36: {  	[tilespmem:s29], [sflag:$0x4] =	stream.indirect.gather [hbm4b:s1+s21], $0x10, s8, s21, $0xb8;
	[tilespmem:$0x15CA0] =	vst v63  }
0x37: {  	_ =	swait.ge [sflag:s30], $0x7D0  }
0x38: {  	[sflag:s30] =	ssyncset.done $0x0  }
0x39: {  	s11 =	simm.s32 $0x2800;
	[sflag:s30] =	ssyncadd.s32 $0xFFFFF830  }
0x3a: {  	[spmem:s10] =	stream.indirect.scatter.add.bf16 [tilespmem:s22], [sflag:$0x5], $0x10, s11, s21, $0xb8;
	[tilespmem:$0x15CA0] =	vst v63  }
0x3b: {  	_ =	swait.ge [sflag:s31], $0x7D0  }
0x3c: {  	[sflag:s31] =	ssyncset.done $0x0  }
0x3d: {  	s4 =	simm.s32 $0x2880;
	[sflag:s31] =	ssyncadd.s32 $0xFFFFF830  }
0x3e: {  	[spmem:s10] =	stream.indirect.scatter.add.bf16 [tilespmem:s24], [sflag:$0x6], $0x10, s4, s21, $0xb8;
	[tilespmem:$0x15CA0] =	vst v63  }
0x3f: {  	_ =	swait.ge [sflag:s2], $0x7D0  }
0x40: {  	[sflag:s2] =	ssyncset.done $0x0  }
0x41: {  	s8 =	simm.s32 $0x2900;
	[sflag:s2] =	ssyncadd.s32 $0xFFFFF830  }
0x42: {  	[spmem:s10] =	stream.indirect.scatter.add.bf16 [tilespmem:s26], [sflag:$0x7], $0x10, s8, s21, $0xb8;
	[tilespmem:$0x15CA0] =	vst v63  }
0x43: {  	_ =	swait.ge [sflag:s0], $0x7D0  }
0x44: {  	[sflag:s0] =	ssyncset.done $0x0  }
0x45: {  	s11 =	simm.s32 $0x2980;
	[sflag:s0] =	ssyncadd.s32 $0xFFFFF830  }
0x46: {  	[spmem:s10] =	stream.indirect.scatter.add.bf16 [tilespmem:s29], [sflag:$0x8], $0x10, s11, s21, $0xb8;
	[tilespmem:$0x15CA0] =	vst v63  }
0x47: {  	_ =	swait.ge [sflag:s17], $0x7D0  }
0x48: {  	[sflag:s17] =	ssyncset.done $0x0  }
0x49: {  	s4 =	simm.s32 $0x200;
	[sflag:s17] =	ssyncadd.s32 $0xFFFFF830  }
0x4a: {  	[tilespmem:s22], [sflag:$0x1] =	stream.indirect.gather [hbm4b:s1+s21], $0x10, s4, s21, $0xb8;
	[tilespmem:$0x15CA0] =	vst v63  }
0x4b: {  	_ =	swait.ge [sflag:s23], $0x7D0  }
0x4c: {  	[sflag:s23] =	ssyncset.done $0x0  }
0x4d: {  	s8 =	simm.s32 $0x280;
	[sflag:s23] =	ssyncadd.s32 $0xFFFFF830  }
0x4e: {  	[tilespmem:s24], [sflag:$0x2] =	stream.indirect.gather [hbm4b:s1+s21], $0x10, s8, s21, $0xb8;
	[tilespmem:$0x15CA0] =	vst v63  }
0x4f: {  	_ =	swait.ge [sflag:s25], $0x7D0  }
0x50: {  	[sflag:s25] =	ssyncset.done $0x0  }
0x51: {  	s11 =	simm.s32 $0x300;
	[sflag:s25] =	ssyncadd.s32 $0xFFFFF830  }
0x52: {  	[tilespmem:s26], [sflag:$0x3] =	stream.indirect.gather [hbm4b:s1+s21], $0x10, s11, s21, $0xb8;
	[tilespmem:$0x15CA0] =	vst v63  }
0x53: {  	_ =	swait.ge [sflag:s28], $0x7D0  }
0x54: {  	[sflag:s28] =	ssyncset.done $0x0  }
0x55: {  	s7 =	simm.s32 $0x800;
	s8 =	simm.s32 $0x380;
	[sflag:s28] =	ssyncadd.s32 $0xFFFFF830  }
.LBB2_2:
0x56: {  	[tilespmem:s29], [sflag:$0x4] =	stream.indirect.gather [hbm4b:s1+s21], $0x10, s8, s21, $0xb8;
	[tilespmem:$0x15CA0] =	vst v63  }
0x57: {  	s8 =	smov.u32 s7  }
0x58: {  	p0 =	sne.s32 s7, $0x9000;
	s7 =	sadd.s32 $0x800, s7;
	_ =	swait.ge [sflag:s30], $0x7D0  }
0x59: {  	s8 =	sshra.s32 s8, $0x2;
	[sflag:s30] =	ssyncset.done $0x0  }
0x5a: {  	s11 =	sadd.s32 $0x2800, s8;
	[sflag:s30] =	ssyncadd.s32 $0xFFFFF830  }
0x5b: {  	[spmem:s10] =	stream.indirect.scatter.add.bf16 [tilespmem:s22], [sflag:$0x5], $0x10, s11, s21, $0xb8;
	[tilespmem:$0x15CA0] =	vst v63  }
0x5c: {  	_ =	swait.ge [sflag:s31], $0x7D0  }
0x5d: {  	[sflag:s31] =	ssyncset.done $0x0  }
0x5e: {  	s11 =	sadd.s32 $0x2880, s8;
	[sflag:s31] =	ssyncadd.s32 $0xFFFFF830  }
0x5f: {  	[spmem:s10] =	stream.indirect.scatter.add.bf16 [tilespmem:s24], [sflag:$0x6], $0x10, s11, s21, $0xb8;
	[tilespmem:$0x15CA0] =	vst v63  }
0x60: {  	_ =	swait.ge [sflag:s2], $0x7D0  }
0x61: {  	[sflag:s2] =	ssyncset.done $0x0  }
0x62: {  	s11 =	sadd.s32 $0x2900, s8;
	[sflag:s2] =	ssyncadd.s32 $0xFFFFF830  }
0x63: {  	[spmem:s10] =	stream.indirect.scatter.add.bf16 [tilespmem:s26], [sflag:$0x7], $0x10, s11, s21, $0xb8;
	[tilespmem:$0x15CA0] =	vst v63  }
0x64: {  	_ =	swait.ge [sflag:s0], $0x7D0  }
0x65: {  	[sflag:s0] =	ssyncset.done $0x0  }
0x66: {  	s11 =	sadd.s32 $0x2980, s8;
	[sflag:s0] =	ssyncadd.s32 $0xFFFFF830  }
0x67: {  	[spmem:s10] =	stream.indirect.scatter.add.bf16 [tilespmem:s29], [sflag:$0x8], $0x10, s11, s21, $0xb8;
	[tilespmem:$0x15CA0] =	vst v63  }
0x68: {  	_ =	swait.ge [sflag:s17], $0x7D0  }
0x69: {  	[sflag:s17] =	ssyncset.done $0x0  }
0x6a: {  	s11 =	sadd.s32 $0x200, s8;
	[sflag:s17] =	ssyncadd.s32 $0xFFFFF830  }
0x6b: {  	[tilespmem:s22], [sflag:$0x1] =	stream.indirect.gather [hbm4b:s1+s21], $0x10, s11, s21, $0xb8;
	[tilespmem:$0x15CA0] =	vst v63  }
0x6c: {  	_ =	swait.ge [sflag:s23], $0x7D0  }
0x6d: {  	[sflag:s23] =	ssyncset.done $0x0  }
0x6e: {  	s11 =	sadd.s32 $0x280, s8;
	[sflag:s23] =	ssyncadd.s32 $0xFFFFF830  }
0x6f: {  	[tilespmem:s24], [sflag:$0x2] =	stream.indirect.gather [hbm4b:s1+s21], $0x10, s11, s21, $0xb8;
	[tilespmem:$0x15CA0] =	vst v63  }
0x70: {  	_ =	swait.ge [sflag:s25], $0x7D0  }
0x71: {  	[sflag:s25] =	ssyncset.done $0x0  }
.Ltmp0:
0x72: {  	s11 =	sadd.s32 $0x300, s8;
	[sflag:s25] =	ssyncadd.s32 $0xFFFFF830;
	(pc) =	sbr.rel @p0 .LBB2_2-.Ltmp0, $4  }
0x73: {  	[tilespmem:s26], [sflag:$0x3] =	stream.indirect.gather [hbm4b:s1+s21], $0x10, s11, s21, $0xb8;
	[tilespmem:$0x15CA0] =	vst v63  }
0x74: {  	_ =	swait.ge [sflag:s28], $0x7D0  }
0x75: {  	[sflag:s28] =	ssyncset.done $0x0  }
0x76: {  	s8 =	sadd.s32 $0x380, s8;
	[sflag:s28] =	ssyncadd.s32 $0xFFFFF830  }
0x77: {  	[tilespmem:s29], [sflag:$0x4] =	stream.indirect.gather [hbm4b:s1+s21], $0x10, s8, s21, $0xb8;
	[tilespmem:$0x15CA0] =	vst v63  }
0x78: {  	_ =	swait.ge [sflag:s30], $0x7D0  }
0x79: {  	[sflag:s30] =	ssyncset.done $0x0  }
0x7a: {  	s7 =	simm.s32 $0x4E00;
	[sflag:s30] =	ssyncadd.s32 $0xFFFFF830  }
0x7b: {  	[spmem:s10] =	stream.indirect.scatter.add.bf16 [tilespmem:s22], [sflag:$0x5], $0x10, s7, s21, $0xb8;
	[tilespmem:$0x15CA0] =	vst v63  }
0x7c: {  	_ =	swait.ge [sflag:s31], $0x7D0  }
0x7d: {  	[sflag:s31] =	ssyncset.done $0x0  }
0x7e: {  	s8 =	simm.s32 $0x4E80;
	[sflag:s31] =	ssyncadd.s32 $0xFFFFF830  }
0x7f: {  	[spmem:s10] =	stream.indirect.scatter.add.bf16 [tilespmem:s24], [sflag:$0x6], $0x10, s8, s21, $0xb8;
	[tilespmem:$0x15CA0] =	vst v63  }
0x80: {  	_ =	swait.ge [sflag:s2], $0x7D0  }
0x81: {  	[sflag:s2] =	ssyncset.done $0x0  }
0x82: {  	s11 =	simm.s32 $0x4F00;
	[sflag:s2] =	ssyncadd.s32 $0xFFFFF830  }
0x83: {  	[spmem:s10] =	stream.indirect.scatter.add.bf16 [tilespmem:s26], [sflag:$0x7], $0x10, s11, s21, $0xb8;
	[tilespmem:$0x15CA0] =	vst v63  }
0x84: {  	_ =	swait.ge [sflag:s0], $0x7D0  }
0x85: {  	[sflag:s0] =	ssyncset.done $0x0  }
0x86: {  	s4 =	simm.s32 $0x4F80;
	[sflag:s0] =	ssyncadd.s32 $0xFFFFF830  }
0x87: {  	[spmem:s10] =	stream.indirect.scatter.add.bf16 [tilespmem:s29], [sflag:$0x8], $0x10, s4, s21, $0xb8;
	[tilespmem:$0x15CA0] =	vst v63  }
0x88: {  	_ =	swait.ge [sflag:s17], $0x7D0  }
0x89: {  	[sflag:s17] =	ssyncset.done $0x0  }
0x8a: {  	[sflag:s17] =	ssyncadd.s32 $0xFFFFF830  }
0x8b: {  	_ =	swait.ge [sflag:s23], $0x7D0  }
0x8c: {  	[sflag:s23] =	ssyncset.done $0x0  }
0x8d: {  	[sflag:s23] =	ssyncadd.s32 $0xFFFFF830  }
0x8e: {  	_ =	swait.ge [sflag:s25], $0x7D0  }
0x8f: {  	[sflag:s25] =	ssyncset.done $0x0  }
0x90: {  	[sflag:s25] =	ssyncadd.s32 $0xFFFFF830  }
0x91: {  	_ =	swait.ge [sflag:s28], $0x7D0  }
0x92: {  	[sflag:s28] =	ssyncset.done $0x0  }
0x93: {  	[sflag:s28] =	ssyncadd.s32 $0xFFFFF830  }
0x94: {  	[bflag:$0x0] =	sbarrier.arrive $0xFFFF  }
0x95: {  	s8 =	rddreg [dreg:$0x9]  }
0x96: {  	[tilespmem:s5], [sflag:$0x9] =	stream.linear.gather [spmem:s8], $0x2EE0, $0x38;
	[tilespmem:$0x15CA0] =	vst v63  }
0x97: {  	_ =	swait.ge [sflag:s16], $0x2EE0  }
0x98: {  	[sflag:s16] =	ssyncset.done $0x0  }
0x99: {  	[sflag:s16] =	ssyncadd.s32 $0xFFFFD120  }
0x9a: {  	[spmem:s3] =	stream.indirect.scatter.add.bf16 [tilespmem:s5], [sflag:$0x9], $0x10, s9, s21, $0xb8;
	[tilespmem:$0x15CA0] =	vst v63  }
0x9b: {  	_ =	swait.ge [sflag:s16], $0x7D0  }
0x9c: {  	[sflag:s16] =	ssyncset.done $0x0  }
0x9d: {  	s11 =	simm.s32 $0x7A10;
	s8 =	simm.s32 $0x5080;
	[sflag:s16] =	ssyncadd.s32 $0xFFFFF830  }
0x9e: {  	[spmem:s3] =	stream.indirect.scatter.add.bf16 [tilespmem:s11], [sflag:$0x9], $0x10, s8, s21, $0xb8;
	[tilespmem:$0x15CA0] =	vst v63  }
0x9f: {  	_ =	swait.ge [sflag:s16], $0x7D0  }
0xa0: {  	[sflag:s16] =	ssyncset.done $0x0  }
0xa1: {  	[sflag:s16] =	ssyncadd.s32 $0xFFFFF830  }
0xa2: {  	[spmem:s3] =	stream.indirect.scatter.add.bf16 [tilespmem:s13], [sflag:$0x9], $0x10, s12, s21, $0xb8;
	[tilespmem:$0x15CA0] =	vst v63  }
0xa3: {  	_ =	swait.ge [sflag:s16], $0x7D0  }
0xa4: {  	[sflag:s16] =	ssyncset.done $0x0  }
0xa5: {  	[sflag:s16] =	ssyncadd.s32 $0xFFFFF830  }
0xa6: {  	[spmem:s3] =	stream.indirect.scatter.add.bf16 [tilespmem:s15], [sflag:$0x9], $0x10, s14, s21, $0xb8;
	[tilespmem:$0x15CA0] =	vst v63  }
0xa7: {  	_ =	swait.ge [sflag:s16], $0x7D0  }
0xa8: {  	[sflag:s16] =	ssyncset.done $0x0  }
0xa9: {  	s9 =	simm.s32 $0x9180;
	[sflag:s16] =	ssyncadd.s32 $0xFFFFF830  }
0xaa: {  	[spmem:s3] =	stream.indirect.scatter.add.bf16 [tilespmem:s9], [sflag:$0x9], $0x10, s20, s21, $0xb8;
	[tilespmem:$0x15CA0] =	vst v63  }
0xab: {  	_ =	swait.ge [sflag:s16], $0x7D0  }
0xac: {  	[sflag:s16] =	ssyncset.done $0x0  }
0xad: {  	s4 =	simm.s32 $0x5280;
	[sflag:s16] =	ssyncadd.s32 $0xFFFFF830  }
0xae: {  	[spmem:s3] =	stream.indirect.scatter.add.bf16 [tilespmem:s18], [sflag:$0x9], $0x10, s4, s21, $0xb8;
	[tilespmem:$0x15CA0] =	vst v63  }
0xaf: {  	_ =	swait.ge [sflag:s16], $0x7D0  }
0xb0: {  	[sflag:s16] =	ssyncset.done $0x0  }
0xb1: {  	s7 =	rddreg [dreg:$0xa];
	[sflag:s16] =	ssyncadd.s32 $0xFFFFF830  }
0xb2: {  	[tilespmem:s5], [sflag:$0x9] =	stream.linear.gather [spmem:s7], $0x2EE0, $0x38;
	[tilespmem:$0x15CA0] =	vst v63  }
0xb3: {  	_ =	swait.ge [sflag:s16], $0x2EE0  }
0xb4: {  	[sflag:s16] =	ssyncset.done $0x0  }
0xb5: {  	[sflag:s16] =	ssyncadd.s32 $0xFFFFD120  }
0xb6: {  	[spmem:s3] =	stream.indirect.scatter.add.bf16 [tilespmem:s5], [sflag:$0x9], $0x10, s19, s21, $0xb8;
	[tilespmem:$0x15CA0] =	vst v63  }
0xb7: {  	_ =	swait.ge [sflag:s16], $0x7D0  }
0xb8: {  	[sflag:s16] =	ssyncset.done $0x0  }
0xb9: {  	[sflag:s16] =	ssyncadd.s32 $0xFFFFF830  }
0xba: {  	[spmem:s3] =	stream.indirect.scatter.add.bf16 [tilespmem:s11], [sflag:$0x9], $0x10, s8, s21, $0xb8;
	[tilespmem:$0x15CA0] =	vst v63  }
0xbb: {  	_ =	swait.ge [sflag:s16], $0x7D0  }
0xbc: {  	[sflag:s16] =	ssyncset.done $0x0  }
0xbd: {  	[sflag:s16] =	ssyncadd.s32 $0xFFFFF830  }
0xbe: {  	[spmem:s3] =	stream.indirect.scatter.add.bf16 [tilespmem:s13], [sflag:$0x9], $0x10, s12, s21, $0xb8;
	[tilespmem:$0x15CA0] =	vst v63  }
0xbf: {  	_ =	swait.ge [sflag:s16], $0x7D0  }
0xc0: {  	[sflag:s16] =	ssyncset.done $0x0  }
0xc1: {  	[sflag:s16] =	ssyncadd.s32 $0xFFFFF830  }
0xc2: {  	[spmem:s3] =	stream.indirect.scatter.add.bf16 [tilespmem:s15], [sflag:$0x9], $0x10, s14, s21, $0xb8;
	[tilespmem:$0x15CA0] =	vst v63  }
0xc3: {  	_ =	swait.ge [sflag:s16], $0x7D0  }
0xc4: {  	[sflag:s16] =	ssyncset.done $0x0  }
0xc5: {  	[sflag:s16] =	ssyncadd.s32 $0xFFFFF830  }
0xc6: {  	[spmem:s3] =	stream.indirect.scatter.add.bf16 [tilespmem:s9], [sflag:$0x9], $0x10, s20, s21, $0xb8;
	[tilespmem:$0x15CA0] =	vst v63  }
0xc7: {  	_ =	swait.ge [sflag:s16], $0x7D0  }
0xc8: {  	[sflag:s16] =	ssyncset.done $0x0  }
0xc9: {  	[sflag:s16] =	ssyncadd.s32 $0xFFFFF830  }
0xca: {  	[spmem:s3] =	stream.indirect.scatter.add.bf16 [tilespmem:s18], [sflag:$0x9], $0x10, s4, s21, $0xb8;
	[tilespmem:$0x15CA0] =	vst v63  }
0xcb: {  	_ =	swait.ge [sflag:s16], $0x7D0  }
0xcc: {  	[sflag:s16] =	ssyncset.done $0x0  }
0xcd: {  	s7 =	rddreg [dreg:$0xb];
	[sflag:s16] =	ssyncadd.s32 $0xFFFFF830  }
0xce: {  	[tilespmem:s5], [sflag:$0x9] =	stream.linear.gather [spmem:s7], $0x2EE0, $0x38;
	[tilespmem:$0x15CA0] =	vst v63  }
0xcf: {  	_ =	swait.ge [sflag:s16], $0x2EE0  }
0xd0: {  	[sflag:s16] =	ssyncset.done $0x0  }
0xd1: {  	[sflag:s16] =	ssyncadd.s32 $0xFFFFD120  }
0xd2: {  	[spmem:s3] =	stream.indirect.scatter.add.bf16 [tilespmem:s5], [sflag:$0x9], $0x10, s19, s21, $0xb8;
	[tilespmem:$0x15CA0] =	vst v63  }
0xd3: {  	_ =	swait.ge [sflag:s16], $0x7D0  }
0xd4: {  	[sflag:s16] =	ssyncset.done $0x0  }
0xd5: {  	[sflag:s16] =	ssyncadd.s32 $0xFFFFF830  }
0xd6: {  	[spmem:s3] =	stream.indirect.scatter.add.bf16 [tilespmem:s11], [sflag:$0x9], $0x10, s8, s21, $0xb8;
	[tilespmem:$0x15CA0] =	vst v63  }
0xd7: {  	_ =	swait.ge [sflag:s16], $0x7D0  }
0xd8: {  	[sflag:s16] =	ssyncset.done $0x0  }
0xd9: {  	[sflag:s16] =	ssyncadd.s32 $0xFFFFF830  }
0xda: {  	[spmem:s3] =	stream.indirect.scatter.add.bf16 [tilespmem:s13], [sflag:$0x9], $0x10, s12, s21, $0xb8;
	[tilespmem:$0x15CA0] =	vst v63  }
0xdb: {  	_ =	swait.ge [sflag:s16], $0x7D0  }
0xdc: {  	[sflag:s16] =	ssyncset.done $0x0  }
0xdd: {  	[sflag:s16] =	ssyncadd.s32 $0xFFFFF830  }
0xde: {  	[spmem:s3] =	stream.indirect.scatter.add.bf16 [tilespmem:s15], [sflag:$0x9], $0x10, s14, s21, $0xb8;
	[tilespmem:$0x15CA0] =	vst v63  }
0xdf: {  	_ =	swait.ge [sflag:s16], $0x7D0  }
0xe0: {  	[sflag:s16] =	ssyncset.done $0x0  }
0xe1: {  	[sflag:s16] =	ssyncadd.s32 $0xFFFFF830  }
0xe2: {  	[spmem:s3] =	stream.indirect.scatter.add.bf16 [tilespmem:s9], [sflag:$0x9], $0x10, s20, s21, $0xb8;
	[tilespmem:$0x15CA0] =	vst v63  }
0xe3: {  	_ =	swait.ge [sflag:s16], $0x7D0  }
0xe4: {  	[sflag:s16] =	ssyncset.done $0x0  }
0xe5: {  	[sflag:s16] =	ssyncadd.s32 $0xFFFFF830  }
0xe6: {  	[spmem:s3] =	stream.indirect.scatter.add.bf16 [tilespmem:s18], [sflag:$0x9], $0x10, s4, s21, $0xb8;
	[tilespmem:$0x15CA0] =	vst v63  }
0xe7: {  	_ =	swait.ge [sflag:s16], $0x7D0  }
0xe8: {  	[sflag:s16] =	ssyncset.done $0x0  }
0xe9: {  	[sflag:s16] =	ssyncadd.s32 $0xFFFFF830  }
0xea: {  	[bflag:$0x0] =	sbarrier.arrive $0xFFFF  }
0xeb: {  	s11 =	rddreg [dreg:$0x8]  }
0xec: {  	s4 =	rddreg [dreg:$0xc]  }
0xed: {  	s7 =	sshrl.u32 s11, $0x3;
	s11 =	rddreg [dreg:$0xf]  }
0xee: {  	[hbm:s4], [sflag:s11] =	dma.local [spmem:s7], $0x5DC  }
0xef: {  	_ =	swait.ge [sflag:s16], $0x5DC  }
0xf0: {  	s6 =	sadd.s32 $0x1, s6;
	s8 =	rddreg [dreg:$0xd]  }
0xf1: {  	p0 =	sne.s32 s6, s8  }
.Ltmp1:
0xf2: {  	_ = 	snop;
	(pc) =	sbr.rel @p0 .LBB2_1-.Ltmp1, $3  }
0xf3: {  	_ =	sdelay $0x1  }
0xf4: {  	[sflag:s16] =	ssyncset.done $0x0  }
0xf5: {  	s9 =	simm.s32 $0x5000;
	[sflag:s16] =	ssyncadd.s32 $0xFFFFFA24  }
0xf6: {  	_ =	sfence.sel $0x180000  }
0xf7: {  	[bflag:$0x0] =	sbarrier.arrive $0xFFFF  }
0xf8: {  	_ =	strace $0x9000004A  }
0xf9: {  	s0 =	stileid.u32;
	[bflag:$0x2] =	sbarrier.arrive $0xFFFF  }
0xfa: {  	p0 =	sne.s32 s0, $0x0;
	s0 =	rddreg [dreg:$0x3]  }
0xfb: {  	s0 =	sadd.s32 @!p0 $0x100000, s0  }
0xfc: {  	[sflag:s0] =	ssyncadd.tile.s32 @!p0 $0x1;
	_ =	shalt  }
.Lfunc_end2:
_tile_overlayer_lowered:
.L_overlay_start_2:
0xfd: {  	(tag) =	ssettag $0x2  }
0xfe: {  	s0 =	rddreg [dreg:$0x0];
	s2 =	stileid.u32  }
0xff: {  	s1 =	rddreg [dreg:$0x1];
	p0 =	sne.s32 s2, $0x0  }
0x100: {  	s3 =	rddreg [dreg:$0x2];
	[bflag:$0x3] =	sbarrier.arrive $0xFFFF;
	s2 =	simm.s32 @!p0 $0x1C09  }
0x101: {  	[timem:s3], [sflag:s2] =	dma.local @!p0 [hbm:s0], s1  }
0x102: {  	s0 =	simm.s32 @!p0 $0x9  }
0x103: {  	_ =	swait.ge @!p0 [sflag:s0], s1  }
0x104: {  	s1 =	ssub.s32 @!p0 $0x0, s1;
	[sflag:s0] =	ssyncset.done @!p0 $0x0  }
0x105: {  	[sflag:s0] =	ssyncadd.s32 @!p0 s1  }
0x106: {  	[bflag:$0x3] =	sbarrier.arrive $0xFFFF  }
0x107: {  	_ =	shalt  }

// kernel: kernel.15.cloned.1.call-start
scs
__scs_entry_jumppad:
0x0: {  	(pc) =	sbr.rel $0x88, $3  }
0x1: {  	(tag) =	ssettag $0x0;
	lr =	simm.s32 $0x1  }
0x2: {  	[smem:$0x3F9B] =	sst lr;
	_ =	strace $0xD0000000  }
0x3: {  	_ = 	snop  }
0x4: {  	_ = 	snop  }
0x5: {  	_ = 	snop  }
0x6: {  	_ = 	snop  }
0x7: {  	_ = 	snop  }
__scs_overlays_trampoline_lowered:
0x8: {  	[smem:$0x3FAA] =	sst s0  }
0x9: {  	[smem:$0x3FAB] =	sst s1  }
0xa: {  	[smem:$0x3FAC] =	sst s2  }
0xb: {  	[smem:$0x3FAD] =	sst s3  }
0xc: {  	[smem:$0x3FAE] =	sst s4  }
0xd: {  	[smem:$0x3FAF] =	sst s5  }
0xe: {  	[smem:$0x3FB0] =	sst s6  }
0xf: {  	[smem:$0x3FB1] =	sst s7  }
0x10: {  	[smem:$0x3FB2] =	sst s8  }
0x11: {  	[smem:$0x3FB3] =	sst s9;
	s0 =	simm.s32 @!p0 $0x0  }
0x12: {  	s1 =	sld [smem:$0x3F99];
	s0 =	simm.s32 @p0 $0x1  }
0x13: {  	[smem:$0x3FB4] =	sst s0;
	s0 =	simm.s32 @!p1 $0x0  }
0x14: {  	s2 =	sld [smem:$0x3F98];
	s0 =	simm.s32 @p1 $0x1  }
0x15: {  	[smem:$0x3FB5] =	sst s0;
	s0 =	simm.s32 @!p2 $0x0  }
0x16: {  	s3 =	sld [smem:$0x3FDB];
	s0 =	simm.s32 @p2 $0x1  }
0x17: {  	s4 =	simm.s32 $0x1BF5;
	[smem:$0x3FB7] =	sst s0  }
0x18: {  	s0 =	sld [smem:$0x3F9A];
	_ =	swait.ge [sflag:s4], $0x0  }
0x19: {  	s7 =	sld [smem:$0x3F9B]  }
0x1a: {  	s8 =	sadd.s32 $0xFFFFE003, lr  }
0x1b: {  	s9 =	sadd.s32 $0xFFFFFEF7, lr;
	s5 =	simm.s32 $0xFFFFFFFF;
	p2 =	slt.u32 s8, $0xFFFFF086  }
0x1c: {  	p1 =	slt.u32 s9, $0xF7A;
	s5 =	simm.s32 @!p2 $0x0  }
0x1d: {  	s5 =	simm.s32 @p1 $0x1;
	p0 =	seq.s32 s7, s2  }
0x1e: {  	s7 =	smul.u32 @!p0 $0xF7A, s2;
	p2 =	seq.s32 @!p0 s5, $0x0  }
0x1f: {  	s9 =	smul.u32 $0xF7A, s1;
	s8 =	simm.s32 @!p0 $0x1BF5;
	p2 =	por !p2, p0  }
0x20: {  	[sflag:s8] =	ssyncset.s32 @!p0 $0xFFFFF086;
	s6 =	sadd.s32 @!p0 s3, s7;
	s7 =	simm.s32 @!p0 $0x108  }
0x21: {  	s3 =	sadd.s32 s3, s9;
	s6 =	sadd.s32 @!p0 $0x88, s6;
	s7 =	simm.s32 @p2 $0x1082  }
0x22: {  	[simem:s7], [sflag:s8] =	dma.local @!p0 [hbm:s6], $0xF7A  }
0x23: {  	s9 =	sor.u32 $0xD0000000, s2;
	s6 =	simm.s32 $0x108;
	_ =	swait.ge @!p0 [sflag:s8], $0x0  }
0x24: {  	s3 =	sadd.s32 $0x88, s3;
	s6 =	simm.s32 @!p1 $0x1082;
	[sflag:s4] =	ssyncset.s32 $0xFFFFF086  }
0x25: {  	[simem:s6], [sflag:s4] =	dma.local [hbm:s3], $0xF7A  }
0x26: {  	[smem:$0x3F9B] =	sst s1;
	(tag) =	ssettag s2;
	_ =	strace s9  }
0x27: {  	s1 =	sld [smem:$0x3FAB]  }
0x28: {  	s2 =	sld [smem:$0x3FAC]  }
0x29: {  	s4 =	sld [smem:$0x3FAE]  }
0x2a: {  	p0 =	seq.s32 s5, $0x0;
	s5 =	sld [smem:$0x3FAF]  }
0x2b: {  	s6 =	sld [smem:$0x3FB0]  }
0x2c: {  	s7 =	sld [smem:$0x3FB1]  }
0x2d: {  	s3 =	simm.s32 $0x108;
	s8 =	sld [smem:$0x3FB2]  }
0x2e: {  	s3 =	simm.s32 @!p0 $0x1082;
	s9 =	sld [smem:$0x3FB3]  }
0x2f: {  	lr =	sadd.s32 s0, s3;
	s0 =	sld [smem:$0x3FAA]  }
0x30: {  	s3 =	sld [smem:$0x3FAD]  }
0x31: {  	[smem:$0x3FB6] =	sst s10  }
0x32: {  	s10 =	sld [smem:$0x3FB4];
	_ =	sdelay $0x3  }
0x33: {  	p0 =	seq.s32 s10, $0x1;
	s10 =	sld [smem:$0x3FB6];
	_ =	sdelay $0x3  }
0x34: {  	[smem:$0x3FB6] =	sst s10  }
0x35: {  	s10 =	sld [smem:$0x3FB5];
	_ =	sdelay $0x3  }
0x36: {  	p1 =	seq.s32 s10, $0x1;
	s10 =	sld [smem:$0x3FB6];
	_ =	sdelay $0x3  }
0x37: {  	[smem:$0x3FB6] =	sst s10  }
0x38: {  	s10 =	sld [smem:$0x3FB7]  }
0x39: {  	_ = 	snop;
	(pc) =	sbr.ind lr, $3  }
0x3a: {  	_ = 	snop  }
0x3b: {  	_ = 	snop  }
0x3c: {  	p2 =	seq.s32 s10, $0x1;
	s10 =	sld [smem:$0x3FB6]  }
0x3d: {  	_ =	shalt  }
0x3e: {  	_ =	shalt  }
0x3f: {  	_ =	shalt  }
0x40: {  	_ =	shalt  }
0x41: {  	_ =	shalt  }
0x42: {  	_ =	shalt  }
0x43: {  	_ =	shalt  }
0x44: {  	_ =	shalt  }
0x45: {  	_ =	shalt  }
0x46: {  	_ =	shalt  }
0x47: {  	_ =	shalt  }
0x48: {  	_ =	shalt  }
0x49: {  	_ =	shalt  }
0x4a: {  	_ =	shalt  }
0x4b: {  	_ =	shalt  }
0x4c: {  	_ =	shalt  }
0x4d: {  	_ =	shalt  }
0x4e: {  	_ =	shalt  }
0x4f: {  	_ =	shalt  }
0x50: {  	_ =	shalt  }
0x51: {  	_ =	shalt  }
0x52: {  	_ =	shalt  }
0x53: {  	_ =	shalt  }
0x54: {  	_ =	shalt  }
0x55: {  	_ =	shalt  }
0x56: {  	_ =	shalt  }
0x57: {  	_ =	shalt  }
0x58: {  	_ =	shalt  }
0x59: {  	_ =	shalt  }
0x5a: {  	_ =	shalt  }
0x5b: {  	_ =	shalt  }
0x5c: {  	_ =	shalt  }
0x5d: {  	_ =	shalt  }
0x5e: {  	_ =	shalt  }
0x5f: {  	_ =	shalt  }
0x60: {  	_ =	shalt  }
0x61: {  	_ =	shalt  }
0x62: {  	_ =	shalt  }
0x63: {  	_ =	shalt  }
0x64: {  	_ =	shalt  }
0x65: {  	_ =	shalt  }
0x66: {  	_ =	shalt  }
0x67: {  	_ =	shalt  }
0x68: {  	_ =	shalt  }
0x69: {  	_ =	shalt  }
0x6a: {  	_ =	shalt  }
0x6b: {  	_ =	shalt  }
0x6c: {  	_ =	shalt  }
0x6d: {  	_ =	shalt  }
0x6e: {  	_ =	shalt  }
0x6f: {  	_ =	shalt  }
0x70: {  	_ =	shalt  }
0x71: {  	_ =	shalt  }
0x72: {  	_ =	shalt  }
0x73: {  	_ =	shalt  }
0x74: {  	_ =	shalt  }
0x75: {  	_ =	shalt  }
0x76: {  	_ =	shalt  }
0x77: {  	_ =	shalt  }
0x78: {  	_ =	shalt  }
0x79: {  	_ =	shalt  }
0x7a: {  	_ =	shalt  }
0x7b: {  	_ =	shalt  }
0x7c: {  	_ =	shalt  }
0x7d: {  	_ =	shalt  }
0x7e: {  	_ =	shalt  }
0x7f: {  	_ =	shalt  }
0x80: {  	_ =	shalt  }
0x81: {  	_ =	shalt  }
0x82: {  	_ =	shalt  }
0x83: {  	_ =	shalt  }
0x84: {  	_ =	shalt  }
0x85: {  	_ =	shalt  }
0x86: {  	_ =	shalt  }
0x87: {  	_ =	shalt  }
.Lfunc_end0:
.L_simem_size_0:
called_computation.2_lowered:
.L_overlay_start_0:
0x88: {  	s2 =	sld [smem:$0x3FD9]  }
0x89: {  	s3 =	sld [smem:$0x3FFE];
	_ =	sdelay $0x1  }
0x8a: {  	s1 =	srdreg.scid  }
0x8b: {  	s0 =	sand.u32 $0x1, s1  }
0x8c: {  	s17 =	sshll.u32 s0, $0xA;
	s2 =	sadd.s32 s3, s2  }
0x8d: {  	s2 =	sadd.s32 s2, s17  }
0x8e: {  	[smem:$0x3FC2] =	sst s2  }
0x8f: {  	_ = 	snop  }
0x90: {  	s2 =	sld [smem:$0x3FD0];
	(tm) =	ssettm $0x1  }
0x91: {  	s18 =	sld [smem:$0x3FFB];
	_ =	sdelay $0x3  }
0x92: {  	_ =	strace s18  }
0x93: {  	s3 =	sld [smem:$0x3FFC];
	_ =	sdelay $0x3  }
0x94: {  	_ =	strace s3  }
0x95: {  	s3 =	sld [smem:$0x3FFD];
	_ =	sdelay $0x3  }
0x96: {  	_ =	strace s3  }
0x97: {  	_ =	strace $0x8FFFFFFF  }
0x98: {  	s19 =	sld [smem:$0x3FDB];
	_ =	sdelay $0x1  }
0x99: {  	s4 =	simm.s32 $_scs_section_size  }
0x9a: {  	s5 =	simm.s32 $_size__tile_overlayer_lowered;
	s6 =	simm.s32 $_tile_overlayer_lowered  }
0x9b: {  	s22 =	simm.s32 $0x1BFF;
	s21 =	sshll.u32 s6, $0x1;
	s3 =	sadd.s32 s4, s19  }
0x9c: {  	s7 =	simm.s32 $0x0;
	s20 =	sshll.u32 s5, $0x1;
	s5 =	sadd.s32 s21, s3  }
0x9d: {  	[timem:s7], [sflag:s22] =	dma.local [hbm:s5], s20  }
0x9e: {  	_ =	swait.ge [sflag:s22], s20  }
0x9f: {  	s4 =	ssub.s32 $0x0, s20;
	[sflag:s22] =	ssyncset.done $0x0  }
0xa0: {  	[sflag:s22] =	ssyncadd.s32 s4;
	_ =	sdelay $0x1  }
0xa1: {  	s23 =	simm.s32 $0x1B8B  }
0xa2: {  	_ =	swait.ge [sflag:s23], $0x1  }
0xa3: {  	[sflag:s23] =	ssyncset.done $0x0  }
0xa4: {  	s25 =	simm.s32 $0x1B8E;
	s24 =	sld [smem:$0x3FFE];
	[sflag:s23] =	ssyncadd.s32 $0xFFFFFFFF  }
0xa5: {  	s26 =	simm.s32 $execute0_lowered;
	[smem:$0x3FD2] =	sst s25  }
0xa6: {  	s5 =	sshll.u32 s26, $0x1;
	_ =	strace $0x8000004C;
	[dreg:$0x1] =	wrdreg $0xFFFFFFFF  }
0xa7: {  	s28 =	simm.s32 $_size_execute0_lowered;
	s3 =	sadd.s32 s3, s5;
	[dreg:$0x0] =	wrdreg $0x0  }
0xa8: {  	s5 =	sshll.u32 s28, $0x1;
	[dreg:$0x2] =	wrdreg s3  }
0xa9: {  	[dreg:$0x3] =	wrdreg s5  }
0xaa: {  	[dreg:$0x4] =	wrdreg $0xC0  }
0xab: {  	_ =	task [dreg:s7], $0x5FFFF  }
0xac: {  	[dreg:$0x1] =	wrdreg $0xFFFFFFFF  }
0xad: {  	[dreg:$0x0] =	wrdreg $0x60  }
0xae: {  	[dreg:$0x2] =	wrdreg s2  }
0xaf: {  	[dreg:$0x3] =	wrdreg s24  }
0xb0: {  	[dreg:$0x4] =	wrdreg $0xA1200  }
0xb1: {  	[dreg:$0x5] =	wrdreg $0x9  }
0xb2: {  	_ =	task.clear_ibuf [dreg:s7], $0x6FFFF;
	_ =	strace $0x9000004C  }
0xb3: {  	s29 =	simm.s32 $0x9;
	_ =	strace $0x8000004E  }
0xb4: {  	_ =	swait.ge [sflag:s29], $0x1  }
0xb5: {  	[sflag:s29] =	ssyncadd.s32 $0xFFFFFFFF  }
0xb6: {  	_ =	strace $0x9000004E  }
0xb7: {  	_ =	sfence  }
0xb8: {  	s30 =	sld [smem:$0x0];
	_ =	sdelay $0x2  }
0xb9: {  	s31 =	sshll.u32 s1, $0xD;
	s1 =	sshrl.u32 s1, $0x2  }
0xba: {  	s3 =	sand.u32 $0x4000, s31;
	s1 =	sadd.s32 s1, s30  }
0xbb: {  	s0 =	sor.u32 s3, s0;
	s1 =	sshll.u32 s1, $0x11  }
0xbc: {  	s0 =	sor.u32 s1, s0  }
0xbd: {  	s0 =	sadd.s32 $0x8F2B, s0  }
0xbe: {  	[sflag:s0] =	ssyncadd.remote.s32 $0x1  }
0xbf: {  	_ =	sfence.sel $0xFFFF  }
0xc0: {  	[dreg:$0x0] =	wrdreg $0xFFFFFFFF;
	(pc) =	sbr.abs _section_cstart, $3  }
0xc1: {  	[dreg:$0x1] =	wrdreg $0xFFFFFFFF  }
0xc2: {  	_ =	task.clear_ibuf [dreg:s7], $0x2FFFF;
	_ =	strace $0x9FFFFFFF  }
0xc3: {  	(tm) =	ssettm $0x7FFFFFFF  }
tec
execute0_lowered:
.L_overlay_start_1:
0x0: {  	(tag) =	ssettag $0x1  }
0x1: {  	s1 =	rddreg [dreg:$0x0]  }
0x2: {  	s0 =	rddreg [dreg:$0x1];
	s2 =	srdreg.scid  }
0x3: {  	s12 =	stileid.u32;
	s3 =	rddreg [dreg:$0x2]  }
0x4: {  	s4 =	simm.s32 $0x0;
	s29 =	simm.s32 $0x6A70;
	s30 =	simm.s32 $0x1  }
0x5: {  	s31 =	simm.s32 $0x2;
	s28 =	simm.s32 $0x8;
	s6 =	smul.u32 $0x60, s12  }
0x6: {  	s2 =	sand.u32 $0x1, s2;
	s5 =	sshll.u32 s12, $0x1;
	s8 =	smul.u32 $0x5DC, s12  }
0x7: {  	[smem:$0x7FF] =	sst s4;
	s9 =	sshrl.u32 s12, $0x2;
	s26 =	smul.u32 $0x5DC0, s2  }
0x8: {  	s7 =	sadd.s32 $0x21000, s0;
	s10 =	sand.u32 $0x3, s12;
	s11 =	smul.u32 $0x2EE0, s9  }
0x9: {  	s25 =	sshll.u32 s12, $0x6;
	s5 =	sor.u32 s2, s5;
	s10 =	smul.u32 $0xBB8, s10  }
0xa: {  	_ =	strace $0x8000004D;
	s2 =	ssub.s32 $0x2, s2;
	s9 =	smul.u32 $0xBB800, s9  }
0xb: {  	[dreg:$0x4] =	wrdreg s7;
	s5 =	smul.u32 $0x500, s5;
	s4 =	sshrl.u32 s2, $0x1  }
0xc: {  	s6 =	sadd.s32 s6, s0;
	s7 =	sadd.s32 s8, s26;
	s2 =	ssub.s32 s2, s4  }
0xd: {  	s8 =	smul.u32 $0xBB80, s12;
	s13 =	sadd.s32 s10, s11;
	s15 =	sadd.s32 $0xAA00, s6  }
0xe: {  	s18 =	sshrl.u32 s9, $0x2;
	s9 =	simm.s32 $0x5000;
	s11 =	sor.u32 $0x1C09, s25  }
0xf: {  	s25 =	simm.s32 $0x7;
	s6 =	simm.s32 $0x0;
	s12 =	simm.s32 $0x5100  }
0x10: {  	s5 =	sadd.s32 s5, s0;
	s0 =	sadd.s32 s7, s0;
	[dreg:$0x7] =	wrdreg s15  }
0x11: {  	s17 =	sshll.u32 s13, $0x4;
	s10 =	sadd.s32 s18, s3;
	s24 =	smax.u32 s2, $0x1  }
0x12: {  	s2 =	simm.s32 $0x3;
	[dreg:$0xf] =	wrdreg s11;
	s13 =	simm.s32 $0x81E0  }
0x13: {  	s15 =	simm.s32 $0x89B0;
	s18 =	simm.s32 $0x9950;
	s14 =	sadd.s32 $0x17000, s5  }
0x14: {  	s5 =	sadd.s32 $0xA00, s5;
	s16 =	sshrl.u32 s8, $0x2;
	[dreg:$0xd] =	wrdreg s24  }
0x15: {  	s20 =	sadd.s32 s17, s3;
	s0 =	sadd.s32 $0xB000, s0;
	[dreg:$0x5] =	wrdreg s14  }
0x16: {  	s24 =	simm.s32 $0x5AD0;
	s17 =	simm.s32 $0x5;
	[dreg:$0x6] =	wrdreg s5  }
0x17: {  	s19 =	sadd.s32 s16, s3;
	[dreg:$0xc] =	wrdreg s0;
	s16 =	simm.s32 $0x9  }
0x18: {  	s26 =	sshrl.u32 s20, $0x3;
	s0 =	simm.s32 $0x4;
	[dreg:$0x8] =	wrdreg s19  }
0x19: {  	s5 =	simm.s32 $0x7240;
	s21 =	sadd.s32 $0x2EE00, s19;
	[dreg:$0xe] =	wrdreg s26  }
0x1a: {  	s14 =	simm.s32 $0x5180;
	s22 =	sadd.s32 $0x5DC00, s19;
	[dreg:$0x9] =	wrdreg s21  }
0x1b: {  	s20 =	simm.s32 $0x5200;
	s23 =	sadd.s32 $0x8CA00, s19;
	[dreg:$0xa] =	wrdreg s22  }
0x1c: {  	s26 =	simm.s32 $0x62A0;
	s19 =	simm.s32 $0x5000;
	[dreg:$0xb] =	wrdreg s23  }
0x1d: {  	s21 =	simm.s32 $0x7D;
	s22 =	simm.s32 $0x5300;
	s23 =	simm.s32 $0x6  }
.LBB2_1:
0x1e: {  	s7 =	rddreg [dreg:$0x5];
	s4 =	simm.s32 $0x0  }
0x1f: {  	[tilespmem:s4], [sflag:$0x9] =	stream.linear.gather [hbm4b:s7+s4], $0x2800, $0x38;
	[tilespmem:$0x15CA0] =	vst v63  }
0x20: {  	_ =	swait.ge [sflag:s16], $0x2800  }
0x21: {  	[sflag:s16] =	ssyncset.done $0x0  }
0x22: {  	s8 =	simm.s32 $0x2800;
	s7 =	rddreg [dreg:$0x6];
	[sflag:s16] =	ssyncadd.s32 $0xFFFFD800  }
0x23: {  	[tilespmem:s8], [sflag:$0x9] =	stream.linear.gather [hbm4b:s7+s4], $0x2800, $0x38;
	[tilespmem:$0x15CA0] =	vst v63  }
0x24: {  	_ =	swait.ge [sflag:s16], $0x2800  }
0x25: {  	[sflag:s16] =	ssyncset.done $0x0  }
0x26: {  	s8 =	rddreg [dreg:$0x7];
	[sflag:s16] =	ssyncadd.s32 $0xFFFFD800  }
0x27: {  	[tilespmem:s9], [sflag:$0x9] =	stream.linear.gather [hbm4b:s8+s4], $0x300, $0x38;
	[tilespmem:$0x15CA0] =	vst v63  }
0x28: {  	_ =	swait.ge [sflag:s16], $0x300  }
0x29: {  	[sflag:s16] =	ssyncset.done $0x0;
	s7 =	rddreg [dreg:$0x4]  }
0x2a: {  	s8 =	rddreg [dreg:$0xe];
	[sflag:s16] =	ssyncadd.s32 $0xFFFFFD00  }
0x2b: {  	[spmem:s8], [sflag:s11] =	dma.local [hbm:s7], $0x1770  }
0x2c: {  	_ =	swait.ge [sflag:s16], $0x1770  }
0x2d: {  	[sflag:s16] =	ssyncset.done $0x0  }
0x2e: {  	[sflag:s16] =	ssyncadd.s32 $0xFFFFE890  }
0x2f: {  	[bflag:$0x0] =	sbarrier.arrive $0xFFFF  }
0x30: {  	[tilespmem:s22], [sflag:$0x1] =	stream.indirect.gather [hbm4b:s1+s21], $0x10, s4, s21, $0xb8;
	[tilespmem:$0x15CA0] =	vst v63  }
0x31: {  	s11 =	simm.s32 $0x80  }
0x32: {  	[tilespmem:s24], [sflag:$0x2] =	stream.indirect.gather [hbm4b:s1+s21], $0x10, s11, s21, $0xb8;
	[tilespmem:$0x15CA0] =	vst v63  }
0x33: {  	s4 =	simm.s32 $0x100  }
0x34: {  	[tilespmem:s26], [sflag:$0x3] =	stream.indirect.gather [hbm4b:s1+s21], $0x10, s4, s21, $0xb8;
	[tilespmem:$0x15CA0] =	vst v63  }
0x35: {  	s8 =	simm.s32 $0x180  }
0x36: {  	[tilespmem:s29], [sflag:$0x4] =	stream.indirect.gather [hbm4b:s1+s21], $0x10, s8, s21, $0xb8;
	[tilespmem:$0x15CA0] =	vst v63  }
0x37: {  	_ =	swait.ge [sflag:s30], $0x7D0  }
0x38: {  	[sflag:s30] =	ssyncset.done $0x0  }
0x39: {  	s11 =	simm.s32 $0x2800;
	[sflag:s30] =	ssyncadd.s32 $0xFFFFF830  }
0x3a: {  	[spmem:s10] =	stream.indirect.scatter.add.bf16 [tilespmem:s22], [sflag:$0x5], $0x10, s11, s21, $0xb8;
	[tilespmem:$0x15CA0] =	vst v63  }
0x3b: {  	_ =	swait.ge [sflag:s31], $0x7D0  }
0x3c: {  	[sflag:s31] =	ssyncset.done $0x0  }
0x3d: {  	s4 =	simm.s32 $0x2880;
	[sflag:s31] =	ssyncadd.s32 $0xFFFFF830  }
0x3e: {  	[spmem:s10] =	stream.indirect.scatter.add.bf16 [tilespmem:s24], [sflag:$0x6], $0x10, s4, s21, $0xb8;
	[tilespmem:$0x15CA0] =	vst v63  }
0x3f: {  	_ =	swait.ge [sflag:s2], $0x7D0  }
0x40: {  	[sflag:s2] =	ssyncset.done $0x0  }
0x41: {  	s8 =	simm.s32 $0x2900;
	[sflag:s2] =	ssyncadd.s32 $0xFFFFF830  }
0x42: {  	[spmem:s10] =	stream.indirect.scatter.add.bf16 [tilespmem:s26], [sflag:$0x7], $0x10, s8, s21, $0xb8;
	[tilespmem:$0x15CA0] =	vst v63  }
0x43: {  	_ =	swait.ge [sflag:s0], $0x7D0  }
0x44: {  	[sflag:s0] =	ssyncset.done $0x0  }
0x45: {  	s11 =	simm.s32 $0x2980;
	[sflag:s0] =	ssyncadd.s32 $0xFFFFF830  }
0x46: {  	[spmem:s10] =	stream.indirect.scatter.add.bf16 [tilespmem:s29], [sflag:$0x8], $0x10, s11, s21, $0xb8;
	[tilespmem:$0x15CA0] =	vst v63  }
0x47: {  	_ =	swait.ge [sflag:s17], $0x7D0  }
0x48: {  	[sflag:s17] =	ssyncset.done $0x0  }
0x49: {  	s4 =	simm.s32 $0x200;
	[sflag:s17] =	ssyncadd.s32 $0xFFFFF830  }
0x4a: {  	[tilespmem:s22], [sflag:$0x1] =	stream.indirect.gather [hbm4b:s1+s21], $0x10, s4, s21, $0xb8;
	[tilespmem:$0x15CA0] =	vst v63  }
0x4b: {  	_ =	swait.ge [sflag:s23], $0x7D0  }
0x4c: {  	[sflag:s23] =	ssyncset.done $0x0  }
0x4d: {  	s8 =	simm.s32 $0x280;
	[sflag:s23] =	ssyncadd.s32 $0xFFFFF830  }
0x4e: {  	[tilespmem:s24], [sflag:$0x2] =	stream.indirect.gather [hbm4b:s1+s21], $0x10, s8, s21, $0xb8;
	[tilespmem:$0x15CA0] =	vst v63  }
0x4f: {  	_ =	swait.ge [sflag:s25], $0x7D0  }
0x50: {  	[sflag:s25] =	ssyncset.done $0x0  }
0x51: {  	s11 =	simm.s32 $0x300;
	[sflag:s25] =	ssyncadd.s32 $0xFFFFF830  }
0x52: {  	[tilespmem:s26], [sflag:$0x3] =	stream.indirect.gather [hbm4b:s1+s21], $0x10, s11, s21, $0xb8;
	[tilespmem:$0x15CA0] =	vst v63  }
0x53: {  	_ =	swait.ge [sflag:s28], $0x7D0  }
0x54: {  	[sflag:s28] =	ssyncset.done $0x0  }
0x55: {  	s7 =	simm.s32 $0x800;
	s8 =	simm.s32 $0x380;
	[sflag:s28] =	ssyncadd.s32 $0xFFFFF830  }
.LBB2_2:
0x56: {  	[tilespmem:s29], [sflag:$0x4] =	stream.indirect.gather [hbm4b:s1+s21], $0x10, s8, s21, $0xb8;
	[tilespmem:$0x15CA0] =	vst v63  }
0x57: {  	s8 =	smov.u32 s7  }
0x58: {  	p0 =	sne.s32 s7, $0x9000;
	s7 =	sadd.s32 $0x800, s7;
	_ =	swait.ge [sflag:s30], $0x7D0  }
0x59: {  	s8 =	sshra.s32 s8, $0x2;
	[sflag:s30] =	ssyncset.done $0x0  }
0x5a: {  	s11 =	sadd.s32 $0x2800, s8;
	[sflag:s30] =	ssyncadd.s32 $0xFFFFF830  }
0x5b: {  	[spmem:s10] =	stream.indirect.scatter.add.bf16 [tilespmem:s22], [sflag:$0x5], $0x10, s11, s21, $0xb8;
	[tilespmem:$0x15CA0] =	vst v63  }
0x5c: {  	_ =	swait.ge [sflag:s31], $0x7D0  }
0x5d: {  	[sflag:s31] =	ssyncset.done $0x0  }
0x5e: {  	s11 =	sadd.s32 $0x2880, s8;
	[sflag:s31] =	ssyncadd.s32 $0xFFFFF830  }
0x5f: {  	[spmem:s10] =	stream.indirect.scatter.add.bf16 [tilespmem:s24], [sflag:$0x6], $0x10, s11, s21, $0xb8;
	[tilespmem:$0x15CA0] =	vst v63  }
0x60: {  	_ =	swait.ge [sflag:s2], $0x7D0  }
0x61: {  	[sflag:s2] =	ssyncset.done $0x0  }
0x62: {  	s11 =	sadd.s32 $0x2900, s8;
	[sflag:s2] =	ssyncadd.s32 $0xFFFFF830  }
0x63: {  	[spmem:s10] =	stream.indirect.scatter.add.bf16 [tilespmem:s26], [sflag:$0x7], $0x10, s11, s21, $0xb8;
	[tilespmem:$0x15CA0] =	vst v63  }
0x64: {  	_ =	swait.ge [sflag:s0], $0x7D0  }
0x65: {  	[sflag:s0] =	ssyncset.done $0x0  }
0x66: {  	s11 =	sadd.s32 $0x2980, s8;
	[sflag:s0] =	ssyncadd.s32 $0xFFFFF830  }
0x67: {  	[spmem:s10] =	stream.indirect.scatter.add.bf16 [tilespmem:s29], [sflag:$0x8], $0x10, s11, s21, $0xb8;
	[tilespmem:$0x15CA0] =	vst v63  }
0x68: {  	_ =	swait.ge [sflag:s17], $0x7D0  }
0x69: {  	[sflag:s17] =	ssyncset.done $0x0  }
0x6a: {  	s11 =	sadd.s32 $0x200, s8;
	[sflag:s17] =	ssyncadd.s32 $0xFFFFF830  }
0x6b: {  	[tilespmem:s22], [sflag:$0x1] =	stream.indirect.gather [hbm4b:s1+s21], $0x10, s11, s21, $0xb8;
	[tilespmem:$0x15CA0] =	vst v63  }
0x6c: {  	_ =	swait.ge [sflag:s23], $0x7D0  }
0x6d: {  	[sflag:s23] =	ssyncset.done $0x0  }
0x6e: {  	s11 =	sadd.s32 $0x280, s8;
	[sflag:s23] =	ssyncadd.s32 $0xFFFFF830  }
0x6f: {  	[tilespmem:s24], [sflag:$0x2] =	stream.indirect.gather [hbm4b:s1+s21], $0x10, s11, s21, $0xb8;
	[tilespmem:$0x15CA0] =	vst v63  }
0x70: {  	_ =	swait.ge [sflag:s25], $0x7D0  }
0x71: {  	[sflag:s25] =	ssyncset.done $0x0  }
.Ltmp0:
0x72: {  	s11 =	sadd.s32 $0x300, s8;
	[sflag:s25] =	ssyncadd.s32 $0xFFFFF830;
	(pc) =	sbr.rel @p0 .LBB2_2-.Ltmp0, $4  }
0x73: {  	[tilespmem:s26], [sflag:$0x3] =	stream.indirect.gather [hbm4b:s1+s21], $0x10, s11, s21, $0xb8;
	[tilespmem:$0x15CA0] =	vst v63  }
0x74: {  	_ =	swait.ge [sflag:s28], $0x7D0  }
0x75: {  	[sflag:s28] =	ssyncset.done $0x0  }
0x76: {  	s8 =	sadd.s32 $0x380, s8;
	[sflag:s28] =	ssyncadd.s32 $0xFFFFF830  }
0x77: {  	[tilespmem:s29], [sflag:$0x4] =	stream.indirect.gather [hbm4b:s1+s21], $0x10, s8, s21, $0xb8;
	[tilespmem:$0x15CA0] =	vst v63  }
0x78: {  	_ =	swait.ge [sflag:s30], $0x7D0  }
0x79: {  	[sflag:s30] =	ssyncset.done $0x0  }
0x7a: {  	s7 =	simm.s32 $0x4E00;
	[sflag:s30] =	ssyncadd.s32 $0xFFFFF830  }
0x7b: {  	[spmem:s10] =	stream.indirect.scatter.add.bf16 [tilespmem:s22], [sflag:$0x5], $0x10, s7, s21, $0xb8;
	[tilespmem:$0x15CA0] =	vst v63  }
0x7c: {  	_ =	swait.ge [sflag:s31], $0x7D0  }
0x7d: {  	[sflag:s31] =	ssyncset.done $0x0  }
0x7e: {  	s8 =	simm.s32 $0x4E80;
	[sflag:s31] =	ssyncadd.s32 $0xFFFFF830  }
0x7f: {  	[spmem:s10] =	stream.indirect.scatter.add.bf16 [tilespmem:s24], [sflag:$0x6], $0x10, s8, s21, $0xb8;
	[tilespmem:$0x15CA0] =	vst v63  }
0x80: {  	_ =	swait.ge [sflag:s2], $0x7D0  }
0x81: {  	[sflag:s2] =	ssyncset.done $0x0  }
0x82: {  	s11 =	simm.s32 $0x4F00;
	[sflag:s2] =	ssyncadd.s32 $0xFFFFF830  }
0x83: {  	[spmem:s10] =	stream.indirect.scatter.add.bf16 [tilespmem:s26], [sflag:$0x7], $0x10, s11, s21, $0xb8;
	[tilespmem:$0x15CA0] =	vst v63  }
0x84: {  	_ =	swait.ge [sflag:s0], $0x7D0  }
0x85: {  	[sflag:s0] =	ssyncset.done $0x0  }
0x86: {  	s4 =	simm.s32 $0x4F80;
	[sflag:s0] =	ssyncadd.s32 $0xFFFFF830  }
0x87: {  	[spmem:s10] =	stream.indirect.scatter.add.bf16 [tilespmem:s29], [sflag:$0x8], $0x10, s4, s21, $0xb8;
	[tilespmem:$0x15CA0] =	vst v63  }
0x88: {  	_ =	swait.ge [sflag:s17], $0x7D0  }
0x89: {  	[sflag:s17] =	ssyncset.done $0x0  }
0x8a: {  	[sflag:s17] =	ssyncadd.s32 $0xFFFFF830  }
0x8b: {  	_ =	swait.ge [sflag:s23], $0x7D0  }
0x8c: {  	[sflag:s23] =	ssyncset.done $0x0  }
0x8d: {  	[sflag:s23] =	ssyncadd.s32 $0xFFFFF830  }
0x8e: {  	_ =	swait.ge [sflag:s25], $0x7D0  }
0x8f: {  	[sflag:s25] =	ssyncset.done $0x0  }
0x90: {  	[sflag:s25] =	ssyncadd.s32 $0xFFFFF830  }
0x91: {  	_ =	swait.ge [sflag:s28], $0x7D0  }
0x92: {  	[sflag:s28] =	ssyncset.done $0x0  }
0x93: {  	[sflag:s28] =	ssyncadd.s32 $0xFFFFF830  }
0x94: {  	[bflag:$0x0] =	sbarrier.arrive $0xFFFF  }
0x95: {  	s8 =	rddreg [dreg:$0x9]  }
0x96: {  	[tilespmem:s5], [sflag:$0x9] =	stream.linear.gather [spmem:s8], $0x2EE0, $0x38;
	[tilespmem:$0x15CA0] =	vst v63  }
0x97: {  	_ =	swait.ge [sflag:s16], $0x2EE0  }
0x98: {  	[sflag:s16] =	ssyncset.done $0x0  }
0x99: {  	[sflag:s16] =	ssyncadd.s32 $0xFFFFD120  }
0x9a: {  	[spmem:s3] =	stream.indirect.scatter.add.bf16 [tilespmem:s5], [sflag:$0x9], $0x10, s9, s21, $0xb8;
	[tilespmem:$0x15CA0] =	vst v63  }
0x9b: {  	_ =	swait.ge [sflag:s16], $0x7D0  }
0x9c: {  	[sflag:s16] =	ssyncset.done $0x0  }
0x9d: {  	s11 =	simm.s32 $0x7A10;
	s8 =	simm.s32 $0x5080;
	[sflag:s16] =	ssyncadd.s32 $0xFFFFF830  }
0x9e: {  	[spmem:s3] =	stream.indirect.scatter.add.bf16 [tilespmem:s11], [sflag:$0x9], $0x10, s8, s21, $0xb8;
	[tilespmem:$0x15CA0] =	vst v63  }
0x9f: {  	_ =	swait.ge [sflag:s16], $0x7D0  }
0xa0: {  	[sflag:s16] =	ssyncset.done $0x0  }
0xa1: {  	[sflag:s16] =	ssyncadd.s32 $0xFFFFF830  }
0xa2: {  	[spmem:s3] =	stream.indirect.scatter.add.bf16 [tilespmem:s13], [sflag:$0x9], $0x10, s12, s21, $0xb8;
	[tilespmem:$0x15CA0] =	vst v63  }
0xa3: {  	_ =	swait.ge [sflag:s16], $0x7D0  }
0xa4: {  	[sflag:s16] =	ssyncset.done $0x0  }
0xa5: {  	[sflag:s16] =	ssyncadd.s32 $0xFFFFF830  }
0xa6: {  	[spmem:s3] =	stream.indirect.scatter.add.bf16 [tilespmem:s15], [sflag:$0x9], $0x10, s14, s21, $0xb8;
	[tilespmem:$0x15CA0] =	vst v63  }
0xa7: {  	_ =	swait.ge [sflag:s16], $0x7D0  }
0xa8: {  	[sflag:s16] =	ssyncset.done $0x0  }
0xa9: {  	s9 =	simm.s32 $0x9180;
	[sflag:s16] =	ssyncadd.s32 $0xFFFFF830  }
0xaa: {  	[spmem:s3] =	stream.indirect.scatter.add.bf16 [tilespmem:s9], [sflag:$0x9], $0x10, s20, s21, $0xb8;
	[tilespmem:$0x15CA0] =	vst v63  }
0xab: {  	_ =	swait.ge [sflag:s16], $0x7D0  }
0xac: {  	[sflag:s16] =	ssyncset.done $0x0  }
0xad: {  	s4 =	simm.s32 $0x5280;
	[sflag:s16] =	ssyncadd.s32 $0xFFFFF830  }
0xae: {  	[spmem:s3] =	stream.indirect.scatter.add.bf16 [tilespmem:s18], [sflag:$0x9], $0x10, s4, s21, $0xb8;
	[tilespmem:$0x15CA0] =	vst v63  }
0xaf: {  	_ =	swait.ge [sflag:s16], $0x7D0  }
0xb0: {  	[sflag:s16] =	ssyncset.done $0x0  }
0xb1: {  	s7 =	rddreg [dreg:$0xa];
	[sflag:s16] =	ssyncadd.s32 $0xFFFFF830  }
0xb2: {  	[tilespmem:s5], [sflag:$0x9] =	stream.linear.gather [spmem:s7], $0x2EE0, $0x38;
	[tilespmem:$0x15CA0] =	vst v63  }
0xb3: {  	_ =	swait.ge [sflag:s16], $0x2EE0  }
0xb4: {  	[sflag:s16] =	ssyncset.done $0x0  }
0xb5: {  	[sflag:s16] =	ssyncadd.s32 $0xFFFFD120  }
0xb6: {  	[spmem:s3] =	stream.indirect.scatter.add.bf16 [tilespmem:s5], [sflag:$0x9], $0x10, s19, s21, $0xb8;
	[tilespmem:$0x15CA0] =	vst v63  }
0xb7: {  	_ =	swait.ge [sflag:s16], $0x7D0  }
0xb8: {  	[sflag:s16] =	ssyncset.done $0x0  }
0xb9: {  	[sflag:s16] =	ssyncadd.s32 $0xFFFFF830  }
0xba: {  	[spmem:s3] =	stream.indirect.scatter.add.bf16 [tilespmem:s11], [sflag:$0x9], $0x10, s8, s21, $0xb8;
	[tilespmem:$0x15CA0] =	vst v63  }
0xbb: {  	_ =	swait.ge [sflag:s16], $0x7D0  }
0xbc: {  	[sflag:s16] =	ssyncset.done $0x0  }
0xbd: {  	[sflag:s16] =	ssyncadd.s32 $0xFFFFF830  }
0xbe: {  	[spmem:s3] =	stream.indirect.scatter.add.bf16 [tilespmem:s13], [sflag:$0x9], $0x10, s12, s21, $0xb8;
	[tilespmem:$0x15CA0] =	vst v63  }
0xbf: {  	_ =	swait.ge [sflag:s16], $0x7D0  }
0xc0: {  	[sflag:s16] =	ssyncset.done $0x0  }
0xc1: {  	[sflag:s16] =	ssyncadd.s32 $0xFFFFF830  }
0xc2: {  	[spmem:s3] =	stream.indirect.scatter.add.bf16 [tilespmem:s15], [sflag:$0x9], $0x10, s14, s21, $0xb8;
	[tilespmem:$0x15CA0] =	vst v63  }
0xc3: {  	_ =	swait.ge [sflag:s16], $0x7D0  }
0xc4: {  	[sflag:s16] =	ssyncset.done $0x0  }
0xc5: {  	[sflag:s16] =	ssyncadd.s32 $0xFFFFF830  }
0xc6: {  	[spmem:s3] =	stream.indirect.scatter.add.bf16 [tilespmem:s9], [sflag:$0x9], $0x10, s20, s21, $0xb8;
	[tilespmem:$0x15CA0] =	vst v63  }
0xc7: {  	_ =	swait.ge [sflag:s16], $0x7D0  }
0xc8: {  	[sflag:s16] =	ssyncset.done $0x0  }
0xc9: {  	[sflag:s16] =	ssyncadd.s32 $0xFFFFF830  }
0xca: {  	[spmem:s3] =	stream.indirect.scatter.add.bf16 [tilespmem:s18], [sflag:$0x9], $0x10, s4, s21, $0xb8;
	[tilespmem:$0x15CA0] =	vst v63  }
0xcb: {  	_ =	swait.ge [sflag:s16], $0x7D0  }
0xcc: {  	[sflag:s16] =	ssyncset.done $0x0  }
0xcd: {  	s7 =	rddreg [dreg:$0xb];
	[sflag:s16] =	ssyncadd.s32 $0xFFFFF830  }
0xce: {  	[tilespmem:s5], [sflag:$0x9] =	stream.linear.gather [spmem:s7], $0x2EE0, $0x38;
	[tilespmem:$0x15CA0] =	vst v63  }
0xcf: {  	_ =	swait.ge [sflag:s16], $0x2EE0  }
0xd0: {  	[sflag:s16] =	ssyncset.done $0x0  }
0xd1: {  	[sflag:s16] =	ssyncadd.s32 $0xFFFFD120  }
0xd2: {  	[spmem:s3] =	stream.indirect.scatter.add.bf16 [tilespmem:s5], [sflag:$0x9], $0x10, s19, s21, $0xb8;
	[tilespmem:$0x15CA0] =	vst v63  }
0xd3: {  	_ =	swait.ge [sflag:s16], $0x7D0  }
0xd4: {  	[sflag:s16] =	ssyncset.done $0x0  }
0xd5: {  	[sflag:s16] =	ssyncadd.s32 $0xFFFFF830  }
0xd6: {  	[spmem:s3] =	stream.indirect.scatter.add.bf16 [tilespmem:s11], [sflag:$0x9], $0x10, s8, s21, $0xb8;
	[tilespmem:$0x15CA0] =	vst v63  }
0xd7: {  	_ =	swait.ge [sflag:s16], $0x7D0  }
0xd8: {  	[sflag:s16] =	ssyncset.done $0x0  }
0xd9: {  	[sflag:s16] =	ssyncadd.s32 $0xFFFFF830  }
0xda: {  	[spmem:s3] =	stream.indirect.scatter.add.bf16 [tilespmem:s13], [sflag:$0x9], $0x10, s12, s21, $0xb8;
	[tilespmem:$0x15CA0] =	vst v63  }
0xdb: {  	_ =	swait.ge [sflag:s16], $0x7D0  }
0xdc: {  	[sflag:s16] =	ssyncset.done $0x0  }
0xdd: {  	[sflag:s16] =	ssyncadd.s32 $0xFFFFF830  }
0xde: {  	[spmem:s3] =	stream.indirect.scatter.add.bf16 [tilespmem:s15], [sflag:$0x9], $0x10, s14, s21, $0xb8;
	[tilespmem:$0x15CA0] =	vst v63  }
0xdf: {  	_ =	swait.ge [sflag:s16], $0x7D0  }
0xe0: {  	[sflag:s16] =	ssyncset.done $0x0  }
0xe1: {  	[sflag:s16] =	ssyncadd.s32 $0xFFFFF830  }
0xe2: {  	[spmem:s3] =	stream.indirect.scatter.add.bf16 [tilespmem:s9], [sflag:$0x9], $0x10, s20, s21, $0xb8;
	[tilespmem:$0x15CA0] =	vst v63  }
0xe3: {  	_ =	swait.ge [sflag:s16], $0x7D0  }
0xe4: {  	[sflag:s16] =	ssyncset.done $0x0  }
0xe5: {  	[sflag:s16] =	ssyncadd.s32 $0xFFFFF830  }
0xe6: {  	[spmem:s3] =	stream.indirect.scatter.add.bf16 [tilespmem:s18], [sflag:$0x9], $0x10, s4, s21, $0xb8;
	[tilespmem:$0x15CA0] =	vst v63  }
0xe7: {  	_ =	swait.ge [sflag:s16], $0x7D0  }
0xe8: {  	[sflag:s16] =	ssyncset.done $0x0  }
0xe9: {  	[sflag:s16] =	ssyncadd.s32 $0xFFFFF830  }
0xea: {  	[bflag:$0x0] =	sbarrier.arrive $0xFFFF  }
0xeb: {  	s11 =	rddreg [dreg:$0x8]  }
0xec: {  	s4 =	rddreg [dreg:$0xc]  }
0xed: {  	s7 =	sshrl.u32 s11, $0x3;
	s11 =	rddreg [dreg:$0xf]  }
0xee: {  	[hbm:s4], [sflag:s11] =	dma.local [spmem:s7], $0x5DC  }
0xef: {  	_ =	swait.ge [sflag:s16], $0x5DC  }
0xf0: {  	s6 =	sadd.s32 $0x1, s6;
	s8 =	rddreg [dreg:$0xd]  }
0xf1: {  	p0 =	sne.s32 s6, s8  }
.Ltmp1:
0xf2: {  	_ = 	snop;
	(pc) =	sbr.rel @p0 .LBB2_1-.Ltmp1, $3  }
0xf3: {  	_ =	sdelay $0x1  }
0xf4: {  	[sflag:s16] =	ssyncset.done $0x0  }
0xf5: {  	s9 =	simm.s32 $0x5000;
	[sflag:s16] =	ssyncadd.s32 $0xFFFFFA24  }
0xf6: {  	_ =	sfence.sel $0x180000  }
0xf7: {  	[bflag:$0x0] =	sbarrier.arrive $0xFFFF  }
0xf8: {  	_ =	strace $0x9000004D  }
0xf9: {  	s0 =	stileid.u32;
	[bflag:$0x2] =	sbarrier.arrive $0xFFFF  }
0xfa: {  	p0 =	sne.s32 s0, $0x0;
	s0 =	rddreg [dreg:$0x3]  }
0xfb: {  	s0 =	sadd.s32 @!p0 $0x100000, s0  }
0xfc: {  	[sflag:s0] =	ssyncadd.tile.s32 @!p0 $0x1;
	_ =	shalt  }
.Lfunc_end2:
_tile_overlayer_lowered:
.L_overlay_start_2:
0xfd: {  	(tag) =	ssettag $0x2  }
0xfe: {  	s0 =	rddreg [dreg:$0x0];
	s2 =	stileid.u32  }
0xff: {  	s1 =	rddreg [dreg:$0x1];
	p0 =	sne.s32 s2, $0x0  }
0x100: {  	s3 =	rddreg [dreg:$0x2];
	[bflag:$0x3] =	sbarrier.arrive $0xFFFF;
	s2 =	simm.s32 @!p0 $0x1C09  }
0x101: {  	[timem:s3], [sflag:s2] =	dma.local @!p0 [hbm:s0], s1  }
0x102: {  	s0 =	simm.s32 @!p0 $0x9  }
0x103: {  	_ =	swait.ge @!p0 [sflag:s0], s1  }
0x104: {  	s1 =	ssub.s32 @!p0 $0x0, s1;
	[sflag:s0] =	ssyncset.done @!p0 $0x0  }
0x105: {  	[sflag:s0] =	ssyncadd.s32 @!p0 s1  }
0x106: {  	[bflag:$0x3] =	sbarrier.arrive $0xFFFF  }
0x107: {  	_ =	shalt  }

// kernel: kernel.9.cloned.1.call-start
scs
__scs_entry_jumppad:
0x0: {  	(pc) =	sbr.rel $0x88, $3  }
0x1: {  	(tag) =	ssettag $0x0;
	lr =	simm.s32 $0x1  }
0x2: {  	[smem:$0x3F9B] =	sst lr;
	_ =	strace $0xD0000000  }
0x3: {  	_ = 	snop  }
0x4: {  	_ = 	snop  }
0x5: {  	_ = 	snop  }
0x6: {  	_ = 	snop  }
0x7: {  	_ = 	snop  }
__scs_overlays_trampoline_lowered:
0x8: {  	[smem:$0x3FAA] =	sst s0  }
0x9: {  	[smem:$0x3FAB] =	sst s1  }
0xa: {  	[smem:$0x3FAC] =	sst s2  }
0xb: {  	[smem:$0x3FAD] =	sst s3  }
0xc: {  	[smem:$0x3FAE] =	sst s4  }
0xd: {  	[smem:$0x3FAF] =	sst s5  }
0xe: {  	[smem:$0x3FB0] =	sst s6  }
0xf: {  	[smem:$0x3FB1] =	sst s7  }
0x10: {  	[smem:$0x3FB2] =	sst s8  }
0x11: {  	[smem:$0x3FB3] =	sst s9;
	s0 =	simm.s32 @!p0 $0x0  }
0x12: {  	s1 =	sld [smem:$0x3F99];
	s0 =	simm.s32 @p0 $0x1  }
0x13: {  	[smem:$0x3FB4] =	sst s0;
	s0 =	simm.s32 @!p1 $0x0  }
0x14: {  	s2 =	sld [smem:$0x3F98];
	s0 =	simm.s32 @p1 $0x1  }
0x15: {  	[smem:$0x3FB5] =	sst s0;
	s0 =	simm.s32 @!p2 $0x0  }
0x16: {  	s3 =	sld [smem:$0x3FDB];
	s0 =	simm.s32 @p2 $0x1  }
0x17: {  	s4 =	simm.s32 $0x1BF5;
	[smem:$0x3FB7] =	sst s0  }
0x18: {  	s0 =	sld [smem:$0x3F9A];
	_ =	swait.ge [sflag:s4], $0x0  }
0x19: {  	s7 =	sld [smem:$0x3F9B]  }
0x1a: {  	s8 =	sadd.s32 $0xFFFFE003, lr  }
0x1b: {  	s9 =	sadd.s32 $0xFFFFFEF7, lr;
	s5 =	simm.s32 $0xFFFFFFFF;
	p2 =	slt.u32 s8, $0xFFFFF086  }
0x1c: {  	p1 =	slt.u32 s9, $0xF7A;
	s5 =	simm.s32 @!p2 $0x0  }
0x1d: {  	s5 =	simm.s32 @p1 $0x1;
	p0 =	seq.s32 s7, s2  }
0x1e: {  	s7 =	smul.u32 @!p0 $0xF7A, s2;
	p2 =	seq.s32 @!p0 s5, $0x0  }
0x1f: {  	s9 =	smul.u32 $0xF7A, s1;
	s8 =	simm.s32 @!p0 $0x1BF5;
	p2 =	por !p2, p0  }
0x20: {  	[sflag:s8] =	ssyncset.s32 @!p0 $0xFFFFF086;
	s6 =	sadd.s32 @!p0 s3, s7;
	s7 =	simm.s32 @!p0 $0x108  }
0x21: {  	s3 =	sadd.s32 s3, s9;
	s6 =	sadd.s32 @!p0 $0x88, s6;
	s7 =	simm.s32 @p2 $0x1082  }
0x22: {  	[simem:s7], [sflag:s8] =	dma.local @!p0 [hbm:s6], $0xF7A  }
0x23: {  	s9 =	sor.u32 $0xD0000000, s2;
	s6 =	simm.s32 $0x108;
	_ =	swait.ge @!p0 [sflag:s8], $0x0  }
0x24: {  	s3 =	sadd.s32 $0x88, s3;
	s6 =	simm.s32 @!p1 $0x1082;
	[sflag:s4] =	ssyncset.s32 $0xFFFFF086  }
0x25: {  	[simem:s6], [sflag:s4] =	dma.local [hbm:s3], $0xF7A  }
0x26: {  	[smem:$0x3F9B] =	sst s1;
	(tag) =	ssettag s2;
	_ =	strace s9  }
0x27: {  	s1 =	sld [smem:$0x3FAB]  }
0x28: {  	s2 =	sld [smem:$0x3FAC]  }
0x29: {  	s4 =	sld [smem:$0x3FAE]  }
0x2a: {  	p0 =	seq.s32 s5, $0x0;
	s5 =	sld [smem:$0x3FAF]  }
0x2b: {  	s6 =	sld [smem:$0x3FB0]  }
0x2c: {  	s7 =	sld [smem:$0x3FB1]  }
0x2d: {  	s3 =	simm.s32 $0x108;
	s8 =	sld [smem:$0x3FB2]  }
0x2e: {  	s3 =	simm.s32 @!p0 $0x1082;
	s9 =	sld [smem:$0x3FB3]  }
0x2f: {  	lr =	sadd.s32 s0, s3;
	s0 =	sld [smem:$0x3FAA]  }
0x30: {  	s3 =	sld [smem:$0x3FAD]  }
0x31: {  	[smem:$0x3FB6] =	sst s10  }
0x32: {  	s10 =	sld [smem:$0x3FB4];
	_ =	sdelay $0x3  }
0x33: {  	p0 =	seq.s32 s10, $0x1;
	s10 =	sld [smem:$0x3FB6];
	_ =	sdelay $0x3  }
0x34: {  	[smem:$0x3FB6] =	sst s10  }
0x35: {  	s10 =	sld [smem:$0x3FB5];
	_ =	sdelay $0x3  }
0x36: {  	p1 =	seq.s32 s10, $0x1;
	s10 =	sld [smem:$0x3FB6];
	_ =	sdelay $0x3  }
0x37: {  	[smem:$0x3FB6] =	sst s10  }
0x38: {  	s10 =	sld [smem:$0x3FB7]  }
0x39: {  	_ = 	snop;
	(pc) =	sbr.ind lr, $3  }
0x3a: {  	_ = 	snop  }
0x3b: {  	_ = 	snop  }
0x3c: {  	p2 =	seq.s32 s10, $0x1;
	s10 =	sld [smem:$0x3FB6]  }
0x3d: {  	_ =	shalt  }
0x3e: {  	_ =	shalt  }
0x3f: {  	_ =	shalt  }
0x40: {  	_ =	shalt  }
0x41: {  	_ =	shalt  }
0x42: {  	_ =	shalt  }
0x43: {  	_ =	shalt  }
0x44: {  	_ =	shalt  }
0x45: {  	_ =	shalt  }
0x46: {  	_ =	shalt  }
0x47: {  	_ =	shalt  }
0x48: {  	_ =	shalt  }
0x49: {  	_ =	shalt  }
0x4a: {  	_ =	shalt  }
0x4b: {  	_ =	shalt  }
0x4c: {  	_ =	shalt  }
0x4d: {  	_ =	shalt  }
0x4e: {  	_ =	shalt  }
0x4f: {  	_ =	shalt  }
0x50: {  	_ =	shalt  }
0x51: {  	_ =	shalt  }
0x52: {  	_ =	shalt  }
0x53: {  	_ =	shalt  }
0x54: {  	_ =	shalt  }
0x55: {  	_ =	shalt  }
0x56: {  	_ =	shalt  }
0x57: {  	_ =	shalt  }
0x58: {  	_ =	shalt  }
0x59: {  	_ =	shalt  }
0x5a: {  	_ =	shalt  }
0x5b: {  	_ =	shalt  }
0x5c: {  	_ =	shalt  }
0x5d: {  	_ =	shalt  }
0x5e: {  	_ =	shalt  }
0x5f: {  	_ =	shalt  }
0x60: {  	_ =	shalt  }
0x61: {  	_ =	shalt  }
0x62: {  	_ =	shalt  }
0x63: {  	_ =	shalt  }
0x64: {  	_ =	shalt  }
0x65: {  	_ =	shalt  }
0x66: {  	_ =	shalt  }
0x67: {  	_ =	shalt  }
0x68: {  	_ =	shalt  }
0x69: {  	_ =	shalt  }
0x6a: {  	_ =	shalt  }
0x6b: {  	_ =	shalt  }
0x6c: {  	_ =	shalt  }
0x6d: {  	_ =	shalt  }
0x6e: {  	_ =	shalt  }
0x6f: {  	_ =	shalt  }
0x70: {  	_ =	shalt  }
0x71: {  	_ =	shalt  }
0x72: {  	_ =	shalt  }
0x73: {  	_ =	shalt  }
0x74: {  	_ =	shalt  }
0x75: {  	_ =	shalt  }
0x76: {  	_ =	shalt  }
0x77: {  	_ =	shalt  }
0x78: {  	_ =	shalt  }
0x79: {  	_ =	shalt  }
0x7a: {  	_ =	shalt  }
0x7b: {  	_ =	shalt  }
0x7c: {  	_ =	shalt  }
0x7d: {  	_ =	shalt  }
0x7e: {  	_ =	shalt  }
0x7f: {  	_ =	shalt  }
0x80: {  	_ =	shalt  }
0x81: {  	_ =	shalt  }
0x82: {  	_ =	shalt  }
0x83: {  	_ =	shalt  }
0x84: {  	_ =	shalt  }
0x85: {  	_ =	shalt  }
0x86: {  	_ =	shalt  }
0x87: {  	_ =	shalt  }
.Lfunc_end0:
.L_simem_size_0:
called_computation_lowered:
.L_overlay_start_0:
0x88: {  	s2 =	sld [smem:$0x3FD9]  }
0x89: {  	s3 =	sld [smem:$0x3FFE];
	_ =	sdelay $0x1  }
0x8a: {  	s1 =	srdreg.scid  }
0x8b: {  	s0 =	sand.u32 $0x1, s1  }
0x8c: {  	s17 =	sshll.u32 s0, $0xA;
	s2 =	sadd.s32 s3, s2  }
0x8d: {  	s2 =	sadd.s32 s2, s17  }
0x8e: {  	[smem:$0x3FC2] =	sst s2  }
0x8f: {  	_ = 	snop  }
0x90: {  	s2 =	sld [smem:$0x3FD0];
	(tm) =	ssettm $0x1  }
0x91: {  	s18 =	sld [smem:$0x3FFB];
	_ =	sdelay $0x3  }
0x92: {  	_ =	strace s18  }
0x93: {  	s3 =	sld [smem:$0x3FFC];
	_ =	sdelay $0x3  }
0x94: {  	_ =	strace s3  }
0x95: {  	s3 =	sld [smem:$0x3FFD];
	_ =	sdelay $0x3  }
0x96: {  	_ =	strace s3  }
0x97: {  	_ =	strace $0x8FFFFFFF  }
0x98: {  	s19 =	sld [smem:$0x3FDB];
	_ =	sdelay $0x1  }
0x99: {  	s4 =	simm.s32 $_scs_section_size  }
0x9a: {  	s5 =	simm.s32 $_size__tile_overlayer_lowered;
	s6 =	simm.s32 $_tile_overlayer_lowered  }
0x9b: {  	s22 =	simm.s32 $0x1BFF;
	s21 =	sshll.u32 s6, $0x1;
	s3 =	sadd.s32 s4, s19  }
0x9c: {  	s7 =	simm.s32 $0x0;
	s20 =	sshll.u32 s5, $0x1;
	s5 =	sadd.s32 s21, s3  }
0x9d: {  	[timem:s7], [sflag:s22] =	dma.local [hbm:s5], s20  }
0x9e: {  	_ =	swait.ge [sflag:s22], s20  }
0x9f: {  	s4 =	ssub.s32 $0x0, s20;
	[sflag:s22] =	ssyncset.done $0x0  }
0xa0: {  	[sflag:s22] =	ssyncadd.s32 s4;
	_ =	sdelay $0x1  }
0xa1: {  	s23 =	simm.s32 $0x1B8B  }
0xa2: {  	_ =	swait.ge [sflag:s23], $0x1  }
0xa3: {  	[sflag:s23] =	ssyncset.done $0x0  }
0xa4: {  	s25 =	simm.s32 $0x1B8E;
	s24 =	sld [smem:$0x3FFE];
	[sflag:s23] =	ssyncadd.s32 $0xFFFFFFFF  }
0xa5: {  	s26 =	simm.s32 $execute0_lowered;
	[smem:$0x3FD2] =	sst s25  }
0xa6: {  	s5 =	sshll.u32 s26, $0x1;
	_ =	strace $0x80000046;
	[dreg:$0x1] =	wrdreg $0xFFFFFFFF  }
0xa7: {  	s28 =	simm.s32 $_size_execute0_lowered;
	s3 =	sadd.s32 s3, s5;
	[dreg:$0x0] =	wrdreg $0x0  }
0xa8: {  	s5 =	sshll.u32 s28, $0x1;
	[dreg:$0x2] =	wrdreg s3  }
0xa9: {  	[dreg:$0x3] =	wrdreg s5  }
0xaa: {  	[dreg:$0x4] =	wrdreg $0xC0  }
0xab: {  	_ =	task [dreg:s7], $0x5FFFF  }
0xac: {  	[dreg:$0x1] =	wrdreg $0xFFFFFFFF  }
0xad: {  	[dreg:$0x0] =	wrdreg $0x60  }
0xae: {  	[dreg:$0x2] =	wrdreg s24  }
0xaf: {  	[dreg:$0x3] =	wrdreg s2  }
0xb0: {  	[dreg:$0x4] =	wrdreg $0x61B00  }
0xb1: {  	[dreg:$0x5] =	wrdreg $0x9  }
0xb2: {  	_ =	task.clear_ibuf [dreg:s7], $0x6FFFF;
	_ =	strace $0x90000046  }
0xb3: {  	s29 =	simm.s32 $0x9;
	_ =	strace $0x80000048  }
0xb4: {  	_ =	swait.ge [sflag:s29], $0x1  }
0xb5: {  	[sflag:s29] =	ssyncadd.s32 $0xFFFFFFFF  }
0xb6: {  	_ =	strace $0x90000048  }
0xb7: {  	_ =	sfence  }
0xb8: {  	s30 =	sld [smem:$0x0];
	_ =	sdelay $0x2  }
0xb9: {  	s31 =	sshll.u32 s1, $0xD;
	s1 =	sshrl.u32 s1, $0x2  }
0xba: {  	s3 =	sand.u32 $0x4000, s31;
	s1 =	sadd.s32 s1, s30  }
0xbb: {  	s0 =	sor.u32 s3, s0;
	s1 =	sshll.u32 s1, $0x11  }
0xbc: {  	s0 =	sor.u32 s1, s0  }
0xbd: {  	s0 =	sadd.s32 $0x8F2B, s0  }
0xbe: {  	[sflag:s0] =	ssyncadd.remote.s32 $0x1  }
0xbf: {  	_ =	sfence.sel $0xFFFF  }
0xc0: {  	[dreg:$0x0] =	wrdreg $0xFFFFFFFF;
	(pc) =	sbr.abs _section_cstart, $3  }
0xc1: {  	[dreg:$0x1] =	wrdreg $0xFFFFFFFF  }
0xc2: {  	_ =	task.clear_ibuf [dreg:s7], $0x2FFFF;
	_ =	strace $0x9FFFFFFF  }
0xc3: {  	(tm) =	ssettm $0x7FFFFFFF  }
tec
execute0_lowered:
.L_overlay_start_1:
0x0: {  	(tag) =	ssettag $0x1  }
0x1: {  	s0 =	rddreg [dreg:$0x0];
	s1 =	srdreg.scid  }
0x2: {  	s16 =	stileid.u32;
	s3 =	rddreg [dreg:$0x2];
	s4 =	simm.s32 $0x0  }
0x3: {  	s28 =	simm.s32 $0x3150;
	s29 =	simm.s32 $0x4A40;
	s5 =	smul.u32 $0x60, s16  }
0x4: {  	s30 =	simm.s32 $0x31D0;
	s31 =	simm.s32 $0x5210;
	s14 =	smul.u32 $0x5DC, s16  }
0x5: {  	s1 =	sand.u32 $0x1, s1;
	s2 =	sshll.u32 s16, $0x1;
	s18 =	smul.u32 $0xBB80, s16  }
0x6: {  	[smem:$0x7FF] =	sst s4;
	s8 =	sshrl.u32 s16, $0x2;
	s6 =	smul.u32 $0x5DC0, s1  }
0x7: {  	s7 =	sadd.s32 $0xB000, s0;
	s9 =	sand.u32 $0x3, s16;
	s10 =	smul.u32 $0x2EE0, s8  }
0x8: {  	s26 =	sshll.u32 s16, $0x6;
	s16 =	simm.s32 $0x2800;
	s15 =	smul.u32 $0xBB8, s9  }
0x9: {  	s2 =	sor.u32 s1, s2;
	_ =	strace $0x80000047;
	s20 =	smul.u32 $0xBB800, s8  }
0xa: {  	[dreg:$0x4] =	wrdreg s7;
	s1 =	ssub.s32 $0x2, s1;
	s2 =	smul.u32 $0x500, s2  }
0xb: {  	s5 =	sadd.s32 s5, s0;
	s17 =	sshrl.u32 s1, $0x1;
	s22 =	sshrl.u32 s18, $0x2  }
0xc: {  	s18 =	sor.u32 $0x1C02, s26;
	s26 =	simm.s32 $0x4270;
	s6 =	sadd.s32 s14, s6  }
0xd: {  	s1 =	ssub.s32 s1, s17;
	s19 =	sadd.s32 s15, s10;
	s21 =	sadd.s32 $0xAA00, s5  }
0xe: {  	s24 =	sshrl.u32 s20, $0x2;
	s8 =	sadd.s32 s22, s3;
	s15 =	simm.s32 $0x2  }
0xf: {  	s17 =	simm.s32 $0x2FD0;
	s20 =	simm.s32 $0x7D;
	s22 =	simm.s32 $0x32D0  }
0x10: {  	s2 =	sadd.s32 s2, s0;
	s0 =	sadd.s32 s6, s0;
	[dreg:$0x6] =	wrdreg s21  }
0x11: {  	s23 =	sshll.u32 s19, $0x4;
	s9 =	sadd.s32 s24, s3;
	s10 =	sadd.s32 $0x2EE00, s8  }
0x12: {  	s11 =	sadd.s32 $0x5DC00, s8;
	s12 =	sadd.s32 $0x8CA00, s8;
	s14 =	smax.u32 s1, $0x1  }
0x13: {  	s21 =	simm.s32 $0x1;
	s24 =	simm.s32 $0x3AA0;
	s1 =	simm.s32 $0x3250  }
0x14: {  	s2 =	sadd.s32 $0xA00, s2;
	s25 =	sadd.s32 s23, s3;
	s13 =	sadd.s32 $0xB200, s0  }
0x15: {  	s23 =	simm.s32 $0x3050;
	s0 =	simm.s32 $0x59E0;
	[dreg:$0x5] =	wrdreg s2  }
0x16: {  	s19 =	sshrl.u32 s25, $0x3;
	s25 =	simm.s32 $0x30D0;
	s2 =	simm.s32 $0x0  }
.LBB2_1:
0x17: {  	s5 =	rddreg [dreg:$0x5]  }
0x18: {  	[tilespmem:s4], [sflag:$0x2] =	stream.linear.gather [hbm4b:s5+s4], $0x2800, $0x38;
	[tilespmem:$0x11D30] =	vst v63  }
0x19: {  	_ =	swait.ge [sflag:s15], $0x2800  }
0x1a: {  	[sflag:s15] =	ssyncset.done $0x0  }
0x1b: {  	s7 =	rddreg [dreg:$0x4];
	[sflag:s15] =	ssyncadd.s32 $0xFFFFD800  }
0x1c: {  	[tilespmem:s16], [sflag:$0x2] =	stream.linear.gather [hbm4b:s7+s4], $0x7D0, $0x38;
	[tilespmem:$0x11D30] =	vst v63  }
0x1d: {  	_ =	swait.ge [sflag:s15], $0x7D0  }
0x1e: {  	[sflag:s15] =	ssyncset.done $0x0  }
0x1f: {  	s6 =	rddreg [dreg:$0x6];
	[sflag:s15] =	ssyncadd.s32 $0xFFFFF830  }
0x20: {  	[tilespmem:s17], [sflag:$0x2] =	stream.linear.gather [hbm4b:s6+s4], $0x300, $0x38;
	[tilespmem:$0x11D30] =	vst v63  }
0x21: {  	_ =	swait.ge [sflag:s15], $0x300  }
0x22: {  	[sflag:s15] =	ssyncset.done $0x0  }
0x23: {  	[sflag:s15] =	ssyncadd.s32 $0xFFFFFD00  }
0x24: {  	s7 =	rddreg [dreg:$0x1]  }
0x25: {  	[spmem:s19], [sflag:s18] =	dma.local [hbm:s7], $0x1770  }
0x26: {  	_ =	swait.ge [sflag:s15], $0x1770  }
0x27: {  	[sflag:s15] =	ssyncset.done $0x0  }
0x28: {  	p0 =	por $0x1, $0x1;
	[sflag:s15] =	ssyncadd.s32 $0xFFFFE890  }
0x29: {  	s7 =	simm.s32 @!p0 $0x1;
	[bflag:$0x0] =	sbarrier.arrive $0xFFFF  }
0x2a: {  	[spmem:s9] =	stream.indirect.scatter.add.f32 [tilespmem:s16], [sflag:$0x1], $0x10, s4, s20, $0xb8;
	[tilespmem:$0x11D30] =	vst v63  }
0x2b: {  	_ =	swait.ge @!p0 [sflag:s7], $0x7D0  }
0x2c: {  	s5 =	simm.s32 $0x1;
	s6 =	simm.s32 $0x0;
	[sflag:s7] =	ssyncset.done @!p0 $0x0  }
.LBB2_2:
0x2d: {  	[sflag:s7] =	ssyncadd.s32 @!p0 $0xFFFFF830  }
0x2e: {  	s6 =	sadd.s32 $0x80, s6;
	s7 =	smov.u32 s5;
	s5 =	sadd.s32 $0x1, s5  }
0x2f: {  	p1 =	sne.s32 s5, $0x50  }
0x30: {  	[spmem:s9] =	stream.indirect.scatter.add.f32 [tilespmem:s16], [sflag:$0x1], $0x10, s6, s20, $0xb8;
	[tilespmem:$0x11D30] =	vst v63  }
.Ltmp0:
0x31: {  	_ = 	snop;
	(pc) =	sbr.rel @p1 .LBB2_2-.Ltmp0, $4  }
0x32: {  	p0 =	slt.u32 s7, $0x8  }
0x33: {  	s7 =	simm.s32 @!p0 $0x1  }
0x34: {  	_ =	swait.ge @!p0 [sflag:s7], $0x7D0  }
0x35: {  	[sflag:s7] =	ssyncset.done @!p0 $0x0  }
0x36: {  	[sflag:s7] =	ssyncadd.s32 @!p0 $0xFFFFF830  }
0x37: {  	_ =	swait.ge [sflag:s21], $0x7D0  }
0x38: {  	[sflag:s21] =	ssyncset.done $0x0  }
0x39: {  	[sflag:s21] =	ssyncadd.s32 $0xFFFFF830  }
0x3a: {  	_ =	swait.ge [sflag:s21], $0x7D0  }
0x3b: {  	[sflag:s21] =	ssyncset.done $0x0  }
0x3c: {  	[sflag:s21] =	ssyncadd.s32 $0xFFFFF830  }
0x3d: {  	_ =	swait.ge [sflag:s21], $0x7D0  }
0x3e: {  	[sflag:s21] =	ssyncset.done $0x0  }
0x3f: {  	[sflag:s21] =	ssyncadd.s32 $0xFFFFF830  }
0x40: {  	_ =	swait.ge [sflag:s21], $0x7D0  }
0x41: {  	[sflag:s21] =	ssyncset.done $0x0  }
0x42: {  	[sflag:s21] =	ssyncadd.s32 $0xFFFFF830  }
0x43: {  	_ =	swait.ge [sflag:s21], $0x7D0  }
0x44: {  	[sflag:s21] =	ssyncset.done $0x0  }
0x45: {  	[sflag:s21] =	ssyncadd.s32 $0xFFFFF830  }
0x46: {  	_ =	swait.ge [sflag:s21], $0x7D0  }
0x47: {  	[sflag:s21] =	ssyncset.done $0x0  }
0x48: {  	[sflag:s21] =	ssyncadd.s32 $0xFFFFF830  }
0x49: {  	_ =	swait.ge [sflag:s21], $0x7D0  }
0x4a: {  	[sflag:s21] =	ssyncset.done $0x0  }
0x4b: {  	[sflag:s21] =	ssyncadd.s32 $0xFFFFF830  }
0x4c: {  	_ =	swait.ge [sflag:s21], $0x7D0  }
0x4d: {  	[sflag:s21] =	ssyncset.done $0x0  }
0x4e: {  	[sflag:s21] =	ssyncadd.s32 $0xFFFFF830  }
0x4f: {  	[bflag:$0x0] =	sbarrier.arrive $0xFFFF  }
0x50: {  	[tilespmem:s22], [sflag:$0x2] =	stream.linear.gather [spmem:s10], $0x2EE0, $0x38;
	[tilespmem:$0x11D30] =	vst v63  }
0x51: {  	_ =	swait.ge [sflag:s15], $0x2EE0  }
0x52: {  	[sflag:s15] =	ssyncset.done $0x0  }
0x53: {  	[sflag:s15] =	ssyncadd.s32 $0xFFFFD120  }
0x54: {  	[spmem:s3] =	stream.indirect.scatter.add.f32 [tilespmem:s22], [sflag:$0x2], $0x10, s17, s20, $0xb8;
	[tilespmem:$0x11D30] =	vst v63  }
0x55: {  	_ =	swait.ge [sflag:s15], $0x7D0  }
0x56: {  	[sflag:s15] =	ssyncset.done $0x0  }
0x57: {  	[sflag:s15] =	ssyncadd.s32 $0xFFFFF830  }
0x58: {  	[spmem:s3] =	stream.indirect.scatter.add.f32 [tilespmem:s24], [sflag:$0x2], $0x10, s23, s20, $0xb8;
	[tilespmem:$0x11D30] =	vst v63  }
0x59: {  	_ =	swait.ge [sflag:s15], $0x7D0  }
0x5a: {  	[sflag:s15] =	ssyncset.done $0x0  }
0x5b: {  	[sflag:s15] =	ssyncadd.s32 $0xFFFFF830  }
0x5c: {  	[spmem:s3] =	stream.indirect.scatter.add.f32 [tilespmem:s26], [sflag:$0x2], $0x10, s25, s20, $0xb8;
	[tilespmem:$0x11D30] =	vst v63  }
0x5d: {  	_ =	swait.ge [sflag:s15], $0x7D0  }
0x5e: {  	[sflag:s15] =	ssyncset.done $0x0  }
0x5f: {  	[sflag:s15] =	ssyncadd.s32 $0xFFFFF830  }
0x60: {  	[spmem:s3] =	stream.indirect.scatter.add.f32 [tilespmem:s29], [sflag:$0x2], $0x10, s28, s20, $0xb8;
	[tilespmem:$0x11D30] =	vst v63  }
0x61: {  	_ =	swait.ge [sflag:s15], $0x7D0  }
0x62: {  	[sflag:s15] =	ssyncset.done $0x0  }
0x63: {  	[sflag:s15] =	ssyncadd.s32 $0xFFFFF830  }
0x64: {  	[spmem:s3] =	stream.indirect.scatter.add.f32 [tilespmem:s31], [sflag:$0x2], $0x10, s30, s20, $0xb8;
	[tilespmem:$0x11D30] =	vst v63  }
0x65: {  	_ =	swait.ge [sflag:s15], $0x7D0  }
0x66: {  	[sflag:s15] =	ssyncset.done $0x0  }
0x67: {  	[sflag:s15] =	ssyncadd.s32 $0xFFFFF830  }
0x68: {  	[spmem:s3] =	stream.indirect.scatter.add.f32 [tilespmem:s0], [sflag:$0x2], $0x10, s1, s20, $0xb8;
	[tilespmem:$0x11D30] =	vst v63  }
0x69: {  	_ =	swait.ge [sflag:s15], $0x7D0  }
0x6a: {  	[sflag:s15] =	ssyncset.done $0x0  }
0x6b: {  	[sflag:s15] =	ssyncadd.s32 $0xFFFFF830  }
0x6c: {  	[tilespmem:s22], [sflag:$0x2] =	stream.linear.gather [spmem:s11], $0x2EE0, $0x38;
	[tilespmem:$0x11D30] =	vst v63  }
0x6d: {  	_ =	swait.ge [sflag:s15], $0x2EE0  }
0x6e: {  	[sflag:s15] =	ssyncset.done $0x0  }
0x6f: {  	[sflag:s15] =	ssyncadd.s32 $0xFFFFD120  }
0x70: {  	[spmem:s3] =	stream.indirect.scatter.add.f32 [tilespmem:s22], [sflag:$0x2], $0x10, s17, s20, $0xb8;
	[tilespmem:$0x11D30] =	vst v63  }
0x71: {  	_ =	swait.ge [sflag:s15], $0x7D0  }
0x72: {  	[sflag:s15] =	ssyncset.done $0x0  }
0x73: {  	[sflag:s15] =	ssyncadd.s32 $0xFFFFF830  }
0x74: {  	[spmem:s3] =	stream.indirect.scatter.add.f32 [tilespmem:s24], [sflag:$0x2], $0x10, s23, s20, $0xb8;
	[tilespmem:$0x11D30] =	vst v63  }
0x75: {  	_ =	swait.ge [sflag:s15], $0x7D0  }
0x76: {  	[sflag:s15] =	ssyncset.done $0x0  }
0x77: {  	[sflag:s15] =	ssyncadd.s32 $0xFFFFF830  }
0x78: {  	[spmem:s3] =	stream.indirect.scatter.add.f32 [tilespmem:s26], [sflag:$0x2], $0x10, s25, s20, $0xb8;
	[tilespmem:$0x11D30] =	vst v63  }
0x79: {  	_ =	swait.ge [sflag:s15], $0x7D0  }
0x7a: {  	[sflag:s15] =	ssyncset.done $0x0  }
0x7b: {  	[sflag:s15] =	ssyncadd.s32 $0xFFFFF830  }
0x7c: {  	[spmem:s3] =	stream.indirect.scatter.add.f32 [tilespmem:s29], [sflag:$0x2], $0x10, s28, s20, $0xb8;
	[tilespmem:$0x11D30] =	vst v63  }
0x7d: {  	_ =	swait.ge [sflag:s15], $0x7D0  }
0x7e: {  	[sflag:s15] =	ssyncset.done $0x0  }
0x7f: {  	[sflag:s15] =	ssyncadd.s32 $0xFFFFF830  }
0x80: {  	[spmem:s3] =	stream.indirect.scatter.add.f32 [tilespmem:s31], [sflag:$0x2], $0x10, s30, s20, $0xb8;
	[tilespmem:$0x11D30] =	vst v63  }
0x81: {  	_ =	swait.ge [sflag:s15], $0x7D0  }
0x82: {  	[sflag:s15] =	ssyncset.done $0x0  }
0x83: {  	[sflag:s15] =	ssyncadd.s32 $0xFFFFF830  }
0x84: {  	[spmem:s3] =	stream.indirect.scatter.add.f32 [tilespmem:s0], [sflag:$0x2], $0x10, s1, s20, $0xb8;
	[tilespmem:$0x11D30] =	vst v63  }
0x85: {  	_ =	swait.ge [sflag:s15], $0x7D0  }
0x86: {  	[sflag:s15] =	ssyncset.done $0x0  }
0x87: {  	[sflag:s15] =	ssyncadd.s32 $0xFFFFF830  }
0x88: {  	[tilespmem:s22], [sflag:$0x2] =	stream.linear.gather [spmem:s12], $0x2EE0, $0x38;
	[tilespmem:$0x11D30] =	vst v63  }
0x89: {  	_ =	swait.ge [sflag:s15], $0x2EE0  }
0x8a: {  	[sflag:s15] =	ssyncset.done $0x0  }
0x8b: {  	[sflag:s15] =	ssyncadd.s32 $0xFFFFD120  }
0x8c: {  	[spmem:s3] =	stream.indirect.scatter.add.f32 [tilespmem:s22], [sflag:$0x2], $0x10, s17, s20, $0xb8;
	[tilespmem:$0x11D30] =	vst v63  }
0x8d: {  	_ =	swait.ge [sflag:s15], $0x7D0  }
0x8e: {  	[sflag:s15] =	ssyncset.done $0x0  }
0x8f: {  	[sflag:s15] =	ssyncadd.s32 $0xFFFFF830  }
0x90: {  	[spmem:s3] =	stream.indirect.scatter.add.f32 [tilespmem:s24], [sflag:$0x2], $0x10, s23, s20, $0xb8;
	[tilespmem:$0x11D30] =	vst v63  }
0x91: {  	_ =	swait.ge [sflag:s15], $0x7D0  }
0x92: {  	[sflag:s15] =	ssyncset.done $0x0  }
0x93: {  	[sflag:s15] =	ssyncadd.s32 $0xFFFFF830  }
0x94: {  	[spmem:s3] =	stream.indirect.scatter.add.f32 [tilespmem:s26], [sflag:$0x2], $0x10, s25, s20, $0xb8;
	[tilespmem:$0x11D30] =	vst v63  }
0x95: {  	_ =	swait.ge [sflag:s15], $0x7D0  }
0x96: {  	[sflag:s15] =	ssyncset.done $0x0  }
0x97: {  	[sflag:s15] =	ssyncadd.s32 $0xFFFFF830  }
0x98: {  	[spmem:s3] =	stream.indirect.scatter.add.f32 [tilespmem:s29], [sflag:$0x2], $0x10, s28, s20, $0xb8;
	[tilespmem:$0x11D30] =	vst v63  }
0x99: {  	_ =	swait.ge [sflag:s15], $0x7D0  }
0x9a: {  	[sflag:s15] =	ssyncset.done $0x0  }
0x9b: {  	[sflag:s15] =	ssyncadd.s32 $0xFFFFF830  }
0x9c: {  	[spmem:s3] =	stream.indirect.scatter.add.f32 [tilespmem:s31], [sflag:$0x2], $0x10, s30, s20, $0xb8;
	[tilespmem:$0x11D30] =	vst v63  }
0x9d: {  	_ =	swait.ge [sflag:s15], $0x7D0  }
0x9e: {  	[sflag:s15] =	ssyncset.done $0x0  }
0x9f: {  	[sflag:s15] =	ssyncadd.s32 $0xFFFFF830  }
0xa0: {  	[spmem:s3] =	stream.indirect.scatter.add.f32 [tilespmem:s0], [sflag:$0x2], $0x10, s1, s20, $0xb8;
	[tilespmem:$0x11D30] =	vst v63  }
0xa1: {  	_ =	swait.ge [sflag:s15], $0x7D0  }
0xa2: {  	s2 =	sadd.s32 $0x1, s2;
	[sflag:s15] =	ssyncset.done $0x0  }
0xa3: {  	p0 =	sne.s32 s2, s14;
	[sflag:s15] =	ssyncadd.s32 $0xFFFFF830  }
.Ltmp1:
0xa4: {  	s5 =	sshrl.u32 s8, $0x3;
	[bflag:$0x0] =	sbarrier.arrive $0xFFFF;
	(pc) =	sbr.rel @p0 .LBB2_1-.Ltmp1, $4  }
0xa5: {  	[hbm:s13], [sflag:s18] =	dma.local [spmem:s5], $0x5DC  }
0xa6: {  	_ =	swait.ge [sflag:s15], $0x5DC  }
0xa7: {  	[sflag:s15] =	ssyncset.done $0x0  }
0xa8: {  	[sflag:s15] =	ssyncadd.s32 $0xFFFFFA24  }
0xa9: {  	_ =	sfence.sel $0x180000  }
0xaa: {  	[bflag:$0x0] =	sbarrier.arrive $0xFFFF  }
0xab: {  	_ =	strace $0x90000047  }
0xac: {  	s0 =	stileid.u32;
	[bflag:$0x2] =	sbarrier.arrive $0xFFFF  }
0xad: {  	p0 =	sne.s32 s0, $0x0;
	s0 =	rddreg [dreg:$0x3]  }
0xae: {  	s0 =	sadd.s32 @!p0 $0x100000, s0  }
0xaf: {  	[sflag:s0] =	ssyncadd.tile.s32 @!p0 $0x1;
	_ =	shalt  }
.Lfunc_end2:
_tile_overlayer_lowered:
.L_overlay_start_2:
0xb0: {  	(tag) =	ssettag $0x2  }
0xb1: {  	s0 =	rddreg [dreg:$0x0];
	s2 =	stileid.u32  }
0xb2: {  	s1 =	rddreg [dreg:$0x1];
	p0 =	sne.s32 s2, $0x0  }
0xb3: {  	s3 =	rddreg [dreg:$0x2];
	[bflag:$0x3] =	sbarrier.arrive $0xFFFF;
	s2 =	simm.s32 @!p0 $0x1C02  }
0xb4: {  	[timem:s3], [sflag:s2] =	dma.local @!p0 [hbm:s0], s1  }
0xb5: {  	s0 =	simm.s32 @!p0 $0x2  }
0xb6: {  	_ =	swait.ge @!p0 [sflag:s0], s1  }
0xb7: {  	s1 =	ssub.s32 @!p0 $0x0, s1;
	[sflag:s0] =	ssyncset.done @!p0 $0x0  }
0xb8: {  	[sflag:s0] =	ssyncadd.s32 @!p0 s1  }
0xb9: {  	[bflag:$0x3] =	sbarrier.arrive $0xFFFF  }
0xba: {  	_ =	shalt  }

</sc_bundles>
